<compile_context>
chip_gen: v7x
topology: tpu7x:2x2x1
jax: 0.10.2.dev20260603
libtpu: 0.0.44.dev20260713+nightly
codegen_flags: <defaults>
</compile_context>

<pallas_src>
import functools

import jax
import jax.numpy as jnp
from jax import lax
from jax.experimental import pallas as pl
from jax.experimental.pallas import tpu as pltpu
from jax.experimental.pallas import tpu_sc as plsc

BATCH = 16384
EMBED = 64
HIDDEN = 256
NUM_USERS = 1000000
NUM_MOVIES = 100000

NUM_CORES = 2
NUM_SUBCORES = 16
NUM_WORKERS = NUM_CORES * NUM_SUBCORES
B_PER_W = BATCH // NUM_WORKERS
CHUNK = 256

TC_RB = 256
U_SPLIT = BATCH // 2
U_PER_W = U_SPLIT // NUM_WORKERS


def _pack_body(top_ref, bot_ref, o_ref):
    o_ref[...] = jnp.concatenate([top_ref[...], bot_ref[...]], axis=1)


def _pack_pairs(table, block_rows):
    half = table.shape[0] // 2
    grid = (half // block_rows,)
    return pl.pallas_call(
        _pack_body,
        grid=grid,
        in_specs=[
            pl.BlockSpec((block_rows, EMBED), lambda i: (i, 0)),
            pl.BlockSpec(
                (block_rows, EMBED), lambda i: (i + half // block_rows, 0)
            ),
        ],
        out_specs=pl.BlockSpec((block_rows, 2 * EMBED), lambda i: (i, 0)),
        out_shape=jax.ShapeDtypeStruct((half, 2 * EMBED), jnp.float32),
        compiler_params=pltpu.CompilerParams(
            dimension_semantics=("parallel",),
        ),
    )(table, table)


def _make_movie_gather_kernel():
    mesh = plsc.VectorSubcoreMesh(
        core_axis_name="c",
        subcore_axis_name="s",
        num_cores=NUM_CORES,
        num_subcores=NUM_SUBCORES,
    )

    @functools.partial(
        pl.kernel,
        mesh=mesh,
        out_type=(
            jax.ShapeDtypeStruct((BATCH, 2 * EMBED), jnp.float32),
            jax.ShapeDtypeStruct((U_SPLIT, EMBED), jnp.float32),
        ),
        scratch_types=[
            pltpu.VMEM((CHUNK,), jnp.int32),
            pltpu.VMEM((U_PER_W,), jnp.int32),
            pltpu.VMEM((CHUNK, 2 * EMBED), jnp.float32),
            pltpu.SemaphoreType.DMA,
            pltpu.SemaphoreType.DMA,
        ],
    )
    def gather_kernel(
        pairs_hbm,
        idx_hbm,
        user_table_hbm,
        users_hbm,
        out_hbm,
        out_u_hbm,
        idx_v,
        idx_u_v,
        rows_v,
        sem,
        sem_u,
    ):
        wid = lax.axis_index("s") * NUM_CORES + lax.axis_index("c")
        ubase = wid * U_PER_W
        pltpu.sync_copy(users_hbm.at[pl.ds(U_SPLIT + ubase, U_PER_W)], idx_u_v)

        @pl.loop(0, U_PER_W)
        def _(i):
            iu = idx_u_v[pl.ds(i, 1)][0]
            pltpu.async_copy(
                user_table_hbm.at[pl.ds(iu, 1)],
                out_u_hbm.at[pl.ds(ubase + i, 1)],
                sem_u,
            )

        base = wid * B_PER_W
        for c in range(B_PER_W // CHUNK):
            base_c = base + c * CHUNK
            pltpu.sync_copy(idx_hbm.at[pl.ds(base_c, CHUNK)], idx_v)
            pltpu.async_copy(pairs_hbm.at[idx_v], rows_v, sem).wait()
            pltpu.sync_copy(rows_v, out_hbm.at[pl.ds(base_c, CHUNK)])

        pltpu.make_async_copy(
            user_table_hbm.at[pl.ds(0, U_PER_W)],
            out_u_hbm.at[pl.ds(ubase, U_PER_W)],
            sem_u,
        ).wait()

    return gather_kernel


@functools.lru_cache(maxsize=1)
def _get_movie_gather():
    return _make_movie_gather_kernel()


def _tc_gather_body(idx_smem, table_hbm, o_ref, sem):
    i = pl.program_id(0)
    cps = []
    for r in range(TC_RB):
        idx = idx_smem[i * TC_RB + r]
        cp = pltpu.make_async_copy(
            table_hbm.at[pl.ds(idx, 1)], o_ref.at[pl.ds(r, 1)], sem
        )
        cp.start()
        cps.append(cp)
    for cp in cps:
        cp.wait()


def _tc_gather(table, idx):
    grid_spec = pltpu.PrefetchScalarGridSpec(
        num_scalar_prefetch=1,
        grid=(U_SPLIT // TC_RB,),
        in_specs=[pl.BlockSpec(memory_space=pltpu.MemorySpace.HBM)],
        out_specs=pl.BlockSpec((TC_RB, EMBED), lambda i, *_: (i, 0)),
        scratch_shapes=[pltpu.SemaphoreType.DMA],
    )
    return pl.pallas_call(
        _tc_gather_body,
        grid_spec=grid_spec,
        out_shape=jax.ShapeDtypeStruct((U_SPLIT, EMBED), jnp.float32),
    )(idx, table)


def _mlp_body(
    u_ref, mp_ref, hm_ref, w1u_ref, w1m_ref, b1_ref, w2_ref, b2_ref, o_ref
):
    m = jnp.where(hm_ref[...] > 0, mp_ref[:, EMBED:], mp_ref[:, :EMBED])
    h = (
        jnp.dot(u_ref[...], w1u_ref[...], preferred_element_type=jnp.float32)
        + jnp.dot(m, w1m_ref[...], preferred_element_type=jnp.float32)
        + b1_ref[...]
    )
    h = jnp.maximum(h, 0.0)
    o_ref[...] = jnp.sum(h * w2_ref[...], axis=1, keepdims=True) + b2_ref[...]


def _mlp(u, mp, hm, w1u, w1m, b1_2d, w2, b2_2d, block_rows=2048):
    grid = (BATCH // block_rows,)
    return pl.pallas_call(
        _mlp_body,
        grid=grid,
        in_specs=[
            pl.BlockSpec((block_rows, EMBED), lambda i: (i, 0)),
            pl.BlockSpec((block_rows, 2 * EMBED), lambda i: (i, 0)),
            pl.BlockSpec((block_rows, 1), lambda i: (i, 0)),
            pl.BlockSpec((EMBED, HIDDEN), lambda i: (0, 0)),
            pl.BlockSpec((EMBED, HIDDEN), lambda i: (0, 0)),
            pl.BlockSpec((1, HIDDEN), lambda i: (0, 0)),
            pl.BlockSpec((1, HIDDEN), lambda i: (0, 0)),
            pl.BlockSpec((1, 1), lambda i: (0, 0)),
        ],
        out_specs=pl.BlockSpec((block_rows, 1), lambda i: (i, 0)),
        out_shape=jax.ShapeDtypeStruct((BATCH, 1), jnp.float32),
        compiler_params=pltpu.CompilerParams(
            dimension_semantics=("parallel",),
        ),
    )(u, mp, hm, w1u, w1m, b1_2d, w2, b2_2d)


@jax.jit
def kernel(users, movies, user_table, movie_table, W1, b1, W2, b2):
    users = users.astype(jnp.int32)
    movies = movies.astype(jnp.int32)
    mh = NUM_MOVIES // 2
    m_pair_idx = jnp.where(movies >= mh, movies - mh, movies)
    hm = (movies >= mh).astype(jnp.int32).reshape(-1, 1)
    movie_pairs = _pack_pairs(movie_table, 10000)
    mp_rows, u_sc = _get_movie_gather()(movie_pairs, m_pair_idx, user_table, users)
    u_tc = _tc_gather(user_table, users[:U_SPLIT])
    u_rows = jnp.concatenate([u_tc, u_sc], axis=0)
    w1t = W1.T
    w1u = w1t[:EMBED]
    w1m = w1t[EMBED:]
    b1_2d = b1.reshape(1, HIDDEN)
    b2_2d = b2.reshape(1, 1)
    return _mlp(u_rows, mp_rows, hm, w1u, w1m, b1_2d, W2, b2_2d)

# --- scband reference (transcript-rebuilt; emitter-appended) ---
"""Pipeline reference for scband-rec-sys-model-75514114998843 (READ-ONLY COPY).

The authoritative reference and input builder live on the scoring server;
editing this copy changes nothing except your own understanding.
"""

import jax, jax.numpy as jnp
import numpy as np

NUM_USERS = 1000000
NUM_MOVIES = 100000
EMBED = 64
HIDDEN = 256
BATCH = 16384


def setup_inputs(seed: int = 0) -> dict:
    key = jax.random.key(seed)
    k1, k2, k3, k4, k5, k6, k7, k8 = jax.random.split(key, 8)
    users = jax.random.randint(k1, (BATCH,), 0, NUM_USERS, dtype=jnp.int64 if jax.config.jax_enable_x64 else jnp.int32)
    movies = jax.random.randint(k2, (BATCH,), 0, NUM_MOVIES, dtype=jnp.int64 if jax.config.jax_enable_x64 else jnp.int32)
    user_table = jax.random.normal(k3, (NUM_USERS, EMBED), dtype=jnp.float32)
    movie_table = jax.random.normal(k4, (NUM_MOVIES, EMBED), dtype=jnp.float32)
    # fc1: Linear(2*EMBED -> HIDDEN)
    lim1 = 1.0 / np.sqrt(2 * EMBED)
    W1 = jax.random.uniform(k5, (HIDDEN, 2 * EMBED), minval=-lim1, maxval=lim1, dtype=jnp.float32)
    b1 = jax.random.uniform(k6, (HIDDEN,), minval=-lim1, maxval=lim1, dtype=jnp.float32)
    # fc2: Linear(HIDDEN -> 1)
    lim2 = 1.0 / np.sqrt(HIDDEN)
    W2 = jax.random.uniform(k7, (1, HIDDEN), minval=-lim2, maxval=lim2, dtype=jnp.float32)
    b2 = jax.random.uniform(k8, (1,), minval=-lim2, maxval=lim2, dtype=jnp.float32)
    return {"users": users, "movies": movies, "user_table": user_table, "movie_table": movie_table, "W1": W1, "b1": b1, "W2": W2, "b2": b2}


def reference(users, movies, user_table, movie_table, W1, b1, W2, b2):
    user_embedded = jnp.take(user_table, users, axis=0)
    movie_embedded = jnp.take(movie_table, movies, axis=0)
    combined = jnp.concatenate([user_embedded, movie_embedded], axis=1)
    x = jax.nn.relu(combined @ W1.T + b1)
    # dropout is identity in eval/inference mode
    output = x @ W2.T + b2
    return output

if __name__ == "__main__":
    import jax
    _d = setup_inputs()
    print(jax.jit(kernel)(*tuple(_d.values())))

</pallas_src>

<mosaic_0001>
#map = affine_map<(d0, d1) -> (0, 0)>
#map1 = affine_map<(d0, d1) -> (0)>
module attributes {stable_mosaic.version = 14 : i64} {
  func.func @gather_kernel(%arg0: i32, %arg1: i32, %arg2: memref<50000x128xf32, #tpu.memory_space<hbm>>, %arg3: memref<16384xi32, #tpu.memory_space<hbm>>, %arg4: memref<1000000x64xf32, #tpu.memory_space<hbm>>, %arg5: memref<16384xi32, #tpu.memory_space<hbm>>, %arg6: memref<16384x128xf32, #tpu.memory_space<hbm>>, %arg7: memref<8192x64xf32, #tpu.memory_space<hbm>>, %arg8: memref<256xi32, #tpu.memory_space<vmem>>, %arg9: memref<256xi32, #tpu.memory_space<vmem>>, %arg10: memref<256x128xf32, #tpu.memory_space<vmem>>, %arg11: memref<!tpu.dma_semaphore, #tpu.memory_space<semaphore_mem>>, %arg12: memref<!tpu.dma_semaphore, #tpu.memory_space<semaphore_mem>>) attributes {dimension_semantics = [#tpu.dimension_semantics<core_parallel>, #tpu.dimension_semantics<subcore_parallel>], iteration_bounds = array<i64: 2, 16>, scalar_prefetch = 0 : i64, scratch_operands = 5 : i64, tpu.core_type = #tpu.core_type<sc_vector_subcore>, window_params = [{transform_indices = #map}, {transform_indices = #map1}, {transform_indices = #map}, {transform_indices = #map1}, {transform_indices = #map}, {transform_indices = #map}]} {
    %mul3A = arith.constant 2 : i32
    %mul3A_0 = arith.muli %arg1, %mul3A : i32
    %add3A = arith.addi %mul3A_0, %arg0 : i32
    %mul3A_1 = arith.constant 256 : i32
    %mul3A_2 = arith.muli %add3A, %mul3A_1 : i32
    %add3A_3 = arith.constant 8192 : i32
    %add3A_4 = arith.addi %add3A_3, %mul3A_2 : i32
    "tpu.region"() ({
      %run_scoped3A = tpu.sem_alloc : memref<!tpu.dma_semaphore, #tpu.memory_space<semaphore_mem>>
      %dma_start3A_30 = tpu.memref_slice %arg5[%add3A_4] : memref<16384xi32, #tpu.memory_space<hbm>> -> memref<256xi32, #tpu.memory_space<hbm>>
      %dma_start3A_31 = tpu.memref_slice %arg5[%add3A_4] : memref<16384xi32, #tpu.memory_space<hbm>> -> memref<256xi32, #tpu.memory_space<hbm>>
      tpu.enqueue_dma source(%dma_start3A_31 : memref<256xi32, #tpu.memory_space<hbm>>) target(%arg9 : memref<256xi32, #tpu.memory_space<vmem>>) target_semaphore(%run_scoped3A : memref<!tpu.dma_semaphore, #tpu.memory_space<semaphore_mem>>)
      %dma_wait3A_32 = tpu.memref_slice %arg5[%add3A_4] : memref<16384xi32, #tpu.memory_space<hbm>> -> memref<256xi32, #tpu.memory_space<hbm>>
      %dma_wait3A_33 = tpu.memref_slice %arg5[%add3A_4] : memref<16384xi32, #tpu.memory_space<hbm>> -> memref<256xi32, #tpu.memory_space<hbm>>
      tpu.wait_dma2 semaphore(%run_scoped3A : memref<!tpu.dma_semaphore, #tpu.memory_space<semaphore_mem>>) src(%dma_wait3A_33 : memref<256xi32, #tpu.memory_space<hbm>>) dst(%arg9 : memref<256xi32, #tpu.memory_space<vmem>>)
      tpu.yield
    }) : () -> ()
    %scan3A = arith.constant 0 : i32
    %scan3A_5 = arith.constant 256 : i32
    %scan3A_6 = arith.addi %scan3A, %scan3A_5 : i32
    %scan3A_7 = arith.constant 1 : i32
    scf.for %scan3A_30 = %scan3A to %scan3A_6 step %scan3A_7  : i32 {
      %mul3A_31 = arith.constant 1 : i32
      %mul3A_32 = arith.muli %scan3A_30, %mul3A_31 : i32
      %add3A_33 = arith.constant 0 : i32
      %add3A_34 = arith.addi %add3A_33, %mul3A_32 : i32
      %get3A = arith.index_cast %add3A_34 : i32 to index
      %get3A_35 = tpu.vector_load %arg9[%get3A] {strides = array<i32>} : memref<256xi32, #tpu.memory_space<vmem>>, vector<1xi32>,
      %get3A_36 = vector.shape_cast %get3A_35 : vector<1xi32> to vector<1xi32>
      %squeeze3A = vector.extract %get3A_36[0] : i32 from vector<1xi32>
      %add3A_37 = arith.addi %mul3A_2, %add3A_34 : i32
      %dma_start3A_38 = arith.constant 0 : i32
      %dma_start3A_39 = tpu.memref_slice %arg7[%add3A_37, %dma_start3A_38] : memref<8192x64xf32, #tpu.memory_space<hbm>> -> memref<1x64xf32, #tpu.memory_space<hbm>>
      %dma_start3A_40 = arith.constant 0 : i32
      %dma_start3A_41 = tpu.memref_slice %arg4[%squeeze3A, %dma_start3A_40] : memref<1000000x64xf32, #tpu.memory_space<hbm>> -> memref<1x64xf32, #tpu.memory_space<hbm>>
      tpu.enqueue_dma source(%dma_start3A_41 : memref<1x64xf32, #tpu.memory_space<hbm>>) target(%dma_start3A_39 : memref<1x64xf32, #tpu.memory_space<hbm>>) target_semaphore(%arg12 : memref<!tpu.dma_semaphore, #tpu.memory_space<semaphore_mem>>)
    }
    %scan3A_8 = arith.constant 256 : i32
    %mul3A_9 = arith.constant 512 : i32
    %mul3A_10 = arith.muli %add3A, %mul3A_9 : i32
    %add3A_11 = arith.constant 0 : i32
    %add3A_12 = arith.addi %mul3A_10, %add3A_11 : i32
    "tpu.region"() ({
      %run_scoped3A = tpu.sem_alloc : memref<!tpu.dma_semaphore, #tpu.memory_space<semaphore_mem>>
      %dma_start3A_30 = tpu.memref_slice %arg3[%add3A_12] : memref<16384xi32, #tpu.memory_space<hbm>> -> memref<256xi32, #tpu.memory_space<hbm>>
      %dma_start3A_31 = tpu.memref_slice %arg3[%add3A_12] : memref<16384xi32, #tpu.memory_space<hbm>> -> memref<256xi32, #tpu.memory_space<hbm>>
      tpu.enqueue_dma source(%dma_start3A_31 : memref<256xi32, #tpu.memory_space<hbm>>) target(%arg8 : memref<256xi32, #tpu.memory_space<vmem>>) target_semaphore(%run_scoped3A : memref<!tpu.dma_semaphore, #tpu.memory_space<semaphore_mem>>)
      %dma_wait3A_32 = tpu.memref_slice %arg3[%add3A_12] : memref<16384xi32, #tpu.memory_space<hbm>> -> memref<256xi32, #tpu.memory_space<hbm>>
      %dma_wait3A_33 = tpu.memref_slice %arg3[%add3A_12] : memref<16384xi32, #tpu.memory_space<hbm>> -> memref<256xi32, #tpu.memory_space<hbm>>
      tpu.wait_dma2 semaphore(%run_scoped3A : memref<!tpu.dma_semaphore, #tpu.memory_space<semaphore_mem>>) src(%dma_wait3A_33 : memref<256xi32, #tpu.memory_space<hbm>>) dst(%arg8 : memref<256xi32, #tpu.memory_space<vmem>>)
      tpu.yield
    }) : () -> ()
    %dma_start3A = arith.constant 0 : i32
    %dma_start3A_13 = arith.constant 0 : i32
    %dma_start3A_14 = tpu.memref_slice %arg2[%dma_start3A, %dma_start3A_13] : memref<50000x128xf32, #tpu.memory_space<hbm>> -> memref<50000x128xf32, #tpu.memory_space<hbm>>
    tpu.enqueue_indirect_dma source(%dma_start3A_14 : memref<50000x128xf32, #tpu.memory_space<hbm>>) target(%arg10 : memref<256x128xf32, #tpu.memory_space<vmem>>) offsets(%arg8 : memref<256xi32, #tpu.memory_space<vmem>>) semaphore(%arg11 : memref<!tpu.dma_semaphore, #tpu.memory_space<semaphore_mem>>)
    %dma_wait3A = arith.constant 0 : i32
    %dma_wait3A_15 = arith.constant 0 : i32
    %dma_wait3A_16 = tpu.memref_slice %arg2[%dma_wait3A, %dma_wait3A_15] : memref<50000x128xf32, #tpu.memory_space<hbm>> -> memref<50000x128xf32, #tpu.memory_space<hbm>>
    tpu.wait_indirect_dma semaphore(%arg11 : memref<!tpu.dma_semaphore, #tpu.memory_space<semaphore_mem>>) src(%dma_wait3A_16 : memref<50000x128xf32, #tpu.memory_space<hbm>>) dst(%arg10 : memref<256x128xf32, #tpu.memory_space<vmem>>)
    "tpu.region"() ({
      %run_scoped3A = tpu.sem_alloc : memref<!tpu.dma_semaphore, #tpu.memory_space<semaphore_mem>>
      %dma_start3A_30 = arith.constant 0 : i32
      %dma_start3A_31 = tpu.memref_slice %arg6[%add3A_12, %dma_start3A_30] : memref<16384x128xf32, #tpu.memory_space<hbm>> -> memref<256x128xf32, #tpu.memory_space<hbm>>
      %dma_start3A_32 = arith.constant 0 : i32
      %dma_start3A_33 = tpu.memref_slice %arg6[%add3A_12, %dma_start3A_32] : memref<16384x128xf32, #tpu.memory_space<hbm>> -> memref<256x128xf32, #tpu.memory_space<hbm>>
      tpu.enqueue_dma source(%arg10 : memref<256x128xf32, #tpu.memory_space<vmem>>) target(%dma_start3A_33 : memref<256x128xf32, #tpu.memory_space<hbm>>) target_semaphore(%run_scoped3A : memref<!tpu.dma_semaphore, #tpu.memory_space<semaphore_mem>>)
      %dma_wait3A_34 = arith.constant 0 : i32
      %dma_wait3A_35 = tpu.memref_slice %arg6[%add3A_12, %dma_wait3A_34] : memref<16384x128xf32, #tpu.memory_space<hbm>> -> memref<256x128xf32, #tpu.memory_space<hbm>>
      %dma_wait3A_36 = arith.constant 0 : i32
      %dma_wait3A_37 = tpu.memref_slice %arg6[%add3A_12, %dma_wait3A_36] : memref<16384x128xf32, #tpu.memory_space<hbm>> -> memref<256x128xf32, #tpu.memory_space<hbm>>
      tpu.wait_dma2 semaphore(%run_scoped3A : memref<!tpu.dma_semaphore, #tpu.memory_space<semaphore_mem>>) src(%arg10 : memref<256x128xf32, #tpu.memory_space<vmem>>) dst(%dma_wait3A_37 : memref<256x128xf32, #tpu.memory_space<hbm>>)
      tpu.yield
    }) : () -> ()
    %add3A_17 = arith.constant 256 : i32
    %add3A_18 = arith.addi %mul3A_10, %add3A_17 : i32
    "tpu.region"() ({
      %run_scoped3A = tpu.sem_alloc : memref<!tpu.dma_semaphore, #tpu.memory_space<semaphore_mem>>
      %dma_start3A_30 = tpu.memref_slice %arg3[%add3A_18] : memref<16384xi32, #tpu.memory_space<hbm>> -> memref<256xi32, #tpu.memory_space<hbm>>
      %dma_start3A_31 = tpu.memref_slice %arg3[%add3A_18] : memref<16384xi32, #tpu.memory_space<hbm>> -> memref<256xi32, #tpu.memory_space<hbm>>
      tpu.enqueue_dma source(%dma_start3A_31 : memref<256xi32, #tpu.memory_space<hbm>>) target(%arg8 : memref<256xi32, #tpu.memory_space<vmem>>) target_semaphore(%run_scoped3A : memref<!tpu.dma_semaphore, #tpu.memory_space<semaphore_mem>>)
      %dma_wait3A_32 = tpu.memref_slice %arg3[%add3A_18] : memref<16384xi32, #tpu.memory_space<hbm>> -> memref<256xi32, #tpu.memory_space<hbm>>
      %dma_wait3A_33 = tpu.memref_slice %arg3[%add3A_18] : memref<16384xi32, #tpu.memory_space<hbm>> -> memref<256xi32, #tpu.memory_space<hbm>>
      tpu.wait_dma2 semaphore(%run_scoped3A : memref<!tpu.dma_semaphore, #tpu.memory_space<semaphore_mem>>) src(%dma_wait3A_33 : memref<256xi32, #tpu.memory_space<hbm>>) dst(%arg8 : memref<256xi32, #tpu.memory_space<vmem>>)
      tpu.yield
    }) : () -> ()
    %dma_start3A_19 = arith.constant 0 : i32
    %dma_start3A_20 = arith.constant 0 : i32
    %dma_start3A_21 = tpu.memref_slice %arg2[%dma_start3A_19, %dma_start3A_20] : memref<50000x128xf32, #tpu.memory_space<hbm>> -> memref<50000x128xf32, #tpu.memory_space<hbm>>
    tpu.enqueue_indirect_dma source(%dma_start3A_21 : memref<50000x128xf32, #tpu.memory_space<hbm>>) target(%arg10 : memref<256x128xf32, #tpu.memory_space<vmem>>) offsets(%arg8 : memref<256xi32, #tpu.memory_space<vmem>>) semaphore(%arg11 : memref<!tpu.dma_semaphore, #tpu.memory_space<semaphore_mem>>)
    %dma_wait3A_22 = arith.constant 0 : i32
    %dma_wait3A_23 = arith.constant 0 : i32
    %dma_wait3A_24 = tpu.memref_slice %arg2[%dma_wait3A_22, %dma_wait3A_23] : memref<50000x128xf32, #tpu.memory_space<hbm>> -> memref<50000x128xf32, #tpu.memory_space<hbm>>
    tpu.wait_indirect_dma semaphore(%arg11 : memref<!tpu.dma_semaphore, #tpu.memory_space<semaphore_mem>>) src(%dma_wait3A_24 : memref<50000x128xf32, #tpu.memory_space<hbm>>) dst(%arg10 : memref<256x128xf32, #tpu.memory_space<vmem>>)
    "tpu.region"() ({
      %run_scoped3A = tpu.sem_alloc : memref<!tpu.dma_semaphore, #tpu.memory_space<semaphore_mem>>
      %dma_start3A_30 = arith.constant 0 : i32
      %dma_start3A_31 = tpu.memref_slice %arg6[%add3A_18, %dma_start3A_30] : memref<16384x128xf32, #tpu.memory_space<hbm>> -> memref<256x128xf32, #tpu.memory_space<hbm>>
      %dma_start3A_32 = arith.constant 0 : i32
      %dma_start3A_33 = tpu.memref_slice %arg6[%add3A_18, %dma_start3A_32] : memref<16384x128xf32, #tpu.memory_space<hbm>> -> memref<256x128xf32, #tpu.memory_space<hbm>>
      tpu.enqueue_dma source(%arg10 : memref<256x128xf32, #tpu.memory_space<vmem>>) target(%dma_start3A_33 : memref<256x128xf32, #tpu.memory_space<hbm>>) target_semaphore(%run_scoped3A : memref<!tpu.dma_semaphore, #tpu.memory_space<semaphore_mem>>)
      %dma_wait3A_34 = arith.constant 0 : i32
      %dma_wait3A_35 = tpu.memref_slice %arg6[%add3A_18, %dma_wait3A_34] : memref<16384x128xf32, #tpu.memory_space<hbm>> -> memref<256x128xf32, #tpu.memory_space<hbm>>
      %dma_wait3A_36 = arith.constant 0 : i32
      %dma_wait3A_37 = tpu.memref_slice %arg6[%add3A_18, %dma_wait3A_36] : memref<16384x128xf32, #tpu.memory_space<hbm>> -> memref<256x128xf32, #tpu.memory_space<hbm>>
      tpu.wait_dma2 semaphore(%run_scoped3A : memref<!tpu.dma_semaphore, #tpu.memory_space<semaphore_mem>>) src(%arg10 : memref<256x128xf32, #tpu.memory_space<vmem>>) dst(%dma_wait3A_37 : memref<256x128xf32, #tpu.memory_space<hbm>>)
      tpu.yield
    }) : () -> ()
    %dma_wait3A_25 = arith.constant 0 : i32
    %dma_wait3A_26 = tpu.memref_slice %arg7[%mul3A_2, %dma_wait3A_25] : memref<8192x64xf32, #tpu.memory_space<hbm>> -> memref<256x64xf32, #tpu.memory_space<hbm>>
    %dma_wait3A_27 = arith.constant 0 : i32
    %dma_wait3A_28 = arith.constant 0 : i32
    %dma_wait3A_29 = tpu.memref_slice %arg4[%dma_wait3A_27, %dma_wait3A_28] : memref<1000000x64xf32, #tpu.memory_space<hbm>> -> memref<256x64xf32, #tpu.memory_space<hbm>>
    tpu.wait_dma2 semaphore(%arg12 : memref<!tpu.dma_semaphore, #tpu.memory_space<semaphore_mem>>) src(%dma_wait3A_29 : memref<256x64xf32, #tpu.memory_space<hbm>>) dst(%dma_wait3A_26 : memref<256x64xf32, #tpu.memory_space<hbm>>)
    return
  }
}

module attributes {stable_mosaic.version = 14 : i64} {
  func.func @_pack_body(%arg0: i32, %arg1: memref<10000x64xf32, #tpu.memory_space<vmem>>, %arg2: memref<10000x64xf32, #tpu.memory_space<vmem>>, %arg3: memref<10000x128xf32, #tpu.memory_space<vmem>>) attributes {dimension_semantics = [#tpu.dimension_semantics<parallel>], iteration_bounds = array<i64: 5>, scalar_prefetch = 0 : i64, scratch_operands = 0 : i64, tpu.core_type = #tpu.core_type<tc>, window_params = [{transform_indices = @transform_0, window_bounds = array<i64: 10000, 64>}, {transform_indices = @transform_1, window_bounds = array<i64: 10000, 64>}, {transform_indices = @transform_2, window_bounds = array<i64: 10000, 128>}]} {
    %get3A = arith.constant 0 : index
    %get3A_0 = arith.constant 0 : index
    %get3A_1 = vector.load %arg1[%get3A, %get3A_0] : memref<10000x64xf32, #tpu.memory_space<vmem>>, vector<10000x64xf32>
    %get3A_2 = arith.constant 0 : index
    %get3A_3 = arith.constant 0 : index
    %get3A_4 = vector.load %arg2[%get3A_2, %get3A_3] : memref<10000x64xf32, #tpu.memory_space<vmem>>, vector<10000x64xf32>
    %concatenate3A = tpu.concatenate %get3A_1, %get3A_4 in 1 : vector<10000x64xf32>, vector<10000x64xf32> -> vector<10000x128xf32>
    %swap3A = arith.constant 0 : index
    %swap3A_5 = arith.constant 0 : index
    %swap3A_6 = vector.load %arg3[%swap3A, %swap3A_5] : memref<10000x128xf32, #tpu.memory_space<vmem>>, vector<10000x128xf32>
    tpu.vector_store %arg3[%swap3A, %swap3A_5], %concatenate3A {strides = array<i32>} : memref<10000x128xf32, #tpu.memory_space<vmem>>, vector<10000x128xf32>,
    return
  }
  func.func @transform_0(%arg0: i32) -> (i32, i32) {
    %c0_i32 = arith.constant 0 : i32
    %c0_i32_0 = arith.constant 0 : i32
    return %arg0, %c0_i32 : i32, i32
  }
  func.func @transform_1(%arg0: i32) -> (i32, i32) {
    %add3A = arith.constant 5 : i32
    %add3A_0 = arith.addi %arg0, %add3A : i32
    %c0_i32 = arith.constant 0 : i32
    %c0_i32_1 = arith.constant 0 : i32
    return %add3A_0, %c0_i32 : i32, i32
  }
  func.func @transform_2(%arg0: i32) -> (i32, i32) {
    %c0_i32 = arith.constant 0 : i32
    %c0_i32_0 = arith.constant 0 : i32
    return %arg0, %c0_i32 : i32, i32
  }
}

module attributes {stable_mosaic.version = 14 : i64} {
  func.func @_tc_gather_body(%arg0: i32, %arg1: memref<8192xi32, #tpu.memory_space<smem>>, %arg2: memref<1000000x64xf32, #tpu.memory_space<hbm>>, %arg3: memref<256x64xf32, #tpu.memory_space<vmem>>, %arg4: memref<!tpu.dma_semaphore, #tpu.memory_space<semaphore_mem>>) attributes {dimension_semantics = [#tpu.dimension_semantics<arbitrary>], iteration_bounds = array<i64: 32>, scalar_prefetch = 1 : i64, scratch_operands = 1 : i64, tpu.core_type = #tpu.core_type<tc>, window_params = [{}, {transform_indices = @transform_1, window_bounds = array<i64: 256, 64>}]} {
    %mul3A = arith.constant 256 : i32
    %mul3A_0 = arith.muli %arg0, %mul3A : i32
    %add3A = arith.constant 0 : i32
    %add3A_1 = arith.addi %mul3A_0, %add3A : i32
    %get3A = arith.index_cast %add3A_1 : i32 to index
    %get3A_2 = memref.load %arg1[%get3A] : memref<8192xi32, #tpu.memory_space<smem>>
    %dma_start3A = arith.constant 0 : i32
    %dma_start3A_3 = arith.constant 0 : i32
    %dma_start3A_4 = tpu.memref_slice %arg3[%dma_start3A, %dma_start3A_3] : memref<256x64xf32, #tpu.memory_space<vmem>> -> memref<1x64xf32, #tpu.memory_space<vmem>>
    %dma_start3A_5 = arith.constant 0 : i32
    %dma_start3A_6 = tpu.memref_slice %arg2[%get3A_2, %dma_start3A_5] : memref<1000000x64xf32, #tpu.memory_space<hbm>> -> memref<1x64xf32, #tpu.memory_space<hbm>>
    tpu.enqueue_dma source(%dma_start3A_6 : memref<1x64xf32, #tpu.memory_space<hbm>>) target(%dma_start3A_4 : memref<1x64xf32, #tpu.memory_space<vmem>>) target_semaphore(%arg4 : memref<!tpu.dma_semaphore, #tpu.memory_space<semaphore_mem>>)
    %mul3A_7 = arith.constant 256 : i32
    %mul3A_8 = arith.muli %arg0, %mul3A_7 : i32
    %add3A_9 = arith.constant 1 : i32
    %add3A_10 = arith.addi %mul3A_8, %add3A_9 : i32
    %get3A_11 = arith.index_cast %add3A_10 : i32 to index
    %get3A_12 = memref.load %arg1[%get3A_11] : memref<8192xi32, #tpu.memory_space<smem>>
    %dma_start3A_13 = arith.constant 1 : i32
    %dma_start3A_14 = arith.constant 0 : i32
    %dma_start3A_15 = tpu.memref_slice %arg3[%dma_start3A_13, %dma_start3A_14] : memref<256x64xf32, #tpu.memory_space<vmem>> -> memref<1x64xf32, #tpu.memory_space<vmem>>
    %dma_start3A_16 = arith.constant 0 : i32
    %dma_start3A_17 = tpu.memref_slice %arg2[%get3A_12, %dma_start3A_16] : memref<1000000x64xf32, #tpu.memory_space<hbm>> -> memref<1x64xf32, #tpu.memory_space<hbm>>
    tpu.enqueue_dma source(%dma_start3A_17 : memref<1x64xf32, #tpu.memory_space<hbm>>) target(%dma_start3A_15 : memref<1x64xf32, #tpu.memory_space<vmem>>) target_semaphore(%arg4 : memref<!tpu.dma_semaphore, #tpu.memory_space<semaphore_mem>>)
    %mul3A_18 = arith.constant 256 : i32
    %mul3A_19 = arith.muli %arg0, %mul3A_18 : i32
    %add3A_20 = arith.constant 2 : i32
    %add3A_21 = arith.addi %mul3A_19, %add3A_20 : i32
    %get3A_22 = arith.index_cast %add3A_21 : i32 to index
    %get3A_23 = memref.load %arg1[%get3A_22] : memref<8192xi32, #tpu.memory_space<smem>>
    %dma_start3A_24 = arith.constant 2 : i32
    %dma_start3A_25 = arith.constant 0 : i32
    %dma_start3A_26 = tpu.memref_slice %arg3[%dma_start3A_24, %dma_start3A_25] : memref<256x64xf32, #tpu.memory_space<vmem>> -> memref<1x64xf32, #tpu.memory_space<vmem>>
    %dma_start3A_27 = arith.constant 0 : i32
    %dma_start3A_28 = tpu.memref_slice %arg2[%get3A_23, %dma_start3A_27] : memref<1000000x64xf32, #tpu.memory_space<hbm>> -> memref<1x64xf32, #tpu.memory_space<hbm>>
    tpu.enqueue_dma source(%dma_start3A_28 : memref<1x64xf32, #tpu.memory_space<hbm>>) target(%dma_start3A_26 : memref<1x64xf32, #tpu.memory_space<vmem>>) target_semaphore(%arg4 : memref<!tpu.dma_semaphore, #tpu.memory_space<semaphore_mem>>)
    %mul3A_29 = arith.constant 256 : i32
    %mul3A_30 = arith.muli %arg0, %mul3A_29 : i32
    %add3A_31 = arith.constant 3 : i32
    %add3A_32 = arith.addi %mul3A_30, %add3A_31 : i32
    %get3A_33 = arith.index_cast %add3A_32 : i32 to index
    %get3A_34 = memref.load %arg1[%get3A_33] : memref<8192xi32, #tpu.memory_space<smem>>
    %dma_start3A_35 = arith.constant 3 : i32
    %dma_start3A_36 = arith.constant 0 : i32
    %dma_start3A_37 = tpu.memref_slice %arg3[%dma_start3A_35, %dma_start3A_36] : memref<256x64xf32, #tpu.memory_space<vmem>> -> memref<1x64xf32, #tpu.memory_space<vmem>>
    %dma_start3A_38 = arith.constant 0 : i32
    %dma_start3A_39 = tpu.memref_slice %arg2[%get3A_34, %dma_start3A_38] : memref<1000000x64xf32, #tpu.memory_space<hbm>> -> memref<1x64xf32, #tpu.memory_space<hbm>>
    tpu.enqueue_dma source(%dma_start3A_39 : memref<1x64xf32, #tpu.memory_space<hbm>>) target(%dma_start3A_37 : memref<1x64xf32, #tpu.memory_space<vmem>>) target_semaphore(%arg4 : memref<!tpu.dma_semaphore, #tpu.memory_space<semaphore_mem>>)
    %mul3A_40 = arith.constant 256 : i32
    %mul3A_41 = arith.muli %arg0, %mul3A_40 : i32
    %add3A_42 = arith.constant 4 : i32
    %add3A_43 = arith.addi %mul3A_41, %add3A_42 : i32
    %get3A_44 = arith.index_cast %add3A_43 : i32 to index
    %get3A_45 = memref.load %arg1[%get3A_44] : memref<8192xi32, #tpu.memory_space<smem>>
    %dma_start3A_46 = arith.constant 4 : i32
    %dma_start3A_47 = arith.constant 0 : i32
    %dma_start3A_48 = tpu.memref_slice %arg3[%dma_start3A_46, %dma_start3A_47] : memref<256x64xf32, #tpu.memory_space<vmem>> -> memref<1x64xf32, #tpu.memory_space<vmem>>
    %dma_start3A_49 = arith.constant 0 : i32
    %dma_start3A_50 = tpu.memref_slice %arg2[%get3A_45, %dma_start3A_49] : memref<1000000x64xf32, #tpu.memory_space<hbm>> -> memref<1x64xf32, #tpu.memory_space<hbm>>
    tpu.enqueue_dma source(%dma_start3A_50 : memref<1x64xf32, #tpu.memory_space<hbm>>) target(%dma_start3A_48 : memref<1x64xf32, #tpu.memory_space<vmem>>) target_semaphore(%arg4 : memref<!tpu.dma_semaphore, #tpu.memory_space<semaphore_mem>>)
    %mul3A_51 = arith.constant 256 : i32
    %mul3A_52 = arith.muli %arg0, %mul3A_51 : i32
    %add3A_53 = arith.constant 5 : i32
    %add3A_54 = arith.addi %mul3A_52, %add3A_53 : i32
    %get3A_55 = arith.index_cast %add3A_54 : i32 to index
    %get3A_56 = memref.load %arg1[%get3A_55] : memref<8192xi32, #tpu.memory_space<smem>>
    %dma_start3A_57 = arith.constant 5 : i32
    %dma_start3A_58 = arith.constant 0 : i32
    %dma_start3A_59 = tpu.memref_slice %arg3[%dma_start3A_57, %dma_start3A_58] : memref<256x64xf32, #tpu.memory_space<vmem>> -> memref<1x64xf32, #tpu.memory_space<vmem>>
    %dma_start3A_60 = arith.constant 0 : i32
    %dma_start3A_61 = tpu.memref_slice %arg2[%get3A_56, %dma_start3A_60] : memref<1000000x64xf32, #tpu.memory_space<hbm>> -> memref<1x64xf32, #tpu.memory_space<hbm>>
    tpu.enqueue_dma source(%dma_start3A_61 : memref<1x64xf32, #tpu.memory_space<hbm>>) target(%dma_start3A_59 : memref<1x64xf32, #tpu.memory_space<vmem>>) target_semaphore(%arg4 : memref<!tpu.dma_semaphore, #tpu.memory_space<semaphore_mem>>)
    %mul3A_62 = arith.constant 256 : i32
    %mul3A_63 = arith.muli %arg0, %mul3A_62 : i32
    %add3A_64 = arith.constant 6 : i32
    %add3A_65 = arith.addi %mul3A_63, %add3A_64 : i32
    %get3A_66 = arith.index_cast %add3A_65 : i32 to index
    %get3A_67 = memref.load %arg1[%get3A_66] : memref<8192xi32, #tpu.memory_space<smem>>
    %dma_start3A_68 = arith.constant 6 : i32
    %dma_start3A_69 = arith.constant 0 : i32
    %dma_start3A_70 = tpu.memref_slice %arg3[%dma_start3A_68, %dma_start3A_69] : memref<256x64xf32, #tpu.memory_space<vmem>> -> memref<1x64xf32, #tpu.memory_space<vmem>>
    %dma_start3A_71 = arith.constant 0 : i32
    %dma_start3A_72 = tpu.memref_slice %arg2[%get3A_67, %dma_start3A_71] : memref<1000000x64xf32, #tpu.memory_space<hbm>> -> memref<1x64xf32, #tpu.memory_space<hbm>>
    tpu.enqueue_dma source(%dma_start3A_72 : memref<1x64xf32, #tpu.memory_space<hbm>>) target(%dma_start3A_70 : memref<1x64xf32, #tpu.memory_space<vmem>>) target_semaphore(%arg4 : memref<!tpu.dma_semaphore, #tpu.memory_space<semaphore_mem>>)
    %mul3A_73 = arith.constant 256 : i32
    %mul3A_74 = arith.muli %arg0, %mul3A_73 : i32
    %add3A_75 = arith.constant 7 : i32
    %add3A_76 = arith.addi %mul3A_74, %add3A_75 : i32
    %get3A_77 = arith.index_cast %add3A_76 : i32 to index
    %get3A_78 = memref.load %arg1[%get3A_77] : memref<8192xi32, #tpu.memory_space<smem>>
    %dma_start3A_79 = arith.constant 7 : i32
    %dma_start3A_80 = arith.constant 0 : i32
    %dma_start3A_81 = tpu.memref_slice %arg3[%dma_start3A_79, %dma_start3A_80] : memref<256x64xf32, #tpu.memory_space<vmem>> -> memref<1x64xf32, #tpu.memory_space<vmem>>
    %dma_start3A_82 = arith.constant 0 : i32
    %dma_start3A_83 = tpu.memref_slice %arg2[%get3A_78, %dma_start3A_82] : memref<1000000x64xf32, #tpu.memory_space<hbm>> -> memref<1x64xf32, #tpu.memory_space<hbm>>
    tpu.enqueue_dma source(%dma_start3A_83 : memref<1x64xf32, #tpu.memory_space<hbm>>) target(%dma_start3A_81 : memref<1x64xf32, #tpu.memory_space<vmem>>) target_semaphore(%arg4 : memref<!tpu.dma_semaphore, #tpu.memory_space<semaphore_mem>>)
    %mul3A_84 = arith.constant 256 : i32
    %mul3A_85 = arith.muli %arg0, %mul3A_84 : i32
    %add3A_86 = arith.constant 8 : i32
    %add3A_87 = arith.addi %mul3A_85, %add3A_86 : i32
    %get3A_88 = arith.index_cast %add3A_87 : i32 to index
    %get3A_89 = memref.load %arg1[%get3A_88] : memref<8192xi32, #tpu.memory_space<smem>>
    %dma_start3A_90 = arith.constant 8 : i32
    %dma_start3A_91 = arith.constant 0 : i32
    %dma_start3A_92 = tpu.memref_slice %arg3[%dma_start3A_90, %dma_start3A_91] : memref<256x64xf32, #tpu.memory_space<vmem>> -> memref<1x64xf32, #tpu.memory_space<vmem>>
    %dma_start3A_93 = arith.constant 0 : i32
    %dma_start3A_94 = tpu.memref_slice %arg2[%get3A_89, %dma_start3A_93] : memref<1000000x64xf32, #tpu.memory_space<hbm>> -> memref<1x64xf32, #tpu.memory_space<hbm>>
    tpu.enqueue_dma source(%dma_start3A_94 : memref<1x64xf32, #tpu.memory_space<hbm>>) target(%dma_start3A_92 : memref<1x64xf32, #tpu.memory_space<vmem>>) target_semaphore(%arg4 : memref<!tpu.dma_semaphore, #tpu.memory_space<semaphore_mem>>)
    %mul3A_95 = arith.constant 256 : i32
    %mul3A_96 = arith.muli %arg0, %mul3A_95 : i32
    %add3A_97 = arith.constant 9 : i32
    %add3A_98 = arith.addi %mul3A_96, %add3A_97 : i32
    %get3A_99 = arith.index_cast %add3A_98 : i32 to index
    %get3A_100 = memref.load %arg1[%get3A_99] : memref<8192xi32, #tpu.memory_space<smem>>
    %dma_start3A_101 = arith.constant 9 : i32
    %dma_start3A_102 = arith.constant 0 : i32
    %dma_start3A_103 = tpu.memref_slice %arg3[%dma_start3A_101, %dma_start3A_102] : memref<256x64xf32, #tpu.memory_space<vmem>> -> memref<1x64xf32, #tpu.memory_space<vmem>>
    %dma_start3A_104 = arith.constant 0 : i32
    %dma_start3A_105 = tpu.memref_slice %arg2[%get3A_100, %dma_start3A_104] : memref<1000000x64xf32, #tpu.memory_space<hbm>> -> memref<1x64xf32, #tpu.memory_space<hbm>>
    tpu.enqueue_dma source(%dma_start3A_105 : memref<1x64xf32, #tpu.memory_space<hbm>>) target(%dma_start3A_103 : memref<1x64xf32, #tpu.memory_space<vmem>>) target_semaphore(%arg4 : memref<!tpu.dma_semaphore, #tpu.memory_space<semaphore_mem>>)
    %mul3A_106 = arith.constant 256 : i32
    %mul3A_107 = arith.muli %arg0, %mul3A_106 : i32
    %add3A_108 = arith.constant 10 : i32
    %add3A_109 = arith.addi %mul3A_107, %add3A_108 : i32
    %get3A_110 = arith.index_cast %add3A_109 : i32 to index
    %get3A_111 = memref.load %arg1[%get3A_110] : memref<8192xi32, #tpu.memory_space<smem>>
    %dma_start3A_112 = arith.constant 10 : i32
    %dma_start3A_113 = arith.constant 0 : i32
    %dma_start3A_114 = tpu.memref_slice %arg3[%dma_start3A_112, %dma_start3A_113] : memref<256x64xf32, #tpu.memory_space<vmem>> -> memref<1x64xf32, #tpu.memory_space<vmem>>
    %dma_start3A_115 = arith.constant 0 : i32
    %dma_start3A_116 = tpu.memref_slice %arg2[%get3A_111, %dma_start3A_115] : memref<1000000x64xf32, #tpu.memory_space<hbm>> -> memref<1x64xf32, #tpu.memory_space<hbm>>
    tpu.enqueue_dma source(%dma_start3A_116 : memref<1x64xf32, #tpu.memory_space<hbm>>) target(%dma_start3A_114 : memref<1x64xf32, #tpu.memory_space<vmem>>) target_semaphore(%arg4 : memref<!tpu.dma_semaphore, #tpu.memory_space<semaphore_mem>>)
    %mul3A_117 = arith.constant 256 : i32
    %mul3A_118 = arith.muli %arg0, %mul3A_117 : i32
    %add3A_119 = arith.constant 11 : i32
    %add3A_120 = arith.addi %mul3A_118, %add3A_119 : i32
    %get3A_121 = arith.index_cast %add3A_120 : i32 to index
    %get3A_122 = memref.load %arg1[%get3A_121] : memref<8192xi32, #tpu.memory_space<smem>>
    %dma_start3A_123 = arith.constant 11 : i32
    %dma_start3A_124 = arith.constant 0 : i32
    %dma_start3A_125 = tpu.memref_slice %arg3[%dma_start3A_123, %dma_start3A_124] : memref<256x64xf32, #tpu.memory_space<vmem>> -> memref<1x64xf32, #tpu.memory_space<vmem>>
    %dma_start3A_126 = arith.constant 0 : i32
    %dma_start3A_127 = tpu.memref_slice %arg2[%get3A_122, %dma_start3A_126] : memref<1000000x64xf32, #tpu.memory_space<hbm>> -> memref<1x64xf32, #tpu.memory_space<hbm>>
    tpu.enqueue_dma source(%dma_start3A_127 : memref<1x64xf32, #tpu.memory_space<hbm>>) target(%dma_start3A_125 : memref<1x64xf32, #tpu.memory_space<vmem>>) target_semaphore(%arg4 : memref<!tpu.dma_semaphore, #tpu.memory_space<semaphore_mem>>)
    %mul3A_128 = arith.constant 256 : i32
    %mul3A_129 = arith.muli %arg0, %mul3A_128 : i32
    %add3A_130 = arith.constant 12 : i32
    %add3A_131 = arith.addi %mul3A_129, %add3A_130 : i32
    %get3A_132 = arith.index_cast %add3A_131 : i32 to index
    %get3A_133 = memref.load %arg1[%get3A_132] : memref<8192xi32, #tpu.memory_space<smem>>
    %dma_start3A_134 = arith.constant 12 : i32
    %dma_start3A_135 = arith.constant 0 : i32
    %dma_start3A_136 = tpu.memref_slice %arg3[%dma_start3A_134, %dma_start3A_135] : memref<256x64xf32, #tpu.memory_space<vmem>> -> memref<1x64xf32, #tpu.memory_space<vmem>>
    %dma_start3A_137 = arith.constant 0 : i32
    %dma_start3A_138 = tpu.memref_slice %arg2[%get3A_133, %dma_start3A_137] : memref<1000000x64xf32, #tpu.memory_space<hbm>> -> memref<1x64xf32, #tpu.memory_space<hbm>>
    tpu.enqueue_dma source(%dma_start3A_138 : memref<1x64xf32, #tpu.memory_space<hbm>>) target(%dma_start3A_136 : memref<1x64xf32, #tpu.memory_space<vmem>>) target_semaphore(%arg4 : memref<!tpu.dma_semaphore, #tpu.memory_space<semaphore_mem>>)
    %mul3A_139 = arith.constant 256 : i32
    %mul3A_140 = arith.muli %arg0, %mul3A_139 : i32
    %add3A_141 = arith.constant 13 : i32
    %add3A_142 = arith.addi %mul3A_140, %add3A_141 : i32
    %get3A_143 = arith.index_cast %add3A_142 : i32 to index
    %get3A_144 = memref.load %arg1[%get3A_143] : memref<8192xi32, #tpu.memory_space<smem>>
    %dma_start3A_145 = arith.constant 13 : i32
    %dma_start3A_146 = arith.constant 0 : i32
    %dma_start3A_147 = tpu.memref_slice %arg3[%dma_start3A_145, %dma_start3A_146] : memref<256x64xf32, #tpu.memory_space<vmem>> -> memref<1x64xf32, #tpu.memory_space<vmem>>
    %dma_start3A_148 = arith.constant 0 : i32
    %dma_start3A_149 = tpu.memref_slice %arg2[%get3A_144, %dma_start3A_148] : memref<1000000x64xf32, #tpu.memory_space<hbm>> -> memref<1x64xf32, #tpu.memory_space<hbm>>
    tpu.enqueue_dma source(%dma_start3A_149 : memref<1x64xf32, #tpu.memory_space<hbm>>) target(%dma_start3A_147 : memref<1x64xf32, #tpu.memory_space<vmem>>) target_semaphore(%arg4 : memref<!tpu.dma_semaphore, #tpu.memory_space<semaphore_mem>>)
    %mul3A_150 = arith.constant 256 : i32
    %mul3A_151 = arith.muli %arg0, %mul3A_150 : i32
    %add3A_152 = arith.constant 14 : i32
    %add3A_153 = arith.addi %mul3A_151, %add3A_152 : i32
    %get3A_154 = arith.index_cast %add3A_153 : i32 to index
    %get3A_155 = memref.load %arg1[%get3A_154] : memref<8192xi32, #tpu.memory_space<smem>>
    %dma_start3A_156 = arith.constant 14 : i32
    %dma_start3A_157 = arith.constant 0 : i32
    %dma_start3A_158 = tpu.memref_slice %arg3[%dma_start3A_156, %dma_start3A_157] : memref<256x64xf32, #tpu.memory_space<vmem>> -> memref<1x64xf32, #tpu.memory_space<vmem>>
    %dma_start3A_159 = arith.constant 0 : i32
    %dma_start3A_160 = tpu.memref_slice %arg2[%get3A_155, %dma_start3A_159] : memref<1000000x64xf32, #tpu.memory_space<hbm>> -> memref<1x64xf32, #tpu.memory_space<hbm>>
    tpu.enqueue_dma source(%dma_start3A_160 : memref<1x64xf32, #tpu.memory_space<hbm>>) target(%dma_start3A_158 : memref<1x64xf32, #tpu.memory_space<vmem>>) target_semaphore(%arg4 : memref<!tpu.dma_semaphore, #tpu.memory_space<semaphore_mem>>)
    %mul3A_161 = arith.constant 256 : i32
    %mul3A_162 = arith.muli %arg0, %mul3A_161 : i32
    %add3A_163 = arith.constant 15 : i32
    %add3A_164 = arith.addi %mul3A_162, %add3A_163 : i32
    %get3A_165 = arith.index_cast %add3A_164 : i32 to index
    %get3A_166 = memref.load %arg1[%get3A_165] : memref<8192xi32, #tpu.memory_space<smem>>
    %dma_start3A_167 = arith.constant 15 : i32
    %dma_start3A_168 = arith.constant 0 : i32
    %dma_start3A_169 = tpu.memref_slice %arg3[%dma_start3A_167, %dma_start3A_168] : memref<256x64xf32, #tpu.memory_space<vmem>> -> memref<1x64xf32, #tpu.memory_space<vmem>>
    %dma_start3A_170 = arith.constant 0 : i32
    %dma_start3A_171 = tpu.memref_slice %arg2[%get3A_166, %dma_start3A_170] : memref<1000000x64xf32, #tpu.memory_space<hbm>> -> memref<1x64xf32, #tpu.memory_space<hbm>>
    tpu.enqueue_dma source(%dma_start3A_171 : memref<1x64xf32, #tpu.memory_space<hbm>>) target(%dma_start3A_169 : memref<1x64xf32, #tpu.memory_space<vmem>>) target_semaphore(%arg4 : memref<!tpu.dma_semaphore, #tpu.memory_space<semaphore_mem>>)
    %mul3A_172 = arith.constant 256 : i32
    %mul3A_173 = arith.muli %arg0, %mul3A_172 : i32
    %add3A_174 = arith.constant 16 : i32
    %add3A_175 = arith.addi %mul3A_173, %add3A_174 : i32
    %get3A_176 = arith.index_cast %add3A_175 : i32 to index
    %get3A_177 = memref.load %arg1[%get3A_176] : memref<8192xi32, #tpu.memory_space<smem>>
    %dma_start3A_178 = arith.constant 16 : i32
    %dma_start3A_179 = arith.constant 0 : i32
    %dma_start3A_180 = tpu.memref_slice %arg3[%dma_start3A_178, %dma_start3A_179] : memref<256x64xf32, #tpu.memory_space<vmem>> -> memref<1x64xf32, #tpu.memory_space<vmem>>
    %dma_start3A_181 = arith.constant 0 : i32
    %dma_start3A_182 = tpu.memref_slice %arg2[%get3A_177, %dma_start3A_181] : memref<1000000x64xf32, #tpu.memory_space<hbm>> -> memref<1x64xf32, #tpu.memory_space<hbm>>
    tpu.enqueue_dma source(%dma_start3A_182 : memref<1x64xf32, #tpu.memory_space<hbm>>) target(%dma_start3A_180 : memref<1x64xf32, #tpu.memory_space<vmem>>) target_semaphore(%arg4 : memref<!tpu.dma_semaphore, #tpu.memory_space<semaphore_mem>>)
    %mul3A_183 = arith.constant 256 : i32
    %mul3A_184 = arith.muli %arg0, %mul3A_183 : i32
    %add3A_185 = arith.constant 17 : i32
    %add3A_186 = arith.addi %mul3A_184, %add3A_185 : i32
    %get3A_187 = arith.index_cast %add3A_186 : i32 to index
    %get3A_188 = memref.load %arg1[%get3A_187] : memref<8192xi32, #tpu.memory_space<smem>>
    %dma_start3A_189 = arith.constant 17 : i32
    %dma_start3A_190 = arith.constant 0 : i32
    %dma_start3A_191 = tpu.memref_slice %arg3[%dma_start3A_189, %dma_start3A_190] : memref<256x64xf32, #tpu.memory_space<vmem>> -> memref<1x64xf32, #tpu.memory_space<vmem>>
    %dma_start3A_192 = arith.constant 0 : i32
    %dma_start3A_193 = tpu.memref_slice %arg2[%get3A_188, %dma_start3A_192] : memref<1000000x64xf32, #tpu.memory_space<hbm>> -> memref<1x64xf32, #tpu.memory_space<hbm>>
    tpu.enqueue_dma source(%dma_start3A_193 : memref<1x64xf32, #tpu.memory_space<hbm>>) target(%dma_start3A_191 : memref<1x64xf32, #tpu.memory_space<vmem>>) target_semaphore(%arg4 : memref<!tpu.dma_semaphore, #tpu.memory_space<semaphore_mem>>)
    %mul3A_194 = arith.constant 256 : i32
    %mul3A_195 = arith.muli %arg0, %mul3A_194 : i32
    %add3A_196 = arith.constant 18 : i32
    %add3A_197 = arith.addi %mul3A_195, %add3A_196 : i32
    %get3A_198 = arith.index_cast %add3A_197 : i32 to index
    %get3A_199 = memref.load %arg1[%get3A_198] : memref<8192xi32, #tpu.memory_space<smem>>
    %dma_start3A_200 = arith.constant 18 : i32
    %dma_start3A_201 = arith.constant 0 : i32
    %dma_start3A_202 = tpu.memref_slice %arg3[%dma_start3A_200, %dma_start3A_201] : memref<256x64xf32, #tpu.memory_space<vmem>> -> memref<1x64xf32, #tpu.memory_space<vmem>>
    %dma_start3A_203 = arith.constant 0 : i32
    %dma_start3A_204 = tpu.memref_slice %arg2[%get3A_199, %dma_start3A_203] : memref<1000000x64xf32, #tpu.memory_space<hbm>> -> memref<1x64xf32, #tpu.memory_space<hbm>>
    tpu.enqueue_dma source(%dma_start3A_204 : memref<1x64xf32, #tpu.memory_space<hbm>>) target(%dma_start3A_202 : memref<1x64xf32, #tpu.memory_space<vmem>>) target_semaphore(%arg4 : memref<!tpu.dma_semaphore, #tpu.memory_space<semaphore_mem>>)
    %mul3A_205 = arith.constant 256 : i32
    %mul3A_206 = arith.muli %arg0, %mul3A_205 : i32
    %add3A_207 = arith.constant 19 : i32
    %add3A_208 = arith.addi %mul3A_206, %add3A_207 : i32
    %get3A_209 = arith.index_cast %add3A_208 : i32 to index
    %get3A_210 = memref.load %arg1[%get3A_209] : memref<8192xi32, #tpu.memory_space<smem>>
    %dma_start3A_211 = arith.constant 19 : i32
    %dma_start3A_212 = arith.constant 0 : i32
    %dma_start3A_213 = tpu.memref_slice %arg3[%dma_start3A_211, %dma_start3A_212] : memref<256x64xf32, #tpu.memory_space<vmem>> -> memref<1x64xf32, #tpu.memory_space<vmem>>
    %dma_start3A_214 = arith.constant 0 : i32
    %dma_start3A_215 = tpu.memref_slice %arg2[%get3A_210, %dma_start3A_214] : memref<1000000x64xf32, #tpu.memory_space<hbm>> -> memref<1x64xf32, #tpu.memory_space<hbm>>
    tpu.enqueue_dma source(%dma_start3A_215 : memref<1x64xf32, #tpu.memory_space<hbm>>) target(%dma_start3A_213 : memref<1x64xf32, #tpu.memory_space<vmem>>) target_semaphore(%arg4 : memref<!tpu.dma_semaphore, #tpu.memory_space<semaphore_mem>>)
    %mul3A_216 = arith.constant 256 : i32
    %mul3A_217 = arith.muli %arg0, %mul3A_216 : i32
    %add3A_218 = arith.constant 20 : i32
    %add3A_219 = arith.addi %mul3A_217, %add3A_218 : i32
    %get3A_220 = arith.index_cast %add3A_219 : i32 to index
    %get3A_221 = memref.load %arg1[%get3A_220] : memref<8192xi32, #tpu.memory_space<smem>>
    %dma_start3A_222 = arith.constant 20 : i32
    %dma_start3A_223 = arith.constant 0 : i32
    %dma_start3A_224 = tpu.memref_slice %arg3[%dma_start3A_222, %dma_start3A_223] : memref<256x64xf32, #tpu.memory_space<vmem>> -> memref<1x64xf32, #tpu.memory_space<vmem>>
    %dma_start3A_225 = arith.constant 0 : i32
    %dma_start3A_226 = tpu.memref_slice %arg2[%get3A_221, %dma_start3A_225] : memref<1000000x64xf32, #tpu.memory_space<hbm>> -> memref<1x64xf32, #tpu.memory_space<hbm>>
    tpu.enqueue_dma source(%dma_start3A_226 : memref<1x64xf32, #tpu.memory_space<hbm>>) target(%dma_start3A_224 : memref<1x64xf32, #tpu.memory_space<vmem>>) target_semaphore(%arg4 : memref<!tpu.dma_semaphore, #tpu.memory_space<semaphore_mem>>)
    %mul3A_227 = arith.constant 256 : i32
    %mul3A_228 = arith.muli %arg0, %mul3A_227 : i32
    %add3A_229 = arith.constant 21 : i32
    %add3A_230 = arith.addi %mul3A_228, %add3A_229 : i32
    %get3A_231 = arith.index_cast %add3A_230 : i32 to index
    %get3A_232 = memref.load %arg1[%get3A_231] : memref<8192xi32, #tpu.memory_space<smem>>
    %dma_start3A_233 = arith.constant 21 : i32
    %dma_start3A_234 = arith.constant 0 : i32
    %dma_start3A_235 = tpu.memref_slice %arg3[%dma_start3A_233, %dma_start3A_234] : memref<256x64xf32, #tpu.memory_space<vmem>> -> memref<1x64xf32, #tpu.memory_space<vmem>>
    %dma_start3A_236 = arith.constant 0 : i32
    %dma_start3A_237 = tpu.memref_slice %arg2[%get3A_232, %dma_start3A_236] : memref<1000000x64xf32, #tpu.memory_space<hbm>> -> memref<1x64xf32, #tpu.memory_space<hbm>>
    tpu.enqueue_dma source(%dma_start3A_237 : memref<1x64xf32, #tpu.memory_space<hbm>>) target(%dma_start3A_235 : memref<1x64xf32, #tpu.memory_space<vmem>>) target_semaphore(%arg4 : memref<!tpu.dma_semaphore, #tpu.memory_space<semaphore_mem>>)
    %mul3A_238 = arith.constant 256 : i32
    %mul3A_239 = arith.muli %arg0, %mul3A_238 : i32
    %add3A_240 = arith.constant 22 : i32
    %add3A_241 = arith.addi %mul3A_239, %add3A_240 : i32
    %get3A_242 = arith.index_cast %add3A_241 : i32 to index
    %get3A_243 = memref.load %arg1[%get3A_242] : memref<8192xi32, #tpu.memory_space<smem>>
    %dma_start3A_244 = arith.constant 22 : i32
    %dma_start3A_245 = arith.constant 0 : i32
    %dma_start3A_246 = tpu.memref_slice %arg3[%dma_start3A_244, %dma_start3A_245] : memref<256x64xf32, #tpu.memory_space<vmem>> -> memref<1x64xf32, #tpu.memory_space<vmem>>
    %dma_start3A_247 = arith.constant 0 : i32
    %dma_start3A_248 = tpu.memref_slice %arg2[%get3A_243, %dma_start3A_247] : memref<1000000x64xf32, #tpu.memory_space<hbm>> -> memref<1x64xf32, #tpu.memory_space<hbm>>
    tpu.enqueue_dma source(%dma_start3A_248 : memref<1x64xf32, #tpu.memory_space<hbm>>) target(%dma_start3A_246 : memref<1x64xf32, #tpu.memory_space<vmem>>) target_semaphore(%arg4 : memref<!tpu.dma_semaphore, #tpu.memory_space<semaphore_mem>>)
    %mul3A_249 = arith.constant 256 : i32
    %mul3A_250 = arith.muli %arg0, %mul3A_249 : i32
    %add3A_251 = arith.constant 23 : i32
    %add3A_252 = arith.addi %mul3A_250, %add3A_251 : i32
    %get3A_253 = arith.index_cast %add3A_252 : i32 to index
    %get3A_254 = memref.load %arg1[%get3A_253] : memref<8192xi32, #tpu.memory_space<smem>>
    %dma_start3A_255 = arith.constant 23 : i32
    %dma_start3A_256 = arith.constant 0 : i32
    %dma_start3A_257 = tpu.memref_slice %arg3[%dma_start3A_255, %dma_start3A_256] : memref<256x64xf32, #tpu.memory_space<vmem>> -> memref<1x64xf32, #tpu.memory_space<vmem>>
    %dma_start3A_258 = arith.constant 0 : i32
    %dma_start3A_259 = tpu.memref_slice %arg2[%get3A_254, %dma_start3A_258] : memref<1000000x64xf32, #tpu.memory_space<hbm>> -> memref<1x64xf32, #tpu.memory_space<hbm>>
    tpu.enqueue_dma source(%dma_start3A_259 : memref<1x64xf32, #tpu.memory_space<hbm>>) target(%dma_start3A_257 : memref<1x64xf32, #tpu.memory_space<vmem>>) target_semaphore(%arg4 : memref<!tpu.dma_semaphore, #tpu.memory_space<semaphore_mem>>)
    %mul3A_260 = arith.constant 256 : i32
    %mul3A_261 = arith.muli %arg0, %mul3A_260 : i32
    %add3A_262 = arith.constant 24 : i32
    %add3A_263 = arith.addi %mul3A_261, %add3A_262 : i32
    %get3A_264 = arith.index_cast %add3A_263 : i32 to index
    %get3A_265 = memref.load %arg1[%get3A_264] : memref<8192xi32, #tpu.memory_space<smem>>
    %dma_start3A_266 = arith.constant 24 : i32
    %dma_start3A_267 = arith.constant 0 : i32
    %dma_start3A_268 = tpu.memref_slice %arg3[%dma_start3A_266, %dma_start3A_267] : memref<256x64xf32, #tpu.memory_space<vmem>> -> memref<1x64xf32, #tpu.memory_space<vmem>>
    %dma_start3A_269 = arith.constant 0 : i32
    %dma_start3A_270 = tpu.memref_slice %arg2[%get3A_265, %dma_start3A_269] : memref<1000000x64xf32, #tpu.memory_space<hbm>> -> memref<1x64xf32, #tpu.memory_space<hbm>>
    tpu.enqueue_dma source(%dma_start3A_270 : memref<1x64xf32, #tpu.memory_space<hbm>>) target(%dma_start3A_268 : memref<1x64xf32, #tpu.memory_space<vmem>>) target_semaphore(%arg4 : memref<!tpu.dma_semaphore, #tpu.memory_space<semaphore_mem>>)
    %mul3A_271 = arith.constant 256 : i32
    %mul3A_272 = arith.muli %arg0, %mul3A_271 : i32
    %add3A_273 = arith.constant 25 : i32
    %add3A_274 = arith.addi %mul3A_272, %add3A_273 : i32
    %get3A_275 = arith.index_cast %add3A_274 : i32 to index
    %get3A_276 = memref.load %arg1[%get3A_275] : memref<8192xi32, #tpu.memory_space<smem>>
    %dma_start3A_277 = arith.constant 25 : i32
    %dma_start3A_278 = arith.constant 0 : i32
    %dma_start3A_279 = tpu.memref_slice %arg3[%dma_start3A_277, %dma_start3A_278] : memref<256x64xf32, #tpu.memory_space<vmem>> -> memref<1x64xf32, #tpu.memory_space<vmem>>
    %dma_start3A_280 = arith.constant 0 : i32
    %dma_start3A_281 = tpu.memref_slice %arg2[%get3A_276, %dma_start3A_280] : memref<1000000x64xf32, #tpu.memory_space<hbm>> -> memref<1x64xf32, #tpu.memory_space<hbm>>
    tpu.enqueue_dma source(%dma_start3A_281 : memref<1x64xf32, #tpu.memory_space<hbm>>) target(%dma_start3A_279 : memref<1x64xf32, #tpu.memory_space<vmem>>) target_semaphore(%arg4 : memref<!tpu.dma_semaphore, #tpu.memory_space<semaphore_mem>>)
    %mul3A_282 = arith.constant 256 : i32
    %mul3A_283 = arith.muli %arg0, %mul3A_282 : i32
    %add3A_284 = arith.constant 26 : i32
    %add3A_285 = arith.addi %mul3A_283, %add3A_284 : i32
    %get3A_286 = arith.index_cast %add3A_285 : i32 to index
    %get3A_287 = memref.load %arg1[%get3A_286] : memref<8192xi32, #tpu.memory_space<smem>>
    %dma_start3A_288 = arith.constant 26 : i32
    %dma_start3A_289 = arith.constant 0 : i32
    %dma_start3A_290 = tpu.memref_slice %arg3[%dma_start3A_288, %dma_start3A_289] : memref<256x64xf32, #tpu.memory_space<vmem>> -> memref<1x64xf32, #tpu.memory_space<vmem>>
    %dma_start3A_291 = arith.constant 0 : i32
    %dma_start3A_292 = tpu.memref_slice %arg2[%get3A_287, %dma_start3A_291] : memref<1000000x64xf32, #tpu.memory_space<hbm>> -> memref<1x64xf32, #tpu.memory_space<hbm>>
    tpu.enqueue_dma source(%dma_start3A_292 : memref<1x64xf32, #tpu.memory_space<hbm>>) target(%dma_start3A_290 : memref<1x64xf32, #tpu.memory_space<vmem>>) target_semaphore(%arg4 : memref<!tpu.dma_semaphore, #tpu.memory_space<semaphore_mem>>)
    %mul3A_293 = arith.constant 256 : i32
    %mul3A_294 = arith.muli %arg0, %mul3A_293 : i32
    %add3A_295 = arith.constant 27 : i32
    %add3A_296 = arith.addi %mul3A_294, %add3A_295 : i32
    %get3A_297 = arith.index_cast %add3A_296 : i32 to index
    %get3A_298 = memref.load %arg1[%get3A_297] : memref<8192xi32, #tpu.memory_space<smem>>
    %dma_start3A_299 = arith.constant 27 : i32
    %dma_start3A_300 = arith.constant 0 : i32
    %dma_start3A_301 = tpu.memref_slice %arg3[%dma_start3A_299, %dma_start3A_300] : memref<256x64xf32, #tpu.memory_space<vmem>> -> memref<1x64xf32, #tpu.memory_space<vmem>>
    %dma_start3A_302 = arith.constant 0 : i32
    %dma_start3A_303 = tpu.memref_slice %arg2[%get3A_298, %dma_start3A_302] : memref<1000000x64xf32, #tpu.memory_space<hbm>> -> memref<1x64xf32, #tpu.memory_space<hbm>>
    tpu.enqueue_dma source(%dma_start3A_303 : memref<1x64xf32, #tpu.memory_space<hbm>>) target(%dma_start3A_301 : memref<1x64xf32, #tpu.memory_space<vmem>>) target_semaphore(%arg4 : memref<!tpu.dma_semaphore, #tpu.memory_space<semaphore_mem>>)
    %mul3A_304 = arith.constant 256 : i32
    %mul3A_305 = arith.muli %arg0, %mul3A_304 : i32
    %add3A_306 = arith.constant 28 : i32
    %add3A_307 = arith.addi %mul3A_305, %add3A_306 : i32
    %get3A_308 = arith.index_cast %add3A_307 : i32 to index
    %get3A_309 = memref.load %arg1[%get3A_308] : memref<8192xi32, #tpu.memory_space<smem>>
    %dma_start3A_310 = arith.constant 28 : i32
    %dma_start3A_311 = arith.constant 0 : i32
    %dma_start3A_312 = tpu.memref_slice %arg3[%dma_start3A_310, %dma_start3A_311] : memref<256x64xf32, #tpu.memory_space<vmem>> -> memref<1x64xf32, #tpu.memory_space<vmem>>
    %dma_start3A_313 = arith.constant 0 : i32
    %dma_start3A_314 = tpu.memref_slice %arg2[%get3A_309, %dma_start3A_313] : memref<1000000x64xf32, #tpu.memory_space<hbm>> -> memref<1x64xf32, #tpu.memory_space<hbm>>
    tpu.enqueue_dma source(%dma_start3A_314 : memref<1x64xf32, #tpu.memory_space<hbm>>) target(%dma_start3A_312 : memref<1x64xf32, #tpu.memory_space<vmem>>) target_semaphore(%arg4 : memref<!tpu.dma_semaphore, #tpu.memory_space<semaphore_mem>>)
    %mul3A_315 = arith.constant 256 : i32
    %mul3A_316 = arith.muli %arg0, %mul3A_315 : i32
    %add3A_317 = arith.constant 29 : i32
    %add3A_318 = arith.addi %mul3A_316, %add3A_317 : i32
    %get3A_319 = arith.index_cast %add3A_318 : i32 to index
    %get3A_320 = memref.load %arg1[%get3A_319] : memref<8192xi32, #tpu.memory_space<smem>>
    %dma_start3A_321 = arith.constant 29 : i32
    %dma_start3A_322 = arith.constant 0 : i32
    %dma_start3A_323 = tpu.memref_slice %arg3[%dma_start3A_321, %dma_start3A_322] : memref<256x64xf32, #tpu.memory_space<vmem>> -> memref<1x64xf32, #tpu.memory_space<vmem>>
    %dma_start3A_324 = arith.constant 0 : i32
    %dma_start3A_325 = tpu.memref_slice %arg2[%get3A_320, %dma_start3A_324] : memref<1000000x64xf32, #tpu.memory_space<hbm>> -> memref<1x64xf32, #tpu.memory_space<hbm>>
    tpu.enqueue_dma source(%dma_start3A_325 : memref<1x64xf32, #tpu.memory_space<hbm>>) target(%dma_start3A_323 : memref<1x64xf32, #tpu.memory_space<vmem>>) target_semaphore(%arg4 : memref<!tpu.dma_semaphore, #tpu.memory_space<semaphore_mem>>)
    %mul3A_326 = arith.constant 256 : i32
    %mul3A_327 = arith.muli %arg0, %mul3A_326 : i32
    %add3A_328 = arith.constant 30 : i32
    %add3A_329 = arith.addi %mul3A_327, %add3A_328 : i32
    %get3A_330 = arith.index_cast %add3A_329 : i32 to index
    %get3A_331 = memref.load %arg1[%get3A_330] : memref<8192xi32, #tpu.memory_space<smem>>
    %dma_start3A_332 = arith.constant 30 : i32
    %dma_start3A_333 = arith.constant 0 : i32
    %dma_start3A_334 = tpu.memref_slice %arg3[%dma_start3A_332, %dma_start3A_333] : memref<256x64xf32, #tpu.memory_space<vmem>> -> memref<1x64xf32, #tpu.memory_space<vmem>>
    %dma_start3A_335 = arith.constant 0 : i32
    %dma_start3A_336 = tpu.memref_slice %arg2[%get3A_331, %dma_start3A_335] : memref<1000000x64xf32, #tpu.memory_space<hbm>> -> memref<1x64xf32, #tpu.memory_space<hbm>>
    tpu.enqueue_dma source(%dma_start3A_336 : memref<1x64xf32, #tpu.memory_space<hbm>>) target(%dma_start3A_334 : memref<1x64xf32, #tpu.memory_space<vmem>>) target_semaphore(%arg4 : memref<!tpu.dma_semaphore, #tpu.memory_space<semaphore_mem>>)
    %mul3A_337 = arith.constant 256 : i32
    %mul3A_338 = arith.muli %arg0, %mul3A_337 : i32
    %add3A_339 = arith.constant 31 : i32
    %add3A_340 = arith.addi %mul3A_338, %add3A_339 : i32
    %get3A_341 = arith.index_cast %add3A_340 : i32 to index
    %get3A_342 = memref.load %arg1[%get3A_341] : memref<8192xi32, #tpu.memory_space<smem>>
    %dma_start3A_343 = arith.constant 31 : i32
    %dma_start3A_344 = arith.constant 0 : i32
    %dma_start3A_345 = tpu.memref_slice %arg3[%dma_start3A_343, %dma_start3A_344] : memref<256x64xf32, #tpu.memory_space<vmem>> -> memref<1x64xf32, #tpu.memory_space<vmem>>
    %dma_start3A_346 = arith.constant 0 : i32
    %dma_start3A_347 = tpu.memref_slice %arg2[%get3A_342, %dma_start3A_346] : memref<1000000x64xf32, #tpu.memory_space<hbm>> -> memref<1x64xf32, #tpu.memory_space<hbm>>
    tpu.enqueue_dma source(%dma_start3A_347 : memref<1x64xf32, #tpu.memory_space<hbm>>) target(%dma_start3A_345 : memref<1x64xf32, #tpu.memory_space<vmem>>) target_semaphore(%arg4 : memref<!tpu.dma_semaphore, #tpu.memory_space<semaphore_mem>>)
    %mul3A_348 = arith.constant 256 : i32
    %mul3A_349 = arith.muli %arg0, %mul3A_348 : i32
    %add3A_350 = arith.constant 32 : i32
    %add3A_351 = arith.addi %mul3A_349, %add3A_350 : i32
    %get3A_352 = arith.index_cast %add3A_351 : i32 to index
    %get3A_353 = memref.load %arg1[%get3A_352] : memref<8192xi32, #tpu.memory_space<smem>>
    %dma_start3A_354 = arith.constant 32 : i32
    %dma_start3A_355 = arith.constant 0 : i32
    %dma_start3A_356 = tpu.memref_slice %arg3[%dma_start3A_354, %dma_start3A_355] : memref<256x64xf32, #tpu.memory_space<vmem>> -> memref<1x64xf32, #tpu.memory_space<vmem>>
    %dma_start3A_357 = arith.constant 0 : i32
    %dma_start3A_358 = tpu.memref_slice %arg2[%get3A_353, %dma_start3A_357] : memref<1000000x64xf32, #tpu.memory_space<hbm>> -> memref<1x64xf32, #tpu.memory_space<hbm>>
    tpu.enqueue_dma source(%dma_start3A_358 : memref<1x64xf32, #tpu.memory_space<hbm>>) target(%dma_start3A_356 : memref<1x64xf32, #tpu.memory_space<vmem>>) target_semaphore(%arg4 : memref<!tpu.dma_semaphore, #tpu.memory_space<semaphore_mem>>)
    %mul3A_359 = arith.constant 256 : i32
    %mul3A_360 = arith.muli %arg0, %mul3A_359 : i32
    %add3A_361 = arith.constant 33 : i32
    %add3A_362 = arith.addi %mul3A_360, %add3A_361 : i32
    %get3A_363 = arith.index_cast %add3A_362 : i32 to index
    %get3A_364 = memref.load %arg1[%get3A_363] : memref<8192xi32, #tpu.memory_space<smem>>
    %dma_start3A_365 = arith.constant 33 : i32
    %dma_start3A_366 = arith.constant 0 : i32
    %dma_start3A_367 = tpu.memref_slice %arg3[%dma_start3A_365, %dma_start3A_366] : memref<256x64xf32, #tpu.memory_space<vmem>> -> memref<1x64xf32, #tpu.memory_space<vmem>>
    %dma_start3A_368 = arith.constant 0 : i32
    %dma_start3A_369 = tpu.memref_slice %arg2[%get3A_364, %dma_start3A_368] : memref<1000000x64xf32, #tpu.memory_space<hbm>> -> memref<1x64xf32, #tpu.memory_space<hbm>>
    tpu.enqueue_dma source(%dma_start3A_369 : memref<1x64xf32, #tpu.memory_space<hbm>>) target(%dma_start3A_367 : memref<1x64xf32, #tpu.memory_space<vmem>>) target_semaphore(%arg4 : memref<!tpu.dma_semaphore, #tpu.memory_space<semaphore_mem>>)
    %mul3A_370 = arith.constant 256 : i32
    %mul3A_371 = arith.muli %arg0, %mul3A_370 : i32
    %add3A_372 = arith.constant 34 : i32
    %add3A_373 = arith.addi %mul3A_371, %add3A_372 : i32
    %get3A_374 = arith.index_cast %add3A_373 : i32 to index
    %get3A_375 = memref.load %arg1[%get3A_374] : memref<8192xi32, #tpu.memory_space<smem>>
    %dma_start3A_376 = arith.constant 34 : i32
    %dma_start3A_377 = arith.constant 0 : i32
    %dma_start3A_378 = tpu.memref_slice %arg3[%dma_start3A_376, %dma_start3A_377] : memref<256x64xf32, #tpu.memory_space<vmem>> -> memref<1x64xf32, #tpu.memory_space<vmem>>
    %dma_start3A_379 = arith.constant 0 : i32
    %dma_start3A_380 = tpu.memref_slice %arg2[%get3A_375, %dma_start3A_379] : memref<1000000x64xf32, #tpu.memory_space<hbm>> -> memref<1x64xf32, #tpu.memory_space<hbm>>
    tpu.enqueue_dma source(%dma_start3A_380 : memref<1x64xf32, #tpu.memory_space<hbm>>) target(%dma_start3A_378 : memref<1x64xf32, #tpu.memory_space<vmem>>) target_semaphore(%arg4 : memref<!tpu.dma_semaphore, #tpu.memory_space<semaphore_mem>>)
    %mul3A_381 = arith.constant 256 : i32
    %mul3A_382 = arith.muli %arg0, %mul3A_381 : i32
    %add3A_383 = arith.constant 35 : i32
    %add3A_384 = arith.addi %mul3A_382, %add3A_383 : i32
    %get3A_385 = arith.index_cast %add3A_384 : i32 to index
    %get3A_386 = memref.load %arg1[%get3A_385] : memref<8192xi32, #tpu.memory_space<smem>>
    %dma_start3A_387 = arith.constant 35 : i32
    %dma_start3A_388 = arith.constant 0 : i32
    %dma_start3A_389 = tpu.memref_slice %arg3[%dma_start3A_387, %dma_start3A_388] : memref<256x64xf32, #tpu.memory_space<vmem>> -> memref<1x64xf32, #tpu.memory_space<vmem>>
    %dma_start3A_390 = arith.constant 0 : i32
    %dma_start3A_391 = tpu.memref_slice %arg2[%get3A_386, %dma_start3A_390] : memref<1000000x64xf32, #tpu.memory_space<hbm>> -> memref<1x64xf32, #tpu.memory_space<hbm>>
    tpu.enqueue_dma source(%dma_start3A_391 : memref<1x64xf32, #tpu.memory_space<hbm>>) target(%dma_start3A_389 : memref<1x64xf32, #tpu.memory_space<vmem>>) target_semaphore(%arg4 : memref<!tpu.dma_semaphore, #tpu.memory_space<semaphore_mem>>)
    %mul3A_392 = arith.constant 256 : i32
    %mul3A_393 = arith.muli %arg0, %mul3A_392 : i32
    %add3A_394 = arith.constant 36 : i32
    %add3A_395 = arith.addi %mul3A_393, %add3A_394 : i32
    %get3A_396 = arith.index_cast %add3A_395 : i32 to index
    %get3A_397 = memref.load %arg1[%get3A_396] : memref<8192xi32, #tpu.memory_space<smem>>
    %dma_start3A_398 = arith.constant 36 : i32
    %dma_start3A_399 = arith.constant 0 : i32
    %dma_start3A_400 = tpu.memref_slice %arg3[%dma_start3A_398, %dma_start3A_399] : memref<256x64xf32, #tpu.memory_space<vmem>> -> memref<1x64xf32, #tpu.memory_space<vmem>>
    %dma_start3A_401 = arith.constant 0 : i32
    %dma_start3A_402 = tpu.memref_slice %arg2[%get3A_397, %dma_start3A_401] : memref<1000000x64xf32, #tpu.memory_space<hbm>> -> memref<1x64xf32, #tpu.memory_space<hbm>>
    tpu.enqueue_dma source(%dma_start3A_402 : memref<1x64xf32, #tpu.memory_space<hbm>>) target(%dma_start3A_400 : memref<1x64xf32, #tpu.memory_space<vmem>>) target_semaphore(%arg4 : memref<!tpu.dma_semaphore, #tpu.memory_space<semaphore_mem>>)
    %mul3A_403 = arith.constant 256 : i32
    %mul3A_404 = arith.muli %arg0, %mul3A_403 : i32
    %add3A_405 = arith.constant 37 : i32
    %add3A_406 = arith.addi %mul3A_404, %add3A_405 : i32
    %get3A_407 = arith.index_cast %add3A_406 : i32 to index
    %get3A_408 = memref.load %arg1[%get3A_407] : memref<8192xi32, #tpu.memory_space<smem>>
    %dma_start3A_409 = arith.constant 37 : i32
    %dma_start3A_410 = arith.constant 0 : i32
    %dma_start3A_411 = tpu.memref_slice %arg3[%dma_start3A_409, %dma_start3A_410] : memref<256x64xf32, #tpu.memory_space<vmem>> -> memref<1x64xf32, #tpu.memory_space<vmem>>
    %dma_start3A_412 = arith.constant 0 : i32
    %dma_start3A_413 = tpu.memref_slice %arg2[%get3A_408, %dma_start3A_412] : memref<1000000x64xf32, #tpu.memory_space<hbm>> -> memref<1x64xf32, #tpu.memory_space<hbm>>
    tpu.enqueue_dma source(%dma_start3A_413 : memref<1x64xf32, #tpu.memory_space<hbm>>) target(%dma_start3A_411 : memref<1x64xf32, #tpu.memory_space<vmem>>) target_semaphore(%arg4 : memref<!tpu.dma_semaphore, #tpu.memory_space<semaphore_mem>>)
    %mul3A_414 = arith.constant 256 : i32
    %mul3A_415 = arith.muli %arg0, %mul3A_414 : i32
    %add3A_416 = arith.constant 38 : i32
    %add3A_417 = arith.addi %mul3A_415, %add3A_416 : i32
    %get3A_418 = arith.index_cast %add3A_417 : i32 to index
    %get3A_419 = memref.load %arg1[%get3A_418] : memref<8192xi32, #tpu.memory_space<smem>>
    %dma_start3A_420 = arith.constant 38 : i32
    %dma_start3A_421 = arith.constant 0 : i32
    %dma_start3A_422 = tpu.memref_slice %arg3[%dma_start3A_420, %dma_start3A_421] : memref<256x64xf32, #tpu.memory_space<vmem>> -> memref<1x64xf32, #tpu.memory_space<vmem>>
    %dma_start3A_423 = arith.constant 0 : i32
    %dma_start3A_424 = tpu.memref_slice %arg2[%get3A_419, %dma_start3A_423] : memref<1000000x64xf32, #tpu.memory_space<hbm>> -> memref<1x64xf32, #tpu.memory_space<hbm>>
    tpu.enqueue_dma source(%dma_start3A_424 : memref<1x64xf32, #tpu.memory_space<hbm>>) target(%dma_start3A_422 : memref<1x64xf32, #tpu.memory_space<vmem>>) target_semaphore(%arg4 : memref<!tpu.dma_semaphore, #tpu.memory_space<semaphore_mem>>)
    %mul3A_425 = arith.constant 256 : i32
    %mul3A_426 = arith.muli %arg0, %mul3A_425 : i32
    %add3A_427 = arith.constant 39 : i32
    %add3A_428 = arith.addi %mul3A_426, %add3A_427 : i32
    %get3A_429 = arith.index_cast %add3A_428 : i32 to index
    %get3A_430 = memref.load %arg1[%get3A_429] : memref<8192xi32, #tpu.memory_space<smem>>
    %dma_start3A_431 = arith.constant 39 : i32
    %dma_start3A_432 = arith.constant 0 : i32
    %dma_start3A_433 = tpu.memref_slice %arg3[%dma_start3A_431, %dma_start3A_432] : memref<256x64xf32, #tpu.memory_space<vmem>> -> memref<1x64xf32, #tpu.memory_space<vmem>>
    %dma_start3A_434 = arith.constant 0 : i32
    %dma_start3A_435 = tpu.memref_slice %arg2[%get3A_430, %dma_start3A_434] : memref<1000000x64xf32, #tpu.memory_space<hbm>> -> memref<1x64xf32, #tpu.memory_space<hbm>>
    tpu.enqueue_dma source(%dma_start3A_435 : memref<1x64xf32, #tpu.memory_space<hbm>>) target(%dma_start3A_433 : memref<1x64xf32, #tpu.memory_space<vmem>>) target_semaphore(%arg4 : memref<!tpu.dma_semaphore, #tpu.memory_space<semaphore_mem>>)
    %mul3A_436 = arith.constant 256 : i32
    %mul3A_437 = arith.muli %arg0, %mul3A_436 : i32
    %add3A_438 = arith.constant 40 : i32
    %add3A_439 = arith.addi %mul3A_437, %add3A_438 : i32
    %get3A_440 = arith.index_cast %add3A_439 : i32 to index
    %get3A_441 = memref.load %arg1[%get3A_440] : memref<8192xi32, #tpu.memory_space<smem>>
    %dma_start3A_442 = arith.constant 40 : i32
    %dma_start3A_443 = arith.constant 0 : i32
    %dma_start3A_444 = tpu.memref_slice %arg3[%dma_start3A_442, %dma_start3A_443] : memref<256x64xf32, #tpu.memory_space<vmem>> -> memref<1x64xf32, #tpu.memory_space<vmem>>
    %dma_start3A_445 = arith.constant 0 : i32
    %dma_start3A_446 = tpu.memref_slice %arg2[%get3A_441, %dma_start3A_445] : memref<1000000x64xf32, #tpu.memory_space<hbm>> -> memref<1x64xf32, #tpu.memory_space<hbm>>
    tpu.enqueue_dma source(%dma_start3A_446 : memref<1x64xf32, #tpu.memory_space<hbm>>) target(%dma_start3A_444 : memref<1x64xf32, #tpu.memory_space<vmem>>) target_semaphore(%arg4 : memref<!tpu.dma_semaphore, #tpu.memory_space<semaphore_mem>>)
    %mul3A_447 = arith.constant 256 : i32
    %mul3A_448 = arith.muli %arg0, %mul3A_447 : i32
    %add3A_449 = arith.constant 41 : i32
    %add3A_450 = arith.addi %mul3A_448, %add3A_449 : i32
    %get3A_451 = arith.index_cast %add3A_450 : i32 to index
    %get3A_452 = memref.load %arg1[%get3A_451] : memref<8192xi32, #tpu.memory_space<smem>>
    %dma_start3A_453 = arith.constant 41 : i32
    %dma_start3A_454 = arith.constant 0 : i32
    %dma_start3A_455 = tpu.memref_slice %arg3[%dma_start3A_453, %dma_start3A_454] : memref<256x64xf32, #tpu.memory_space<vmem>> -> memref<1x64xf32, #tpu.memory_space<vmem>>
    %dma_start3A_456 = arith.constant 0 : i32
    %dma_start3A_457 = tpu.memref_slice %arg2[%get3A_452, %dma_start3A_456] : memref<1000000x64xf32, #tpu.memory_space<hbm>> -> memref<1x64xf32, #tpu.memory_space<hbm>>
    tpu.enqueue_dma source(%dma_start3A_457 : memref<1x64xf32, #tpu.memory_space<hbm>>) target(%dma_start3A_455 : memref<1x64xf32, #tpu.memory_space<vmem>>) target_semaphore(%arg4 : memref<!tpu.dma_semaphore, #tpu.memory_space<semaphore_mem>>)
    %mul3A_458 = arith.constant 256 : i32
    %mul3A_459 = arith.muli %arg0, %mul3A_458 : i32
    %add3A_460 = arith.constant 42 : i32
    %add3A_461 = arith.addi %mul3A_459, %add3A_460 : i32
    %get3A_462 = arith.index_cast %add3A_461 : i32 to index
    %get3A_463 = memref.load %arg1[%get3A_462] : memref<8192xi32, #tpu.memory_space<smem>>
    %dma_start3A_464 = arith.constant 42 : i32
    %dma_start3A_465 = arith.constant 0 : i32
    %dma_start3A_466 = tpu.memref_slice %arg3[%dma_start3A_464, %dma_start3A_465] : memref<256x64xf32, #tpu.memory_space<vmem>> -> memref<1x64xf32, #tpu.memory_space<vmem>>
    %dma_start3A_467 = arith.constant 0 : i32
    %dma_start3A_468 = tpu.memref_slice %arg2[%get3A_463, %dma_start3A_467] : memref<1000000x64xf32, #tpu.memory_space<hbm>> -> memref<1x64xf32, #tpu.memory_space<hbm>>
    tpu.enqueue_dma source(%dma_start3A_468 : memref<1x64xf32, #tpu.memory_space<hbm>>) target(%dma_start3A_466 : memref<1x64xf32, #tpu.memory_space<vmem>>) target_semaphore(%arg4 : memref<!tpu.dma_semaphore, #tpu.memory_space<semaphore_mem>>)
    %mul3A_469 = arith.constant 256 : i32
    %mul3A_470 = arith.muli %arg0, %mul3A_469 : i32
    %add3A_471 = arith.constant 43 : i32
    %add3A_472 = arith.addi %mul3A_470, %add3A_471 : i32
    %get3A_473 = arith.index_cast %add3A_472 : i32 to index
    %get3A_474 = memref.load %arg1[%get3A_473] : memref<8192xi32, #tpu.memory_space<smem>>
    %dma_start3A_475 = arith.constant 43 : i32
    %dma_start3A_476 = arith.constant 0 : i32
    %dma_start3A_477 = tpu.memref_slice %arg3[%dma_start3A_475, %dma_start3A_476] : memref<256x64xf32, #tpu.memory_space<vmem>> -> memref<1x64xf32, #tpu.memory_space<vmem>>
    %dma_start3A_478 = arith.constant 0 : i32
    %dma_start3A_479 = tpu.memref_slice %arg2[%get3A_474, %dma_start3A_478] : memref<1000000x64xf32, #tpu.memory_space<hbm>> -> memref<1x64xf32, #tpu.memory_space<hbm>>
    tpu.enqueue_dma source(%dma_start3A_479 : memref<1x64xf32, #tpu.memory_space<hbm>>) target(%dma_start3A_477 : memref<1x64xf32, #tpu.memory_space<vmem>>) target_semaphore(%arg4 : memref<!tpu.dma_semaphore, #tpu.memory_space<semaphore_mem>>)
    %mul3A_480 = arith.constant 256 : i32
    %mul3A_481 = arith.muli %arg0, %mul3A_480 : i32
    %add3A_482 = arith.constant 44 : i32
    %add3A_483 = arith.addi %mul3A_481, %add3A_482 : i32
    %get3A_484 = arith.index_cast %add3A_483 : i32 to index
    %get3A_485 = memref.load %arg1[%get3A_484] : memref<8192xi32, #tpu.memory_space<smem>>
    %dma_start3A_486 = arith.constant 44 : i32
    %dma_start3A_487 = arith.constant 0 : i32
    %dma_start3A_488 = tpu.memref_slice %arg3[%dma_start3A_486, %dma_start3A_487] : memref<256x64xf32, #tpu.memory_space<vmem>> -> memref<1x64xf32, #tpu.memory_space<vmem>>
    %dma_start3A_489 = arith.constant 0 : i32
    %dma_start3A_490 = tpu.memref_slice %arg2[%get3A_485, %dma_start3A_489] : memref<1000000x64xf32, #tpu.memory_space<hbm>> -> memref<1x64xf32, #tpu.memory_space<hbm>>
    tpu.enqueue_dma source(%dma_start3A_490 : memref<1x64xf32, #tpu.memory_space<hbm>>) target(%dma_start3A_488 : memref<1x64xf32, #tpu.memory_space<vmem>>) target_semaphore(%arg4 : memref<!tpu.dma_semaphore, #tpu.memory_space<semaphore_mem>>)
    %mul3A_491 = arith.constant 256 : i32
    %mul3A_492 = arith.muli %arg0, %mul3A_491 : i32
    %add3A_493 = arith.constant 45 : i32
    %add3A_494 = arith.addi %mul3A_492, %add3A_493 : i32
    %get3A_495 = arith.index_cast %add3A_494 : i32 to index
    %get3A_496 = memref.load %arg1[%get3A_495] : memref<8192xi32, #tpu.memory_space<smem>>
    %dma_start3A_497 = arith.constant 45 : i32
    %dma_start3A_498 = arith.constant 0 : i32
    %dma_start3A_499 = tpu.memref_slice %arg3[%dma_start3A_497, %dma_start3A_498] : memref<256x64xf32, #tpu.memory_space<vmem>> -> memref<1x64xf32, #tpu.memory_space<vmem>>
    %dma_start3A_500 = arith.constant 0 : i32
    %dma_start3A_501 = tpu.memref_slice %arg2[%get3A_496, %dma_start3A_500] : memref<1000000x64xf32, #tpu.memory_space<hbm>> -> memref<1x64xf32, #tpu.memory_space<hbm>>
    tpu.enqueue_dma source(%dma_start3A_501 : memref<1x64xf32, #tpu.memory_space<hbm>>) target(%dma_start3A_499 : memref<1x64xf32, #tpu.memory_space<vmem>>) target_semaphore(%arg4 : memref<!tpu.dma_semaphore, #tpu.memory_space<semaphore_mem>>)
    %mul3A_502 = arith.constant 256 : i32
    %mul3A_503 = arith.muli %arg0, %mul3A_502 : i32
    %add3A_504 = arith.constant 46 : i32
    %add3A_505 = arith.addi %mul3A_503, %add3A_504 : i32
    %get3A_506 = arith.index_cast %add3A_505 : i32 to index
    %get3A_507 = memref.load %arg1[%get3A_506] : memref<8192xi32, #tpu.memory_space<smem>>
    %dma_start3A_508 = arith.constant 46 : i32
    %dma_start3A_509 = arith.constant 0 : i32
    %dma_start3A_510 = tpu.memref_slice %arg3[%dma_start3A_508, %dma_start3A_509] : memref<256x64xf32, #tpu.memory_space<vmem>> -> memref<1x64xf32, #tpu.memory_space<vmem>>
    %dma_start3A_511 = arith.constant 0 : i32
    %dma_start3A_512 = tpu.memref_slice %arg2[%get3A_507, %dma_start3A_511] : memref<1000000x64xf32, #tpu.memory_space<hbm>> -> memref<1x64xf32, #tpu.memory_space<hbm>>
    tpu.enqueue_dma source(%dma_start3A_512 : memref<1x64xf32, #tpu.memory_space<hbm>>) target(%dma_start3A_510 : memref<1x64xf32, #tpu.memory_space<vmem>>) target_semaphore(%arg4 : memref<!tpu.dma_semaphore, #tpu.memory_space<semaphore_mem>>)
    %mul3A_513 = arith.constant 256 : i32
    %mul3A_514 = arith.muli %arg0, %mul3A_513 : i32
    %add3A_515 = arith.constant 47 : i32
    %add3A_516 = arith.addi %mul3A_514, %add3A_515 : i32
    %get3A_517 = arith.index_cast %add3A_516 : i32 to index
    %get3A_518 = memref.load %arg1[%get3A_517] : memref<8192xi32, #tpu.memory_space<smem>>
    %dma_start3A_519 = arith.constant 47 : i32
    %dma_start3A_520 = arith.constant 0 : i32
    %dma_start3A_521 = tpu.memref_slice %arg3[%dma_start3A_519, %dma_start3A_520] : memref<256x64xf32, #tpu.memory_space<vmem>> -> memref<1x64xf32, #tpu.memory_space<vmem>>
    %dma_start3A_522 = arith.constant 0 : i32
    %dma_start3A_523 = tpu.memref_slice %arg2[%get3A_518, %dma_start3A_522] : memref<1000000x64xf32, #tpu.memory_space<hbm>> -> memref<1x64xf32, #tpu.memory_space<hbm>>
    tpu.enqueue_dma source(%dma_start3A_523 : memref<1x64xf32, #tpu.memory_space<hbm>>) target(%dma_start3A_521 : memref<1x64xf32, #tpu.memory_space<vmem>>) target_semaphore(%arg4 : memref<!tpu.dma_semaphore, #tpu.memory_space<semaphore_mem>>)
    %mul3A_524 = arith.constant 256 : i32
    %mul3A_525 = arith.muli %arg0, %mul3A_524 : i32
    %add3A_526 = arith.constant 48 : i32
    %add3A_527 = arith.addi %mul3A_525, %add3A_526 : i32
    %get3A_528 = arith.index_cast %add3A_527 : i32 to index
    %get3A_529 = memref.load %arg1[%get3A_528] : memref<8192xi32, #tpu.memory_space<smem>>
    %dma_start3A_530 = arith.constant 48 : i32
    %dma_start3A_531 = arith.constant 0 : i32
    %dma_start3A_532 = tpu.memref_slice %arg3[%dma_start3A_530, %dma_start3A_531] : memref<256x64xf32, #tpu.memory_space<vmem>> -> memref<1x64xf32, #tpu.memory_space<vmem>>
    %dma_start3A_533 = arith.constant 0 : i32
    %dma_start3A_534 = tpu.memref_slice %arg2[%get3A_529, %dma_start3A_533] : memref<1000000x64xf32, #tpu.memory_space<hbm>> -> memref<1x64xf32, #tpu.memory_space<hbm>>
    tpu.enqueue_dma source(%dma_start3A_534 : memref<1x64xf32, #tpu.memory_space<hbm>>) target(%dma_start3A_532 : memref<1x64xf32, #tpu.memory_space<vmem>>) target_semaphore(%arg4 : memref<!tpu.dma_semaphore, #tpu.memory_space<semaphore_mem>>)
    %mul3A_535 = arith.constant 256 : i32
    %mul3A_536 = arith.muli %arg0, %mul3A_535 : i32
    %add3A_537 = arith.constant 49 : i32
    %add3A_538 = arith.addi %mul3A_536, %add3A_537 : i32
    %get3A_539 = arith.index_cast %add3A_538 : i32 to index
    %get3A_540 = memref.load %arg1[%get3A_539] : memref<8192xi32, #tpu.memory_space<smem>>
    %dma_start3A_541 = arith.constant 49 : i32
    %dma_start3A_542 = arith.constant 0 : i32
    %dma_start3A_543 = tpu.memref_slice %arg3[%dma_start3A_541, %dma_start3A_542] : memref<256x64xf32, #tpu.memory_space<vmem>> -> memref<1x64xf32, #tpu.memory_space<vmem>>
    %dma_start3A_544 = arith.constant 0 : i32
    %dma_start3A_545 = tpu.memref_slice %arg2[%get3A_540, %dma_start3A_544] : memref<1000000x64xf32, #tpu.memory_space<hbm>> -> memref<1x64xf32, #tpu.memory_space<hbm>>
    tpu.enqueue_dma source(%dma_start3A_545 : memref<1x64xf32, #tpu.memory_space<hbm>>) target(%dma_start3A_543 : memref<1x64xf32, #tpu.memory_space<vmem>>) target_semaphore(%arg4 : memref<!tpu.dma_semaphore, #tpu.memory_space<semaphore_mem>>)
    %mul3A_546 = arith.constant 256 : i32
    %mul3A_547 = arith.muli %arg0, %mul3A_546 : i32
    %add3A_548 = arith.constant 50 : i32
    %add3A_549 = arith.addi %mul3A_547, %add3A_548 : i32
    %get3A_550 = arith.index_cast %add3A_549 : i32 to index
    %get3A_551 = memref.load %arg1[%get3A_550] : memref<8192xi32, #tpu.memory_space<smem>>
    %dma_start3A_552 = arith.constant 50 : i32
    %dma_start3A_553 = arith.constant 0 : i32
    %dma_start3A_554 = tpu.memref_slice %arg3[%dma_start3A_552, %dma_start3A_553] : memref<256x64xf32, #tpu.memory_space<vmem>> -> memref<1x64xf32, #tpu.memory_space<vmem>>
    %dma_start3A_555 = arith.constant 0 : i32
    %dma_start3A_556 = tpu.memref_slice %arg2[%get3A_551, %dma_start3A_555] : memref<1000000x64xf32, #tpu.memory_space<hbm>> -> memref<1x64xf32, #tpu.memory_space<hbm>>
    tpu.enqueue_dma source(%dma_start3A_556 : memref<1x64xf32, #tpu.memory_space<hbm>>) target(%dma_start3A_554 : memref<1x64xf32, #tpu.memory_space<vmem>>) target_semaphore(%arg4 : memref<!tpu.dma_semaphore, #tpu.memory_space<semaphore_mem>>)
    %mul3A_557 = arith.constant 256 : i32
    %mul3A_558 = arith.muli %arg0, %mul3A_557 : i32
    %add3A_559 = arith.constant 51 : i32
    %add3A_560 = arith.addi %mul3A_558, %add3A_559 : i32
    %get3A_561 = arith.index_cast %add3A_560 : i32 to index
    %get3A_562 = memref.load %arg1[%get3A_561] : memref<8192xi32, #tpu.memory_space<smem>>
    %dma_start3A_563 = arith.constant 51 : i32
    %dma_start3A_564 = arith.constant 0 : i32
    %dma_start3A_565 = tpu.memref_slice %arg3[%dma_start3A_563, %dma_start3A_564] : memref<256x64xf32, #tpu.memory_space<vmem>> -> memref<1x64xf32, #tpu.memory_space<vmem>>
    %dma_start3A_566 = arith.constant 0 : i32
    %dma_start3A_567 = tpu.memref_slice %arg2[%get3A_562, %dma_start3A_566] : memref<1000000x64xf32, #tpu.memory_space<hbm>> -> memref<1x64xf32, #tpu.memory_space<hbm>>
    tpu.enqueue_dma source(%dma_start3A_567 : memref<1x64xf32, #tpu.memory_space<hbm>>) target(%dma_start3A_565 : memref<1x64xf32, #tpu.memory_space<vmem>>) target_semaphore(%arg4 : memref<!tpu.dma_semaphore, #tpu.memory_space<semaphore_mem>>)
    %mul3A_568 = arith.constant 256 : i32
    %mul3A_569 = arith.muli %arg0, %mul3A_568 : i32
    %add3A_570 = arith.constant 52 : i32
    %add3A_571 = arith.addi %mul3A_569, %add3A_570 : i32
    %get3A_572 = arith.index_cast %add3A_571 : i32 to index
    %get3A_573 = memref.load %arg1[%get3A_572] : memref<8192xi32, #tpu.memory_space<smem>>
    %dma_start3A_574 = arith.constant 52 : i32
    %dma_start3A_575 = arith.constant 0 : i32
    %dma_start3A_576 = tpu.memref_slice %arg3[%dma_start3A_574, %dma_start3A_575] : memref<256x64xf32, #tpu.memory_space<vmem>> -> memref<1x64xf32, #tpu.memory_space<vmem>>
    %dma_start3A_577 = arith.constant 0 : i32
    %dma_start3A_578 = tpu.memref_slice %arg2[%get3A_573, %dma_start3A_577] : memref<1000000x64xf32, #tpu.memory_space<hbm>> -> memref<1x64xf32, #tpu.memory_space<hbm>>
    tpu.enqueue_dma source(%dma_start3A_578 : memref<1x64xf32, #tpu.memory_space<hbm>>) target(%dma_start3A_576 : memref<1x64xf32, #tpu.memory_space<vmem>>) target_semaphore(%arg4 : memref<!tpu.dma_semaphore, #tpu.memory_space<semaphore_mem>>)
    %mul3A_579 = arith.constant 256 : i32
    %mul3A_580 = arith.muli %arg0, %mul3A_579 : i32
    %add3A_581 = arith.constant 53 : i32
    %add3A_582 = arith.addi %mul3A_580, %add3A_581 : i32
    %get3A_583 = arith.index_cast %add3A_582 : i32 to index
    %get3A_584 = memref.load %arg1[%get3A_583] : memref<8192xi32, #tpu.memory_space<smem>>
    %dma_start3A_585 = arith.constant 53 : i32
    %dma_start3A_586 = arith.constant 0 : i32
    %dma_start3A_587 = tpu.memref_slice %arg3[%dma_start3A_585, %dma_start3A_586] : memref<256x64xf32, #tpu.memory_space<vmem>> -> memref<1x64xf32, #tpu.memory_space<vmem>>
    %dma_start3A_588 = arith.constant 0 : i32
    %dma_start3A_589 = tpu.memref_slice %arg2[%get3A_584, %dma_start3A_588] : memref<1000000x64xf32, #tpu.memory_space<hbm>> -> memref<1x64xf32, #tpu.memory_space<hbm>>
    tpu.enqueue_dma source(%dma_start3A_589 : memref<1x64xf32, #tpu.memory_space<hbm>>) target(%dma_start3A_587 : memref<1x64xf32, #tpu.memory_space<vmem>>) target_semaphore(%arg4 : memref<!tpu.dma_semaphore, #tpu.memory_space<semaphore_mem>>)
    %mul3A_590 = arith.constant 256 : i32
    %mul3A_591 = arith.muli %arg0, %mul3A_590 : i32
    %add3A_592 = arith.constant 54 : i32
    %add3A_593 = arith.addi %mul3A_591, %add3A_592 : i32
    %get3A_594 = arith.index_cast %add3A_593 : i32 to index
    %get3A_595 = memref.load %arg1[%get3A_594] : memref<8192xi32, #tpu.memory_space<smem>>
    %dma_start3A_596 = arith.constant 54 : i32
    %dma_start3A_597 = arith.constant 0 : i32
    %dma_start3A_598 = tpu.memref_slice %arg3[%dma_start3A_596, %dma_start3A_597] : memref<256x64xf32, #tpu.memory_space<vmem>> -> memref<1x64xf32, #tpu.memory_space<vmem>>
    %dma_start3A_599 = arith.constant 0 : i32
    %dma_start3A_600 = tpu.memref_slice %arg2[%get3A_595, %dma_start3A_599] : memref<1000000x64xf32, #tpu.memory_space<hbm>> -> memref<1x64xf32, #tpu.memory_space<hbm>>
    tpu.enqueue_dma source(%dma_start3A_600 : memref<1x64xf32, #tpu.memory_space<hbm>>) target(%dma_start3A_598 : memref<1x64xf32, #tpu.memory_space<vmem>>) target_semaphore(%arg4 : memref<!tpu.dma_semaphore, #tpu.memory_space<semaphore_mem>>)
    %mul3A_601 = arith.constant 256 : i32
    %mul3A_602 = arith.muli %arg0, %mul3A_601 : i32
    %add3A_603 = arith.constant 55 : i32
    %add3A_604 = arith.addi %mul3A_602, %add3A_603 : i32
    %get3A_605 = arith.index_cast %add3A_604 : i32 to index
    %get3A_606 = memref.load %arg1[%get3A_605] : memref<8192xi32, #tpu.memory_space<smem>>
    %dma_start3A_607 = arith.constant 55 : i32
    %dma_start3A_608 = arith.constant 0 : i32
    %dma_start3A_609 = tpu.memref_slice %arg3[%dma_start3A_607, %dma_start3A_608] : memref<256x64xf32, #tpu.memory_space<vmem>> -> memref<1x64xf32, #tpu.memory_space<vmem>>
    %dma_start3A_610 = arith.constant 0 : i32
    %dma_start3A_611 = tpu.memref_slice %arg2[%get3A_606, %dma_start3A_610] : memref<1000000x64xf32, #tpu.memory_space<hbm>> -> memref<1x64xf32, #tpu.memory_space<hbm>>
    tpu.enqueue_dma source(%dma_start3A_611 : memref<1x64xf32, #tpu.memory_space<hbm>>) target(%dma_start3A_609 : memref<1x64xf32, #tpu.memory_space<vmem>>) target_semaphore(%arg4 : memref<!tpu.dma_semaphore, #tpu.memory_space<semaphore_mem>>)
    %mul3A_612 = arith.constant 256 : i32
    %mul3A_613 = arith.muli %arg0, %mul3A_612 : i32
    %add3A_614 = arith.constant 56 : i32
    %add3A_615 = arith.addi %mul3A_613, %add3A_614 : i32
    %get3A_616 = arith.index_cast %add3A_615 : i32 to index
    %get3A_617 = memref.load %arg1[%get3A_616] : memref<8192xi32, #tpu.memory_space<smem>>
    %dma_start3A_618 = arith.constant 56 : i32
    %dma_start3A_619 = arith.constant 0 : i32
    %dma_start3A_620 = tpu.memref_slice %arg3[%dma_start3A_618, %dma_start3A_619] : memref<256x64xf32, #tpu.memory_space<vmem>> -> memref<1x64xf32, #tpu.memory_space<vmem>>
    %dma_start3A_621 = arith.constant 0 : i32
    %dma_start3A_622 = tpu.memref_slice %arg2[%get3A_617, %dma_start3A_621] : memref<1000000x64xf32, #tpu.memory_space<hbm>> -> memref<1x64xf32, #tpu.memory_space<hbm>>
    tpu.enqueue_dma source(%dma_start3A_622 : memref<1x64xf32, #tpu.memory_space<hbm>>) target(%dma_start3A_620 : memref<1x64xf32, #tpu.memory_space<vmem>>) target_semaphore(%arg4 : memref<!tpu.dma_semaphore, #tpu.memory_space<semaphore_mem>>)
    %mul3A_623 = arith.constant 256 : i32
    %mul3A_624 = arith.muli %arg0, %mul3A_623 : i32
    %add3A_625 = arith.constant 57 : i32
    %add3A_626 = arith.addi %mul3A_624, %add3A_625 : i32
    %get3A_627 = arith.index_cast %add3A_626 : i32 to index
    %get3A_628 = memref.load %arg1[%get3A_627] : memref<8192xi32, #tpu.memory_space<smem>>
    %dma_start3A_629 = arith.constant 57 : i32
    %dma_start3A_630 = arith.constant 0 : i32
    %dma_start3A_631 = tpu.memref_slice %arg3[%dma_start3A_629, %dma_start3A_630] : memref<256x64xf32, #tpu.memory_space<vmem>> -> memref<1x64xf32, #tpu.memory_space<vmem>>
    %dma_start3A_632 = arith.constant 0 : i32
    %dma_start3A_633 = tpu.memref_slice %arg2[%get3A_628, %dma_start3A_632] : memref<1000000x64xf32, #tpu.memory_space<hbm>> -> memref<1x64xf32, #tpu.memory_space<hbm>>
    tpu.enqueue_dma source(%dma_start3A_633 : memref<1x64xf32, #tpu.memory_space<hbm>>) target(%dma_start3A_631 : memref<1x64xf32, #tpu.memory_space<vmem>>) target_semaphore(%arg4 : memref<!tpu.dma_semaphore, #tpu.memory_space<semaphore_mem>>)
    %mul3A_634 = arith.constant 256 : i32
    %mul3A_635 = arith.muli %arg0, %mul3A_634 : i32
    %add3A_636 = arith.constant 58 : i32
    %add3A_637 = arith.addi %mul3A_635, %add3A_636 : i32
    %get3A_638 = arith.index_cast %add3A_637 : i32 to index
    %get3A_639 = memref.load %arg1[%get3A_638] : memref<8192xi32, #tpu.memory_space<smem>>
    %dma_start3A_640 = arith.constant 58 : i32
    %dma_start3A_641 = arith.constant 0 : i32
    %dma_start3A_642 = tpu.memref_slice %arg3[%dma_start3A_640, %dma_start3A_641] : memref<256x64xf32, #tpu.memory_space<vmem>> -> memref<1x64xf32, #tpu.memory_space<vmem>>
    %dma_start3A_643 = arith.constant 0 : i32
    %dma_start3A_644 = tpu.memref_slice %arg2[%get3A_639, %dma_start3A_643] : memref<1000000x64xf32, #tpu.memory_space<hbm>> -> memref<1x64xf32, #tpu.memory_space<hbm>>
    tpu.enqueue_dma source(%dma_start3A_644 : memref<1x64xf32, #tpu.memory_space<hbm>>) target(%dma_start3A_642 : memref<1x64xf32, #tpu.memory_space<vmem>>) target_semaphore(%arg4 : memref<!tpu.dma_semaphore, #tpu.memory_space<semaphore_mem>>)
    %mul3A_645 = arith.constant 256 : i32
    %mul3A_646 = arith.muli %arg0, %mul3A_645 : i32
    %add3A_647 = arith.constant 59 : i32
    %add3A_648 = arith.addi %mul3A_646, %add3A_647 : i32
    %get3A_649 = arith.index_cast %add3A_648 : i32 to index
    %get3A_650 = memref.load %arg1[%get3A_649] : memref<8192xi32, #tpu.memory_space<smem>>
    %dma_start3A_651 = arith.constant 59 : i32
    %dma_start3A_652 = arith.constant 0 : i32
    %dma_start3A_653 = tpu.memref_slice %arg3[%dma_start3A_651, %dma_start3A_652] : memref<256x64xf32, #tpu.memory_space<vmem>> -> memref<1x64xf32, #tpu.memory_space<vmem>>
    %dma_start3A_654 = arith.constant 0 : i32
    %dma_start3A_655 = tpu.memref_slice %arg2[%get3A_650, %dma_start3A_654] : memref<1000000x64xf32, #tpu.memory_space<hbm>> -> memref<1x64xf32, #tpu.memory_space<hbm>>
    tpu.enqueue_dma source(%dma_start3A_655 : memref<1x64xf32, #tpu.memory_space<hbm>>) target(%dma_start3A_653 : memref<1x64xf32, #tpu.memory_space<vmem>>) target_semaphore(%arg4 : memref<!tpu.dma_semaphore, #tpu.memory_space<semaphore_mem>>)
    %mul3A_656 = arith.constant 256 : i32
    %mul3A_657 = arith.muli %arg0, %mul3A_656 : i32
    %add3A_658 = arith.constant 60 : i32
    %add3A_659 = arith.addi %mul3A_657, %add3A_658 : i32
    %get3A_660 = arith.index_cast %add3A_659 : i32 to index
    %get3A_661 = memref.load %arg1[%get3A_660] : memref<8192xi32, #tpu.memory_space<smem>>
    %dma_start3A_662 = arith.constant 60 : i32
    %dma_start3A_663 = arith.constant 0 : i32
    %dma_start3A_664 = tpu.memref_slice %arg3[%dma_start3A_662, %dma_start3A_663] : memref<256x64xf32, #tpu.memory_space<vmem>> -> memref<1x64xf32, #tpu.memory_space<vmem>>
    %dma_start3A_665 = arith.constant 0 : i32
    %dma_start3A_666 = tpu.memref_slice %arg2[%get3A_661, %dma_start3A_665] : memref<1000000x64xf32, #tpu.memory_space<hbm>> -> memref<1x64xf32, #tpu.memory_space<hbm>>
    tpu.enqueue_dma source(%dma_start3A_666 : memref<1x64xf32, #tpu.memory_space<hbm>>) target(%dma_start3A_664 : memref<1x64xf32, #tpu.memory_space<vmem>>) target_semaphore(%arg4 : memref<!tpu.dma_semaphore, #tpu.memory_space<semaphore_mem>>)
    %mul3A_667 = arith.constant 256 : i32
    %mul3A_668 = arith.muli %arg0, %mul3A_667 : i32
    %add3A_669 = arith.constant 61 : i32
    %add3A_670 = arith.addi %mul3A_668, %add3A_669 : i32
    %get3A_671 = arith.index_cast %add3A_670 : i32 to index
    %get3A_672 = memref.load %arg1[%get3A_671] : memref<8192xi32, #tpu.memory_space<smem>>
    %dma_start3A_673 = arith.constant 61 : i32
    %dma_start3A_674 = arith.constant 0 : i32
    %dma_start3A_675 = tpu.memref_slice %arg3[%dma_start3A_673, %dma_start3A_674] : memref<256x64xf32, #tpu.memory_space<vmem>> -> memref<1x64xf32, #tpu.memory_space<vmem>>
    %dma_start3A_676 = arith.constant 0 : i32
    %dma_start3A_677 = tpu.memref_slice %arg2[%get3A_672, %dma_start3A_676] : memref<1000000x64xf32, #tpu.memory_space<hbm>> -> memref<1x64xf32, #tpu.memory_space<hbm>>
    tpu.enqueue_dma source(%dma_start3A_677 : memref<1x64xf32, #tpu.memory_space<hbm>>) target(%dma_start3A_675 : memref<1x64xf32, #tpu.memory_space<vmem>>) target_semaphore(%arg4 : memref<!tpu.dma_semaphore, #tpu.memory_space<semaphore_mem>>)
    %mul3A_678 = arith.constant 256 : i32
    %mul3A_679 = arith.muli %arg0, %mul3A_678 : i32
    %add3A_680 = arith.constant 62 : i32
    %add3A_681 = arith.addi %mul3A_679, %add3A_680 : i32
    %get3A_682 = arith.index_cast %add3A_681 : i32 to index
    %get3A_683 = memref.load %arg1[%get3A_682] : memref<8192xi32, #tpu.memory_space<smem>>
    %dma_start3A_684 = arith.constant 62 : i32
    %dma_start3A_685 = arith.constant 0 : i32
    %dma_start3A_686 = tpu.memref_slice %arg3[%dma_start3A_684, %dma_start3A_685] : memref<256x64xf32, #tpu.memory_space<vmem>> -> memref<1x64xf32, #tpu.memory_space<vmem>>
    %dma_start3A_687 = arith.constant 0 : i32
    %dma_start3A_688 = tpu.memref_slice %arg2[%get3A_683, %dma_start3A_687] : memref<1000000x64xf32, #tpu.memory_space<hbm>> -> memref<1x64xf32, #tpu.memory_space<hbm>>
    tpu.enqueue_dma source(%dma_start3A_688 : memref<1x64xf32, #tpu.memory_space<hbm>>) target(%dma_start3A_686 : memref<1x64xf32, #tpu.memory_space<vmem>>) target_semaphore(%arg4 : memref<!tpu.dma_semaphore, #tpu.memory_space<semaphore_mem>>)
    %mul3A_689 = arith.constant 256 : i32
    %mul3A_690 = arith.muli %arg0, %mul3A_689 : i32
    %add3A_691 = arith.constant 63 : i32
    %add3A_692 = arith.addi %mul3A_690, %add3A_691 : i32
    %get3A_693 = arith.index_cast %add3A_692 : i32 to index
    %get3A_694 = memref.load %arg1[%get3A_693] : memref<8192xi32, #tpu.memory_space<smem>>
    %dma_start3A_695 = arith.constant 63 : i32
    %dma_start3A_696 = arith.constant 0 : i32
    %dma_start3A_697 = tpu.memref_slice %arg3[%dma_start3A_695, %dma_start3A_696] : memref<256x64xf32, #tpu.memory_space<vmem>> -> memref<1x64xf32, #tpu.memory_space<vmem>>
    %dma_start3A_698 = arith.constant 0 : i32
    %dma_start3A_699 = tpu.memref_slice %arg2[%get3A_694, %dma_start3A_698] : memref<1000000x64xf32, #tpu.memory_space<hbm>> -> memref<1x64xf32, #tpu.memory_space<hbm>>
    tpu.enqueue_dma source(%dma_start3A_699 : memref<1x64xf32, #tpu.memory_space<hbm>>) target(%dma_start3A_697 : memref<1x64xf32, #tpu.memory_space<vmem>>) target_semaphore(%arg4 : memref<!tpu.dma_semaphore, #tpu.memory_space<semaphore_mem>>)
    %mul3A_700 = arith.constant 256 : i32
    %mul3A_701 = arith.muli %arg0, %mul3A_700 : i32
    %add3A_702 = arith.constant 64 : i32
    %add3A_703 = arith.addi %mul3A_701, %add3A_702 : i32
    %get3A_704 = arith.index_cast %add3A_703 : i32 to index
    %get3A_705 = memref.load %arg1[%get3A_704] : memref<8192xi32, #tpu.memory_space<smem>>
    %dma_start3A_706 = arith.constant 64 : i32
    %dma_start3A_707 = arith.constant 0 : i32
    %dma_start3A_708 = tpu.memref_slice %arg3[%dma_start3A_706, %dma_start3A_707] : memref<256x64xf32, #tpu.memory_space<vmem>> -> memref<1x64xf32, #tpu.memory_space<vmem>>
    %dma_start3A_709 = arith.constant 0 : i32
    %dma_start3A_710 = tpu.memref_slice %arg2[%get3A_705, %dma_start3A_709] : memref<1000000x64xf32, #tpu.memory_space<hbm>> -> memref<1x64xf32, #tpu.memory_space<hbm>>
    tpu.enqueue_dma source(%dma_start3A_710 : memref<1x64xf32, #tpu.memory_space<hbm>>) target(%dma_start3A_708 : memref<1x64xf32, #tpu.memory_space<vmem>>) target_semaphore(%arg4 : memref<!tpu.dma_semaphore, #tpu.memory_space<semaphore_mem>>)
    %mul3A_711 = arith.constant 256 : i32
    %mul3A_712 = arith.muli %arg0, %mul3A_711 : i32
    %add3A_713 = arith.constant 65 : i32
    %add3A_714 = arith.addi %mul3A_712, %add3A_713 : i32
    %get3A_715 = arith.index_cast %add3A_714 : i32 to index
    %get3A_716 = memref.load %arg1[%get3A_715] : memref<8192xi32, #tpu.memory_space<smem>>
    %dma_start3A_717 = arith.constant 65 : i32
    %dma_start3A_718 = arith.constant 0 : i32
    %dma_start3A_719 = tpu.memref_slice %arg3[%dma_start3A_717, %dma_start3A_718] : memref<256x64xf32, #tpu.memory_space<vmem>> -> memref<1x64xf32, #tpu.memory_space<vmem>>
    %dma_start3A_720 = arith.constant 0 : i32
    %dma_start3A_721 = tpu.memref_slice %arg2[%get3A_716, %dma_start3A_720] : memref<1000000x64xf32, #tpu.memory_space<hbm>> -> memref<1x64xf32, #tpu.memory_space<hbm>>
    tpu.enqueue_dma source(%dma_start3A_721 : memref<1x64xf32, #tpu.memory_space<hbm>>) target(%dma_start3A_719 : memref<1x64xf32, #tpu.memory_space<vmem>>) target_semaphore(%arg4 : memref<!tpu.dma_semaphore, #tpu.memory_space<semaphore_mem>>)
    %mul3A_722 = arith.constant 256 : i32
    %mul3A_723 = arith.muli %arg0, %mul3A_722 : i32
    %add3A_724 = arith.constant 66 : i32
    %add3A_725 = arith.addi %mul3A_723, %add3A_724 : i32
    %get3A_726 = arith.index_cast %add3A_725 : i32 to index
    %get3A_727 = memref.load %arg1[%get3A_726] : memref<8192xi32, #tpu.memory_space<smem>>
    %dma_start3A_728 = arith.constant 66 : i32
    %dma_start3A_729 = arith.constant 0 : i32
    %dma_start3A_730 = tpu.memref_slice %arg3[%dma_start3A_728, %dma_start3A_729] : memref<256x64xf32, #tpu.memory_space<vmem>> -> memref<1x64xf32, #tpu.memory_space<vmem>>
    %dma_start3A_731 = arith.constant 0 : i32
    %dma_start3A_732 = tpu.memref_slice %arg2[%get3A_727, %dma_start3A_731] : memref<1000000x64xf32, #tpu.memory_space<hbm>> -> memref<1x64xf32, #tpu.memory_space<hbm>>
    tpu.enqueue_dma source(%dma_start3A_732 : memref<1x64xf32, #tpu.memory_space<hbm>>) target(%dma_start3A_730 : memref<1x64xf32, #tpu.memory_space<vmem>>) target_semaphore(%arg4 : memref<!tpu.dma_semaphore, #tpu.memory_space<semaphore_mem>>)
    %mul3A_733 = arith.constant 256 : i32
    %mul3A_734 = arith.muli %arg0, %mul3A_733 : i32
    %add3A_735 = arith.constant 67 : i32
    %add3A_736 = arith.addi %mul3A_734, %add3A_735 : i32
    %get3A_737 = arith.index_cast %add3A_736 : i32 to index
    %get3A_738 = memref.load %arg1[%get3A_737] : memref<8192xi32, #tpu.memory_space<smem>>
    %dma_start3A_739 = arith.constant 67 : i32
    %dma_start3A_740 = arith.constant 0 : i32
    %dma_start3A_741 = tpu.memref_slice %arg3[%dma_start3A_739, %dma_start3A_740] : memref<256x64xf32, #tpu.memory_space<vmem>> -> memref<1x64xf32, #tpu.memory_space<vmem>>
    %dma_start3A_742 = arith.constant 0 : i32
    %dma_start3A_743 = tpu.memref_slice %arg2[%get3A_738, %dma_start3A_742] : memref<1000000x64xf32, #tpu.memory_space<hbm>> -> memref<1x64xf32, #tpu.memory_space<hbm>>
    tpu.enqueue_dma source(%dma_start3A_743 : memref<1x64xf32, #tpu.memory_space<hbm>>) target(%dma_start3A_741 : memref<1x64xf32, #tpu.memory_space<vmem>>) target_semaphore(%arg4 : memref<!tpu.dma_semaphore, #tpu.memory_space<semaphore_mem>>)
    %mul3A_744 = arith.constant 256 : i32
    %mul3A_745 = arith.muli %arg0, %mul3A_744 : i32
    %add3A_746 = arith.constant 68 : i32
    %add3A_747 = arith.addi %mul3A_745, %add3A_746 : i32
    %get3A_748 = arith.index_cast %add3A_747 : i32 to index
    %get3A_749 = memref.load %arg1[%get3A_748] : memref<8192xi32, #tpu.memory_space<smem>>
    %dma_start3A_750 = arith.constant 68 : i32
    %dma_start3A_751 = arith.constant 0 : i32
    %dma_start3A_752 = tpu.memref_slice %arg3[%dma_start3A_750, %dma_start3A_751] : memref<256x64xf32, #tpu.memory_space<vmem>> -> memref<1x64xf32, #tpu.memory_space<vmem>>
    %dma_start3A_753 = arith.constant 0 : i32
    %dma_start3A_754 = tpu.memref_slice %arg2[%get3A_749, %dma_start3A_753] : memref<1000000x64xf32, #tpu.memory_space<hbm>> -> memref<1x64xf32, #tpu.memory_space<hbm>>
    tpu.enqueue_dma source(%dma_start3A_754 : memref<1x64xf32, #tpu.memory_space<hbm>>) target(%dma_start3A_752 : memref<1x64xf32, #tpu.memory_space<vmem>>) target_semaphore(%arg4 : memref<!tpu.dma_semaphore, #tpu.memory_space<semaphore_mem>>)
    %mul3A_755 = arith.constant 256 : i32
    %mul3A_756 = arith.muli %arg0, %mul3A_755 : i32
    %add3A_757 = arith.constant 69 : i32
    %add3A_758 = arith.addi %mul3A_756, %add3A_757 : i32
    %get3A_759 = arith.index_cast %add3A_758 : i32 to index
    %get3A_760 = memref.load %arg1[%get3A_759] : memref<8192xi32, #tpu.memory_space<smem>>
    %dma_start3A_761 = arith.constant 69 : i32
    %dma_start3A_762 = arith.constant 0 : i32
    %dma_start3A_763 = tpu.memref_slice %arg3[%dma_start3A_761, %dma_start3A_762] : memref<256x64xf32, #tpu.memory_space<vmem>> -> memref<1x64xf32, #tpu.memory_space<vmem>>
    %dma_start3A_764 = arith.constant 0 : i32
    %dma_start3A_765 = tpu.memref_slice %arg2[%get3A_760, %dma_start3A_764] : memref<1000000x64xf32, #tpu.memory_space<hbm>> -> memref<1x64xf32, #tpu.memory_space<hbm>>
    tpu.enqueue_dma source(%dma_start3A_765 : memref<1x64xf32, #tpu.memory_space<hbm>>) target(%dma_start3A_763 : memref<1x64xf32, #tpu.memory_space<vmem>>) target_semaphore(%arg4 : memref<!tpu.dma_semaphore, #tpu.memory_space<semaphore_mem>>)
    %mul3A_766 = arith.constant 256 : i32
    %mul3A_767 = arith.muli %arg0, %mul3A_766 : i32
    %add3A_768 = arith.constant 70 : i32
    %add3A_769 = arith.addi %mul3A_767, %add3A_768 : i32
    %get3A_770 = arith.index_cast %add3A_769 : i32 to index
    %get3A_771 = memref.load %arg1[%get3A_770] : memref<8192xi32, #tpu.memory_space<smem>>
    %dma_start3A_772 = arith.constant 70 : i32
    %dma_start3A_773 = arith.constant 0 : i32
    %dma_start3A_774 = tpu.memref_slice %arg3[%dma_start3A_772, %dma_start3A_773] : memref<256x64xf32, #tpu.memory_space<vmem>> -> memref<1x64xf32, #tpu.memory_space<vmem>>
    %dma_start3A_775 = arith.constant 0 : i32
    %dma_start3A_776 = tpu.memref_slice %arg2[%get3A_771, %dma_start3A_775] : memref<1000000x64xf32, #tpu.memory_space<hbm>> -> memref<1x64xf32, #tpu.memory_space<hbm>>
    tpu.enqueue_dma source(%dma_start3A_776 : memref<1x64xf32, #tpu.memory_space<hbm>>) target(%dma_start3A_774 : memref<1x64xf32, #tpu.memory_space<vmem>>) target_semaphore(%arg4 : memref<!tpu.dma_semaphore, #tpu.memory_space<semaphore_mem>>)
    %mul3A_777 = arith.constant 256 : i32
    %mul3A_778 = arith.muli %arg0, %mul3A_777 : i32
    %add3A_779 = arith.constant 71 : i32
    %add3A_780 = arith.addi %mul3A_778, %add3A_779 : i32
    %get3A_781 = arith.index_cast %add3A_780 : i32 to index
    %get3A_782 = memref.load %arg1[%get3A_781] : memref<8192xi32, #tpu.memory_space<smem>>
    %dma_start3A_783 = arith.constant 71 : i32
    %dma_start3A_784 = arith.constant 0 : i32
    %dma_start3A_785 = tpu.memref_slice %arg3[%dma_start3A_783, %dma_start3A_784] : memref<256x64xf32, #tpu.memory_space<vmem>> -> memref<1x64xf32, #tpu.memory_space<vmem>>
    %dma_start3A_786 = arith.constant 0 : i32
    %dma_start3A_787 = tpu.memref_slice %arg2[%get3A_782, %dma_start3A_786] : memref<1000000x64xf32, #tpu.memory_space<hbm>> -> memref<1x64xf32, #tpu.memory_space<hbm>>
    tpu.enqueue_dma source(%dma_start3A_787 : memref<1x64xf32, #tpu.memory_space<hbm>>) target(%dma_start3A_785 : memref<1x64xf32, #tpu.memory_space<vmem>>) target_semaphore(%arg4 : memref<!tpu.dma_semaphore, #tpu.memory_space<semaphore_mem>>)
    %mul3A_788 = arith.constant 256 : i32
    %mul3A_789 = arith.muli %arg0, %mul3A_788 : i32
    %add3A_790 = arith.constant 72 : i32
    %add3A_791 = arith.addi %mul3A_789, %add3A_790 : i32
    %get3A_792 = arith.index_cast %add3A_791 : i32 to index
    %get3A_793 = memref.load %arg1[%get3A_792] : memref<8192xi32, #tpu.memory_space<smem>>
    %dma_start3A_794 = arith.constant 72 : i32
    %dma_start3A_795 = arith.constant 0 : i32
    %dma_start3A_796 = tpu.memref_slice %arg3[%dma_start3A_794, %dma_start3A_795] : memref<256x64xf32, #tpu.memory_space<vmem>> -> memref<1x64xf32, #tpu.memory_space<vmem>>
    %dma_start3A_797 = arith.constant 0 : i32
    %dma_start3A_798 = tpu.memref_slice %arg2[%get3A_793, %dma_start3A_797] : memref<1000000x64xf32, #tpu.memory_space<hbm>> -> memref<1x64xf32, #tpu.memory_space<hbm>>
    tpu.enqueue_dma source(%dma_start3A_798 : memref<1x64xf32, #tpu.memory_space<hbm>>) target(%dma_start3A_796 : memref<1x64xf32, #tpu.memory_space<vmem>>) target_semaphore(%arg4 : memref<!tpu.dma_semaphore, #tpu.memory_space<semaphore_mem>>)
    %mul3A_799 = arith.constant 256 : i32
    %mul3A_800 = arith.muli %arg0, %mul3A_799 : i32
    %add3A_801 = arith.constant 73 : i32
    %add3A_802 = arith.addi %mul3A_800, %add3A_801 : i32
    %get3A_803 = arith.index_cast %add3A_802 : i32 to index
    %get3A_804 = memref.load %arg1[%get3A_803] : memref<8192xi32, #tpu.memory_space<smem>>
    %dma_start3A_805 = arith.constant 73 : i32
    %dma_start3A_806 = arith.constant 0 : i32
    %dma_start3A_807 = tpu.memref_slice %arg3[%dma_start3A_805, %dma_start3A_806] : memref<256x64xf32, #tpu.memory_space<vmem>> -> memref<1x64xf32, #tpu.memory_space<vmem>>
    %dma_start3A_808 = arith.constant 0 : i32
    %dma_start3A_809 = tpu.memref_slice %arg2[%get3A_804, %dma_start3A_808] : memref<1000000x64xf32, #tpu.memory_space<hbm>> -> memref<1x64xf32, #tpu.memory_space<hbm>>
    tpu.enqueue_dma source(%dma_start3A_809 : memref<1x64xf32, #tpu.memory_space<hbm>>) target(%dma_start3A_807 : memref<1x64xf32, #tpu.memory_space<vmem>>) target_semaphore(%arg4 : memref<!tpu.dma_semaphore, #tpu.memory_space<semaphore_mem>>)
    %mul3A_810 = arith.constant 256 : i32
    %mul3A_811 = arith.muli %arg0, %mul3A_810 : i32
    %add3A_812 = arith.constant 74 : i32
    %add3A_813 = arith.addi %mul3A_811, %add3A_812 : i32
    %get3A_814 = arith.index_cast %add3A_813 : i32 to index
    %get3A_815 = memref.load %arg1[%get3A_814] : memref<8192xi32, #tpu.memory_space<smem>>
    %dma_start3A_816 = arith.constant 74 : i32
    %dma_start3A_817 = arith.constant 0 : i32
    %dma_start3A_818 = tpu.memref_slice %arg3[%dma_start3A_816, %dma_start3A_817] : memref<256x64xf32, #tpu.memory_space<vmem>> -> memref<1x64xf32, #tpu.memory_space<vmem>>
    %dma_start3A_819 = arith.constant 0 : i32
    %dma_start3A_820 = tpu.memref_slice %arg2[%get3A_815, %dma_start3A_819] : memref<1000000x64xf32, #tpu.memory_space<hbm>> -> memref<1x64xf32, #tpu.memory_space<hbm>>
    tpu.enqueue_dma source(%dma_start3A_820 : memref<1x64xf32, #tpu.memory_space<hbm>>) target(%dma_start3A_818 : memref<1x64xf32, #tpu.memory_space<vmem>>) target_semaphore(%arg4 : memref<!tpu.dma_semaphore, #tpu.memory_space<semaphore_mem>>)
    %mul3A_821 = arith.constant 256 : i32
    %mul3A_822 = arith.muli %arg0, %mul3A_821 : i32
    %add3A_823 = arith.constant 75 : i32
    %add3A_824 = arith.addi %mul3A_822, %add3A_823 : i32
    %get3A_825 = arith.index_cast %add3A_824 : i32 to index
    %get3A_826 = memref.load %arg1[%get3A_825] : memref<8192xi32, #tpu.memory_space<smem>>
    %dma_start3A_827 = arith.constant 75 : i32
    %dma_start3A_828 = arith.constant 0 : i32
    %dma_start3A_829 = tpu.memref_slice %arg3[%dma_start3A_827, %dma_start3A_828] : memref<256x64xf32, #tpu.memory_space<vmem>> -> memref<1x64xf32, #tpu.memory_space<vmem>>
    %dma_start3A_830 = arith.constant 0 : i32
    %dma_start3A_831 = tpu.memref_slice %arg2[%get3A_826, %dma_start3A_830] : memref<1000000x64xf32, #tpu.memory_space<hbm>> -> memref<1x64xf32, #tpu.memory_space<hbm>>
    tpu.enqueue_dma source(%dma_start3A_831 : memref<1x64xf32, #tpu.memory_space<hbm>>) target(%dma_start3A_829 : memref<1x64xf32, #tpu.memory_space<vmem>>) target_semaphore(%arg4 : memref<!tpu.dma_semaphore, #tpu.memory_space<semaphore_mem>>)
    %mul3A_832 = arith.constant 256 : i32
    %mul3A_833 = arith.muli %arg0, %mul3A_832 : i32
    %add3A_834 = arith.constant 76 : i32
    %add3A_835 = arith.addi %mul3A_833, %add3A_834 : i32
    %get3A_836 = arith.index_cast %add3A_835 : i32 to index
    %get3A_837 = memref.load %arg1[%get3A_836] : memref<8192xi32, #tpu.memory_space<smem>>
    %dma_start3A_838 = arith.constant 76 : i32
    %dma_start3A_839 = arith.constant 0 : i32
    %dma_start3A_840 = tpu.memref_slice %arg3[%dma_start3A_838, %dma_start3A_839] : memref<256x64xf32, #tpu.memory_space<vmem>> -> memref<1x64xf32, #tpu.memory_space<vmem>>
    %dma_start3A_841 = arith.constant 0 : i32
    %dma_start3A_842 = tpu.memref_slice %arg2[%get3A_837, %dma_start3A_841] : memref<1000000x64xf32, #tpu.memory_space<hbm>> -> memref<1x64xf32, #tpu.memory_space<hbm>>
    tpu.enqueue_dma source(%dma_start3A_842 : memref<1x64xf32, #tpu.memory_space<hbm>>) target(%dma_start3A_840 : memref<1x64xf32, #tpu.memory_space<vmem>>) target_semaphore(%arg4 : memref<!tpu.dma_semaphore, #tpu.memory_space<semaphore_mem>>)
    %mul3A_843 = arith.constant 256 : i32
    %mul3A_844 = arith.muli %arg0, %mul3A_843 : i32
    %add3A_845 = arith.constant 77 : i32
    %add3A_846 = arith.addi %mul3A_844, %add3A_845 : i32
    %get3A_847 = arith.index_cast %add3A_846 : i32 to index
    %get3A_848 = memref.load %arg1[%get3A_847] : memref<8192xi32, #tpu.memory_space<smem>>
    %dma_start3A_849 = arith.constant 77 : i32
    %dma_start3A_850 = arith.constant 0 : i32
    %dma_start3A_851 = tpu.memref_slice %arg3[%dma_start3A_849, %dma_start3A_850] : memref<256x64xf32, #tpu.memory_space<vmem>> -> memref<1x64xf32, #tpu.memory_space<vmem>>
    %dma_start3A_852 = arith.constant 0 : i32
    %dma_start3A_853 = tpu.memref_slice %arg2[%get3A_848, %dma_start3A_852] : memref<1000000x64xf32, #tpu.memory_space<hbm>> -> memref<1x64xf32, #tpu.memory_space<hbm>>
    tpu.enqueue_dma source(%dma_start3A_853 : memref<1x64xf32, #tpu.memory_space<hbm>>) target(%dma_start3A_851 : memref<1x64xf32, #tpu.memory_space<vmem>>) target_semaphore(%arg4 : memref<!tpu.dma_semaphore, #tpu.memory_space<semaphore_mem>>)
    %mul3A_854 = arith.constant 256 : i32
    %mul3A_855 = arith.muli %arg0, %mul3A_854 : i32
    %add3A_856 = arith.constant 78 : i32
    %add3A_857 = arith.addi %mul3A_855, %add3A_856 : i32
    %get3A_858 = arith.index_cast %add3A_857 : i32 to index
    %get3A_859 = memref.load %arg1[%get3A_858] : memref<8192xi32, #tpu.memory_space<smem>>
    %dma_start3A_860 = arith.constant 78 : i32
    %dma_start3A_861 = arith.constant 0 : i32
    %dma_start3A_862 = tpu.memref_slice %arg3[%dma_start3A_860, %dma_start3A_861] : memref<256x64xf32, #tpu.memory_space<vmem>> -> memref<1x64xf32, #tpu.memory_space<vmem>>
    %dma_start3A_863 = arith.constant 0 : i32
    %dma_start3A_864 = tpu.memref_slice %arg2[%get3A_859, %dma_start3A_863] : memref<1000000x64xf32, #tpu.memory_space<hbm>> -> memref<1x64xf32, #tpu.memory_space<hbm>>
    tpu.enqueue_dma source(%dma_start3A_864 : memref<1x64xf32, #tpu.memory_space<hbm>>) target(%dma_start3A_862 : memref<1x64xf32, #tpu.memory_space<vmem>>) target_semaphore(%arg4 : memref<!tpu.dma_semaphore, #tpu.memory_space<semaphore_mem>>)
    %mul3A_865 = arith.constant 256 : i32
    %mul3A_866 = arith.muli %arg0, %mul3A_865 : i32
    %add3A_867 = arith.constant 79 : i32
    %add3A_868 = arith.addi %mul3A_866, %add3A_867 : i32
    %get3A_869 = arith.index_cast %add3A_868 : i32 to index
    %get3A_870 = memref.load %arg1[%get3A_869] : memref<8192xi32, #tpu.memory_space<smem>>
    %dma_start3A_871 = arith.constant 79 : i32
    %dma_start3A_872 = arith.constant 0 : i32
    %dma_start3A_873 = tpu.memref_slice %arg3[%dma_start3A_871, %dma_start3A_872] : memref<256x64xf32, #tpu.memory_space<vmem>> -> memref<1x64xf32, #tpu.memory_space<vmem>>
    %dma_start3A_874 = arith.constant 0 : i32
    %dma_start3A_875 = tpu.memref_slice %arg2[%get3A_870, %dma_start3A_874] : memref<1000000x64xf32, #tpu.memory_space<hbm>> -> memref<1x64xf32, #tpu.memory_space<hbm>>
    tpu.enqueue_dma source(%dma_start3A_875 : memref<1x64xf32, #tpu.memory_space<hbm>>) target(%dma_start3A_873 : memref<1x64xf32, #tpu.memory_space<vmem>>) target_semaphore(%arg4 : memref<!tpu.dma_semaphore, #tpu.memory_space<semaphore_mem>>)
    %mul3A_876 = arith.constant 256 : i32
    %mul3A_877 = arith.muli %arg0, %mul3A_876 : i32
    %add3A_878 = arith.constant 80 : i32
    %add3A_879 = arith.addi %mul3A_877, %add3A_878 : i32
    %get3A_880 = arith.index_cast %add3A_879 : i32 to index
    %get3A_881 = memref.load %arg1[%get3A_880] : memref<8192xi32, #tpu.memory_space<smem>>
    %dma_start3A_882 = arith.constant 80 : i32
    %dma_start3A_883 = arith.constant 0 : i32
    %dma_start3A_884 = tpu.memref_slice %arg3[%dma_start3A_882, %dma_start3A_883] : memref<256x64xf32, #tpu.memory_space<vmem>> -> memref<1x64xf32, #tpu.memory_space<vmem>>
    %dma_start3A_885 = arith.constant 0 : i32
    %dma_start3A_886 = tpu.memref_slice %arg2[%get3A_881, %dma_start3A_885] : memref<1000000x64xf32, #tpu.memory_space<hbm>> -> memref<1x64xf32, #tpu.memory_space<hbm>>
    tpu.enqueue_dma source(%dma_start3A_886 : memref<1x64xf32, #tpu.memory_space<hbm>>) target(%dma_start3A_884 : memref<1x64xf32, #tpu.memory_space<vmem>>) target_semaphore(%arg4 : memref<!tpu.dma_semaphore, #tpu.memory_space<semaphore_mem>>)
    %mul3A_887 = arith.constant 256 : i32
    %mul3A_888 = arith.muli %arg0, %mul3A_887 : i32
    %add3A_889 = arith.constant 81 : i32
    %add3A_890 = arith.addi %mul3A_888, %add3A_889 : i32
    %get3A_891 = arith.index_cast %add3A_890 : i32 to index
    %get3A_892 = memref.load %arg1[%get3A_891] : memref<8192xi32, #tpu.memory_space<smem>>
    %dma_start3A_893 = arith.constant 81 : i32
    %dma_start3A_894 = arith.constant 0 : i32
    %dma_start3A_895 = tpu.memref_slice %arg3[%dma_start3A_893, %dma_start3A_894] : memref<256x64xf32, #tpu.memory_space<vmem>> -> memref<1x64xf32, #tpu.memory_space<vmem>>
    %dma_start3A_896 = arith.constant 0 : i32
    %dma_start3A_897 = tpu.memref_slice %arg2[%get3A_892, %dma_start3A_896] : memref<1000000x64xf32, #tpu.memory_space<hbm>> -> memref<1x64xf32, #tpu.memory_space<hbm>>
    tpu.enqueue_dma source(%dma_start3A_897 : memref<1x64xf32, #tpu.memory_space<hbm>>) target(%dma_start3A_895 : memref<1x64xf32, #tpu.memory_space<vmem>>) target_semaphore(%arg4 : memref<!tpu.dma_semaphore, #tpu.memory_space<semaphore_mem>>)
    %mul3A_898 = arith.constant 256 : i32
    %mul3A_899 = arith.muli %arg0, %mul3A_898 : i32
    %add3A_900 = arith.constant 82 : i32
    %add3A_901 = arith.addi %mul3A_899, %add3A_900 : i32
    %get3A_902 = arith.index_cast %add3A_901 : i32 to index
    %get3A_903 = memref.load %arg1[%get3A_902] : memref<8192xi32, #tpu.memory_space<smem>>
    %dma_start3A_904 = arith.constant 82 : i32
    %dma_start3A_905 = arith.constant 0 : i32
    %dma_start3A_906 = tpu.memref_slice %arg3[%dma_start3A_904, %dma_start3A_905] : memref<256x64xf32, #tpu.memory_space<vmem>> -> memref<1x64xf32, #tpu.memory_space<vmem>>
    %dma_start3A_907 = arith.constant 0 : i32
    %dma_start3A_908 = tpu.memref_slice %arg2[%get3A_903, %dma_start3A_907] : memref<1000000x64xf32, #tpu.memory_space<hbm>> -> memref<1x64xf32, #tpu.memory_space<hbm>>
    tpu.enqueue_dma source(%dma_start3A_908 : memref<1x64xf32, #tpu.memory_space<hbm>>) target(%dma_start3A_906 : memref<1x64xf32, #tpu.memory_space<vmem>>) target_semaphore(%arg4 : memref<!tpu.dma_semaphore, #tpu.memory_space<semaphore_mem>>)
    %mul3A_909 = arith.constant 256 : i32
    %mul3A_910 = arith.muli %arg0, %mul3A_909 : i32
    %add3A_911 = arith.constant 83 : i32
    %add3A_912 = arith.addi %mul3A_910, %add3A_911 : i32
    %get3A_913 = arith.index_cast %add3A_912 : i32 to index
    %get3A_914 = memref.load %arg1[%get3A_913] : memref<8192xi32, #tpu.memory_space<smem>>
    %dma_start3A_915 = arith.constant 83 : i32
    %dma_start3A_916 = arith.constant 0 : i32
    %dma_start3A_917 = tpu.memref_slice %arg3[%dma_start3A_915, %dma_start3A_916] : memref<256x64xf32, #tpu.memory_space<vmem>> -> memref<1x64xf32, #tpu.memory_space<vmem>>
    %dma_start3A_918 = arith.constant 0 : i32
    %dma_start3A_919 = tpu.memref_slice %arg2[%get3A_914, %dma_start3A_918] : memref<1000000x64xf32, #tpu.memory_space<hbm>> -> memref<1x64xf32, #tpu.memory_space<hbm>>
    tpu.enqueue_dma source(%dma_start3A_919 : memref<1x64xf32, #tpu.memory_space<hbm>>) target(%dma_start3A_917 : memref<1x64xf32, #tpu.memory_space<vmem>>) target_semaphore(%arg4 : memref<!tpu.dma_semaphore, #tpu.memory_space<semaphore_mem>>)
    %mul3A_920 = arith.constant 256 : i32
    %mul3A_921 = arith.muli %arg0, %mul3A_920 : i32
    %add3A_922 = arith.constant 84 : i32
    %add3A_923 = arith.addi %mul3A_921, %add3A_922 : i32
    %get3A_924 = arith.index_cast %add3A_923 : i32 to index
    %get3A_925 = memref.load %arg1[%get3A_924] : memref<8192xi32, #tpu.memory_space<smem>>
    %dma_start3A_926 = arith.constant 84 : i32
    %dma_start3A_927 = arith.constant 0 : i32
    %dma_start3A_928 = tpu.memref_slice %arg3[%dma_start3A_926, %dma_start3A_927] : memref<256x64xf32, #tpu.memory_space<vmem>> -> memref<1x64xf32, #tpu.memory_space<vmem>>
    %dma_start3A_929 = arith.constant 0 : i32
    %dma_start3A_930 = tpu.memref_slice %arg2[%get3A_925, %dma_start3A_929] : memref<1000000x64xf32, #tpu.memory_space<hbm>> -> memref<1x64xf32, #tpu.memory_space<hbm>>
    tpu.enqueue_dma source(%dma_start3A_930 : memref<1x64xf32, #tpu.memory_space<hbm>>) target(%dma_start3A_928 : memref<1x64xf32, #tpu.memory_space<vmem>>) target_semaphore(%arg4 : memref<!tpu.dma_semaphore, #tpu.memory_space<semaphore_mem>>)
    %mul3A_931 = arith.constant 256 : i32
    %mul3A_932 = arith.muli %arg0, %mul3A_931 : i32
    %add3A_933 = arith.constant 85 : i32
    %add3A_934 = arith.addi %mul3A_932, %add3A_933 : i32
    %get3A_935 = arith.index_cast %add3A_934 : i32 to index
    %get3A_936 = memref.load %arg1[%get3A_935] : memref<8192xi32, #tpu.memory_space<smem>>
    %dma_start3A_937 = arith.constant 85 : i32
    %dma_start3A_938 = arith.constant 0 : i32
    %dma_start3A_939 = tpu.memref_slice %arg3[%dma_start3A_937, %dma_start3A_938] : memref<256x64xf32, #tpu.memory_space<vmem>> -> memref<1x64xf32, #tpu.memory_space<vmem>>
    %dma_start3A_940 = arith.constant 0 : i32
    %dma_start3A_941 = tpu.memref_slice %arg2[%get3A_936, %dma_start3A_940] : memref<1000000x64xf32, #tpu.memory_space<hbm>> -> memref<1x64xf32, #tpu.memory_space<hbm>>
    tpu.enqueue_dma source(%dma_start3A_941 : memref<1x64xf32, #tpu.memory_space<hbm>>) target(%dma_start3A_939 : memref<1x64xf32, #tpu.memory_space<vmem>>) target_semaphore(%arg4 : memref<!tpu.dma_semaphore, #tpu.memory_space<semaphore_mem>>)
    %mul3A_942 = arith.constant 256 : i32
    %mul3A_943 = arith.muli %arg0, %mul3A_942 : i32
    %add3A_944 = arith.constant 86 : i32
    %add3A_945 = arith.addi %mul3A_943, %add3A_944 : i32
    %get3A_946 = arith.index_cast %add3A_945 : i32 to index
    %get3A_947 = memref.load %arg1[%get3A_946] : memref<8192xi32, #tpu.memory_space<smem>>
    %dma_start3A_948 = arith.constant 86 : i32
    %dma_start3A_949 = arith.constant 0 : i32
    %dma_start3A_950 = tpu.memref_slice %arg3[%dma_start3A_948, %dma_start3A_949] : memref<256x64xf32, #tpu.memory_space<vmem>> -> memref<1x64xf32, #tpu.memory_space<vmem>>
    %dma_start3A_951 = arith.constant 0 : i32
    %dma_start3A_952 = tpu.memref_slice %arg2[%get3A_947, %dma_start3A_951] : memref<1000000x64xf32, #tpu.memory_space<hbm>> -> memref<1x64xf32, #tpu.memory_space<hbm>>
    tpu.enqueue_dma source(%dma_start3A_952 : memref<1x64xf32, #tpu.memory_space<hbm>>) target(%dma_start3A_950 : memref<1x64xf32, #tpu.memory_space<vmem>>) target_semaphore(%arg4 : memref<!tpu.dma_semaphore, #tpu.memory_space<semaphore_mem>>)
    %mul3A_953 = arith.constant 256 : i32
    %mul3A_954 = arith.muli %arg0, %mul3A_953 : i32
    %add3A_955 = arith.constant 87 : i32
    %add3A_956 = arith.addi %mul3A_954, %add3A_955 : i32
    %get3A_957 = arith.index_cast %add3A_956 : i32 to index
    %get3A_958 = memref.load %arg1[%get3A_957] : memref<8192xi32, #tpu.memory_space<smem>>
    %dma_start3A_959 = arith.constant 87 : i32
    %dma_start3A_960 = arith.constant 0 : i32
    %dma_start3A_961 = tpu.memref_slice %arg3[%dma_start3A_959, %dma_start3A_960] : memref<256x64xf32, #tpu.memory_space<vmem>> -> memref<1x64xf32, #tpu.memory_space<vmem>>
    %dma_start3A_962 = arith.constant 0 : i32
    %dma_start3A_963 = tpu.memref_slice %arg2[%get3A_958, %dma_start3A_962] : memref<1000000x64xf32, #tpu.memory_space<hbm>> -> memref<1x64xf32, #tpu.memory_space<hbm>>
    tpu.enqueue_dma source(%dma_start3A_963 : memref<1x64xf32, #tpu.memory_space<hbm>>) target(%dma_start3A_961 : memref<1x64xf32, #tpu.memory_space<vmem>>) target_semaphore(%arg4 : memref<!tpu.dma_semaphore, #tpu.memory_space<semaphore_mem>>)
    %mul3A_964 = arith.constant 256 : i32
    %mul3A_965 = arith.muli %arg0, %mul3A_964 : i32
    %add3A_966 = arith.constant 88 : i32
    %add3A_967 = arith.addi %mul3A_965, %add3A_966 : i32
    %get3A_968 = arith.index_cast %add3A_967 : i32 to index
    %get3A_969 = memref.load %arg1[%get3A_968] : memref<8192xi32, #tpu.memory_space<smem>>
    %dma_start3A_970 = arith.constant 88 : i32
    %dma_start3A_971 = arith.constant 0 : i32
    %dma_start3A_972 = tpu.memref_slice %arg3[%dma_start3A_970, %dma_start3A_971] : memref<256x64xf32, #tpu.memory_space<vmem>> -> memref<1x64xf32, #tpu.memory_space<vmem>>
    %dma_start3A_973 = arith.constant 0 : i32
    %dma_start3A_974 = tpu.memref_slice %arg2[%get3A_969, %dma_start3A_973] : memref<1000000x64xf32, #tpu.memory_space<hbm>> -> memref<1x64xf32, #tpu.memory_space<hbm>>
    tpu.enqueue_dma source(%dma_start3A_974 : memref<1x64xf32, #tpu.memory_space<hbm>>) target(%dma_start3A_972 : memref<1x64xf32, #tpu.memory_space<vmem>>) target_semaphore(%arg4 : memref<!tpu.dma_semaphore, #tpu.memory_space<semaphore_mem>>)
    %mul3A_975 = arith.constant 256 : i32
    %mul3A_976 = arith.muli %arg0, %mul3A_975 : i32
    %add3A_977 = arith.constant 89 : i32
    %add3A_978 = arith.addi %mul3A_976, %add3A_977 : i32
    %get3A_979 = arith.index_cast %add3A_978 : i32 to index
    %get3A_980 = memref.load %arg1[%get3A_979] : memref<8192xi32, #tpu.memory_space<smem>>
    %dma_start3A_981 = arith.constant 89 : i32
    %dma_start3A_982 = arith.constant 0 : i32
    %dma_start3A_983 = tpu.memref_slice %arg3[%dma_start3A_981, %dma_start3A_982] : memref<256x64xf32, #tpu.memory_space<vmem>> -> memref<1x64xf32, #tpu.memory_space<vmem>>
    %dma_start3A_984 = arith.constant 0 : i32
    %dma_start3A_985 = tpu.memref_slice %arg2[%get3A_980, %dma_start3A_984] : memref<1000000x64xf32, #tpu.memory_space<hbm>> -> memref<1x64xf32, #tpu.memory_space<hbm>>
    tpu.enqueue_dma source(%dma_start3A_985 : memref<1x64xf32, #tpu.memory_space<hbm>>) target(%dma_start3A_983 : memref<1x64xf32, #tpu.memory_space<vmem>>) target_semaphore(%arg4 : memref<!tpu.dma_semaphore, #tpu.memory_space<semaphore_mem>>)
    %mul3A_986 = arith.constant 256 : i32
    %mul3A_987 = arith.muli %arg0, %mul3A_986 : i32
    %add3A_988 = arith.constant 90 : i32
    %add3A_989 = arith.addi %mul3A_987, %add3A_988 : i32
    %get3A_990 = arith.index_cast %add3A_989 : i32 to index
    %get3A_991 = memref.load %arg1[%get3A_990] : memref<8192xi32, #tpu.memory_space<smem>>
    %dma_start3A_992 = arith.constant 90 : i32
    %dma_start3A_993 = arith.constant 0 : i32
    %dma_start3A_994 = tpu.memref_slice %arg3[%dma_start3A_992, %dma_start3A_993] : memref<256x64xf32, #tpu.memory_space<vmem>> -> memref<1x64xf32, #tpu.memory_space<vmem>>
    %dma_start3A_995 = arith.constant 0 : i32
    %dma_start3A_996 = tpu.memref_slice %arg2[%get3A_991, %dma_start3A_995] : memref<1000000x64xf32, #tpu.memory_space<hbm>> -> memref<1x64xf32, #tpu.memory_space<hbm>>
    tpu.enqueue_dma source(%dma_start3A_996 : memref<1x64xf32, #tpu.memory_space<hbm>>) target(%dma_start3A_994 : memref<1x64xf32, #tpu.memory_space<vmem>>) target_semaphore(%arg4 : memref<!tpu.dma_semaphore, #tpu.memory_space<semaphore_mem>>)
    %mul3A_997 = arith.constant 256 : i32
    %mul3A_998 = arith.muli %arg0, %mul3A_997 : i32
    %add3A_999 = arith.constant 91 : i32
    %add3A_1000 = arith.addi %mul3A_998, %add3A_999 : i32
    %get3A_1001 = arith.index_cast %add3A_1000 : i32 to index
    %get3A_1002 = memref.load %arg1[%get3A_1001] : memref<8192xi32, #tpu.memory_space<smem>>
    %dma_start3A_1003 = arith.constant 91 : i32
    %dma_start3A_1004 = arith.constant 0 : i32
    %dma_start3A_1005 = tpu.memref_slice %arg3[%dma_start3A_1003, %dma_start3A_1004] : memref<256x64xf32, #tpu.memory_space<vmem>> -> memref<1x64xf32, #tpu.memory_space<vmem>>
    %dma_start3A_1006 = arith.constant 0 : i32
    %dma_start3A_1007 = tpu.memref_slice %arg2[%get3A_1002, %dma_start3A_1006] : memref<1000000x64xf32, #tpu.memory_space<hbm>> -> memref<1x64xf32, #tpu.memory_space<hbm>>
    tpu.enqueue_dma source(%dma_start3A_1007 : memref<1x64xf32, #tpu.memory_space<hbm>>) target(%dma_start3A_1005 : memref<1x64xf32, #tpu.memory_space<vmem>>) target_semaphore(%arg4 : memref<!tpu.dma_semaphore, #tpu.memory_space<semaphore_mem>>)
    %mul3A_1008 = arith.constant 256 : i32
    %mul3A_1009 = arith.muli %arg0, %mul3A_1008 : i32
    %add3A_1010 = arith.constant 92 : i32
    %add3A_1011 = arith.addi %mul3A_1009, %add3A_1010 : i32
    %get3A_1012 = arith.index_cast %add3A_1011 : i32 to index
    %get3A_1013 = memref.load %arg1[%get3A_1012] : memref<8192xi32, #tpu.memory_space<smem>>
    %dma_start3A_1014 = arith.constant 92 : i32
    %dma_start3A_1015 = arith.constant 0 : i32
    %dma_start3A_1016 = tpu.memref_slice %arg3[%dma_start3A_1014, %dma_start3A_1015] : memref<256x64xf32, #tpu.memory_space<vmem>> -> memref<1x64xf32, #tpu.memory_space<vmem>>
    %dma_start3A_1017 = arith.constant 0 : i32
    %dma_start3A_1018 = tpu.memref_slice %arg2[%get3A_1013, %dma_start3A_1017] : memref<1000000x64xf32, #tpu.memory_space<hbm>> -> memref<1x64xf32, #tpu.memory_space<hbm>>
    tpu.enqueue_dma source(%dma_start3A_1018 : memref<1x64xf32, #tpu.memory_space<hbm>>) target(%dma_start3A_1016 : memref<1x64xf32, #tpu.memory_space<vmem>>) target_semaphore(%arg4 : memref<!tpu.dma_semaphore, #tpu.memory_space<semaphore_mem>>)
    %mul3A_1019 = arith.constant 256 : i32
    %mul3A_1020 = arith.muli %arg0, %mul3A_1019 : i32
    %add3A_1021 = arith.constant 93 : i32
    %add3A_1022 = arith.addi %mul3A_1020, %add3A_1021 : i32
    %get3A_1023 = arith.index_cast %add3A_1022 : i32 to index
    %get3A_1024 = memref.load %arg1[%get3A_1023] : memref<8192xi32, #tpu.memory_space<smem>>
    %dma_start3A_1025 = arith.constant 93 : i32
    %dma_start3A_1026 = arith.constant 0 : i32
    %dma_start3A_1027 = tpu.memref_slice %arg3[%dma_start3A_1025, %dma_start3A_1026] : memref<256x64xf32, #tpu.memory_space<vmem>> -> memref<1x64xf32, #tpu.memory_space<vmem>>
    %dma_start3A_1028 = arith.constant 0 : i32
    %dma_start3A_1029 = tpu.memref_slice %arg2[%get3A_1024, %dma_start3A_1028] : memref<1000000x64xf32, #tpu.memory_space<hbm>> -> memref<1x64xf32, #tpu.memory_space<hbm>>
    tpu.enqueue_dma source(%dma_start3A_1029 : memref<1x64xf32, #tpu.memory_space<hbm>>) target(%dma_start3A_1027 : memref<1x64xf32, #tpu.memory_space<vmem>>) target_semaphore(%arg4 : memref<!tpu.dma_semaphore, #tpu.memory_space<semaphore_mem>>)
    %mul3A_1030 = arith.constant 256 : i32
    %mul3A_1031 = arith.muli %arg0, %mul3A_1030 : i32
    %add3A_1032 = arith.constant 94 : i32
    %add3A_1033 = arith.addi %mul3A_1031, %add3A_1032 : i32
    %get3A_1034 = arith.index_cast %add3A_1033 : i32 to index
    %get3A_1035 = memref.load %arg1[%get3A_1034] : memref<8192xi32, #tpu.memory_space<smem>>
    %dma_start3A_1036 = arith.constant 94 : i32
    %dma_start3A_1037 = arith.constant 0 : i32
    %dma_start3A_1038 = tpu.memref_slice %arg3[%dma_start3A_1036, %dma_start3A_1037] : memref<256x64xf32, #tpu.memory_space<vmem>> -> memref<1x64xf32, #tpu.memory_space<vmem>>
    %dma_start3A_1039 = arith.constant 0 : i32
    %dma_start3A_1040 = tpu.memref_slice %arg2[%get3A_1035, %dma_start3A_1039] : memref<1000000x64xf32, #tpu.memory_space<hbm>> -> memref<1x64xf32, #tpu.memory_space<hbm>>
    tpu.enqueue_dma source(%dma_start3A_1040 : memref<1x64xf32, #tpu.memory_space<hbm>>) target(%dma_start3A_1038 : memref<1x64xf32, #tpu.memory_space<vmem>>) target_semaphore(%arg4 : memref<!tpu.dma_semaphore, #tpu.memory_space<semaphore_mem>>)
    %mul3A_1041 = arith.constant 256 : i32
    %mul3A_1042 = arith.muli %arg0, %mul3A_1041 : i32
    %add3A_1043 = arith.constant 95 : i32
    %add3A_1044 = arith.addi %mul3A_1042, %add3A_1043 : i32
    %get3A_1045 = arith.index_cast %add3A_1044 : i32 to index
    %get3A_1046 = memref.load %arg1[%get3A_1045] : memref<8192xi32, #tpu.memory_space<smem>>
    %dma_start3A_1047 = arith.constant 95 : i32
    %dma_start3A_1048 = arith.constant 0 : i32
    %dma_start3A_1049 = tpu.memref_slice %arg3[%dma_start3A_1047, %dma_start3A_1048] : memref<256x64xf32, #tpu.memory_space<vmem>> -> memref<1x64xf32, #tpu.memory_space<vmem>>
    %dma_start3A_1050 = arith.constant 0 : i32
    %dma_start3A_1051 = tpu.memref_slice %arg2[%get3A_1046, %dma_start3A_1050] : memref<1000000x64xf32, #tpu.memory_space<hbm>> -> memref<1x64xf32, #tpu.memory_space<hbm>>
    tpu.enqueue_dma source(%dma_start3A_1051 : memref<1x64xf32, #tpu.memory_space<hbm>>) target(%dma_start3A_1049 : memref<1x64xf32, #tpu.memory_space<vmem>>) target_semaphore(%arg4 : memref<!tpu.dma_semaphore, #tpu.memory_space<semaphore_mem>>)
    %mul3A_1052 = arith.constant 256 : i32
    %mul3A_1053 = arith.muli %arg0, %mul3A_1052 : i32
    %add3A_1054 = arith.constant 96 : i32
    %add3A_1055 = arith.addi %mul3A_1053, %add3A_1054 : i32
    %get3A_1056 = arith.index_cast %add3A_1055 : i32 to index
    %get3A_1057 = memref.load %arg1[%get3A_1056] : memref<8192xi32, #tpu.memory_space<smem>>
    %dma_start3A_1058 = arith.constant 96 : i32
    %dma_start3A_1059 = arith.constant 0 : i32
    %dma_start3A_1060 = tpu.memref_slice %arg3[%dma_start3A_1058, %dma_start3A_1059] : memref<256x64xf32, #tpu.memory_space<vmem>> -> memref<1x64xf32, #tpu.memory_space<vmem>>
    %dma_start3A_1061 = arith.constant 0 : i32
    %dma_start3A_1062 = tpu.memref_slice %arg2[%get3A_1057, %dma_start3A_1061] : memref<1000000x64xf32, #tpu.memory_space<hbm>> -> memref<1x64xf32, #tpu.memory_space<hbm>>
    tpu.enqueue_dma source(%dma_start3A_1062 : memref<1x64xf32, #tpu.memory_space<hbm>>) target(%dma_start3A_1060 : memref<1x64xf32, #tpu.memory_space<vmem>>) target_semaphore(%arg4 : memref<!tpu.dma_semaphore, #tpu.memory_space<semaphore_mem>>)
    %mul3A_1063 = arith.constant 256 : i32
    %mul3A_1064 = arith.muli %arg0, %mul3A_1063 : i32
    %add3A_1065 = arith.constant 97 : i32
    %add3A_1066 = arith.addi %mul3A_1064, %add3A_1065 : i32
    %get3A_1067 = arith.index_cast %add3A_1066 : i32 to index
    %get3A_1068 = memref.load %arg1[%get3A_1067] : memref<8192xi32, #tpu.memory_space<smem>>
    %dma_start3A_1069 = arith.constant 97 : i32
    %dma_start3A_1070 = arith.constant 0 : i32
    %dma_start3A_1071 = tpu.memref_slice %arg3[%dma_start3A_1069, %dma_start3A_1070] : memref<256x64xf32, #tpu.memory_space<vmem>> -> memref<1x64xf32, #tpu.memory_space<vmem>>
    %dma_start3A_1072 = arith.constant 0 : i32
    %dma_start3A_1073 = tpu.memref_slice %arg2[%get3A_1068, %dma_start3A_1072] : memref<1000000x64xf32, #tpu.memory_space<hbm>> -> memref<1x64xf32, #tpu.memory_space<hbm>>
    tpu.enqueue_dma source(%dma_start3A_1073 : memref<1x64xf32, #tpu.memory_space<hbm>>) target(%dma_start3A_1071 : memref<1x64xf32, #tpu.memory_space<vmem>>) target_semaphore(%arg4 : memref<!tpu.dma_semaphore, #tpu.memory_space<semaphore_mem>>)
    %mul3A_1074 = arith.constant 256 : i32
    %mul3A_1075 = arith.muli %arg0, %mul3A_1074 : i32
    %add3A_1076 = arith.constant 98 : i32
    %add3A_1077 = arith.addi %mul3A_1075, %add3A_1076 : i32
    %get3A_1078 = arith.index_cast %add3A_1077 : i32 to index
    %get3A_1079 = memref.load %arg1[%get3A_1078] : memref<8192xi32, #tpu.memory_space<smem>>
    %dma_start3A_1080 = arith.constant 98 : i32
    %dma_start3A_1081 = arith.constant 0 : i32
    %dma_start3A_1082 = tpu.memref_slice %arg3[%dma_start3A_1080, %dma_start3A_1081] : memref<256x64xf32, #tpu.memory_space<vmem>> -> memref<1x64xf32, #tpu.memory_space<vmem>>
    %dma_start3A_1083 = arith.constant 0 : i32
    %dma_start3A_1084 = tpu.memref_slice %arg2[%get3A_1079, %dma_start3A_1083] : memref<1000000x64xf32, #tpu.memory_space<hbm>> -> memref<1x64xf32, #tpu.memory_space<hbm>>
    tpu.enqueue_dma source(%dma_start3A_1084 : memref<1x64xf32, #tpu.memory_space<hbm>>) target(%dma_start3A_1082 : memref<1x64xf32, #tpu.memory_space<vmem>>) target_semaphore(%arg4 : memref<!tpu.dma_semaphore, #tpu.memory_space<semaphore_mem>>)
    %mul3A_1085 = arith.constant 256 : i32
    %mul3A_1086 = arith.muli %arg0, %mul3A_1085 : i32
    %add3A_1087 = arith.constant 99 : i32
    %add3A_1088 = arith.addi %mul3A_1086, %add3A_1087 : i32
    %get3A_1089 = arith.index_cast %add3A_1088 : i32 to index
    %get3A_1090 = memref.load %arg1[%get3A_1089] : memref<8192xi32, #tpu.memory_space<smem>>
    %dma_start3A_1091 = arith.constant 99 : i32
    %dma_start3A_1092 = arith.constant 0 : i32
    %dma_start3A_1093 = tpu.memref_slice %arg3[%dma_start3A_1091, %dma_start3A_1092] : memref<256x64xf32, #tpu.memory_space<vmem>> -> memref<1x64xf32, #tpu.memory_space<vmem>>
    %dma_start3A_1094 = arith.constant 0 : i32
    %dma_start3A_1095 = tpu.memref_slice %arg2[%get3A_1090, %dma_start3A_1094] : memref<1000000x64xf32, #tpu.memory_space<hbm>> -> memref<1x64xf32, #tpu.memory_space<hbm>>
    tpu.enqueue_dma source(%dma_start3A_1095 : memref<1x64xf32, #tpu.memory_space<hbm>>) target(%dma_start3A_1093 : memref<1x64xf32, #tpu.memory_space<vmem>>) target_semaphore(%arg4 : memref<!tpu.dma_semaphore, #tpu.memory_space<semaphore_mem>>)
    %mul3A_1096 = arith.constant 256 : i32
    %mul3A_1097 = arith.muli %arg0, %mul3A_1096 : i32
    %add3A_1098 = arith.constant 100 : i32
    %add3A_1099 = arith.addi %mul3A_1097, %add3A_1098 : i32
    %get3A_1100 = arith.index_cast %add3A_1099 : i32 to index
    %get3A_1101 = memref.load %arg1[%get3A_1100] : memref<8192xi32, #tpu.memory_space<smem>>
    %dma_start3A_1102 = arith.constant 100 : i32
    %dma_start3A_1103 = arith.constant 0 : i32
    %dma_start3A_1104 = tpu.memref_slice %arg3[%dma_start3A_1102, %dma_start3A_1103] : memref<256x64xf32, #tpu.memory_space<vmem>> -> memref<1x64xf32, #tpu.memory_space<vmem>>
    %dma_start3A_1105 = arith.constant 0 : i32
    %dma_start3A_1106 = tpu.memref_slice %arg2[%get3A_1101, %dma_start3A_1105] : memref<1000000x64xf32, #tpu.memory_space<hbm>> -> memref<1x64xf32, #tpu.memory_space<hbm>>
    tpu.enqueue_dma source(%dma_start3A_1106 : memref<1x64xf32, #tpu.memory_space<hbm>>) target(%dma_start3A_1104 : memref<1x64xf32, #tpu.memory_space<vmem>>) target_semaphore(%arg4 : memref<!tpu.dma_semaphore, #tpu.memory_space<semaphore_mem>>)
    %mul3A_1107 = arith.constant 256 : i32
    %mul3A_1108 = arith.muli %arg0, %mul3A_1107 : i32
    %add3A_1109 = arith.constant 101 : i32
    %add3A_1110 = arith.addi %mul3A_1108, %add3A_1109 : i32
    %get3A_1111 = arith.index_cast %add3A_1110 : i32 to index
    %get3A_1112 = memref.load %arg1[%get3A_1111] : memref<8192xi32, #tpu.memory_space<smem>>
    %dma_start3A_1113 = arith.constant 101 : i32
    %dma_start3A_1114 = arith.constant 0 : i32
    %dma_start3A_1115 = tpu.memref_slice %arg3[%dma_start3A_1113, %dma_start3A_1114] : memref<256x64xf32, #tpu.memory_space<vmem>> -> memref<1x64xf32, #tpu.memory_space<vmem>>
    %dma_start3A_1116 = arith.constant 0 : i32
    %dma_start3A_1117 = tpu.memref_slice %arg2[%get3A_1112, %dma_start3A_1116] : memref<1000000x64xf32, #tpu.memory_space<hbm>> -> memref<1x64xf32, #tpu.memory_space<hbm>>
    tpu.enqueue_dma source(%dma_start3A_1117 : memref<1x64xf32, #tpu.memory_space<hbm>>) target(%dma_start3A_1115 : memref<1x64xf32, #tpu.memory_space<vmem>>) target_semaphore(%arg4 : memref<!tpu.dma_semaphore, #tpu.memory_space<semaphore_mem>>)
    %mul3A_1118 = arith.constant 256 : i32
    %mul3A_1119 = arith.muli %arg0, %mul3A_1118 : i32
    %add3A_1120 = arith.constant 102 : i32
    %add3A_1121 = arith.addi %mul3A_1119, %add3A_1120 : i32
    %get3A_1122 = arith.index_cast %add3A_1121 : i32 to index
    %get3A_1123 = memref.load %arg1[%get3A_1122] : memref<8192xi32, #tpu.memory_space<smem>>
    %dma_start3A_1124 = arith.constant 102 : i32
    %dma_start3A_1125 = arith.constant 0 : i32
    %dma_start3A_1126 = tpu.memref_slice %arg3[%dma_start3A_1124, %dma_start3A_1125] : memref<256x64xf32, #tpu.memory_space<vmem>> -> memref<1x64xf32, #tpu.memory_space<vmem>>
    %dma_start3A_1127 = arith.constant 0 : i32
    %dma_start3A_1128 = tpu.memref_slice %arg2[%get3A_1123, %dma_start3A_1127] : memref<1000000x64xf32, #tpu.memory_space<hbm>> -> memref<1x64xf32, #tpu.memory_space<hbm>>
    tpu.enqueue_dma source(%dma_start3A_1128 : memref<1x64xf32, #tpu.memory_space<hbm>>) target(%dma_start3A_1126 : memref<1x64xf32, #tpu.memory_space<vmem>>) target_semaphore(%arg4 : memref<!tpu.dma_semaphore, #tpu.memory_space<semaphore_mem>>)
    %mul3A_1129 = arith.constant 256 : i32
    %mul3A_1130 = arith.muli %arg0, %mul3A_1129 : i32
    %add3A_1131 = arith.constant 103 : i32
    %add3A_1132 = arith.addi %mul3A_1130, %add3A_1131 : i32
    %get3A_1133 = arith.index_cast %add3A_1132 : i32 to index
    %get3A_1134 = memref.load %arg1[%get3A_1133] : memref<8192xi32, #tpu.memory_space<smem>>
    %dma_start3A_1135 = arith.constant 103 : i32
    %dma_start3A_1136 = arith.constant 0 : i32
    %dma_start3A_1137 = tpu.memref_slice %arg3[%dma_start3A_1135, %dma_start3A_1136] : memref<256x64xf32, #tpu.memory_space<vmem>> -> memref<1x64xf32, #tpu.memory_space<vmem>>
    %dma_start3A_1138 = arith.constant 0 : i32
    %dma_start3A_1139 = tpu.memref_slice %arg2[%get3A_1134, %dma_start3A_1138] : memref<1000000x64xf32, #tpu.memory_space<hbm>> -> memref<1x64xf32, #tpu.memory_space<hbm>>
    tpu.enqueue_dma source(%dma_start3A_1139 : memref<1x64xf32, #tpu.memory_space<hbm>>) target(%dma_start3A_1137 : memref<1x64xf32, #tpu.memory_space<vmem>>) target_semaphore(%arg4 : memref<!tpu.dma_semaphore, #tpu.memory_space<semaphore_mem>>)
    %mul3A_1140 = arith.constant 256 : i32
    %mul3A_1141 = arith.muli %arg0, %mul3A_1140 : i32
    %add3A_1142 = arith.constant 104 : i32
    %add3A_1143 = arith.addi %mul3A_1141, %add3A_1142 : i32
    %get3A_1144 = arith.index_cast %add3A_1143 : i32 to index
    %get3A_1145 = memref.load %arg1[%get3A_1144] : memref<8192xi32, #tpu.memory_space<smem>>
    %dma_start3A_1146 = arith.constant 104 : i32
    %dma_start3A_1147 = arith.constant 0 : i32
    %dma_start3A_1148 = tpu.memref_slice %arg3[%dma_start3A_1146, %dma_start3A_1147] : memref<256x64xf32, #tpu.memory_space<vmem>> -> memref<1x64xf32, #tpu.memory_space<vmem>>
    %dma_start3A_1149 = arith.constant 0 : i32
    %dma_start3A_1150 = tpu.memref_slice %arg2[%get3A_1145, %dma_start3A_1149] : memref<1000000x64xf32, #tpu.memory_space<hbm>> -> memref<1x64xf32, #tpu.memory_space<hbm>>
    tpu.enqueue_dma source(%dma_start3A_1150 : memref<1x64xf32, #tpu.memory_space<hbm>>) target(%dma_start3A_1148 : memref<1x64xf32, #tpu.memory_space<vmem>>) target_semaphore(%arg4 : memref<!tpu.dma_semaphore, #tpu.memory_space<semaphore_mem>>)
    %mul3A_1151 = arith.constant 256 : i32
    %mul3A_1152 = arith.muli %arg0, %mul3A_1151 : i32
    %add3A_1153 = arith.constant 105 : i32
    %add3A_1154 = arith.addi %mul3A_1152, %add3A_1153 : i32
    %get3A_1155 = arith.index_cast %add3A_1154 : i32 to index
    %get3A_1156 = memref.load %arg1[%get3A_1155] : memref<8192xi32, #tpu.memory_space<smem>>
    %dma_start3A_1157 = arith.constant 105 : i32
    %dma_start3A_1158 = arith.constant 0 : i32
    %dma_start3A_1159 = tpu.memref_slice %arg3[%dma_start3A_1157, %dma_start3A_1158] : memref<256x64xf32, #tpu.memory_space<vmem>> -> memref<1x64xf32, #tpu.memory_space<vmem>>
    %dma_start3A_1160 = arith.constant 0 : i32
    %dma_start3A_1161 = tpu.memref_slice %arg2[%get3A_1156, %dma_start3A_1160] : memref<1000000x64xf32, #tpu.memory_space<hbm>> -> memref<1x64xf32, #tpu.memory_space<hbm>>
    tpu.enqueue_dma source(%dma_start3A_1161 : memref<1x64xf32, #tpu.memory_space<hbm>>) target(%dma_start3A_1159 : memref<1x64xf32, #tpu.memory_space<vmem>>) target_semaphore(%arg4 : memref<!tpu.dma_semaphore, #tpu.memory_space<semaphore_mem>>)
    %mul3A_1162 = arith.constant 256 : i32
    %mul3A_1163 = arith.muli %arg0, %mul3A_1162 : i32
    %add3A_1164 = arith.constant 106 : i32
    %add3A_1165 = arith.addi %mul3A_1163, %add3A_1164 : i32
    %get3A_1166 = arith.index_cast %add3A_1165 : i32 to index
    %get3A_1167 = memref.load %arg1[%get3A_1166] : memref<8192xi32, #tpu.memory_space<smem>>
    %dma_start3A_1168 = arith.constant 106 : i32
    %dma_start3A_1169 = arith.constant 0 : i32
    %dma_start3A_1170 = tpu.memref_slice %arg3[%dma_start3A_1168, %dma_start3A_1169] : memref<256x64xf32, #tpu.memory_space<vmem>> -> memref<1x64xf32, #tpu.memory_space<vmem>>
    %dma_start3A_1171 = arith.constant 0 : i32
    %dma_start3A_1172 = tpu.memref_slice %arg2[%get3A_1167, %dma_start3A_1171] : memref<1000000x64xf32, #tpu.memory_space<hbm>> -> memref<1x64xf32, #tpu.memory_space<hbm>>
    tpu.enqueue_dma source(%dma_start3A_1172 : memref<1x64xf32, #tpu.memory_space<hbm>>) target(%dma_start3A_1170 : memref<1x64xf32, #tpu.memory_space<vmem>>) target_semaphore(%arg4 : memref<!tpu.dma_semaphore, #tpu.memory_space<semaphore_mem>>)
    %mul3A_1173 = arith.constant 256 : i32
    %mul3A_1174 = arith.muli %arg0, %mul3A_1173 : i32
    %add3A_1175 = arith.constant 107 : i32
    %add3A_1176 = arith.addi %mul3A_1174, %add3A_1175 : i32
    %get3A_1177 = arith.index_cast %add3A_1176 : i32 to index
    %get3A_1178 = memref.load %arg1[%get3A_1177] : memref<8192xi32, #tpu.memory_space<smem>>
    %dma_start3A_1179 = arith.constant 107 : i32
    %dma_start3A_1180 = arith.constant 0 : i32
    %dma_start3A_1181 = tpu.memref_slice %arg3[%dma_start3A_1179, %dma_start3A_1180] : memref<256x64xf32, #tpu.memory_space<vmem>> -> memref<1x64xf32, #tpu.memory_space<vmem>>
    %dma_start3A_1182 = arith.constant 0 : i32
    %dma_start3A_1183 = tpu.memref_slice %arg2[%get3A_1178, %dma_start3A_1182] : memref<1000000x64xf32, #tpu.memory_space<hbm>> -> memref<1x64xf32, #tpu.memory_space<hbm>>
    tpu.enqueue_dma source(%dma_start3A_1183 : memref<1x64xf32, #tpu.memory_space<hbm>>) target(%dma_start3A_1181 : memref<1x64xf32, #tpu.memory_space<vmem>>) target_semaphore(%arg4 : memref<!tpu.dma_semaphore, #tpu.memory_space<semaphore_mem>>)
    %mul3A_1184 = arith.constant 256 : i32
    %mul3A_1185 = arith.muli %arg0, %mul3A_1184 : i32
    %add3A_1186 = arith.constant 108 : i32
    %add3A_1187 = arith.addi %mul3A_1185, %add3A_1186 : i32
    %get3A_1188 = arith.index_cast %add3A_1187 : i32 to index
    %get3A_1189 = memref.load %arg1[%get3A_1188] : memref<8192xi32, #tpu.memory_space<smem>>
    %dma_start3A_1190 = arith.constant 108 : i32
    %dma_start3A_1191 = arith.constant 0 : i32
    %dma_start3A_1192 = tpu.memref_slice %arg3[%dma_start3A_1190, %dma_start3A_1191] : memref<256x64xf32, #tpu.memory_space<vmem>> -> memref<1x64xf32, #tpu.memory_space<vmem>>
    %dma_start3A_1193 = arith.constant 0 : i32
    %dma_start3A_1194 = tpu.memref_slice %arg2[%get3A_1189, %dma_start3A_1193] : memref<1000000x64xf32, #tpu.memory_space<hbm>> -> memref<1x64xf32, #tpu.memory_space<hbm>>
    tpu.enqueue_dma source(%dma_start3A_1194 : memref<1x64xf32, #tpu.memory_space<hbm>>) target(%dma_start3A_1192 : memref<1x64xf32, #tpu.memory_space<vmem>>) target_semaphore(%arg4 : memref<!tpu.dma_semaphore, #tpu.memory_space<semaphore_mem>>)
    %mul3A_1195 = arith.constant 256 : i32
    %mul3A_1196 = arith.muli %arg0, %mul3A_1195 : i32
    %add3A_1197 = arith.constant 109 : i32
    %add3A_1198 = arith.addi %mul3A_1196, %add3A_1197 : i32
    %get3A_1199 = arith.index_cast %add3A_1198 : i32 to index
    %get3A_1200 = memref.load %arg1[%get3A_1199] : memref<8192xi32, #tpu.memory_space<smem>>
    %dma_start3A_1201 = arith.constant 109 : i32
    %dma_start3A_1202 = arith.constant 0 : i32
    %dma_start3A_1203 = tpu.memref_slice %arg3[%dma_start3A_1201, %dma_start3A_1202] : memref<256x64xf32, #tpu.memory_space<vmem>> -> memref<1x64xf32, #tpu.memory_space<vmem>>
    %dma_start3A_1204 = arith.constant 0 : i32
    %dma_start3A_1205 = tpu.memref_slice %arg2[%get3A_1200, %dma_start3A_1204] : memref<1000000x64xf32, #tpu.memory_space<hbm>> -> memref<1x64xf32, #tpu.memory_space<hbm>>
    tpu.enqueue_dma source(%dma_start3A_1205 : memref<1x64xf32, #tpu.memory_space<hbm>>) target(%dma_start3A_1203 : memref<1x64xf32, #tpu.memory_space<vmem>>) target_semaphore(%arg4 : memref<!tpu.dma_semaphore, #tpu.memory_space<semaphore_mem>>)
    %mul3A_1206 = arith.constant 256 : i32
    %mul3A_1207 = arith.muli %arg0, %mul3A_1206 : i32
    %add3A_1208 = arith.constant 110 : i32
    %add3A_1209 = arith.addi %mul3A_1207, %add3A_1208 : i32
    %get3A_1210 = arith.index_cast %add3A_1209 : i32 to index
    %get3A_1211 = memref.load %arg1[%get3A_1210] : memref<8192xi32, #tpu.memory_space<smem>>
    %dma_start3A_1212 = arith.constant 110 : i32
    %dma_start3A_1213 = arith.constant 0 : i32
    %dma_start3A_1214 = tpu.memref_slice %arg3[%dma_start3A_1212, %dma_start3A_1213] : memref<256x64xf32, #tpu.memory_space<vmem>> -> memref<1x64xf32, #tpu.memory_space<vmem>>
    %dma_start3A_1215 = arith.constant 0 : i32
    %dma_start3A_1216 = tpu.memref_slice %arg2[%get3A_1211, %dma_start3A_1215] : memref<1000000x64xf32, #tpu.memory_space<hbm>> -> memref<1x64xf32, #tpu.memory_space<hbm>>
    tpu.enqueue_dma source(%dma_start3A_1216 : memref<1x64xf32, #tpu.memory_space<hbm>>) target(%dma_start3A_1214 : memref<1x64xf32, #tpu.memory_space<vmem>>) target_semaphore(%arg4 : memref<!tpu.dma_semaphore, #tpu.memory_space<semaphore_mem>>)
    %mul3A_1217 = arith.constant 256 : i32
    %mul3A_1218 = arith.muli %arg0, %mul3A_1217 : i32
    %add3A_1219 = arith.constant 111 : i32
    %add3A_1220 = arith.addi %mul3A_1218, %add3A_1219 : i32
    %get3A_1221 = arith.index_cast %add3A_1220 : i32 to index
    %get3A_1222 = memref.load %arg1[%get3A_1221] : memref<8192xi32, #tpu.memory_space<smem>>
    %dma_start3A_1223 = arith.constant 111 : i32
    %dma_start3A_1224 = arith.constant 0 : i32
    %dma_start3A_1225 = tpu.memref_slice %arg3[%dma_start3A_1223, %dma_start3A_1224] : memref<256x64xf32, #tpu.memory_space<vmem>> -> memref<1x64xf32, #tpu.memory_space<vmem>>
    %dma_start3A_1226 = arith.constant 0 : i32
    %dma_start3A_1227 = tpu.memref_slice %arg2[%get3A_1222, %dma_start3A_1226] : memref<1000000x64xf32, #tpu.memory_space<hbm>> -> memref<1x64xf32, #tpu.memory_space<hbm>>
    tpu.enqueue_dma source(%dma_start3A_1227 : memref<1x64xf32, #tpu.memory_space<hbm>>) target(%dma_start3A_1225 : memref<1x64xf32, #tpu.memory_space<vmem>>) target_semaphore(%arg4 : memref<!tpu.dma_semaphore, #tpu.memory_space<semaphore_mem>>)
    %mul3A_1228 = arith.constant 256 : i32
    %mul3A_1229 = arith.muli %arg0, %mul3A_1228 : i32
    %add3A_1230 = arith.constant 112 : i32
    %add3A_1231 = arith.addi %mul3A_1229, %add3A_1230 : i32
    %get3A_1232 = arith.index_cast %add3A_1231 : i32 to index
    %get3A_1233 = memref.load %arg1[%get3A_1232] : memref<8192xi32, #tpu.memory_space<smem>>
    %dma_start3A_1234 = arith.constant 112 : i32
    %dma_start3A_1235 = arith.constant 0 : i32
    %dma_start3A_1236 = tpu.memref_slice %arg3[%dma_start3A_1234, %dma_start3A_1235] : memref<256x64xf32, #tpu.memory_space<vmem>> -> memref<1x64xf32, #tpu.memory_space<vmem>>
    %dma_start3A_1237 = arith.constant 0 : i32
    %dma_start3A_1238 = tpu.memref_slice %arg2[%get3A_1233, %dma_start3A_1237] : memref<1000000x64xf32, #tpu.memory_space<hbm>> -> memref<1x64xf32, #tpu.memory_space<hbm>>
    tpu.enqueue_dma source(%dma_start3A_1238 : memref<1x64xf32, #tpu.memory_space<hbm>>) target(%dma_start3A_1236 : memref<1x64xf32, #tpu.memory_space<vmem>>) target_semaphore(%arg4 : memref<!tpu.dma_semaphore, #tpu.memory_space<semaphore_mem>>)
    %mul3A_1239 = arith.constant 256 : i32
    %mul3A_1240 = arith.muli %arg0, %mul3A_1239 : i32
    %add3A_1241 = arith.constant 113 : i32
    %add3A_1242 = arith.addi %mul3A_1240, %add3A_1241 : i32
    %get3A_1243 = arith.index_cast %add3A_1242 : i32 to index
    %get3A_1244 = memref.load %arg1[%get3A_1243] : memref<8192xi32, #tpu.memory_space<smem>>
    %dma_start3A_1245 = arith.constant 113 : i32
    %dma_start3A_1246 = arith.constant 0 : i32
    %dma_start3A_1247 = tpu.memref_slice %arg3[%dma_start3A_1245, %dma_start3A_1246] : memref<256x64xf32, #tpu.memory_space<vmem>> -> memref<1x64xf32, #tpu.memory_space<vmem>>
    %dma_start3A_1248 = arith.constant 0 : i32
    %dma_start3A_1249 = tpu.memref_slice %arg2[%get3A_1244, %dma_start3A_1248] : memref<1000000x64xf32, #tpu.memory_space<hbm>> -> memref<1x64xf32, #tpu.memory_space<hbm>>
    tpu.enqueue_dma source(%dma_start3A_1249 : memref<1x64xf32, #tpu.memory_space<hbm>>) target(%dma_start3A_1247 : memref<1x64xf32, #tpu.memory_space<vmem>>) target_semaphore(%arg4 : memref<!tpu.dma_semaphore, #tpu.memory_space<semaphore_mem>>)
    %mul3A_1250 = arith.constant 256 : i32
    %mul3A_1251 = arith.muli %arg0, %mul3A_1250 : i32
    %add3A_1252 = arith.constant 114 : i32
    %add3A_1253 = arith.addi %mul3A_1251, %add3A_1252 : i32
    %get3A_1254 = arith.index_cast %add3A_1253 : i32 to index
    %get3A_1255 = memref.load %arg1[%get3A_1254] : memref<8192xi32, #tpu.memory_space<smem>>
    %dma_start3A_1256 = arith.constant 114 : i32
    %dma_start3A_1257 = arith.constant 0 : i32
    %dma_start3A_1258 = tpu.memref_slice %arg3[%dma_start3A_1256, %dma_start3A_1257] : memref<256x64xf32, #tpu.memory_space<vmem>> -> memref<1x64xf32, #tpu.memory_space<vmem>>
    %dma_start3A_1259 = arith.constant 0 : i32
    %dma_start3A_1260 = tpu.memref_slice %arg2[%get3A_1255, %dma_start3A_1259] : memref<1000000x64xf32, #tpu.memory_space<hbm>> -> memref<1x64xf32, #tpu.memory_space<hbm>>
    tpu.enqueue_dma source(%dma_start3A_1260 : memref<1x64xf32, #tpu.memory_space<hbm>>) target(%dma_start3A_1258 : memref<1x64xf32, #tpu.memory_space<vmem>>) target_semaphore(%arg4 : memref<!tpu.dma_semaphore, #tpu.memory_space<semaphore_mem>>)
    %mul3A_1261 = arith.constant 256 : i32
    %mul3A_1262 = arith.muli %arg0, %mul3A_1261 : i32
    %add3A_1263 = arith.constant 115 : i32
    %add3A_1264 = arith.addi %mul3A_1262, %add3A_1263 : i32
    %get3A_1265 = arith.index_cast %add3A_1264 : i32 to index
    %get3A_1266 = memref.load %arg1[%get3A_1265] : memref<8192xi32, #tpu.memory_space<smem>>
    %dma_start3A_1267 = arith.constant 115 : i32
    %dma_start3A_1268 = arith.constant 0 : i32
    %dma_start3A_1269 = tpu.memref_slice %arg3[%dma_start3A_1267, %dma_start3A_1268] : memref<256x64xf32, #tpu.memory_space<vmem>> -> memref<1x64xf32, #tpu.memory_space<vmem>>
    %dma_start3A_1270 = arith.constant 0 : i32
    %dma_start3A_1271 = tpu.memref_slice %arg2[%get3A_1266, %dma_start3A_1270] : memref<1000000x64xf32, #tpu.memory_space<hbm>> -> memref<1x64xf32, #tpu.memory_space<hbm>>
    tpu.enqueue_dma source(%dma_start3A_1271 : memref<1x64xf32, #tpu.memory_space<hbm>>) target(%dma_start3A_1269 : memref<1x64xf32, #tpu.memory_space<vmem>>) target_semaphore(%arg4 : memref<!tpu.dma_semaphore, #tpu.memory_space<semaphore_mem>>)
    %mul3A_1272 = arith.constant 256 : i32
    %mul3A_1273 = arith.muli %arg0, %mul3A_1272 : i32
    %add3A_1274 = arith.constant 116 : i32
    %add3A_1275 = arith.addi %mul3A_1273, %add3A_1274 : i32
    %get3A_1276 = arith.index_cast %add3A_1275 : i32 to index
    %get3A_1277 = memref.load %arg1[%get3A_1276] : memref<8192xi32, #tpu.memory_space<smem>>
    %dma_start3A_1278 = arith.constant 116 : i32
    %dma_start3A_1279 = arith.constant 0 : i32
    %dma_start3A_1280 = tpu.memref_slice %arg3[%dma_start3A_1278, %dma_start3A_1279] : memref<256x64xf32, #tpu.memory_space<vmem>> -> memref<1x64xf32, #tpu.memory_space<vmem>>
    %dma_start3A_1281 = arith.constant 0 : i32
    %dma_start3A_1282 = tpu.memref_slice %arg2[%get3A_1277, %dma_start3A_1281] : memref<1000000x64xf32, #tpu.memory_space<hbm>> -> memref<1x64xf32, #tpu.memory_space<hbm>>
    tpu.enqueue_dma source(%dma_start3A_1282 : memref<1x64xf32, #tpu.memory_space<hbm>>) target(%dma_start3A_1280 : memref<1x64xf32, #tpu.memory_space<vmem>>) target_semaphore(%arg4 : memref<!tpu.dma_semaphore, #tpu.memory_space<semaphore_mem>>)
    %mul3A_1283 = arith.constant 256 : i32
    %mul3A_1284 = arith.muli %arg0, %mul3A_1283 : i32
    %add3A_1285 = arith.constant 117 : i32
    %add3A_1286 = arith.addi %mul3A_1284, %add3A_1285 : i32
    %get3A_1287 = arith.index_cast %add3A_1286 : i32 to index
    %get3A_1288 = memref.load %arg1[%get3A_1287] : memref<8192xi32, #tpu.memory_space<smem>>
    %dma_start3A_1289 = arith.constant 117 : i32
    %dma_start3A_1290 = arith.constant 0 : i32
    %dma_start3A_1291 = tpu.memref_slice %arg3[%dma_start3A_1289, %dma_start3A_1290] : memref<256x64xf32, #tpu.memory_space<vmem>> -> memref<1x64xf32, #tpu.memory_space<vmem>>
    %dma_start3A_1292 = arith.constant 0 : i32
    %dma_start3A_1293 = tpu.memref_slice %arg2[%get3A_1288, %dma_start3A_1292] : memref<1000000x64xf32, #tpu.memory_space<hbm>> -> memref<1x64xf32, #tpu.memory_space<hbm>>
    tpu.enqueue_dma source(%dma_start3A_1293 : memref<1x64xf32, #tpu.memory_space<hbm>>) target(%dma_start3A_1291 : memref<1x64xf32, #tpu.memory_space<vmem>>) target_semaphore(%arg4 : memref<!tpu.dma_semaphore, #tpu.memory_space<semaphore_mem>>)
    %mul3A_1294 = arith.constant 256 : i32
    %mul3A_1295 = arith.muli %arg0, %mul3A_1294 : i32
    %add3A_1296 = arith.constant 118 : i32
    %add3A_1297 = arith.addi %mul3A_1295, %add3A_1296 : i32
    %get3A_1298 = arith.index_cast %add3A_1297 : i32 to index
    %get3A_1299 = memref.load %arg1[%get3A_1298] : memref<8192xi32, #tpu.memory_space<smem>>
    %dma_start3A_1300 = arith.constant 118 : i32
    %dma_start3A_1301 = arith.constant 0 : i32
    %dma_start3A_1302 = tpu.memref_slice %arg3[%dma_start3A_1300, %dma_start3A_1301] : memref<256x64xf32, #tpu.memory_space<vmem>> -> memref<1x64xf32, #tpu.memory_space<vmem>>
    %dma_start3A_1303 = arith.constant 0 : i32
    %dma_start3A_1304 = tpu.memref_slice %arg2[%get3A_1299, %dma_start3A_1303] : memref<1000000x64xf32, #tpu.memory_space<hbm>> -> memref<1x64xf32, #tpu.memory_space<hbm>>
    tpu.enqueue_dma source(%dma_start3A_1304 : memref<1x64xf32, #tpu.memory_space<hbm>>) target(%dma_start3A_1302 : memref<1x64xf32, #tpu.memory_space<vmem>>) target_semaphore(%arg4 : memref<!tpu.dma_semaphore, #tpu.memory_space<semaphore_mem>>)
    %mul3A_1305 = arith.constant 256 : i32
    %mul3A_1306 = arith.muli %arg0, %mul3A_1305 : i32
    %add3A_1307 = arith.constant 119 : i32
    %add3A_1308 = arith.addi %mul3A_1306, %add3A_1307 : i32
    %get3A_1309 = arith.index_cast %add3A_1308 : i32 to index
    %get3A_1310 = memref.load %arg1[%get3A_1309] : memref<8192xi32, #tpu.memory_space<smem>>
    %dma_start3A_1311 = arith.constant 119 : i32
    %dma_start3A_1312 = arith.constant 0 : i32
    %dma_start3A_1313 = tpu.memref_slice %arg3[%dma_start3A_1311, %dma_start3A_1312] : memref<256x64xf32, #tpu.memory_space<vmem>> -> memref<1x64xf32, #tpu.memory_space<vmem>>
    %dma_start3A_1314 = arith.constant 0 : i32
    %dma_start3A_1315 = tpu.memref_slice %arg2[%get3A_1310, %dma_start3A_1314] : memref<1000000x64xf32, #tpu.memory_space<hbm>> -> memref<1x64xf32, #tpu.memory_space<hbm>>
    tpu.enqueue_dma source(%dma_start3A_1315 : memref<1x64xf32, #tpu.memory_space<hbm>>) target(%dma_start3A_1313 : memref<1x64xf32, #tpu.memory_space<vmem>>) target_semaphore(%arg4 : memref<!tpu.dma_semaphore, #tpu.memory_space<semaphore_mem>>)
    %mul3A_1316 = arith.constant 256 : i32
    %mul3A_1317 = arith.muli %arg0, %mul3A_1316 : i32
    %add3A_1318 = arith.constant 120 : i32
    %add3A_1319 = arith.addi %mul3A_1317, %add3A_1318 : i32
    %get3A_1320 = arith.index_cast %add3A_1319 : i32 to index
    %get3A_1321 = memref.load %arg1[%get3A_1320] : memref<8192xi32, #tpu.memory_space<smem>>
    %dma_start3A_1322 = arith.constant 120 : i32
    %dma_start3A_1323 = arith.constant 0 : i32
    %dma_start3A_1324 = tpu.memref_slice %arg3[%dma_start3A_1322, %dma_start3A_1323] : memref<256x64xf32, #tpu.memory_space<vmem>> -> memref<1x64xf32, #tpu.memory_space<vmem>>
    %dma_start3A_1325 = arith.constant 0 : i32
    %dma_start3A_1326 = tpu.memref_slice %arg2[%get3A_1321, %dma_start3A_1325] : memref<1000000x64xf32, #tpu.memory_space<hbm>> -> memref<1x64xf32, #tpu.memory_space<hbm>>
    tpu.enqueue_dma source(%dma_start3A_1326 : memref<1x64xf32, #tpu.memory_space<hbm>>) target(%dma_start3A_1324 : memref<1x64xf32, #tpu.memory_space<vmem>>) target_semaphore(%arg4 : memref<!tpu.dma_semaphore, #tpu.memory_space<semaphore_mem>>)
    %mul3A_1327 = arith.constant 256 : i32
    %mul3A_1328 = arith.muli %arg0, %mul3A_1327 : i32
    %add3A_1329 = arith.constant 121 : i32
    %add3A_1330 = arith.addi %mul3A_1328, %add3A_1329 : i32
    %get3A_1331 = arith.index_cast %add3A_1330 : i32 to index
    %get3A_1332 = memref.load %arg1[%get3A_1331] : memref<8192xi32, #tpu.memory_space<smem>>
    %dma_start3A_1333 = arith.constant 121 : i32
    %dma_start3A_1334 = arith.constant 0 : i32
    %dma_start3A_1335 = tpu.memref_slice %arg3[%dma_start3A_1333, %dma_start3A_1334] : memref<256x64xf32, #tpu.memory_space<vmem>> -> memref<1x64xf32, #tpu.memory_space<vmem>>
    %dma_start3A_1336 = arith.constant 0 : i32
    %dma_start3A_1337 = tpu.memref_slice %arg2[%get3A_1332, %dma_start3A_1336] : memref<1000000x64xf32, #tpu.memory_space<hbm>> -> memref<1x64xf32, #tpu.memory_space<hbm>>
    tpu.enqueue_dma source(%dma_start3A_1337 : memref<1x64xf32, #tpu.memory_space<hbm>>) target(%dma_start3A_1335 : memref<1x64xf32, #tpu.memory_space<vmem>>) target_semaphore(%arg4 : memref<!tpu.dma_semaphore, #tpu.memory_space<semaphore_mem>>)
    %mul3A_1338 = arith.constant 256 : i32
    %mul3A_1339 = arith.muli %arg0, %mul3A_1338 : i32
    %add3A_1340 = arith.constant 122 : i32
    %add3A_1341 = arith.addi %mul3A_1339, %add3A_1340 : i32
    %get3A_1342 = arith.index_cast %add3A_1341 : i32 to index
    %get3A_1343 = memref.load %arg1[%get3A_1342] : memref<8192xi32, #tpu.memory_space<smem>>
    %dma_start3A_1344 = arith.constant 122 : i32
    %dma_start3A_1345 = arith.constant 0 : i32
    %dma_start3A_1346 = tpu.memref_slice %arg3[%dma_start3A_1344, %dma_start3A_1345] : memref<256x64xf32, #tpu.memory_space<vmem>> -> memref<1x64xf32, #tpu.memory_space<vmem>>
    %dma_start3A_1347 = arith.constant 0 : i32
    %dma_start3A_1348 = tpu.memref_slice %arg2[%get3A_1343, %dma_start3A_1347] : memref<1000000x64xf32, #tpu.memory_space<hbm>> -> memref<1x64xf32, #tpu.memory_space<hbm>>
    tpu.enqueue_dma source(%dma_start3A_1348 : memref<1x64xf32, #tpu.memory_space<hbm>>) target(%dma_start3A_1346 : memref<1x64xf32, #tpu.memory_space<vmem>>) target_semaphore(%arg4 : memref<!tpu.dma_semaphore, #tpu.memory_space<semaphore_mem>>)
    %mul3A_1349 = arith.constant 256 : i32
    %mul3A_1350 = arith.muli %arg0, %mul3A_1349 : i32
    %add3A_1351 = arith.constant 123 : i32
    %add3A_1352 = arith.addi %mul3A_1350, %add3A_1351 : i32
    %get3A_1353 = arith.index_cast %add3A_1352 : i32 to index
    %get3A_1354 = memref.load %arg1[%get3A_1353] : memref<8192xi32, #tpu.memory_space<smem>>
    %dma_start3A_1355 = arith.constant 123 : i32
    %dma_start3A_1356 = arith.constant 0 : i32
    %dma_start3A_1357 = tpu.memref_slice %arg3[%dma_start3A_1355, %dma_start3A_1356] : memref<256x64xf32, #tpu.memory_space<vmem>> -> memref<1x64xf32, #tpu.memory_space<vmem>>
    %dma_start3A_1358 = arith.constant 0 : i32
    %dma_start3A_1359 = tpu.memref_slice %arg2[%get3A_1354, %dma_start3A_1358] : memref<1000000x64xf32, #tpu.memory_space<hbm>> -> memref<1x64xf32, #tpu.memory_space<hbm>>
    tpu.enqueue_dma source(%dma_start3A_1359 : memref<1x64xf32, #tpu.memory_space<hbm>>) target(%dma_start3A_1357 : memref<1x64xf32, #tpu.memory_space<vmem>>) target_semaphore(%arg4 : memref<!tpu.dma_semaphore, #tpu.memory_space<semaphore_mem>>)
    %mul3A_1360 = arith.constant 256 : i32
    %mul3A_1361 = arith.muli %arg0, %mul3A_1360 : i32
    %add3A_1362 = arith.constant 124 : i32
    %add3A_1363 = arith.addi %mul3A_1361, %add3A_1362 : i32
    %get3A_1364 = arith.index_cast %add3A_1363 : i32 to index
    %get3A_1365 = memref.load %arg1[%get3A_1364] : memref<8192xi32, #tpu.memory_space<smem>>
    %dma_start3A_1366 = arith.constant 124 : i32
    %dma_start3A_1367 = arith.constant 0 : i32
    %dma_start3A_1368 = tpu.memref_slice %arg3[%dma_start3A_1366, %dma_start3A_1367] : memref<256x64xf32, #tpu.memory_space<vmem>> -> memref<1x64xf32, #tpu.memory_space<vmem>>
    %dma_start3A_1369 = arith.constant 0 : i32
    %dma_start3A_1370 = tpu.memref_slice %arg2[%get3A_1365, %dma_start3A_1369] : memref<1000000x64xf32, #tpu.memory_space<hbm>> -> memref<1x64xf32, #tpu.memory_space<hbm>>
    tpu.enqueue_dma source(%dma_start3A_1370 : memref<1x64xf32, #tpu.memory_space<hbm>>) target(%dma_start3A_1368 : memref<1x64xf32, #tpu.memory_space<vmem>>) target_semaphore(%arg4 : memref<!tpu.dma_semaphore, #tpu.memory_space<semaphore_mem>>)
    %mul3A_1371 = arith.constant 256 : i32
    %mul3A_1372 = arith.muli %arg0, %mul3A_1371 : i32
    %add3A_1373 = arith.constant 125 : i32
    %add3A_1374 = arith.addi %mul3A_1372, %add3A_1373 : i32
    %get3A_1375 = arith.index_cast %add3A_1374 : i32 to index
    %get3A_1376 = memref.load %arg1[%get3A_1375] : memref<8192xi32, #tpu.memory_space<smem>>
    %dma_start3A_1377 = arith.constant 125 : i32
    %dma_start3A_1378 = arith.constant 0 : i32
    %dma_start3A_1379 = tpu.memref_slice %arg3[%dma_start3A_1377, %dma_start3A_1378] : memref<256x64xf32, #tpu.memory_space<vmem>> -> memref<1x64xf32, #tpu.memory_space<vmem>>
    %dma_start3A_1380 = arith.constant 0 : i32
    %dma_start3A_1381 = tpu.memref_slice %arg2[%get3A_1376, %dma_start3A_1380] : memref<1000000x64xf32, #tpu.memory_space<hbm>> -> memref<1x64xf32, #tpu.memory_space<hbm>>
    tpu.enqueue_dma source(%dma_start3A_1381 : memref<1x64xf32, #tpu.memory_space<hbm>>) target(%dma_start3A_1379 : memref<1x64xf32, #tpu.memory_space<vmem>>) target_semaphore(%arg4 : memref<!tpu.dma_semaphore, #tpu.memory_space<semaphore_mem>>)
    %mul3A_1382 = arith.constant 256 : i32
    %mul3A_1383 = arith.muli %arg0, %mul3A_1382 : i32
    %add3A_1384 = arith.constant 126 : i32
    %add3A_1385 = arith.addi %mul3A_1383, %add3A_1384 : i32
    %get3A_1386 = arith.index_cast %add3A_1385 : i32 to index
    %get3A_1387 = memref.load %arg1[%get3A_1386] : memref<8192xi32, #tpu.memory_space<smem>>
    %dma_start3A_1388 = arith.constant 126 : i32
    %dma_start3A_1389 = arith.constant 0 : i32
    %dma_start3A_1390 = tpu.memref_slice %arg3[%dma_start3A_1388, %dma_start3A_1389] : memref<256x64xf32, #tpu.memory_space<vmem>> -> memref<1x64xf32, #tpu.memory_space<vmem>>
    %dma_start3A_1391 = arith.constant 0 : i32
    %dma_start3A_1392 = tpu.memref_slice %arg2[%get3A_1387, %dma_start3A_1391] : memref<1000000x64xf32, #tpu.memory_space<hbm>> -> memref<1x64xf32, #tpu.memory_space<hbm>>
    tpu.enqueue_dma source(%dma_start3A_1392 : memref<1x64xf32, #tpu.memory_space<hbm>>) target(%dma_start3A_1390 : memref<1x64xf32, #tpu.memory_space<vmem>>) target_semaphore(%arg4 : memref<!tpu.dma_semaphore, #tpu.memory_space<semaphore_mem>>)
    %mul3A_1393 = arith.constant 256 : i32
    %mul3A_1394 = arith.muli %arg0, %mul3A_1393 : i32
    %add3A_1395 = arith.constant 127 : i32
    %add3A_1396 = arith.addi %mul3A_1394, %add3A_1395 : i32
    %get3A_1397 = arith.index_cast %add3A_1396 : i32 to index
    %get3A_1398 = memref.load %arg1[%get3A_1397] : memref<8192xi32, #tpu.memory_space<smem>>
    %dma_start3A_1399 = arith.constant 127 : i32
    %dma_start3A_1400 = arith.constant 0 : i32
    %dma_start3A_1401 = tpu.memref_slice %arg3[%dma_start3A_1399, %dma_start3A_1400] : memref<256x64xf32, #tpu.memory_space<vmem>> -> memref<1x64xf32, #tpu.memory_space<vmem>>
    %dma_start3A_1402 = arith.constant 0 : i32
    %dma_start3A_1403 = tpu.memref_slice %arg2[%get3A_1398, %dma_start3A_1402] : memref<1000000x64xf32, #tpu.memory_space<hbm>> -> memref<1x64xf32, #tpu.memory_space<hbm>>
    tpu.enqueue_dma source(%dma_start3A_1403 : memref<1x64xf32, #tpu.memory_space<hbm>>) target(%dma_start3A_1401 : memref<1x64xf32, #tpu.memory_space<vmem>>) target_semaphore(%arg4 : memref<!tpu.dma_semaphore, #tpu.memory_space<semaphore_mem>>)
    %mul3A_1404 = arith.constant 256 : i32
    %mul3A_1405 = arith.muli %arg0, %mul3A_1404 : i32
    %add3A_1406 = arith.constant 128 : i32
    %add3A_1407 = arith.addi %mul3A_1405, %add3A_1406 : i32
    %get3A_1408 = arith.index_cast %add3A_1407 : i32 to index
    %get3A_1409 = memref.load %arg1[%get3A_1408] : memref<8192xi32, #tpu.memory_space<smem>>
    %dma_start3A_1410 = arith.constant 128 : i32
    %dma_start3A_1411 = arith.constant 0 : i32
    %dma_start3A_1412 = tpu.memref_slice %arg3[%dma_start3A_1410, %dma_start3A_1411] : memref<256x64xf32, #tpu.memory_space<vmem>> -> memref<1x64xf32, #tpu.memory_space<vmem>>
    %dma_start3A_1413 = arith.constant 0 : i32
    %dma_start3A_1414 = tpu.memref_slice %arg2[%get3A_1409, %dma_start3A_1413] : memref<1000000x64xf32, #tpu.memory_space<hbm>> -> memref<1x64xf32, #tpu.memory_space<hbm>>
    tpu.enqueue_dma source(%dma_start3A_1414 : memref<1x64xf32, #tpu.memory_space<hbm>>) target(%dma_start3A_1412 : memref<1x64xf32, #tpu.memory_space<vmem>>) target_semaphore(%arg4 : memref<!tpu.dma_semaphore, #tpu.memory_space<semaphore_mem>>)
    %mul3A_1415 = arith.constant 256 : i32
    %mul3A_1416 = arith.muli %arg0, %mul3A_1415 : i32
    %add3A_1417 = arith.constant 129 : i32
    %add3A_1418 = arith.addi %mul3A_1416, %add3A_1417 : i32
    %get3A_1419 = arith.index_cast %add3A_1418 : i32 to index
    %get3A_1420 = memref.load %arg1[%get3A_1419] : memref<8192xi32, #tpu.memory_space<smem>>
    %dma_start3A_1421 = arith.constant 129 : i32
    %dma_start3A_1422 = arith.constant 0 : i32
    %dma_start3A_1423 = tpu.memref_slice %arg3[%dma_start3A_1421, %dma_start3A_1422] : memref<256x64xf32, #tpu.memory_space<vmem>> -> memref<1x64xf32, #tpu.memory_space<vmem>>
    %dma_start3A_1424 = arith.constant 0 : i32
    %dma_start3A_1425 = tpu.memref_slice %arg2[%get3A_1420, %dma_start3A_1424] : memref<1000000x64xf32, #tpu.memory_space<hbm>> -> memref<1x64xf32, #tpu.memory_space<hbm>>
    tpu.enqueue_dma source(%dma_start3A_1425 : memref<1x64xf32, #tpu.memory_space<hbm>>) target(%dma_start3A_1423 : memref<1x64xf32, #tpu.memory_space<vmem>>) target_semaphore(%arg4 : memref<!tpu.dma_semaphore, #tpu.memory_space<semaphore_mem>>)
    %mul3A_1426 = arith.constant 256 : i32
    %mul3A_1427 = arith.muli %arg0, %mul3A_1426 : i32
    %add3A_1428 = arith.constant 130 : i32
    %add3A_1429 = arith.addi %mul3A_1427, %add3A_1428 : i32
    %get3A_1430 = arith.index_cast %add3A_1429 : i32 to index
    %get3A_1431 = memref.load %arg1[%get3A_1430] : memref<8192xi32, #tpu.memory_space<smem>>
    %dma_start3A_1432 = arith.constant 130 : i32
    %dma_start3A_1433 = arith.constant 0 : i32
    %dma_start3A_1434 = tpu.memref_slice %arg3[%dma_start3A_1432, %dma_start3A_1433] : memref<256x64xf32, #tpu.memory_space<vmem>> -> memref<1x64xf32, #tpu.memory_space<vmem>>
    %dma_start3A_1435 = arith.constant 0 : i32
    %dma_start3A_1436 = tpu.memref_slice %arg2[%get3A_1431, %dma_start3A_1435] : memref<1000000x64xf32, #tpu.memory_space<hbm>> -> memref<1x64xf32, #tpu.memory_space<hbm>>
    tpu.enqueue_dma source(%dma_start3A_1436 : memref<1x64xf32, #tpu.memory_space<hbm>>) target(%dma_start3A_1434 : memref<1x64xf32, #tpu.memory_space<vmem>>) target_semaphore(%arg4 : memref<!tpu.dma_semaphore, #tpu.memory_space<semaphore_mem>>)
    %mul3A_1437 = arith.constant 256 : i32
    %mul3A_1438 = arith.muli %arg0, %mul3A_1437 : i32
    %add3A_1439 = arith.constant 131 : i32
    %add3A_1440 = arith.addi %mul3A_1438, %add3A_1439 : i32
    %get3A_1441 = arith.index_cast %add3A_1440 : i32 to index
    %get3A_1442 = memref.load %arg1[%get3A_1441] : memref<8192xi32, #tpu.memory_space<smem>>
    %dma_start3A_1443 = arith.constant 131 : i32
    %dma_start3A_1444 = arith.constant 0 : i32
    %dma_start3A_1445 = tpu.memref_slice %arg3[%dma_start3A_1443, %dma_start3A_1444] : memref<256x64xf32, #tpu.memory_space<vmem>> -> memref<1x64xf32, #tpu.memory_space<vmem>>
    %dma_start3A_1446 = arith.constant 0 : i32
    %dma_start3A_1447 = tpu.memref_slice %arg2[%get3A_1442, %dma_start3A_1446] : memref<1000000x64xf32, #tpu.memory_space<hbm>> -> memref<1x64xf32, #tpu.memory_space<hbm>>
    tpu.enqueue_dma source(%dma_start3A_1447 : memref<1x64xf32, #tpu.memory_space<hbm>>) target(%dma_start3A_1445 : memref<1x64xf32, #tpu.memory_space<vmem>>) target_semaphore(%arg4 : memref<!tpu.dma_semaphore, #tpu.memory_space<semaphore_mem>>)
    %mul3A_1448 = arith.constant 256 : i32
    %mul3A_1449 = arith.muli %arg0, %mul3A_1448 : i32
    %add3A_1450 = arith.constant 132 : i32
    %add3A_1451 = arith.addi %mul3A_1449, %add3A_1450 : i32
    %get3A_1452 = arith.index_cast %add3A_1451 : i32 to index
    %get3A_1453 = memref.load %arg1[%get3A_1452] : memref<8192xi32, #tpu.memory_space<smem>>
    %dma_start3A_1454 = arith.constant 132 : i32
    %dma_start3A_1455 = arith.constant 0 : i32
    %dma_start3A_1456 = tpu.memref_slice %arg3[%dma_start3A_1454, %dma_start3A_1455] : memref<256x64xf32, #tpu.memory_space<vmem>> -> memref<1x64xf32, #tpu.memory_space<vmem>>
    %dma_start3A_1457 = arith.constant 0 : i32
    %dma_start3A_1458 = tpu.memref_slice %arg2[%get3A_1453, %dma_start3A_1457] : memref<1000000x64xf32, #tpu.memory_space<hbm>> -> memref<1x64xf32, #tpu.memory_space<hbm>>
    tpu.enqueue_dma source(%dma_start3A_1458 : memref<1x64xf32, #tpu.memory_space<hbm>>) target(%dma_start3A_1456 : memref<1x64xf32, #tpu.memory_space<vmem>>) target_semaphore(%arg4 : memref<!tpu.dma_semaphore, #tpu.memory_space<semaphore_mem>>)
    %mul3A_1459 = arith.constant 256 : i32
    %mul3A_1460 = arith.muli %arg0, %mul3A_1459 : i32
    %add3A_1461 = arith.constant 133 : i32
    %add3A_1462 = arith.addi %mul3A_1460, %add3A_1461 : i32
    %get3A_1463 = arith.index_cast %add3A_1462 : i32 to index
    %get3A_1464 = memref.load %arg1[%get3A_1463] : memref<8192xi32, #tpu.memory_space<smem>>
    %dma_start3A_1465 = arith.constant 133 : i32
    %dma_start3A_1466 = arith.constant 0 : i32
    %dma_start3A_1467 = tpu.memref_slice %arg3[%dma_start3A_1465, %dma_start3A_1466] : memref<256x64xf32, #tpu.memory_space<vmem>> -> memref<1x64xf32, #tpu.memory_space<vmem>>
    %dma_start3A_1468 = arith.constant 0 : i32
    %dma_start3A_1469 = tpu.memref_slice %arg2[%get3A_1464, %dma_start3A_1468] : memref<1000000x64xf32, #tpu.memory_space<hbm>> -> memref<1x64xf32, #tpu.memory_space<hbm>>
    tpu.enqueue_dma source(%dma_start3A_1469 : memref<1x64xf32, #tpu.memory_space<hbm>>) target(%dma_start3A_1467 : memref<1x64xf32, #tpu.memory_space<vmem>>) target_semaphore(%arg4 : memref<!tpu.dma_semaphore, #tpu.memory_space<semaphore_mem>>)
    %mul3A_1470 = arith.constant 256 : i32
    %mul3A_1471 = arith.muli %arg0, %mul3A_1470 : i32
    %add3A_1472 = arith.constant 134 : i32
    %add3A_1473 = arith.addi %mul3A_1471, %add3A_1472 : i32
    %get3A_1474 = arith.index_cast %add3A_1473 : i32 to index
    %get3A_1475 = memref.load %arg1[%get3A_1474] : memref<8192xi32, #tpu.memory_space<smem>>
    %dma_start3A_1476 = arith.constant 134 : i32
    %dma_start3A_1477 = arith.constant 0 : i32
    %dma_start3A_1478 = tpu.memref_slice %arg3[%dma_start3A_1476, %dma_start3A_1477] : memref<256x64xf32, #tpu.memory_space<vmem>> -> memref<1x64xf32, #tpu.memory_space<vmem>>
    %dma_start3A_1479 = arith.constant 0 : i32
    %dma_start3A_1480 = tpu.memref_slice %arg2[%get3A_1475, %dma_start3A_1479] : memref<1000000x64xf32, #tpu.memory_space<hbm>> -> memref<1x64xf32, #tpu.memory_space<hbm>>
    tpu.enqueue_dma source(%dma_start3A_1480 : memref<1x64xf32, #tpu.memory_space<hbm>>) target(%dma_start3A_1478 : memref<1x64xf32, #tpu.memory_space<vmem>>) target_semaphore(%arg4 : memref<!tpu.dma_semaphore, #tpu.memory_space<semaphore_mem>>)
    %mul3A_1481 = arith.constant 256 : i32
    %mul3A_1482 = arith.muli %arg0, %mul3A_1481 : i32
    %add3A_1483 = arith.constant 135 : i32
    %add3A_1484 = arith.addi %mul3A_1482, %add3A_1483 : i32
    %get3A_1485 = arith.index_cast %add3A_1484 : i32 to index
    %get3A_1486 = memref.load %arg1[%get3A_1485] : memref<8192xi32, #tpu.memory_space<smem>>
    %dma_start3A_1487 = arith.constant 135 : i32
    %dma_start3A_1488 = arith.constant 0 : i32
    %dma_start3A_1489 = tpu.memref_slice %arg3[%dma_start3A_1487, %dma_start3A_1488] : memref<256x64xf32, #tpu.memory_space<vmem>> -> memref<1x64xf32, #tpu.memory_space<vmem>>
    %dma_start3A_1490 = arith.constant 0 : i32
    %dma_start3A_1491 = tpu.memref_slice %arg2[%get3A_1486, %dma_start3A_1490] : memref<1000000x64xf32, #tpu.memory_space<hbm>> -> memref<1x64xf32, #tpu.memory_space<hbm>>
    tpu.enqueue_dma source(%dma_start3A_1491 : memref<1x64xf32, #tpu.memory_space<hbm>>) target(%dma_start3A_1489 : memref<1x64xf32, #tpu.memory_space<vmem>>) target_semaphore(%arg4 : memref<!tpu.dma_semaphore, #tpu.memory_space<semaphore_mem>>)
    %mul3A_1492 = arith.constant 256 : i32
    %mul3A_1493 = arith.muli %arg0, %mul3A_1492 : i32
    %add3A_1494 = arith.constant 136 : i32
    %add3A_1495 = arith.addi %mul3A_1493, %add3A_1494 : i32
    %get3A_1496 = arith.index_cast %add3A_1495 : i32 to index
    %get3A_1497 = memref.load %arg1[%get3A_1496] : memref<8192xi32, #tpu.memory_space<smem>>
    %dma_start3A_1498 = arith.constant 136 : i32
    %dma_start3A_1499 = arith.constant 0 : i32
    %dma_start3A_1500 = tpu.memref_slice %arg3[%dma_start3A_1498, %dma_start3A_1499] : memref<256x64xf32, #tpu.memory_space<vmem>> -> memref<1x64xf32, #tpu.memory_space<vmem>>
    %dma_start3A_1501 = arith.constant 0 : i32
    %dma_start3A_1502 = tpu.memref_slice %arg2[%get3A_1497, %dma_start3A_1501] : memref<1000000x64xf32, #tpu.memory_space<hbm>> -> memref<1x64xf32, #tpu.memory_space<hbm>>
    tpu.enqueue_dma source(%dma_start3A_1502 : memref<1x64xf32, #tpu.memory_space<hbm>>) target(%dma_start3A_1500 : memref<1x64xf32, #tpu.memory_space<vmem>>) target_semaphore(%arg4 : memref<!tpu.dma_semaphore, #tpu.memory_space<semaphore_mem>>)
    %mul3A_1503 = arith.constant 256 : i32
    %mul3A_1504 = arith.muli %arg0, %mul3A_1503 : i32
    %add3A_1505 = arith.constant 137 : i32
    %add3A_1506 = arith.addi %mul3A_1504, %add3A_1505 : i32
    %get3A_1507 = arith.index_cast %add3A_1506 : i32 to index
    %get3A_1508 = memref.load %arg1[%get3A_1507] : memref<8192xi32, #tpu.memory_space<smem>>
    %dma_start3A_1509 = arith.constant 137 : i32
    %dma_start3A_1510 = arith.constant 0 : i32
    %dma_start3A_1511 = tpu.memref_slice %arg3[%dma_start3A_1509, %dma_start3A_1510] : memref<256x64xf32, #tpu.memory_space<vmem>> -> memref<1x64xf32, #tpu.memory_space<vmem>>
    %dma_start3A_1512 = arith.constant 0 : i32
    %dma_start3A_1513 = tpu.memref_slice %arg2[%get3A_1508, %dma_start3A_1512] : memref<1000000x64xf32, #tpu.memory_space<hbm>> -> memref<1x64xf32, #tpu.memory_space<hbm>>
    tpu.enqueue_dma source(%dma_start3A_1513 : memref<1x64xf32, #tpu.memory_space<hbm>>) target(%dma_start3A_1511 : memref<1x64xf32, #tpu.memory_space<vmem>>) target_semaphore(%arg4 : memref<!tpu.dma_semaphore, #tpu.memory_space<semaphore_mem>>)
    %mul3A_1514 = arith.constant 256 : i32
    %mul3A_1515 = arith.muli %arg0, %mul3A_1514 : i32
    %add3A_1516 = arith.constant 138 : i32
    %add3A_1517 = arith.addi %mul3A_1515, %add3A_1516 : i32
    %get3A_1518 = arith.index_cast %add3A_1517 : i32 to index
    %get3A_1519 = memref.load %arg1[%get3A_1518] : memref<8192xi32, #tpu.memory_space<smem>>
    %dma_start3A_1520 = arith.constant 138 : i32
    %dma_start3A_1521 = arith.constant 0 : i32
    %dma_start3A_1522 = tpu.memref_slice %arg3[%dma_start3A_1520, %dma_start3A_1521] : memref<256x64xf32, #tpu.memory_space<vmem>> -> memref<1x64xf32, #tpu.memory_space<vmem>>
    %dma_start3A_1523 = arith.constant 0 : i32
    %dma_start3A_1524 = tpu.memref_slice %arg2[%get3A_1519, %dma_start3A_1523] : memref<1000000x64xf32, #tpu.memory_space<hbm>> -> memref<1x64xf32, #tpu.memory_space<hbm>>
    tpu.enqueue_dma source(%dma_start3A_1524 : memref<1x64xf32, #tpu.memory_space<hbm>>) target(%dma_start3A_1522 : memref<1x64xf32, #tpu.memory_space<vmem>>) target_semaphore(%arg4 : memref<!tpu.dma_semaphore, #tpu.memory_space<semaphore_mem>>)
    %mul3A_1525 = arith.constant 256 : i32
    %mul3A_1526 = arith.muli %arg0, %mul3A_1525 : i32
    %add3A_1527 = arith.constant 139 : i32
    %add3A_1528 = arith.addi %mul3A_1526, %add3A_1527 : i32
    %get3A_1529 = arith.index_cast %add3A_1528 : i32 to index
    %get3A_1530 = memref.load %arg1[%get3A_1529] : memref<8192xi32, #tpu.memory_space<smem>>
    %dma_start3A_1531 = arith.constant 139 : i32
    %dma_start3A_1532 = arith.constant 0 : i32
    %dma_start3A_1533 = tpu.memref_slice %arg3[%dma_start3A_1531, %dma_start3A_1532] : memref<256x64xf32, #tpu.memory_space<vmem>> -> memref<1x64xf32, #tpu.memory_space<vmem>>
    %dma_start3A_1534 = arith.constant 0 : i32
    %dma_start3A_1535 = tpu.memref_slice %arg2[%get3A_1530, %dma_start3A_1534] : memref<1000000x64xf32, #tpu.memory_space<hbm>> -> memref<1x64xf32, #tpu.memory_space<hbm>>
    tpu.enqueue_dma source(%dma_start3A_1535 : memref<1x64xf32, #tpu.memory_space<hbm>>) target(%dma_start3A_1533 : memref<1x64xf32, #tpu.memory_space<vmem>>) target_semaphore(%arg4 : memref<!tpu.dma_semaphore, #tpu.memory_space<semaphore_mem>>)
    %mul3A_1536 = arith.constant 256 : i32
    %mul3A_1537 = arith.muli %arg0, %mul3A_1536 : i32
    %add3A_1538 = arith.constant 140 : i32
    %add3A_1539 = arith.addi %mul3A_1537, %add3A_1538 : i32
    %get3A_1540 = arith.index_cast %add3A_1539 : i32 to index
    %get3A_1541 = memref.load %arg1[%get3A_1540] : memref<8192xi32, #tpu.memory_space<smem>>
    %dma_start3A_1542 = arith.constant 140 : i32
    %dma_start3A_1543 = arith.constant 0 : i32
    %dma_start3A_1544 = tpu.memref_slice %arg3[%dma_start3A_1542, %dma_start3A_1543] : memref<256x64xf32, #tpu.memory_space<vmem>> -> memref<1x64xf32, #tpu.memory_space<vmem>>
    %dma_start3A_1545 = arith.constant 0 : i32
    %dma_start3A_1546 = tpu.memref_slice %arg2[%get3A_1541, %dma_start3A_1545] : memref<1000000x64xf32, #tpu.memory_space<hbm>> -> memref<1x64xf32, #tpu.memory_space<hbm>>
    tpu.enqueue_dma source(%dma_start3A_1546 : memref<1x64xf32, #tpu.memory_space<hbm>>) target(%dma_start3A_1544 : memref<1x64xf32, #tpu.memory_space<vmem>>) target_semaphore(%arg4 : memref<!tpu.dma_semaphore, #tpu.memory_space<semaphore_mem>>)
    %mul3A_1547 = arith.constant 256 : i32
    %mul3A_1548 = arith.muli %arg0, %mul3A_1547 : i32
    %add3A_1549 = arith.constant 141 : i32
    %add3A_1550 = arith.addi %mul3A_1548, %add3A_1549 : i32
    %get3A_1551 = arith.index_cast %add3A_1550 : i32 to index
    %get3A_1552 = memref.load %arg1[%get3A_1551] : memref<8192xi32, #tpu.memory_space<smem>>
    %dma_start3A_1553 = arith.constant 141 : i32
    %dma_start3A_1554 = arith.constant 0 : i32
    %dma_start3A_1555 = tpu.memref_slice %arg3[%dma_start3A_1553, %dma_start3A_1554] : memref<256x64xf32, #tpu.memory_space<vmem>> -> memref<1x64xf32, #tpu.memory_space<vmem>>
    %dma_start3A_1556 = arith.constant 0 : i32
    %dma_start3A_1557 = tpu.memref_slice %arg2[%get3A_1552, %dma_start3A_1556] : memref<1000000x64xf32, #tpu.memory_space<hbm>> -> memref<1x64xf32, #tpu.memory_space<hbm>>
    tpu.enqueue_dma source(%dma_start3A_1557 : memref<1x64xf32, #tpu.memory_space<hbm>>) target(%dma_start3A_1555 : memref<1x64xf32, #tpu.memory_space<vmem>>) target_semaphore(%arg4 : memref<!tpu.dma_semaphore, #tpu.memory_space<semaphore_mem>>)
    %mul3A_1558 = arith.constant 256 : i32
    %mul3A_1559 = arith.muli %arg0, %mul3A_1558 : i32
    %add3A_1560 = arith.constant 142 : i32
    %add3A_1561 = arith.addi %mul3A_1559, %add3A_1560 : i32
    %get3A_1562 = arith.index_cast %add3A_1561 : i32 to index
    %get3A_1563 = memref.load %arg1[%get3A_1562] : memref<8192xi32, #tpu.memory_space<smem>>
    %dma_start3A_1564 = arith.constant 142 : i32
    %dma_start3A_1565 = arith.constant 0 : i32
    %dma_start3A_1566 = tpu.memref_slice %arg3[%dma_start3A_1564, %dma_start3A_1565] : memref<256x64xf32, #tpu.memory_space<vmem>> -> memref<1x64xf32, #tpu.memory_space<vmem>>
    %dma_start3A_1567 = arith.constant 0 : i32
    %dma_start3A_1568 = tpu.memref_slice %arg2[%get3A_1563, %dma_start3A_1567] : memref<1000000x64xf32, #tpu.memory_space<hbm>> -> memref<1x64xf32, #tpu.memory_space<hbm>>
    tpu.enqueue_dma source(%dma_start3A_1568 : memref<1x64xf32, #tpu.memory_space<hbm>>) target(%dma_start3A_1566 : memref<1x64xf32, #tpu.memory_space<vmem>>) target_semaphore(%arg4 : memref<!tpu.dma_semaphore, #tpu.memory_space<semaphore_mem>>)
    %mul3A_1569 = arith.constant 256 : i32
    %mul3A_1570 = arith.muli %arg0, %mul3A_1569 : i32
    %add3A_1571 = arith.constant 143 : i32
    %add3A_1572 = arith.addi %mul3A_1570, %add3A_1571 : i32
    %get3A_1573 = arith.index_cast %add3A_1572 : i32 to index
    %get3A_1574 = memref.load %arg1[%get3A_1573] : memref<8192xi32, #tpu.memory_space<smem>>
    %dma_start3A_1575 = arith.constant 143 : i32
    %dma_start3A_1576 = arith.constant 0 : i32
    %dma_start3A_1577 = tpu.memref_slice %arg3[%dma_start3A_1575, %dma_start3A_1576] : memref<256x64xf32, #tpu.memory_space<vmem>> -> memref<1x64xf32, #tpu.memory_space<vmem>>
    %dma_start3A_1578 = arith.constant 0 : i32
    %dma_start3A_1579 = tpu.memref_slice %arg2[%get3A_1574, %dma_start3A_1578] : memref<1000000x64xf32, #tpu.memory_space<hbm>> -> memref<1x64xf32, #tpu.memory_space<hbm>>
    tpu.enqueue_dma source(%dma_start3A_1579 : memref<1x64xf32, #tpu.memory_space<hbm>>) target(%dma_start3A_1577 : memref<1x64xf32, #tpu.memory_space<vmem>>) target_semaphore(%arg4 : memref<!tpu.dma_semaphore, #tpu.memory_space<semaphore_mem>>)
    %mul3A_1580 = arith.constant 256 : i32
    %mul3A_1581 = arith.muli %arg0, %mul3A_1580 : i32
    %add3A_1582 = arith.constant 144 : i32
    %add3A_1583 = arith.addi %mul3A_1581, %add3A_1582 : i32
    %get3A_1584 = arith.index_cast %add3A_1583 : i32 to index
    %get3A_1585 = memref.load %arg1[%get3A_1584] : memref<8192xi32, #tpu.memory_space<smem>>
    %dma_start3A_1586 = arith.constant 144 : i32
    %dma_start3A_1587 = arith.constant 0 : i32
    %dma_start3A_1588 = tpu.memref_slice %arg3[%dma_start3A_1586, %dma_start3A_1587] : memref<256x64xf32, #tpu.memory_space<vmem>> -> memref<1x64xf32, #tpu.memory_space<vmem>>
    %dma_start3A_1589 = arith.constant 0 : i32
    %dma_start3A_1590 = tpu.memref_slice %arg2[%get3A_1585, %dma_start3A_1589] : memref<1000000x64xf32, #tpu.memory_space<hbm>> -> memref<1x64xf32, #tpu.memory_space<hbm>>
    tpu.enqueue_dma source(%dma_start3A_1590 : memref<1x64xf32, #tpu.memory_space<hbm>>) target(%dma_start3A_1588 : memref<1x64xf32, #tpu.memory_space<vmem>>) target_semaphore(%arg4 : memref<!tpu.dma_semaphore, #tpu.memory_space<semaphore_mem>>)
    %mul3A_1591 = arith.constant 256 : i32
    %mul3A_1592 = arith.muli %arg0, %mul3A_1591 : i32
    %add3A_1593 = arith.constant 145 : i32
    %add3A_1594 = arith.addi %mul3A_1592, %add3A_1593 : i32
    %get3A_1595 = arith.index_cast %add3A_1594 : i32 to index
    %get3A_1596 = memref.load %arg1[%get3A_1595] : memref<8192xi32, #tpu.memory_space<smem>>
    %dma_start3A_1597 = arith.constant 145 : i32
    %dma_start3A_1598 = arith.constant 0 : i32
    %dma_start3A_1599 = tpu.memref_slice %arg3[%dma_start3A_1597, %dma_start3A_1598] : memref<256x64xf32, #tpu.memory_space<vmem>> -> memref<1x64xf32, #tpu.memory_space<vmem>>
    %dma_start3A_1600 = arith.constant 0 : i32
    %dma_start3A_1601 = tpu.memref_slice %arg2[%get3A_1596, %dma_start3A_1600] : memref<1000000x64xf32, #tpu.memory_space<hbm>> -> memref<1x64xf32, #tpu.memory_space<hbm>>
    tpu.enqueue_dma source(%dma_start3A_1601 : memref<1x64xf32, #tpu.memory_space<hbm>>) target(%dma_start3A_1599 : memref<1x64xf32, #tpu.memory_space<vmem>>) target_semaphore(%arg4 : memref<!tpu.dma_semaphore, #tpu.memory_space<semaphore_mem>>)
    %mul3A_1602 = arith.constant 256 : i32
    %mul3A_1603 = arith.muli %arg0, %mul3A_1602 : i32
    %add3A_1604 = arith.constant 146 : i32
    %add3A_1605 = arith.addi %mul3A_1603, %add3A_1604 : i32
    %get3A_1606 = arith.index_cast %add3A_1605 : i32 to index
    %get3A_1607 = memref.load %arg1[%get3A_1606] : memref<8192xi32, #tpu.memory_space<smem>>
    %dma_start3A_1608 = arith.constant 146 : i32
    %dma_start3A_1609 = arith.constant 0 : i32
    %dma_start3A_1610 = tpu.memref_slice %arg3[%dma_start3A_1608, %dma_start3A_1609] : memref<256x64xf32, #tpu.memory_space<vmem>> -> memref<1x64xf32, #tpu.memory_space<vmem>>
    %dma_start3A_1611 = arith.constant 0 : i32
    %dma_start3A_1612 = tpu.memref_slice %arg2[%get3A_1607, %dma_start3A_1611] : memref<1000000x64xf32, #tpu.memory_space<hbm>> -> memref<1x64xf32, #tpu.memory_space<hbm>>
    tpu.enqueue_dma source(%dma_start3A_1612 : memref<1x64xf32, #tpu.memory_space<hbm>>) target(%dma_start3A_1610 : memref<1x64xf32, #tpu.memory_space<vmem>>) target_semaphore(%arg4 : memref<!tpu.dma_semaphore, #tpu.memory_space<semaphore_mem>>)
    %mul3A_1613 = arith.constant 256 : i32
    %mul3A_1614 = arith.muli %arg0, %mul3A_1613 : i32
    %add3A_1615 = arith.constant 147 : i32
    %add3A_1616 = arith.addi %mul3A_1614, %add3A_1615 : i32
    %get3A_1617 = arith.index_cast %add3A_1616 : i32 to index
    %get3A_1618 = memref.load %arg1[%get3A_1617] : memref<8192xi32, #tpu.memory_space<smem>>
    %dma_start3A_1619 = arith.constant 147 : i32
    %dma_start3A_1620 = arith.constant 0 : i32
    %dma_start3A_1621 = tpu.memref_slice %arg3[%dma_start3A_1619, %dma_start3A_1620] : memref<256x64xf32, #tpu.memory_space<vmem>> -> memref<1x64xf32, #tpu.memory_space<vmem>>
    %dma_start3A_1622 = arith.constant 0 : i32
    %dma_start3A_1623 = tpu.memref_slice %arg2[%get3A_1618, %dma_start3A_1622] : memref<1000000x64xf32, #tpu.memory_space<hbm>> -> memref<1x64xf32, #tpu.memory_space<hbm>>
    tpu.enqueue_dma source(%dma_start3A_1623 : memref<1x64xf32, #tpu.memory_space<hbm>>) target(%dma_start3A_1621 : memref<1x64xf32, #tpu.memory_space<vmem>>) target_semaphore(%arg4 : memref<!tpu.dma_semaphore, #tpu.memory_space<semaphore_mem>>)
    %mul3A_1624 = arith.constant 256 : i32
    %mul3A_1625 = arith.muli %arg0, %mul3A_1624 : i32
    %add3A_1626 = arith.constant 148 : i32
    %add3A_1627 = arith.addi %mul3A_1625, %add3A_1626 : i32
    %get3A_1628 = arith.index_cast %add3A_1627 : i32 to index
    %get3A_1629 = memref.load %arg1[%get3A_1628] : memref<8192xi32, #tpu.memory_space<smem>>
    %dma_start3A_1630 = arith.constant 148 : i32
    %dma_start3A_1631 = arith.constant 0 : i32
    %dma_start3A_1632 = tpu.memref_slice %arg3[%dma_start3A_1630, %dma_start3A_1631] : memref<256x64xf32, #tpu.memory_space<vmem>> -> memref<1x64xf32, #tpu.memory_space<vmem>>
    %dma_start3A_1633 = arith.constant 0 : i32
    %dma_start3A_1634 = tpu.memref_slice %arg2[%get3A_1629, %dma_start3A_1633] : memref<1000000x64xf32, #tpu.memory_space<hbm>> -> memref<1x64xf32, #tpu.memory_space<hbm>>
    tpu.enqueue_dma source(%dma_start3A_1634 : memref<1x64xf32, #tpu.memory_space<hbm>>) target(%dma_start3A_1632 : memref<1x64xf32, #tpu.memory_space<vmem>>) target_semaphore(%arg4 : memref<!tpu.dma_semaphore, #tpu.memory_space<semaphore_mem>>)
    %mul3A_1635 = arith.constant 256 : i32
    %mul3A_1636 = arith.muli %arg0, %mul3A_1635 : i32
    %add3A_1637 = arith.constant 149 : i32
    %add3A_1638 = arith.addi %mul3A_1636, %add3A_1637 : i32
    %get3A_1639 = arith.index_cast %add3A_1638 : i32 to index
    %get3A_1640 = memref.load %arg1[%get3A_1639] : memref<8192xi32, #tpu.memory_space<smem>>
    %dma_start3A_1641 = arith.constant 149 : i32
    %dma_start3A_1642 = arith.constant 0 : i32
    %dma_start3A_1643 = tpu.memref_slice %arg3[%dma_start3A_1641, %dma_start3A_1642] : memref<256x64xf32, #tpu.memory_space<vmem>> -> memref<1x64xf32, #tpu.memory_space<vmem>>
    %dma_start3A_1644 = arith.constant 0 : i32
    %dma_start3A_1645 = tpu.memref_slice %arg2[%get3A_1640, %dma_start3A_1644] : memref<1000000x64xf32, #tpu.memory_space<hbm>> -> memref<1x64xf32, #tpu.memory_space<hbm>>
    tpu.enqueue_dma source(%dma_start3A_1645 : memref<1x64xf32, #tpu.memory_space<hbm>>) target(%dma_start3A_1643 : memref<1x64xf32, #tpu.memory_space<vmem>>) target_semaphore(%arg4 : memref<!tpu.dma_semaphore, #tpu.memory_space<semaphore_mem>>)
    %mul3A_1646 = arith.constant 256 : i32
    %mul3A_1647 = arith.muli %arg0, %mul3A_1646 : i32
    %add3A_1648 = arith.constant 150 : i32
    %add3A_1649 = arith.addi %mul3A_1647, %add3A_1648 : i32
    %get3A_1650 = arith.index_cast %add3A_1649 : i32 to index
    %get3A_1651 = memref.load %arg1[%get3A_1650] : memref<8192xi32, #tpu.memory_space<smem>>
    %dma_start3A_1652 = arith.constant 150 : i32
    %dma_start3A_1653 = arith.constant 0 : i32
    %dma_start3A_1654 = tpu.memref_slice %arg3[%dma_start3A_1652, %dma_start3A_1653] : memref<256x64xf32, #tpu.memory_space<vmem>> -> memref<1x64xf32, #tpu.memory_space<vmem>>
    %dma_start3A_1655 = arith.constant 0 : i32
    %dma_start3A_1656 = tpu.memref_slice %arg2[%get3A_1651, %dma_start3A_1655] : memref<1000000x64xf32, #tpu.memory_space<hbm>> -> memref<1x64xf32, #tpu.memory_space<hbm>>
    tpu.enqueue_dma source(%dma_start3A_1656 : memref<1x64xf32, #tpu.memory_space<hbm>>) target(%dma_start3A_1654 : memref<1x64xf32, #tpu.memory_space<vmem>>) target_semaphore(%arg4 : memref<!tpu.dma_semaphore, #tpu.memory_space<semaphore_mem>>)
    %mul3A_1657 = arith.constant 256 : i32
    %mul3A_1658 = arith.muli %arg0, %mul3A_1657 : i32
    %add3A_1659 = arith.constant 151 : i32
    %add3A_1660 = arith.addi %mul3A_1658, %add3A_1659 : i32
    %get3A_1661 = arith.index_cast %add3A_1660 : i32 to index
    %get3A_1662 = memref.load %arg1[%get3A_1661] : memref<8192xi32, #tpu.memory_space<smem>>
    %dma_start3A_1663 = arith.constant 151 : i32
    %dma_start3A_1664 = arith.constant 0 : i32
    %dma_start3A_1665 = tpu.memref_slice %arg3[%dma_start3A_1663, %dma_start3A_1664] : memref<256x64xf32, #tpu.memory_space<vmem>> -> memref<1x64xf32, #tpu.memory_space<vmem>>
    %dma_start3A_1666 = arith.constant 0 : i32
    %dma_start3A_1667 = tpu.memref_slice %arg2[%get3A_1662, %dma_start3A_1666] : memref<1000000x64xf32, #tpu.memory_space<hbm>> -> memref<1x64xf32, #tpu.memory_space<hbm>>
    tpu.enqueue_dma source(%dma_start3A_1667 : memref<1x64xf32, #tpu.memory_space<hbm>>) target(%dma_start3A_1665 : memref<1x64xf32, #tpu.memory_space<vmem>>) target_semaphore(%arg4 : memref<!tpu.dma_semaphore, #tpu.memory_space<semaphore_mem>>)
    %mul3A_1668 = arith.constant 256 : i32
    %mul3A_1669 = arith.muli %arg0, %mul3A_1668 : i32
    %add3A_1670 = arith.constant 152 : i32
    %add3A_1671 = arith.addi %mul3A_1669, %add3A_1670 : i32
    %get3A_1672 = arith.index_cast %add3A_1671 : i32 to index
    %get3A_1673 = memref.load %arg1[%get3A_1672] : memref<8192xi32, #tpu.memory_space<smem>>
    %dma_start3A_1674 = arith.constant 152 : i32
    %dma_start3A_1675 = arith.constant 0 : i32
    %dma_start3A_1676 = tpu.memref_slice %arg3[%dma_start3A_1674, %dma_start3A_1675] : memref<256x64xf32, #tpu.memory_space<vmem>> -> memref<1x64xf32, #tpu.memory_space<vmem>>
    %dma_start3A_1677 = arith.constant 0 : i32
    %dma_start3A_1678 = tpu.memref_slice %arg2[%get3A_1673, %dma_start3A_1677] : memref<1000000x64xf32, #tpu.memory_space<hbm>> -> memref<1x64xf32, #tpu.memory_space<hbm>>
    tpu.enqueue_dma source(%dma_start3A_1678 : memref<1x64xf32, #tpu.memory_space<hbm>>) target(%dma_start3A_1676 : memref<1x64xf32, #tpu.memory_space<vmem>>) target_semaphore(%arg4 : memref<!tpu.dma_semaphore, #tpu.memory_space<semaphore_mem>>)
    %mul3A_1679 = arith.constant 256 : i32
    %mul3A_1680 = arith.muli %arg0, %mul3A_1679 : i32
    %add3A_1681 = arith.constant 153 : i32
    %add3A_1682 = arith.addi %mul3A_1680, %add3A_1681 : i32
    %get3A_1683 = arith.index_cast %add3A_1682 : i32 to index
    %get3A_1684 = memref.load %arg1[%get3A_1683] : memref<8192xi32, #tpu.memory_space<smem>>
    %dma_start3A_1685 = arith.constant 153 : i32
    %dma_start3A_1686 = arith.constant 0 : i32
    %dma_start3A_1687 = tpu.memref_slice %arg3[%dma_start3A_1685, %dma_start3A_1686] : memref<256x64xf32, #tpu.memory_space<vmem>> -> memref<1x64xf32, #tpu.memory_space<vmem>>
    %dma_start3A_1688 = arith.constant 0 : i32
    %dma_start3A_1689 = tpu.memref_slice %arg2[%get3A_1684, %dma_start3A_1688] : memref<1000000x64xf32, #tpu.memory_space<hbm>> -> memref<1x64xf32, #tpu.memory_space<hbm>>
    tpu.enqueue_dma source(%dma_start3A_1689 : memref<1x64xf32, #tpu.memory_space<hbm>>) target(%dma_start3A_1687 : memref<1x64xf32, #tpu.memory_space<vmem>>) target_semaphore(%arg4 : memref<!tpu.dma_semaphore, #tpu.memory_space<semaphore_mem>>)
    %mul3A_1690 = arith.constant 256 : i32
    %mul3A_1691 = arith.muli %arg0, %mul3A_1690 : i32
    %add3A_1692 = arith.constant 154 : i32
    %add3A_1693 = arith.addi %mul3A_1691, %add3A_1692 : i32
    %get3A_1694 = arith.index_cast %add3A_1693 : i32 to index
    %get3A_1695 = memref.load %arg1[%get3A_1694] : memref<8192xi32, #tpu.memory_space<smem>>
    %dma_start3A_1696 = arith.constant 154 : i32
    %dma_start3A_1697 = arith.constant 0 : i32
    %dma_start3A_1698 = tpu.memref_slice %arg3[%dma_start3A_1696, %dma_start3A_1697] : memref<256x64xf32, #tpu.memory_space<vmem>> -> memref<1x64xf32, #tpu.memory_space<vmem>>
    %dma_start3A_1699 = arith.constant 0 : i32
    %dma_start3A_1700 = tpu.memref_slice %arg2[%get3A_1695, %dma_start3A_1699] : memref<1000000x64xf32, #tpu.memory_space<hbm>> -> memref<1x64xf32, #tpu.memory_space<hbm>>
    tpu.enqueue_dma source(%dma_start3A_1700 : memref<1x64xf32, #tpu.memory_space<hbm>>) target(%dma_start3A_1698 : memref<1x64xf32, #tpu.memory_space<vmem>>) target_semaphore(%arg4 : memref<!tpu.dma_semaphore, #tpu.memory_space<semaphore_mem>>)
    %mul3A_1701 = arith.constant 256 : i32
    %mul3A_1702 = arith.muli %arg0, %mul3A_1701 : i32
    %add3A_1703 = arith.constant 155 : i32
    %add3A_1704 = arith.addi %mul3A_1702, %add3A_1703 : i32
    %get3A_1705 = arith.index_cast %add3A_1704 : i32 to index
    %get3A_1706 = memref.load %arg1[%get3A_1705] : memref<8192xi32, #tpu.memory_space<smem>>
    %dma_start3A_1707 = arith.constant 155 : i32
    %dma_start3A_1708 = arith.constant 0 : i32
    %dma_start3A_1709 = tpu.memref_slice %arg3[%dma_start3A_1707, %dma_start3A_1708] : memref<256x64xf32, #tpu.memory_space<vmem>> -> memref<1x64xf32, #tpu.memory_space<vmem>>
    %dma_start3A_1710 = arith.constant 0 : i32
    %dma_start3A_1711 = tpu.memref_slice %arg2[%get3A_1706, %dma_start3A_1710] : memref<1000000x64xf32, #tpu.memory_space<hbm>> -> memref<1x64xf32, #tpu.memory_space<hbm>>
    tpu.enqueue_dma source(%dma_start3A_1711 : memref<1x64xf32, #tpu.memory_space<hbm>>) target(%dma_start3A_1709 : memref<1x64xf32, #tpu.memory_space<vmem>>) target_semaphore(%arg4 : memref<!tpu.dma_semaphore, #tpu.memory_space<semaphore_mem>>)
    %mul3A_1712 = arith.constant 256 : i32
    %mul3A_1713 = arith.muli %arg0, %mul3A_1712 : i32
    %add3A_1714 = arith.constant 156 : i32
    %add3A_1715 = arith.addi %mul3A_1713, %add3A_1714 : i32
    %get3A_1716 = arith.index_cast %add3A_1715 : i32 to index
    %get3A_1717 = memref.load %arg1[%get3A_1716] : memref<8192xi32, #tpu.memory_space<smem>>
    %dma_start3A_1718 = arith.constant 156 : i32
    %dma_start3A_1719 = arith.constant 0 : i32
    %dma_start3A_1720 = tpu.memref_slice %arg3[%dma_start3A_1718, %dma_start3A_1719] : memref<256x64xf32, #tpu.memory_space<vmem>> -> memref<1x64xf32, #tpu.memory_space<vmem>>
    %dma_start3A_1721 = arith.constant 0 : i32
    %dma_start3A_1722 = tpu.memref_slice %arg2[%get3A_1717, %dma_start3A_1721] : memref<1000000x64xf32, #tpu.memory_space<hbm>> -> memref<1x64xf32, #tpu.memory_space<hbm>>
    tpu.enqueue_dma source(%dma_start3A_1722 : memref<1x64xf32, #tpu.memory_space<hbm>>) target(%dma_start3A_1720 : memref<1x64xf32, #tpu.memory_space<vmem>>) target_semaphore(%arg4 : memref<!tpu.dma_semaphore, #tpu.memory_space<semaphore_mem>>)
    %mul3A_1723 = arith.constant 256 : i32
    %mul3A_1724 = arith.muli %arg0, %mul3A_1723 : i32
    %add3A_1725 = arith.constant 157 : i32
    %add3A_1726 = arith.addi %mul3A_1724, %add3A_1725 : i32
    %get3A_1727 = arith.index_cast %add3A_1726 : i32 to index
    %get3A_1728 = memref.load %arg1[%get3A_1727] : memref<8192xi32, #tpu.memory_space<smem>>
    %dma_start3A_1729 = arith.constant 157 : i32
    %dma_start3A_1730 = arith.constant 0 : i32
    %dma_start3A_1731 = tpu.memref_slice %arg3[%dma_start3A_1729, %dma_start3A_1730] : memref<256x64xf32, #tpu.memory_space<vmem>> -> memref<1x64xf32, #tpu.memory_space<vmem>>
    %dma_start3A_1732 = arith.constant 0 : i32
    %dma_start3A_1733 = tpu.memref_slice %arg2[%get3A_1728, %dma_start3A_1732] : memref<1000000x64xf32, #tpu.memory_space<hbm>> -> memref<1x64xf32, #tpu.memory_space<hbm>>
    tpu.enqueue_dma source(%dma_start3A_1733 : memref<1x64xf32, #tpu.memory_space<hbm>>) target(%dma_start3A_1731 : memref<1x64xf32, #tpu.memory_space<vmem>>) target_semaphore(%arg4 : memref<!tpu.dma_semaphore, #tpu.memory_space<semaphore_mem>>)
    %mul3A_1734 = arith.constant 256 : i32
    %mul3A_1735 = arith.muli %arg0, %mul3A_1734 : i32
    %add3A_1736 = arith.constant 158 : i32
    %add3A_1737 = arith.addi %mul3A_1735, %add3A_1736 : i32
    %get3A_1738 = arith.index_cast %add3A_1737 : i32 to index
    %get3A_1739 = memref.load %arg1[%get3A_1738] : memref<8192xi32, #tpu.memory_space<smem>>
    %dma_start3A_1740 = arith.constant 158 : i32
    %dma_start3A_1741 = arith.constant 0 : i32
    %dma_start3A_1742 = tpu.memref_slice %arg3[%dma_start3A_1740, %dma_start3A_1741] : memref<256x64xf32, #tpu.memory_space<vmem>> -> memref<1x64xf32, #tpu.memory_space<vmem>>
    %dma_start3A_1743 = arith.constant 0 : i32
    %dma_start3A_1744 = tpu.memref_slice %arg2[%get3A_1739, %dma_start3A_1743] : memref<1000000x64xf32, #tpu.memory_space<hbm>> -> memref<1x64xf32, #tpu.memory_space<hbm>>
    tpu.enqueue_dma source(%dma_start3A_1744 : memref<1x64xf32, #tpu.memory_space<hbm>>) target(%dma_start3A_1742 : memref<1x64xf32, #tpu.memory_space<vmem>>) target_semaphore(%arg4 : memref<!tpu.dma_semaphore, #tpu.memory_space<semaphore_mem>>)
    %mul3A_1745 = arith.constant 256 : i32
    %mul3A_1746 = arith.muli %arg0, %mul3A_1745 : i32
    %add3A_1747 = arith.constant 159 : i32
    %add3A_1748 = arith.addi %mul3A_1746, %add3A_1747 : i32
    %get3A_1749 = arith.index_cast %add3A_1748 : i32 to index
    %get3A_1750 = memref.load %arg1[%get3A_1749] : memref<8192xi32, #tpu.memory_space<smem>>
    %dma_start3A_1751 = arith.constant 159 : i32
    %dma_start3A_1752 = arith.constant 0 : i32
    %dma_start3A_1753 = tpu.memref_slice %arg3[%dma_start3A_1751, %dma_start3A_1752] : memref<256x64xf32, #tpu.memory_space<vmem>> -> memref<1x64xf32, #tpu.memory_space<vmem>>
    %dma_start3A_1754 = arith.constant 0 : i32
    %dma_start3A_1755 = tpu.memref_slice %arg2[%get3A_1750, %dma_start3A_1754] : memref<1000000x64xf32, #tpu.memory_space<hbm>> -> memref<1x64xf32, #tpu.memory_space<hbm>>
    tpu.enqueue_dma source(%dma_start3A_1755 : memref<1x64xf32, #tpu.memory_space<hbm>>) target(%dma_start3A_1753 : memref<1x64xf32, #tpu.memory_space<vmem>>) target_semaphore(%arg4 : memref<!tpu.dma_semaphore, #tpu.memory_space<semaphore_mem>>)
    %mul3A_1756 = arith.constant 256 : i32
    %mul3A_1757 = arith.muli %arg0, %mul3A_1756 : i32
    %add3A_1758 = arith.constant 160 : i32
    %add3A_1759 = arith.addi %mul3A_1757, %add3A_1758 : i32
    %get3A_1760 = arith.index_cast %add3A_1759 : i32 to index
    %get3A_1761 = memref.load %arg1[%get3A_1760] : memref<8192xi32, #tpu.memory_space<smem>>
    %dma_start3A_1762 = arith.constant 160 : i32
    %dma_start3A_1763 = arith.constant 0 : i32
    %dma_start3A_1764 = tpu.memref_slice %arg3[%dma_start3A_1762, %dma_start3A_1763] : memref<256x64xf32, #tpu.memory_space<vmem>> -> memref<1x64xf32, #tpu.memory_space<vmem>>
    %dma_start3A_1765 = arith.constant 0 : i32
    %dma_start3A_1766 = tpu.memref_slice %arg2[%get3A_1761, %dma_start3A_1765] : memref<1000000x64xf32, #tpu.memory_space<hbm>> -> memref<1x64xf32, #tpu.memory_space<hbm>>
    tpu.enqueue_dma source(%dma_start3A_1766 : memref<1x64xf32, #tpu.memory_space<hbm>>) target(%dma_start3A_1764 : memref<1x64xf32, #tpu.memory_space<vmem>>) target_semaphore(%arg4 : memref<!tpu.dma_semaphore, #tpu.memory_space<semaphore_mem>>)
    %mul3A_1767 = arith.constant 256 : i32
    %mul3A_1768 = arith.muli %arg0, %mul3A_1767 : i32
    %add3A_1769 = arith.constant 161 : i32
    %add3A_1770 = arith.addi %mul3A_1768, %add3A_1769 : i32
    %get3A_1771 = arith.index_cast %add3A_1770 : i32 to index
    %get3A_1772 = memref.load %arg1[%get3A_1771] : memref<8192xi32, #tpu.memory_space<smem>>
    %dma_start3A_1773 = arith.constant 161 : i32
    %dma_start3A_1774 = arith.constant 0 : i32
    %dma_start3A_1775 = tpu.memref_slice %arg3[%dma_start3A_1773, %dma_start3A_1774] : memref<256x64xf32, #tpu.memory_space<vmem>> -> memref<1x64xf32, #tpu.memory_space<vmem>>
    %dma_start3A_1776 = arith.constant 0 : i32
    %dma_start3A_1777 = tpu.memref_slice %arg2[%get3A_1772, %dma_start3A_1776] : memref<1000000x64xf32, #tpu.memory_space<hbm>> -> memref<1x64xf32, #tpu.memory_space<hbm>>
    tpu.enqueue_dma source(%dma_start3A_1777 : memref<1x64xf32, #tpu.memory_space<hbm>>) target(%dma_start3A_1775 : memref<1x64xf32, #tpu.memory_space<vmem>>) target_semaphore(%arg4 : memref<!tpu.dma_semaphore, #tpu.memory_space<semaphore_mem>>)
    %mul3A_1778 = arith.constant 256 : i32
    %mul3A_1779 = arith.muli %arg0, %mul3A_1778 : i32
    %add3A_1780 = arith.constant 162 : i32
    %add3A_1781 = arith.addi %mul3A_1779, %add3A_1780 : i32
    %get3A_1782 = arith.index_cast %add3A_1781 : i32 to index
    %get3A_1783 = memref.load %arg1[%get3A_1782] : memref<8192xi32, #tpu.memory_space<smem>>
    %dma_start3A_1784 = arith.constant 162 : i32
    %dma_start3A_1785 = arith.constant 0 : i32
    %dma_start3A_1786 = tpu.memref_slice %arg3[%dma_start3A_1784, %dma_start3A_1785] : memref<256x64xf32, #tpu.memory_space<vmem>> -> memref<1x64xf32, #tpu.memory_space<vmem>>
    %dma_start3A_1787 = arith.constant 0 : i32
    %dma_start3A_1788 = tpu.memref_slice %arg2[%get3A_1783, %dma_start3A_1787] : memref<1000000x64xf32, #tpu.memory_space<hbm>> -> memref<1x64xf32, #tpu.memory_space<hbm>>
    tpu.enqueue_dma source(%dma_start3A_1788 : memref<1x64xf32, #tpu.memory_space<hbm>>) target(%dma_start3A_1786 : memref<1x64xf32, #tpu.memory_space<vmem>>) target_semaphore(%arg4 : memref<!tpu.dma_semaphore, #tpu.memory_space<semaphore_mem>>)
    %mul3A_1789 = arith.constant 256 : i32
    %mul3A_1790 = arith.muli %arg0, %mul3A_1789 : i32
    %add3A_1791 = arith.constant 163 : i32
    %add3A_1792 = arith.addi %mul3A_1790, %add3A_1791 : i32
    %get3A_1793 = arith.index_cast %add3A_1792 : i32 to index
    %get3A_1794 = memref.load %arg1[%get3A_1793] : memref<8192xi32, #tpu.memory_space<smem>>
    %dma_start3A_1795 = arith.constant 163 : i32
    %dma_start3A_1796 = arith.constant 0 : i32
    %dma_start3A_1797 = tpu.memref_slice %arg3[%dma_start3A_1795, %dma_start3A_1796] : memref<256x64xf32, #tpu.memory_space<vmem>> -> memref<1x64xf32, #tpu.memory_space<vmem>>
    %dma_start3A_1798 = arith.constant 0 : i32
    %dma_start3A_1799 = tpu.memref_slice %arg2[%get3A_1794, %dma_start3A_1798] : memref<1000000x64xf32, #tpu.memory_space<hbm>> -> memref<1x64xf32, #tpu.memory_space<hbm>>
    tpu.enqueue_dma source(%dma_start3A_1799 : memref<1x64xf32, #tpu.memory_space<hbm>>) target(%dma_start3A_1797 : memref<1x64xf32, #tpu.memory_space<vmem>>) target_semaphore(%arg4 : memref<!tpu.dma_semaphore, #tpu.memory_space<semaphore_mem>>)
    %mul3A_1800 = arith.constant 256 : i32
    %mul3A_1801 = arith.muli %arg0, %mul3A_1800 : i32
    %add3A_1802 = arith.constant 164 : i32
    %add3A_1803 = arith.addi %mul3A_1801, %add3A_1802 : i32
    %get3A_1804 = arith.index_cast %add3A_1803 : i32 to index
    %get3A_1805 = memref.load %arg1[%get3A_1804] : memref<8192xi32, #tpu.memory_space<smem>>
    %dma_start3A_1806 = arith.constant 164 : i32
    %dma_start3A_1807 = arith.constant 0 : i32
    %dma_start3A_1808 = tpu.memref_slice %arg3[%dma_start3A_1806, %dma_start3A_1807] : memref<256x64xf32, #tpu.memory_space<vmem>> -> memref<1x64xf32, #tpu.memory_space<vmem>>
    %dma_start3A_1809 = arith.constant 0 : i32
    %dma_start3A_1810 = tpu.memref_slice %arg2[%get3A_1805, %dma_start3A_1809] : memref<1000000x64xf32, #tpu.memory_space<hbm>> -> memref<1x64xf32, #tpu.memory_space<hbm>>
    tpu.enqueue_dma source(%dma_start3A_1810 : memref<1x64xf32, #tpu.memory_space<hbm>>) target(%dma_start3A_1808 : memref<1x64xf32, #tpu.memory_space<vmem>>) target_semaphore(%arg4 : memref<!tpu.dma_semaphore, #tpu.memory_space<semaphore_mem>>)
    %mul3A_1811 = arith.constant 256 : i32
    %mul3A_1812 = arith.muli %arg0, %mul3A_1811 : i32
    %add3A_1813 = arith.constant 165 : i32
    %add3A_1814 = arith.addi %mul3A_1812, %add3A_1813 : i32
    %get3A_1815 = arith.index_cast %add3A_1814 : i32 to index
    %get3A_1816 = memref.load %arg1[%get3A_1815] : memref<8192xi32, #tpu.memory_space<smem>>
    %dma_start3A_1817 = arith.constant 165 : i32
    %dma_start3A_1818 = arith.constant 0 : i32
    %dma_start3A_1819 = tpu.memref_slice %arg3[%dma_start3A_1817, %dma_start3A_1818] : memref<256x64xf32, #tpu.memory_space<vmem>> -> memref<1x64xf32, #tpu.memory_space<vmem>>
    %dma_start3A_1820 = arith.constant 0 : i32
    %dma_start3A_1821 = tpu.memref_slice %arg2[%get3A_1816, %dma_start3A_1820] : memref<1000000x64xf32, #tpu.memory_space<hbm>> -> memref<1x64xf32, #tpu.memory_space<hbm>>
    tpu.enqueue_dma source(%dma_start3A_1821 : memref<1x64xf32, #tpu.memory_space<hbm>>) target(%dma_start3A_1819 : memref<1x64xf32, #tpu.memory_space<vmem>>) target_semaphore(%arg4 : memref<!tpu.dma_semaphore, #tpu.memory_space<semaphore_mem>>)
    %mul3A_1822 = arith.constant 256 : i32
    %mul3A_1823 = arith.muli %arg0, %mul3A_1822 : i32
    %add3A_1824 = arith.constant 166 : i32
    %add3A_1825 = arith.addi %mul3A_1823, %add3A_1824 : i32
    %get3A_1826 = arith.index_cast %add3A_1825 : i32 to index
    %get3A_1827 = memref.load %arg1[%get3A_1826] : memref<8192xi32, #tpu.memory_space<smem>>
    %dma_start3A_1828 = arith.constant 166 : i32
    %dma_start3A_1829 = arith.constant 0 : i32
    %dma_start3A_1830 = tpu.memref_slice %arg3[%dma_start3A_1828, %dma_start3A_1829] : memref<256x64xf32, #tpu.memory_space<vmem>> -> memref<1x64xf32, #tpu.memory_space<vmem>>
    %dma_start3A_1831 = arith.constant 0 : i32
    %dma_start3A_1832 = tpu.memref_slice %arg2[%get3A_1827, %dma_start3A_1831] : memref<1000000x64xf32, #tpu.memory_space<hbm>> -> memref<1x64xf32, #tpu.memory_space<hbm>>
    tpu.enqueue_dma source(%dma_start3A_1832 : memref<1x64xf32, #tpu.memory_space<hbm>>) target(%dma_start3A_1830 : memref<1x64xf32, #tpu.memory_space<vmem>>) target_semaphore(%arg4 : memref<!tpu.dma_semaphore, #tpu.memory_space<semaphore_mem>>)
    %mul3A_1833 = arith.constant 256 : i32
    %mul3A_1834 = arith.muli %arg0, %mul3A_1833 : i32
    %add3A_1835 = arith.constant 167 : i32
    %add3A_1836 = arith.addi %mul3A_1834, %add3A_1835 : i32
    %get3A_1837 = arith.index_cast %add3A_1836 : i32 to index
    %get3A_1838 = memref.load %arg1[%get3A_1837] : memref<8192xi32, #tpu.memory_space<smem>>
    %dma_start3A_1839 = arith.constant 167 : i32
    %dma_start3A_1840 = arith.constant 0 : i32
    %dma_start3A_1841 = tpu.memref_slice %arg3[%dma_start3A_1839, %dma_start3A_1840] : memref<256x64xf32, #tpu.memory_space<vmem>> -> memref<1x64xf32, #tpu.memory_space<vmem>>
    %dma_start3A_1842 = arith.constant 0 : i32
    %dma_start3A_1843 = tpu.memref_slice %arg2[%get3A_1838, %dma_start3A_1842] : memref<1000000x64xf32, #tpu.memory_space<hbm>> -> memref<1x64xf32, #tpu.memory_space<hbm>>
    tpu.enqueue_dma source(%dma_start3A_1843 : memref<1x64xf32, #tpu.memory_space<hbm>>) target(%dma_start3A_1841 : memref<1x64xf32, #tpu.memory_space<vmem>>) target_semaphore(%arg4 : memref<!tpu.dma_semaphore, #tpu.memory_space<semaphore_mem>>)
    %mul3A_1844 = arith.constant 256 : i32
    %mul3A_1845 = arith.muli %arg0, %mul3A_1844 : i32
    %add3A_1846 = arith.constant 168 : i32
    %add3A_1847 = arith.addi %mul3A_1845, %add3A_1846 : i32
    %get3A_1848 = arith.index_cast %add3A_1847 : i32 to index
    %get3A_1849 = memref.load %arg1[%get3A_1848] : memref<8192xi32, #tpu.memory_space<smem>>
    %dma_start3A_1850 = arith.constant 168 : i32
    %dma_start3A_1851 = arith.constant 0 : i32
    %dma_start3A_1852 = tpu.memref_slice %arg3[%dma_start3A_1850, %dma_start3A_1851] : memref<256x64xf32, #tpu.memory_space<vmem>> -> memref<1x64xf32, #tpu.memory_space<vmem>>
    %dma_start3A_1853 = arith.constant 0 : i32
    %dma_start3A_1854 = tpu.memref_slice %arg2[%get3A_1849, %dma_start3A_1853] : memref<1000000x64xf32, #tpu.memory_space<hbm>> -> memref<1x64xf32, #tpu.memory_space<hbm>>
    tpu.enqueue_dma source(%dma_start3A_1854 : memref<1x64xf32, #tpu.memory_space<hbm>>) target(%dma_start3A_1852 : memref<1x64xf32, #tpu.memory_space<vmem>>) target_semaphore(%arg4 : memref<!tpu.dma_semaphore, #tpu.memory_space<semaphore_mem>>)
    %mul3A_1855 = arith.constant 256 : i32
    %mul3A_1856 = arith.muli %arg0, %mul3A_1855 : i32
    %add3A_1857 = arith.constant 169 : i32
    %add3A_1858 = arith.addi %mul3A_1856, %add3A_1857 : i32
    %get3A_1859 = arith.index_cast %add3A_1858 : i32 to index
    %get3A_1860 = memref.load %arg1[%get3A_1859] : memref<8192xi32, #tpu.memory_space<smem>>
    %dma_start3A_1861 = arith.constant 169 : i32
    %dma_start3A_1862 = arith.constant 0 : i32
    %dma_start3A_1863 = tpu.memref_slice %arg3[%dma_start3A_1861, %dma_start3A_1862] : memref<256x64xf32, #tpu.memory_space<vmem>> -> memref<1x64xf32, #tpu.memory_space<vmem>>
    %dma_start3A_1864 = arith.constant 0 : i32
    %dma_start3A_1865 = tpu.memref_slice %arg2[%get3A_1860, %dma_start3A_1864] : memref<1000000x64xf32, #tpu.memory_space<hbm>> -> memref<1x64xf32, #tpu.memory_space<hbm>>
    tpu.enqueue_dma source(%dma_start3A_1865 : memref<1x64xf32, #tpu.memory_space<hbm>>) target(%dma_start3A_1863 : memref<1x64xf32, #tpu.memory_space<vmem>>) target_semaphore(%arg4 : memref<!tpu.dma_semaphore, #tpu.memory_space<semaphore_mem>>)
    %mul3A_1866 = arith.constant 256 : i32
    %mul3A_1867 = arith.muli %arg0, %mul3A_1866 : i32
    %add3A_1868 = arith.constant 170 : i32
    %add3A_1869 = arith.addi %mul3A_1867, %add3A_1868 : i32
    %get3A_1870 = arith.index_cast %add3A_1869 : i32 to index
    %get3A_1871 = memref.load %arg1[%get3A_1870] : memref<8192xi32, #tpu.memory_space<smem>>
    %dma_start3A_1872 = arith.constant 170 : i32
    %dma_start3A_1873 = arith.constant 0 : i32
    %dma_start3A_1874 = tpu.memref_slice %arg3[%dma_start3A_1872, %dma_start3A_1873] : memref<256x64xf32, #tpu.memory_space<vmem>> -> memref<1x64xf32, #tpu.memory_space<vmem>>
    %dma_start3A_1875 = arith.constant 0 : i32
    %dma_start3A_1876 = tpu.memref_slice %arg2[%get3A_1871, %dma_start3A_1875] : memref<1000000x64xf32, #tpu.memory_space<hbm>> -> memref<1x64xf32, #tpu.memory_space<hbm>>
    tpu.enqueue_dma source(%dma_start3A_1876 : memref<1x64xf32, #tpu.memory_space<hbm>>) target(%dma_start3A_1874 : memref<1x64xf32, #tpu.memory_space<vmem>>) target_semaphore(%arg4 : memref<!tpu.dma_semaphore, #tpu.memory_space<semaphore_mem>>)
    %mul3A_1877 = arith.constant 256 : i32
    %mul3A_1878 = arith.muli %arg0, %mul3A_1877 : i32
    %add3A_1879 = arith.constant 171 : i32
    %add3A_1880 = arith.addi %mul3A_1878, %add3A_1879 : i32
    %get3A_1881 = arith.index_cast %add3A_1880 : i32 to index
    %get3A_1882 = memref.load %arg1[%get3A_1881] : memref<8192xi32, #tpu.memory_space<smem>>
    %dma_start3A_1883 = arith.constant 171 : i32
    %dma_start3A_1884 = arith.constant 0 : i32
    %dma_start3A_1885 = tpu.memref_slice %arg3[%dma_start3A_1883, %dma_start3A_1884] : memref<256x64xf32, #tpu.memory_space<vmem>> -> memref<1x64xf32, #tpu.memory_space<vmem>>
    %dma_start3A_1886 = arith.constant 0 : i32
    %dma_start3A_1887 = tpu.memref_slice %arg2[%get3A_1882, %dma_start3A_1886] : memref<1000000x64xf32, #tpu.memory_space<hbm>> -> memref<1x64xf32, #tpu.memory_space<hbm>>
    tpu.enqueue_dma source(%dma_start3A_1887 : memref<1x64xf32, #tpu.memory_space<hbm>>) target(%dma_start3A_1885 : memref<1x64xf32, #tpu.memory_space<vmem>>) target_semaphore(%arg4 : memref<!tpu.dma_semaphore, #tpu.memory_space<semaphore_mem>>)
    %mul3A_1888 = arith.constant 256 : i32
    %mul3A_1889 = arith.muli %arg0, %mul3A_1888 : i32
    %add3A_1890 = arith.constant 172 : i32
    %add3A_1891 = arith.addi %mul3A_1889, %add3A_1890 : i32
    %get3A_1892 = arith.index_cast %add3A_1891 : i32 to index
    %get3A_1893 = memref.load %arg1[%get3A_1892] : memref<8192xi32, #tpu.memory_space<smem>>
    %dma_start3A_1894 = arith.constant 172 : i32
    %dma_start3A_1895 = arith.constant 0 : i32
    %dma_start3A_1896 = tpu.memref_slice %arg3[%dma_start3A_1894, %dma_start3A_1895] : memref<256x64xf32, #tpu.memory_space<vmem>> -> memref<1x64xf32, #tpu.memory_space<vmem>>
    %dma_start3A_1897 = arith.constant 0 : i32
    %dma_start3A_1898 = tpu.memref_slice %arg2[%get3A_1893, %dma_start3A_1897] : memref<1000000x64xf32, #tpu.memory_space<hbm>> -> memref<1x64xf32, #tpu.memory_space<hbm>>
    tpu.enqueue_dma source(%dma_start3A_1898 : memref<1x64xf32, #tpu.memory_space<hbm>>) target(%dma_start3A_1896 : memref<1x64xf32, #tpu.memory_space<vmem>>) target_semaphore(%arg4 : memref<!tpu.dma_semaphore, #tpu.memory_space<semaphore_mem>>)
    %mul3A_1899 = arith.constant 256 : i32
    %mul3A_1900 = arith.muli %arg0, %mul3A_1899 : i32
    %add3A_1901 = arith.constant 173 : i32
    %add3A_1902 = arith.addi %mul3A_1900, %add3A_1901 : i32
    %get3A_1903 = arith.index_cast %add3A_1902 : i32 to index
    %get3A_1904 = memref.load %arg1[%get3A_1903] : memref<8192xi32, #tpu.memory_space<smem>>
    %dma_start3A_1905 = arith.constant 173 : i32
    %dma_start3A_1906 = arith.constant 0 : i32
    %dma_start3A_1907 = tpu.memref_slice %arg3[%dma_start3A_1905, %dma_start3A_1906] : memref<256x64xf32, #tpu.memory_space<vmem>> -> memref<1x64xf32, #tpu.memory_space<vmem>>
    %dma_start3A_1908 = arith.constant 0 : i32
    %dma_start3A_1909 = tpu.memref_slice %arg2[%get3A_1904, %dma_start3A_1908] : memref<1000000x64xf32, #tpu.memory_space<hbm>> -> memref<1x64xf32, #tpu.memory_space<hbm>>
    tpu.enqueue_dma source(%dma_start3A_1909 : memref<1x64xf32, #tpu.memory_space<hbm>>) target(%dma_start3A_1907 : memref<1x64xf32, #tpu.memory_space<vmem>>) target_semaphore(%arg4 : memref<!tpu.dma_semaphore, #tpu.memory_space<semaphore_mem>>)
    %mul3A_1910 = arith.constant 256 : i32
    %mul3A_1911 = arith.muli %arg0, %mul3A_1910 : i32
    %add3A_1912 = arith.constant 174 : i32
    %add3A_1913 = arith.addi %mul3A_1911, %add3A_1912 : i32
    %get3A_1914 = arith.index_cast %add3A_1913 : i32 to index
    %get3A_1915 = memref.load %arg1[%get3A_1914] : memref<8192xi32, #tpu.memory_space<smem>>
    %dma_start3A_1916 = arith.constant 174 : i32
    %dma_start3A_1917 = arith.constant 0 : i32
    %dma_start3A_1918 = tpu.memref_slice %arg3[%dma_start3A_1916, %dma_start3A_1917] : memref<256x64xf32, #tpu.memory_space<vmem>> -> memref<1x64xf32, #tpu.memory_space<vmem>>
    %dma_start3A_1919 = arith.constant 0 : i32
    %dma_start3A_1920 = tpu.memref_slice %arg2[%get3A_1915, %dma_start3A_1919] : memref<1000000x64xf32, #tpu.memory_space<hbm>> -> memref<1x64xf32, #tpu.memory_space<hbm>>
    tpu.enqueue_dma source(%dma_start3A_1920 : memref<1x64xf32, #tpu.memory_space<hbm>>) target(%dma_start3A_1918 : memref<1x64xf32, #tpu.memory_space<vmem>>) target_semaphore(%arg4 : memref<!tpu.dma_semaphore, #tpu.memory_space<semaphore_mem>>)
    %mul3A_1921 = arith.constant 256 : i32
    %mul3A_1922 = arith.muli %arg0, %mul3A_1921 : i32
    %add3A_1923 = arith.constant 175 : i32
    %add3A_1924 = arith.addi %mul3A_1922, %add3A_1923 : i32
    %get3A_1925 = arith.index_cast %add3A_1924 : i32 to index
    %get3A_1926 = memref.load %arg1[%get3A_1925] : memref<8192xi32, #tpu.memory_space<smem>>
    %dma_start3A_1927 = arith.constant 175 : i32
    %dma_start3A_1928 = arith.constant 0 : i32
    %dma_start3A_1929 = tpu.memref_slice %arg3[%dma_start3A_1927, %dma_start3A_1928] : memref<256x64xf32, #tpu.memory_space<vmem>> -> memref<1x64xf32, #tpu.memory_space<vmem>>
    %dma_start3A_1930 = arith.constant 0 : i32
    %dma_start3A_1931 = tpu.memref_slice %arg2[%get3A_1926, %dma_start3A_1930] : memref<1000000x64xf32, #tpu.memory_space<hbm>> -> memref<1x64xf32, #tpu.memory_space<hbm>>
    tpu.enqueue_dma source(%dma_start3A_1931 : memref<1x64xf32, #tpu.memory_space<hbm>>) target(%dma_start3A_1929 : memref<1x64xf32, #tpu.memory_space<vmem>>) target_semaphore(%arg4 : memref<!tpu.dma_semaphore, #tpu.memory_space<semaphore_mem>>)
    %mul3A_1932 = arith.constant 256 : i32
    %mul3A_1933 = arith.muli %arg0, %mul3A_1932 : i32
    %add3A_1934 = arith.constant 176 : i32
    %add3A_1935 = arith.addi %mul3A_1933, %add3A_1934 : i32
    %get3A_1936 = arith.index_cast %add3A_1935 : i32 to index
    %get3A_1937 = memref.load %arg1[%get3A_1936] : memref<8192xi32, #tpu.memory_space<smem>>
    %dma_start3A_1938 = arith.constant 176 : i32
    %dma_start3A_1939 = arith.constant 0 : i32
    %dma_start3A_1940 = tpu.memref_slice %arg3[%dma_start3A_1938, %dma_start3A_1939] : memref<256x64xf32, #tpu.memory_space<vmem>> -> memref<1x64xf32, #tpu.memory_space<vmem>>
    %dma_start3A_1941 = arith.constant 0 : i32
    %dma_start3A_1942 = tpu.memref_slice %arg2[%get3A_1937, %dma_start3A_1941] : memref<1000000x64xf32, #tpu.memory_space<hbm>> -> memref<1x64xf32, #tpu.memory_space<hbm>>
    tpu.enqueue_dma source(%dma_start3A_1942 : memref<1x64xf32, #tpu.memory_space<hbm>>) target(%dma_start3A_1940 : memref<1x64xf32, #tpu.memory_space<vmem>>) target_semaphore(%arg4 : memref<!tpu.dma_semaphore, #tpu.memory_space<semaphore_mem>>)
    %mul3A_1943 = arith.constant 256 : i32
    %mul3A_1944 = arith.muli %arg0, %mul3A_1943 : i32
    %add3A_1945 = arith.constant 177 : i32
    %add3A_1946 = arith.addi %mul3A_1944, %add3A_1945 : i32
    %get3A_1947 = arith.index_cast %add3A_1946 : i32 to index
    %get3A_1948 = memref.load %arg1[%get3A_1947] : memref<8192xi32, #tpu.memory_space<smem>>
    %dma_start3A_1949 = arith.constant 177 : i32
    %dma_start3A_1950 = arith.constant 0 : i32
    %dma_start3A_1951 = tpu.memref_slice %arg3[%dma_start3A_1949, %dma_start3A_1950] : memref<256x64xf32, #tpu.memory_space<vmem>> -> memref<1x64xf32, #tpu.memory_space<vmem>>
    %dma_start3A_1952 = arith.constant 0 : i32
    %dma_start3A_1953 = tpu.memref_slice %arg2[%get3A_1948, %dma_start3A_1952] : memref<1000000x64xf32, #tpu.memory_space<hbm>> -> memref<1x64xf32, #tpu.memory_space<hbm>>
    tpu.enqueue_dma source(%dma_start3A_1953 : memref<1x64xf32, #tpu.memory_space<hbm>>) target(%dma_start3A_1951 : memref<1x64xf32, #tpu.memory_space<vmem>>) target_semaphore(%arg4 : memref<!tpu.dma_semaphore, #tpu.memory_space<semaphore_mem>>)
    %mul3A_1954 = arith.constant 256 : i32
    %mul3A_1955 = arith.muli %arg0, %mul3A_1954 : i32
    %add3A_1956 = arith.constant 178 : i32
    %add3A_1957 = arith.addi %mul3A_1955, %add3A_1956 : i32
    %get3A_1958 = arith.index_cast %add3A_1957 : i32 to index
    %get3A_1959 = memref.load %arg1[%get3A_1958] : memref<8192xi32, #tpu.memory_space<smem>>
    %dma_start3A_1960 = arith.constant 178 : i32
    %dma_start3A_1961 = arith.constant 0 : i32
    %dma_start3A_1962 = tpu.memref_slice %arg3[%dma_start3A_1960, %dma_start3A_1961] : memref<256x64xf32, #tpu.memory_space<vmem>> -> memref<1x64xf32, #tpu.memory_space<vmem>>
    %dma_start3A_1963 = arith.constant 0 : i32
    %dma_start3A_1964 = tpu.memref_slice %arg2[%get3A_1959, %dma_start3A_1963] : memref<1000000x64xf32, #tpu.memory_space<hbm>> -> memref<1x64xf32, #tpu.memory_space<hbm>>
    tpu.enqueue_dma source(%dma_start3A_1964 : memref<1x64xf32, #tpu.memory_space<hbm>>) target(%dma_start3A_1962 : memref<1x64xf32, #tpu.memory_space<vmem>>) target_semaphore(%arg4 : memref<!tpu.dma_semaphore, #tpu.memory_space<semaphore_mem>>)
    %mul3A_1965 = arith.constant 256 : i32
    %mul3A_1966 = arith.muli %arg0, %mul3A_1965 : i32
    %add3A_1967 = arith.constant 179 : i32
    %add3A_1968 = arith.addi %mul3A_1966, %add3A_1967 : i32
    %get3A_1969 = arith.index_cast %add3A_1968 : i32 to index
    %get3A_1970 = memref.load %arg1[%get3A_1969] : memref<8192xi32, #tpu.memory_space<smem>>
    %dma_start3A_1971 = arith.constant 179 : i32
    %dma_start3A_1972 = arith.constant 0 : i32
    %dma_start3A_1973 = tpu.memref_slice %arg3[%dma_start3A_1971, %dma_start3A_1972] : memref<256x64xf32, #tpu.memory_space<vmem>> -> memref<1x64xf32, #tpu.memory_space<vmem>>
    %dma_start3A_1974 = arith.constant 0 : i32
    %dma_start3A_1975 = tpu.memref_slice %arg2[%get3A_1970, %dma_start3A_1974] : memref<1000000x64xf32, #tpu.memory_space<hbm>> -> memref<1x64xf32, #tpu.memory_space<hbm>>
    tpu.enqueue_dma source(%dma_start3A_1975 : memref<1x64xf32, #tpu.memory_space<hbm>>) target(%dma_start3A_1973 : memref<1x64xf32, #tpu.memory_space<vmem>>) target_semaphore(%arg4 : memref<!tpu.dma_semaphore, #tpu.memory_space<semaphore_mem>>)
    %mul3A_1976 = arith.constant 256 : i32
    %mul3A_1977 = arith.muli %arg0, %mul3A_1976 : i32
    %add3A_1978 = arith.constant 180 : i32
    %add3A_1979 = arith.addi %mul3A_1977, %add3A_1978 : i32
    %get3A_1980 = arith.index_cast %add3A_1979 : i32 to index
    %get3A_1981 = memref.load %arg1[%get3A_1980] : memref<8192xi32, #tpu.memory_space<smem>>
    %dma_start3A_1982 = arith.constant 180 : i32
    %dma_start3A_1983 = arith.constant 0 : i32
    %dma_start3A_1984 = tpu.memref_slice %arg3[%dma_start3A_1982, %dma_start3A_1983] : memref<256x64xf32, #tpu.memory_space<vmem>> -> memref<1x64xf32, #tpu.memory_space<vmem>>
    %dma_start3A_1985 = arith.constant 0 : i32
    %dma_start3A_1986 = tpu.memref_slice %arg2[%get3A_1981, %dma_start3A_1985] : memref<1000000x64xf32, #tpu.memory_space<hbm>> -> memref<1x64xf32, #tpu.memory_space<hbm>>
    tpu.enqueue_dma source(%dma_start3A_1986 : memref<1x64xf32, #tpu.memory_space<hbm>>) target(%dma_start3A_1984 : memref<1x64xf32, #tpu.memory_space<vmem>>) target_semaphore(%arg4 : memref<!tpu.dma_semaphore, #tpu.memory_space<semaphore_mem>>)
    %mul3A_1987 = arith.constant 256 : i32
    %mul3A_1988 = arith.muli %arg0, %mul3A_1987 : i32
    %add3A_1989 = arith.constant 181 : i32
    %add3A_1990 = arith.addi %mul3A_1988, %add3A_1989 : i32
    %get3A_1991 = arith.index_cast %add3A_1990 : i32 to index
    %get3A_1992 = memref.load %arg1[%get3A_1991] : memref<8192xi32, #tpu.memory_space<smem>>
    %dma_start3A_1993 = arith.constant 181 : i32
    %dma_start3A_1994 = arith.constant 0 : i32
    %dma_start3A_1995 = tpu.memref_slice %arg3[%dma_start3A_1993, %dma_start3A_1994] : memref<256x64xf32, #tpu.memory_space<vmem>> -> memref<1x64xf32, #tpu.memory_space<vmem>>
    %dma_start3A_1996 = arith.constant 0 : i32
    %dma_start3A_1997 = tpu.memref_slice %arg2[%get3A_1992, %dma_start3A_1996] : memref<1000000x64xf32, #tpu.memory_space<hbm>> -> memref<1x64xf32, #tpu.memory_space<hbm>>
    tpu.enqueue_dma source(%dma_start3A_1997 : memref<1x64xf32, #tpu.memory_space<hbm>>) target(%dma_start3A_1995 : memref<1x64xf32, #tpu.memory_space<vmem>>) target_semaphore(%arg4 : memref<!tpu.dma_semaphore, #tpu.memory_space<semaphore_mem>>)
    %mul3A_1998 = arith.constant 256 : i32
    %mul3A_1999 = arith.muli %arg0, %mul3A_1998 : i32
    %add3A_2000 = arith.constant 182 : i32
    %add3A_2001 = arith.addi %mul3A_1999, %add3A_2000 : i32
    %get3A_2002 = arith.index_cast %add3A_2001 : i32 to index
    %get3A_2003 = memref.load %arg1[%get3A_2002] : memref<8192xi32, #tpu.memory_space<smem>>
    %dma_start3A_2004 = arith.constant 182 : i32
    %dma_start3A_2005 = arith.constant 0 : i32
    %dma_start3A_2006 = tpu.memref_slice %arg3[%dma_start3A_2004, %dma_start3A_2005] : memref<256x64xf32, #tpu.memory_space<vmem>> -> memref<1x64xf32, #tpu.memory_space<vmem>>
    %dma_start3A_2007 = arith.constant 0 : i32
    %dma_start3A_2008 = tpu.memref_slice %arg2[%get3A_2003, %dma_start3A_2007] : memref<1000000x64xf32, #tpu.memory_space<hbm>> -> memref<1x64xf32, #tpu.memory_space<hbm>>
    tpu.enqueue_dma source(%dma_start3A_2008 : memref<1x64xf32, #tpu.memory_space<hbm>>) target(%dma_start3A_2006 : memref<1x64xf32, #tpu.memory_space<vmem>>) target_semaphore(%arg4 : memref<!tpu.dma_semaphore, #tpu.memory_space<semaphore_mem>>)
    %mul3A_2009 = arith.constant 256 : i32
    %mul3A_2010 = arith.muli %arg0, %mul3A_2009 : i32
    %add3A_2011 = arith.constant 183 : i32
    %add3A_2012 = arith.addi %mul3A_2010, %add3A_2011 : i32
    %get3A_2013 = arith.index_cast %add3A_2012 : i32 to index
    %get3A_2014 = memref.load %arg1[%get3A_2013] : memref<8192xi32, #tpu.memory_space<smem>>
    %dma_start3A_2015 = arith.constant 183 : i32
    %dma_start3A_2016 = arith.constant 0 : i32
    %dma_start3A_2017 = tpu.memref_slice %arg3[%dma_start3A_2015, %dma_start3A_2016] : memref<256x64xf32, #tpu.memory_space<vmem>> -> memref<1x64xf32, #tpu.memory_space<vmem>>
    %dma_start3A_2018 = arith.constant 0 : i32
    %dma_start3A_2019 = tpu.memref_slice %arg2[%get3A_2014, %dma_start3A_2018] : memref<1000000x64xf32, #tpu.memory_space<hbm>> -> memref<1x64xf32, #tpu.memory_space<hbm>>
    tpu.enqueue_dma source(%dma_start3A_2019 : memref<1x64xf32, #tpu.memory_space<hbm>>) target(%dma_start3A_2017 : memref<1x64xf32, #tpu.memory_space<vmem>>) target_semaphore(%arg4 : memref<!tpu.dma_semaphore, #tpu.memory_space<semaphore_mem>>)
    %mul3A_2020 = arith.constant 256 : i32
    %mul3A_2021 = arith.muli %arg0, %mul3A_2020 : i32
    %add3A_2022 = arith.constant 184 : i32
    %add3A_2023 = arith.addi %mul3A_2021, %add3A_2022 : i32
    %get3A_2024 = arith.index_cast %add3A_2023 : i32 to index
    %get3A_2025 = memref.load %arg1[%get3A_2024] : memref<8192xi32, #tpu.memory_space<smem>>
    %dma_start3A_2026 = arith.constant 184 : i32
    %dma_start3A_2027 = arith.constant 0 : i32
    %dma_start3A_2028 = tpu.memref_slice %arg3[%dma_start3A_2026, %dma_start3A_2027] : memref<256x64xf32, #tpu.memory_space<vmem>> -> memref<1x64xf32, #tpu.memory_space<vmem>>
    %dma_start3A_2029 = arith.constant 0 : i32
    %dma_start3A_2030 = tpu.memref_slice %arg2[%get3A_2025, %dma_start3A_2029] : memref<1000000x64xf32, #tpu.memory_space<hbm>> -> memref<1x64xf32, #tpu.memory_space<hbm>>
    tpu.enqueue_dma source(%dma_start3A_2030 : memref<1x64xf32, #tpu.memory_space<hbm>>) target(%dma_start3A_2028 : memref<1x64xf32, #tpu.memory_space<vmem>>) target_semaphore(%arg4 : memref<!tpu.dma_semaphore, #tpu.memory_space<semaphore_mem>>)
    %mul3A_2031 = arith.constant 256 : i32
    %mul3A_2032 = arith.muli %arg0, %mul3A_2031 : i32
    %add3A_2033 = arith.constant 185 : i32
    %add3A_2034 = arith.addi %mul3A_2032, %add3A_2033 : i32
    %get3A_2035 = arith.index_cast %add3A_2034 : i32 to index
    %get3A_2036 = memref.load %arg1[%get3A_2035] : memref<8192xi32, #tpu.memory_space<smem>>
    %dma_start3A_2037 = arith.constant 185 : i32
    %dma_start3A_2038 = arith.constant 0 : i32
    %dma_start3A_2039 = tpu.memref_slice %arg3[%dma_start3A_2037, %dma_start3A_2038] : memref<256x64xf32, #tpu.memory_space<vmem>> -> memref<1x64xf32, #tpu.memory_space<vmem>>
    %dma_start3A_2040 = arith.constant 0 : i32
    %dma_start3A_2041 = tpu.memref_slice %arg2[%get3A_2036, %dma_start3A_2040] : memref<1000000x64xf32, #tpu.memory_space<hbm>> -> memref<1x64xf32, #tpu.memory_space<hbm>>
    tpu.enqueue_dma source(%dma_start3A_2041 : memref<1x64xf32, #tpu.memory_space<hbm>>) target(%dma_start3A_2039 : memref<1x64xf32, #tpu.memory_space<vmem>>) target_semaphore(%arg4 : memref<!tpu.dma_semaphore, #tpu.memory_space<semaphore_mem>>)
    %mul3A_2042 = arith.constant 256 : i32
    %mul3A_2043 = arith.muli %arg0, %mul3A_2042 : i32
    %add3A_2044 = arith.constant 186 : i32
    %add3A_2045 = arith.addi %mul3A_2043, %add3A_2044 : i32
    %get3A_2046 = arith.index_cast %add3A_2045 : i32 to index
    %get3A_2047 = memref.load %arg1[%get3A_2046] : memref<8192xi32, #tpu.memory_space<smem>>
    %dma_start3A_2048 = arith.constant 186 : i32
    %dma_start3A_2049 = arith.constant 0 : i32
    %dma_start3A_2050 = tpu.memref_slice %arg3[%dma_start3A_2048, %dma_start3A_2049] : memref<256x64xf32, #tpu.memory_space<vmem>> -> memref<1x64xf32, #tpu.memory_space<vmem>>
    %dma_start3A_2051 = arith.constant 0 : i32
    %dma_start3A_2052 = tpu.memref_slice %arg2[%get3A_2047, %dma_start3A_2051] : memref<1000000x64xf32, #tpu.memory_space<hbm>> -> memref<1x64xf32, #tpu.memory_space<hbm>>
    tpu.enqueue_dma source(%dma_start3A_2052 : memref<1x64xf32, #tpu.memory_space<hbm>>) target(%dma_start3A_2050 : memref<1x64xf32, #tpu.memory_space<vmem>>) target_semaphore(%arg4 : memref<!tpu.dma_semaphore, #tpu.memory_space<semaphore_mem>>)
    %mul3A_2053 = arith.constant 256 : i32
    %mul3A_2054 = arith.muli %arg0, %mul3A_2053 : i32
    %add3A_2055 = arith.constant 187 : i32
    %add3A_2056 = arith.addi %mul3A_2054, %add3A_2055 : i32
    %get3A_2057 = arith.index_cast %add3A_2056 : i32 to index
    %get3A_2058 = memref.load %arg1[%get3A_2057] : memref<8192xi32, #tpu.memory_space<smem>>
    %dma_start3A_2059 = arith.constant 187 : i32
    %dma_start3A_2060 = arith.constant 0 : i32
    %dma_start3A_2061 = tpu.memref_slice %arg3[%dma_start3A_2059, %dma_start3A_2060] : memref<256x64xf32, #tpu.memory_space<vmem>> -> memref<1x64xf32, #tpu.memory_space<vmem>>
    %dma_start3A_2062 = arith.constant 0 : i32
    %dma_start3A_2063 = tpu.memref_slice %arg2[%get3A_2058, %dma_start3A_2062] : memref<1000000x64xf32, #tpu.memory_space<hbm>> -> memref<1x64xf32, #tpu.memory_space<hbm>>
    tpu.enqueue_dma source(%dma_start3A_2063 : memref<1x64xf32, #tpu.memory_space<hbm>>) target(%dma_start3A_2061 : memref<1x64xf32, #tpu.memory_space<vmem>>) target_semaphore(%arg4 : memref<!tpu.dma_semaphore, #tpu.memory_space<semaphore_mem>>)
    %mul3A_2064 = arith.constant 256 : i32
    %mul3A_2065 = arith.muli %arg0, %mul3A_2064 : i32
    %add3A_2066 = arith.constant 188 : i32
    %add3A_2067 = arith.addi %mul3A_2065, %add3A_2066 : i32
    %get3A_2068 = arith.index_cast %add3A_2067 : i32 to index
    %get3A_2069 = memref.load %arg1[%get3A_2068] : memref<8192xi32, #tpu.memory_space<smem>>
    %dma_start3A_2070 = arith.constant 188 : i32
    %dma_start3A_2071 = arith.constant 0 : i32
    %dma_start3A_2072 = tpu.memref_slice %arg3[%dma_start3A_2070, %dma_start3A_2071] : memref<256x64xf32, #tpu.memory_space<vmem>> -> memref<1x64xf32, #tpu.memory_space<vmem>>
    %dma_start3A_2073 = arith.constant 0 : i32
    %dma_start3A_2074 = tpu.memref_slice %arg2[%get3A_2069, %dma_start3A_2073] : memref<1000000x64xf32, #tpu.memory_space<hbm>> -> memref<1x64xf32, #tpu.memory_space<hbm>>
    tpu.enqueue_dma source(%dma_start3A_2074 : memref<1x64xf32, #tpu.memory_space<hbm>>) target(%dma_start3A_2072 : memref<1x64xf32, #tpu.memory_space<vmem>>) target_semaphore(%arg4 : memref<!tpu.dma_semaphore, #tpu.memory_space<semaphore_mem>>)
    %mul3A_2075 = arith.constant 256 : i32
    %mul3A_2076 = arith.muli %arg0, %mul3A_2075 : i32
    %add3A_2077 = arith.constant 189 : i32
    %add3A_2078 = arith.addi %mul3A_2076, %add3A_2077 : i32
    %get3A_2079 = arith.index_cast %add3A_2078 : i32 to index
    %get3A_2080 = memref.load %arg1[%get3A_2079] : memref<8192xi32, #tpu.memory_space<smem>>
    %dma_start3A_2081 = arith.constant 189 : i32
    %dma_start3A_2082 = arith.constant 0 : i32
    %dma_start3A_2083 = tpu.memref_slice %arg3[%dma_start3A_2081, %dma_start3A_2082] : memref<256x64xf32, #tpu.memory_space<vmem>> -> memref<1x64xf32, #tpu.memory_space<vmem>>
    %dma_start3A_2084 = arith.constant 0 : i32
    %dma_start3A_2085 = tpu.memref_slice %arg2[%get3A_2080, %dma_start3A_2084] : memref<1000000x64xf32, #tpu.memory_space<hbm>> -> memref<1x64xf32, #tpu.memory_space<hbm>>
    tpu.enqueue_dma source(%dma_start3A_2085 : memref<1x64xf32, #tpu.memory_space<hbm>>) target(%dma_start3A_2083 : memref<1x64xf32, #tpu.memory_space<vmem>>) target_semaphore(%arg4 : memref<!tpu.dma_semaphore, #tpu.memory_space<semaphore_mem>>)
    %mul3A_2086 = arith.constant 256 : i32
    %mul3A_2087 = arith.muli %arg0, %mul3A_2086 : i32
    %add3A_2088 = arith.constant 190 : i32
    %add3A_2089 = arith.addi %mul3A_2087, %add3A_2088 : i32
    %get3A_2090 = arith.index_cast %add3A_2089 : i32 to index
    %get3A_2091 = memref.load %arg1[%get3A_2090] : memref<8192xi32, #tpu.memory_space<smem>>
    %dma_start3A_2092 = arith.constant 190 : i32
    %dma_start3A_2093 = arith.constant 0 : i32
    %dma_start3A_2094 = tpu.memref_slice %arg3[%dma_start3A_2092, %dma_start3A_2093] : memref<256x64xf32, #tpu.memory_space<vmem>> -> memref<1x64xf32, #tpu.memory_space<vmem>>
    %dma_start3A_2095 = arith.constant 0 : i32
    %dma_start3A_2096 = tpu.memref_slice %arg2[%get3A_2091, %dma_start3A_2095] : memref<1000000x64xf32, #tpu.memory_space<hbm>> -> memref<1x64xf32, #tpu.memory_space<hbm>>
    tpu.enqueue_dma source(%dma_start3A_2096 : memref<1x64xf32, #tpu.memory_space<hbm>>) target(%dma_start3A_2094 : memref<1x64xf32, #tpu.memory_space<vmem>>) target_semaphore(%arg4 : memref<!tpu.dma_semaphore, #tpu.memory_space<semaphore_mem>>)
    %mul3A_2097 = arith.constant 256 : i32
    %mul3A_2098 = arith.muli %arg0, %mul3A_2097 : i32
    %add3A_2099 = arith.constant 191 : i32
    %add3A_2100 = arith.addi %mul3A_2098, %add3A_2099 : i32
    %get3A_2101 = arith.index_cast %add3A_2100 : i32 to index
    %get3A_2102 = memref.load %arg1[%get3A_2101] : memref<8192xi32, #tpu.memory_space<smem>>
    %dma_start3A_2103 = arith.constant 191 : i32
    %dma_start3A_2104 = arith.constant 0 : i32
    %dma_start3A_2105 = tpu.memref_slice %arg3[%dma_start3A_2103, %dma_start3A_2104] : memref<256x64xf32, #tpu.memory_space<vmem>> -> memref<1x64xf32, #tpu.memory_space<vmem>>
    %dma_start3A_2106 = arith.constant 0 : i32
    %dma_start3A_2107 = tpu.memref_slice %arg2[%get3A_2102, %dma_start3A_2106] : memref<1000000x64xf32, #tpu.memory_space<hbm>> -> memref<1x64xf32, #tpu.memory_space<hbm>>
    tpu.enqueue_dma source(%dma_start3A_2107 : memref<1x64xf32, #tpu.memory_space<hbm>>) target(%dma_start3A_2105 : memref<1x64xf32, #tpu.memory_space<vmem>>) target_semaphore(%arg4 : memref<!tpu.dma_semaphore, #tpu.memory_space<semaphore_mem>>)
    %mul3A_2108 = arith.constant 256 : i32
    %mul3A_2109 = arith.muli %arg0, %mul3A_2108 : i32
    %add3A_2110 = arith.constant 192 : i32
    %add3A_2111 = arith.addi %mul3A_2109, %add3A_2110 : i32
    %get3A_2112 = arith.index_cast %add3A_2111 : i32 to index
    %get3A_2113 = memref.load %arg1[%get3A_2112] : memref<8192xi32, #tpu.memory_space<smem>>
    %dma_start3A_2114 = arith.constant 192 : i32
    %dma_start3A_2115 = arith.constant 0 : i32
    %dma_start3A_2116 = tpu.memref_slice %arg3[%dma_start3A_2114, %dma_start3A_2115] : memref<256x64xf32, #tpu.memory_space<vmem>> -> memref<1x64xf32, #tpu.memory_space<vmem>>
    %dma_start3A_2117 = arith.constant 0 : i32
    %dma_start3A_2118 = tpu.memref_slice %arg2[%get3A_2113, %dma_start3A_2117] : memref<1000000x64xf32, #tpu.memory_space<hbm>> -> memref<1x64xf32, #tpu.memory_space<hbm>>
    tpu.enqueue_dma source(%dma_start3A_2118 : memref<1x64xf32, #tpu.memory_space<hbm>>) target(%dma_start3A_2116 : memref<1x64xf32, #tpu.memory_space<vmem>>) target_semaphore(%arg4 : memref<!tpu.dma_semaphore, #tpu.memory_space<semaphore_mem>>)
    %mul3A_2119 = arith.constant 256 : i32
    %mul3A_2120 = arith.muli %arg0, %mul3A_2119 : i32
    %add3A_2121 = arith.constant 193 : i32
    %add3A_2122 = arith.addi %mul3A_2120, %add3A_2121 : i32
    %get3A_2123 = arith.index_cast %add3A_2122 : i32 to index
    %get3A_2124 = memref.load %arg1[%get3A_2123] : memref<8192xi32, #tpu.memory_space<smem>>
    %dma_start3A_2125 = arith.constant 193 : i32
    %dma_start3A_2126 = arith.constant 0 : i32
    %dma_start3A_2127 = tpu.memref_slice %arg3[%dma_start3A_2125, %dma_start3A_2126] : memref<256x64xf32, #tpu.memory_space<vmem>> -> memref<1x64xf32, #tpu.memory_space<vmem>>
    %dma_start3A_2128 = arith.constant 0 : i32
    %dma_start3A_2129 = tpu.memref_slice %arg2[%get3A_2124, %dma_start3A_2128] : memref<1000000x64xf32, #tpu.memory_space<hbm>> -> memref<1x64xf32, #tpu.memory_space<hbm>>
    tpu.enqueue_dma source(%dma_start3A_2129 : memref<1x64xf32, #tpu.memory_space<hbm>>) target(%dma_start3A_2127 : memref<1x64xf32, #tpu.memory_space<vmem>>) target_semaphore(%arg4 : memref<!tpu.dma_semaphore, #tpu.memory_space<semaphore_mem>>)
    %mul3A_2130 = arith.constant 256 : i32
    %mul3A_2131 = arith.muli %arg0, %mul3A_2130 : i32
    %add3A_2132 = arith.constant 194 : i32
    %add3A_2133 = arith.addi %mul3A_2131, %add3A_2132 : i32
    %get3A_2134 = arith.index_cast %add3A_2133 : i32 to index
    %get3A_2135 = memref.load %arg1[%get3A_2134] : memref<8192xi32, #tpu.memory_space<smem>>
    %dma_start3A_2136 = arith.constant 194 : i32
    %dma_start3A_2137 = arith.constant 0 : i32
    %dma_start3A_2138 = tpu.memref_slice %arg3[%dma_start3A_2136, %dma_start3A_2137] : memref<256x64xf32, #tpu.memory_space<vmem>> -> memref<1x64xf32, #tpu.memory_space<vmem>>
    %dma_start3A_2139 = arith.constant 0 : i32
    %dma_start3A_2140 = tpu.memref_slice %arg2[%get3A_2135, %dma_start3A_2139] : memref<1000000x64xf32, #tpu.memory_space<hbm>> -> memref<1x64xf32, #tpu.memory_space<hbm>>
    tpu.enqueue_dma source(%dma_start3A_2140 : memref<1x64xf32, #tpu.memory_space<hbm>>) target(%dma_start3A_2138 : memref<1x64xf32, #tpu.memory_space<vmem>>) target_semaphore(%arg4 : memref<!tpu.dma_semaphore, #tpu.memory_space<semaphore_mem>>)
    %mul3A_2141 = arith.constant 256 : i32
    %mul3A_2142 = arith.muli %arg0, %mul3A_2141 : i32
    %add3A_2143 = arith.constant 195 : i32
    %add3A_2144 = arith.addi %mul3A_2142, %add3A_2143 : i32
    %get3A_2145 = arith.index_cast %add3A_2144 : i32 to index
    %get3A_2146 = memref.load %arg1[%get3A_2145] : memref<8192xi32, #tpu.memory_space<smem>>
    %dma_start3A_2147 = arith.constant 195 : i32
    %dma_start3A_2148 = arith.constant 0 : i32
    %dma_start3A_2149 = tpu.memref_slice %arg3[%dma_start3A_2147, %dma_start3A_2148] : memref<256x64xf32, #tpu.memory_space<vmem>> -> memref<1x64xf32, #tpu.memory_space<vmem>>
    %dma_start3A_2150 = arith.constant 0 : i32
    %dma_start3A_2151 = tpu.memref_slice %arg2[%get3A_2146, %dma_start3A_2150] : memref<1000000x64xf32, #tpu.memory_space<hbm>> -> memref<1x64xf32, #tpu.memory_space<hbm>>
    tpu.enqueue_dma source(%dma_start3A_2151 : memref<1x64xf32, #tpu.memory_space<hbm>>) target(%dma_start3A_2149 : memref<1x64xf32, #tpu.memory_space<vmem>>) target_semaphore(%arg4 : memref<!tpu.dma_semaphore, #tpu.memory_space<semaphore_mem>>)
    %mul3A_2152 = arith.constant 256 : i32
    %mul3A_2153 = arith.muli %arg0, %mul3A_2152 : i32
    %add3A_2154 = arith.constant 196 : i32
    %add3A_2155 = arith.addi %mul3A_2153, %add3A_2154 : i32
    %get3A_2156 = arith.index_cast %add3A_2155 : i32 to index
    %get3A_2157 = memref.load %arg1[%get3A_2156] : memref<8192xi32, #tpu.memory_space<smem>>
    %dma_start3A_2158 = arith.constant 196 : i32
    %dma_start3A_2159 = arith.constant 0 : i32
    %dma_start3A_2160 = tpu.memref_slice %arg3[%dma_start3A_2158, %dma_start3A_2159] : memref<256x64xf32, #tpu.memory_space<vmem>> -> memref<1x64xf32, #tpu.memory_space<vmem>>
    %dma_start3A_2161 = arith.constant 0 : i32
    %dma_start3A_2162 = tpu.memref_slice %arg2[%get3A_2157, %dma_start3A_2161] : memref<1000000x64xf32, #tpu.memory_space<hbm>> -> memref<1x64xf32, #tpu.memory_space<hbm>>
    tpu.enqueue_dma source(%dma_start3A_2162 : memref<1x64xf32, #tpu.memory_space<hbm>>) target(%dma_start3A_2160 : memref<1x64xf32, #tpu.memory_space<vmem>>) target_semaphore(%arg4 : memref<!tpu.dma_semaphore, #tpu.memory_space<semaphore_mem>>)
    %mul3A_2163 = arith.constant 256 : i32
    %mul3A_2164 = arith.muli %arg0, %mul3A_2163 : i32
    %add3A_2165 = arith.constant 197 : i32
    %add3A_2166 = arith.addi %mul3A_2164, %add3A_2165 : i32
    %get3A_2167 = arith.index_cast %add3A_2166 : i32 to index
    %get3A_2168 = memref.load %arg1[%get3A_2167] : memref<8192xi32, #tpu.memory_space<smem>>
    %dma_start3A_2169 = arith.constant 197 : i32
    %dma_start3A_2170 = arith.constant 0 : i32
    %dma_start3A_2171 = tpu.memref_slice %arg3[%dma_start3A_2169, %dma_start3A_2170] : memref<256x64xf32, #tpu.memory_space<vmem>> -> memref<1x64xf32, #tpu.memory_space<vmem>>
    %dma_start3A_2172 = arith.constant 0 : i32
    %dma_start3A_2173 = tpu.memref_slice %arg2[%get3A_2168, %dma_start3A_2172] : memref<1000000x64xf32, #tpu.memory_space<hbm>> -> memref<1x64xf32, #tpu.memory_space<hbm>>
    tpu.enqueue_dma source(%dma_start3A_2173 : memref<1x64xf32, #tpu.memory_space<hbm>>) target(%dma_start3A_2171 : memref<1x64xf32, #tpu.memory_space<vmem>>) target_semaphore(%arg4 : memref<!tpu.dma_semaphore, #tpu.memory_space<semaphore_mem>>)
    %mul3A_2174 = arith.constant 256 : i32
    %mul3A_2175 = arith.muli %arg0, %mul3A_2174 : i32
    %add3A_2176 = arith.constant 198 : i32
    %add3A_2177 = arith.addi %mul3A_2175, %add3A_2176 : i32
    %get3A_2178 = arith.index_cast %add3A_2177 : i32 to index
    %get3A_2179 = memref.load %arg1[%get3A_2178] : memref<8192xi32, #tpu.memory_space<smem>>
    %dma_start3A_2180 = arith.constant 198 : i32
    %dma_start3A_2181 = arith.constant 0 : i32
    %dma_start3A_2182 = tpu.memref_slice %arg3[%dma_start3A_2180, %dma_start3A_2181] : memref<256x64xf32, #tpu.memory_space<vmem>> -> memref<1x64xf32, #tpu.memory_space<vmem>>
    %dma_start3A_2183 = arith.constant 0 : i32
    %dma_start3A_2184 = tpu.memref_slice %arg2[%get3A_2179, %dma_start3A_2183] : memref<1000000x64xf32, #tpu.memory_space<hbm>> -> memref<1x64xf32, #tpu.memory_space<hbm>>
    tpu.enqueue_dma source(%dma_start3A_2184 : memref<1x64xf32, #tpu.memory_space<hbm>>) target(%dma_start3A_2182 : memref<1x64xf32, #tpu.memory_space<vmem>>) target_semaphore(%arg4 : memref<!tpu.dma_semaphore, #tpu.memory_space<semaphore_mem>>)
    %mul3A_2185 = arith.constant 256 : i32
    %mul3A_2186 = arith.muli %arg0, %mul3A_2185 : i32
    %add3A_2187 = arith.constant 199 : i32
    %add3A_2188 = arith.addi %mul3A_2186, %add3A_2187 : i32
    %get3A_2189 = arith.index_cast %add3A_2188 : i32 to index
    %get3A_2190 = memref.load %arg1[%get3A_2189] : memref<8192xi32, #tpu.memory_space<smem>>
    %dma_start3A_2191 = arith.constant 199 : i32
    %dma_start3A_2192 = arith.constant 0 : i32
    %dma_start3A_2193 = tpu.memref_slice %arg3[%dma_start3A_2191, %dma_start3A_2192] : memref<256x64xf32, #tpu.memory_space<vmem>> -> memref<1x64xf32, #tpu.memory_space<vmem>>
    %dma_start3A_2194 = arith.constant 0 : i32
    %dma_start3A_2195 = tpu.memref_slice %arg2[%get3A_2190, %dma_start3A_2194] : memref<1000000x64xf32, #tpu.memory_space<hbm>> -> memref<1x64xf32, #tpu.memory_space<hbm>>
    tpu.enqueue_dma source(%dma_start3A_2195 : memref<1x64xf32, #tpu.memory_space<hbm>>) target(%dma_start3A_2193 : memref<1x64xf32, #tpu.memory_space<vmem>>) target_semaphore(%arg4 : memref<!tpu.dma_semaphore, #tpu.memory_space<semaphore_mem>>)
    %mul3A_2196 = arith.constant 256 : i32
    %mul3A_2197 = arith.muli %arg0, %mul3A_2196 : i32
    %add3A_2198 = arith.constant 200 : i32
    %add3A_2199 = arith.addi %mul3A_2197, %add3A_2198 : i32
    %get3A_2200 = arith.index_cast %add3A_2199 : i32 to index
    %get3A_2201 = memref.load %arg1[%get3A_2200] : memref<8192xi32, #tpu.memory_space<smem>>
    %dma_start3A_2202 = arith.constant 200 : i32
    %dma_start3A_2203 = arith.constant 0 : i32
    %dma_start3A_2204 = tpu.memref_slice %arg3[%dma_start3A_2202, %dma_start3A_2203] : memref<256x64xf32, #tpu.memory_space<vmem>> -> memref<1x64xf32, #tpu.memory_space<vmem>>
    %dma_start3A_2205 = arith.constant 0 : i32
    %dma_start3A_2206 = tpu.memref_slice %arg2[%get3A_2201, %dma_start3A_2205] : memref<1000000x64xf32, #tpu.memory_space<hbm>> -> memref<1x64xf32, #tpu.memory_space<hbm>>
    tpu.enqueue_dma source(%dma_start3A_2206 : memref<1x64xf32, #tpu.memory_space<hbm>>) target(%dma_start3A_2204 : memref<1x64xf32, #tpu.memory_space<vmem>>) target_semaphore(%arg4 : memref<!tpu.dma_semaphore, #tpu.memory_space<semaphore_mem>>)
    %mul3A_2207 = arith.constant 256 : i32
    %mul3A_2208 = arith.muli %arg0, %mul3A_2207 : i32
    %add3A_2209 = arith.constant 201 : i32
    %add3A_2210 = arith.addi %mul3A_2208, %add3A_2209 : i32
    %get3A_2211 = arith.index_cast %add3A_2210 : i32 to index
    %get3A_2212 = memref.load %arg1[%get3A_2211] : memref<8192xi32, #tpu.memory_space<smem>>
    %dma_start3A_2213 = arith.constant 201 : i32
    %dma_start3A_2214 = arith.constant 0 : i32
    %dma_start3A_2215 = tpu.memref_slice %arg3[%dma_start3A_2213, %dma_start3A_2214] : memref<256x64xf32, #tpu.memory_space<vmem>> -> memref<1x64xf32, #tpu.memory_space<vmem>>
    %dma_start3A_2216 = arith.constant 0 : i32
    %dma_start3A_2217 = tpu.memref_slice %arg2[%get3A_2212, %dma_start3A_2216] : memref<1000000x64xf32, #tpu.memory_space<hbm>> -> memref<1x64xf32, #tpu.memory_space<hbm>>
    tpu.enqueue_dma source(%dma_start3A_2217 : memref<1x64xf32, #tpu.memory_space<hbm>>) target(%dma_start3A_2215 : memref<1x64xf32, #tpu.memory_space<vmem>>) target_semaphore(%arg4 : memref<!tpu.dma_semaphore, #tpu.memory_space<semaphore_mem>>)
    %mul3A_2218 = arith.constant 256 : i32
    %mul3A_2219 = arith.muli %arg0, %mul3A_2218 : i32
    %add3A_2220 = arith.constant 202 : i32
    %add3A_2221 = arith.addi %mul3A_2219, %add3A_2220 : i32
    %get3A_2222 = arith.index_cast %add3A_2221 : i32 to index
    %get3A_2223 = memref.load %arg1[%get3A_2222] : memref<8192xi32, #tpu.memory_space<smem>>
    %dma_start3A_2224 = arith.constant 202 : i32
    %dma_start3A_2225 = arith.constant 0 : i32
    %dma_start3A_2226 = tpu.memref_slice %arg3[%dma_start3A_2224, %dma_start3A_2225] : memref<256x64xf32, #tpu.memory_space<vmem>> -> memref<1x64xf32, #tpu.memory_space<vmem>>
    %dma_start3A_2227 = arith.constant 0 : i32
    %dma_start3A_2228 = tpu.memref_slice %arg2[%get3A_2223, %dma_start3A_2227] : memref<1000000x64xf32, #tpu.memory_space<hbm>> -> memref<1x64xf32, #tpu.memory_space<hbm>>
    tpu.enqueue_dma source(%dma_start3A_2228 : memref<1x64xf32, #tpu.memory_space<hbm>>) target(%dma_start3A_2226 : memref<1x64xf32, #tpu.memory_space<vmem>>) target_semaphore(%arg4 : memref<!tpu.dma_semaphore, #tpu.memory_space<semaphore_mem>>)
    %mul3A_2229 = arith.constant 256 : i32
    %mul3A_2230 = arith.muli %arg0, %mul3A_2229 : i32
    %add3A_2231 = arith.constant 203 : i32
    %add3A_2232 = arith.addi %mul3A_2230, %add3A_2231 : i32
    %get3A_2233 = arith.index_cast %add3A_2232 : i32 to index
    %get3A_2234 = memref.load %arg1[%get3A_2233] : memref<8192xi32, #tpu.memory_space<smem>>
    %dma_start3A_2235 = arith.constant 203 : i32
    %dma_start3A_2236 = arith.constant 0 : i32
    %dma_start3A_2237 = tpu.memref_slice %arg3[%dma_start3A_2235, %dma_start3A_2236] : memref<256x64xf32, #tpu.memory_space<vmem>> -> memref<1x64xf32, #tpu.memory_space<vmem>>
    %dma_start3A_2238 = arith.constant 0 : i32
    %dma_start3A_2239 = tpu.memref_slice %arg2[%get3A_2234, %dma_start3A_2238] : memref<1000000x64xf32, #tpu.memory_space<hbm>> -> memref<1x64xf32, #tpu.memory_space<hbm>>
    tpu.enqueue_dma source(%dma_start3A_2239 : memref<1x64xf32, #tpu.memory_space<hbm>>) target(%dma_start3A_2237 : memref<1x64xf32, #tpu.memory_space<vmem>>) target_semaphore(%arg4 : memref<!tpu.dma_semaphore, #tpu.memory_space<semaphore_mem>>)
    %mul3A_2240 = arith.constant 256 : i32
    %mul3A_2241 = arith.muli %arg0, %mul3A_2240 : i32
    %add3A_2242 = arith.constant 204 : i32
    %add3A_2243 = arith.addi %mul3A_2241, %add3A_2242 : i32
    %get3A_2244 = arith.index_cast %add3A_2243 : i32 to index
    %get3A_2245 = memref.load %arg1[%get3A_2244] : memref<8192xi32, #tpu.memory_space<smem>>
    %dma_start3A_2246 = arith.constant 204 : i32
    %dma_start3A_2247 = arith.constant 0 : i32
    %dma_start3A_2248 = tpu.memref_slice %arg3[%dma_start3A_2246, %dma_start3A_2247] : memref<256x64xf32, #tpu.memory_space<vmem>> -> memref<1x64xf32, #tpu.memory_space<vmem>>
    %dma_start3A_2249 = arith.constant 0 : i32
    %dma_start3A_2250 = tpu.memref_slice %arg2[%get3A_2245, %dma_start3A_2249] : memref<1000000x64xf32, #tpu.memory_space<hbm>> -> memref<1x64xf32, #tpu.memory_space<hbm>>
    tpu.enqueue_dma source(%dma_start3A_2250 : memref<1x64xf32, #tpu.memory_space<hbm>>) target(%dma_start3A_2248 : memref<1x64xf32, #tpu.memory_space<vmem>>) target_semaphore(%arg4 : memref<!tpu.dma_semaphore, #tpu.memory_space<semaphore_mem>>)
    %mul3A_2251 = arith.constant 256 : i32
    %mul3A_2252 = arith.muli %arg0, %mul3A_2251 : i32
    %add3A_2253 = arith.constant 205 : i32
    %add3A_2254 = arith.addi %mul3A_2252, %add3A_2253 : i32
    %get3A_2255 = arith.index_cast %add3A_2254 : i32 to index
    %get3A_2256 = memref.load %arg1[%get3A_2255] : memref<8192xi32, #tpu.memory_space<smem>>
    %dma_start3A_2257 = arith.constant 205 : i32
    %dma_start3A_2258 = arith.constant 0 : i32
    %dma_start3A_2259 = tpu.memref_slice %arg3[%dma_start3A_2257, %dma_start3A_2258] : memref<256x64xf32, #tpu.memory_space<vmem>> -> memref<1x64xf32, #tpu.memory_space<vmem>>
    %dma_start3A_2260 = arith.constant 0 : i32
    %dma_start3A_2261 = tpu.memref_slice %arg2[%get3A_2256, %dma_start3A_2260] : memref<1000000x64xf32, #tpu.memory_space<hbm>> -> memref<1x64xf32, #tpu.memory_space<hbm>>
    tpu.enqueue_dma source(%dma_start3A_2261 : memref<1x64xf32, #tpu.memory_space<hbm>>) target(%dma_start3A_2259 : memref<1x64xf32, #tpu.memory_space<vmem>>) target_semaphore(%arg4 : memref<!tpu.dma_semaphore, #tpu.memory_space<semaphore_mem>>)
    %mul3A_2262 = arith.constant 256 : i32
    %mul3A_2263 = arith.muli %arg0, %mul3A_2262 : i32
    %add3A_2264 = arith.constant 206 : i32
    %add3A_2265 = arith.addi %mul3A_2263, %add3A_2264 : i32
    %get3A_2266 = arith.index_cast %add3A_2265 : i32 to index
    %get3A_2267 = memref.load %arg1[%get3A_2266] : memref<8192xi32, #tpu.memory_space<smem>>
    %dma_start3A_2268 = arith.constant 206 : i32
    %dma_start3A_2269 = arith.constant 0 : i32
    %dma_start3A_2270 = tpu.memref_slice %arg3[%dma_start3A_2268, %dma_start3A_2269] : memref<256x64xf32, #tpu.memory_space<vmem>> -> memref<1x64xf32, #tpu.memory_space<vmem>>
    %dma_start3A_2271 = arith.constant 0 : i32
    %dma_start3A_2272 = tpu.memref_slice %arg2[%get3A_2267, %dma_start3A_2271] : memref<1000000x64xf32, #tpu.memory_space<hbm>> -> memref<1x64xf32, #tpu.memory_space<hbm>>
    tpu.enqueue_dma source(%dma_start3A_2272 : memref<1x64xf32, #tpu.memory_space<hbm>>) target(%dma_start3A_2270 : memref<1x64xf32, #tpu.memory_space<vmem>>) target_semaphore(%arg4 : memref<!tpu.dma_semaphore, #tpu.memory_space<semaphore_mem>>)
    %mul3A_2273 = arith.constant 256 : i32
    %mul3A_2274 = arith.muli %arg0, %mul3A_2273 : i32
    %add3A_2275 = arith.constant 207 : i32
    %add3A_2276 = arith.addi %mul3A_2274, %add3A_2275 : i32
    %get3A_2277 = arith.index_cast %add3A_2276 : i32 to index
    %get3A_2278 = memref.load %arg1[%get3A_2277] : memref<8192xi32, #tpu.memory_space<smem>>
    %dma_start3A_2279 = arith.constant 207 : i32
    %dma_start3A_2280 = arith.constant 0 : i32
    %dma_start3A_2281 = tpu.memref_slice %arg3[%dma_start3A_2279, %dma_start3A_2280] : memref<256x64xf32, #tpu.memory_space<vmem>> -> memref<1x64xf32, #tpu.memory_space<vmem>>
    %dma_start3A_2282 = arith.constant 0 : i32
    %dma_start3A_2283 = tpu.memref_slice %arg2[%get3A_2278, %dma_start3A_2282] : memref<1000000x64xf32, #tpu.memory_space<hbm>> -> memref<1x64xf32, #tpu.memory_space<hbm>>
    tpu.enqueue_dma source(%dma_start3A_2283 : memref<1x64xf32, #tpu.memory_space<hbm>>) target(%dma_start3A_2281 : memref<1x64xf32, #tpu.memory_space<vmem>>) target_semaphore(%arg4 : memref<!tpu.dma_semaphore, #tpu.memory_space<semaphore_mem>>)
    %mul3A_2284 = arith.constant 256 : i32
    %mul3A_2285 = arith.muli %arg0, %mul3A_2284 : i32
    %add3A_2286 = arith.constant 208 : i32
    %add3A_2287 = arith.addi %mul3A_2285, %add3A_2286 : i32
    %get3A_2288 = arith.index_cast %add3A_2287 : i32 to index
    %get3A_2289 = memref.load %arg1[%get3A_2288] : memref<8192xi32, #tpu.memory_space<smem>>
    %dma_start3A_2290 = arith.constant 208 : i32
    %dma_start3A_2291 = arith.constant 0 : i32
    %dma_start3A_2292 = tpu.memref_slice %arg3[%dma_start3A_2290, %dma_start3A_2291] : memref<256x64xf32, #tpu.memory_space<vmem>> -> memref<1x64xf32, #tpu.memory_space<vmem>>
    %dma_start3A_2293 = arith.constant 0 : i32
    %dma_start3A_2294 = tpu.memref_slice %arg2[%get3A_2289, %dma_start3A_2293] : memref<1000000x64xf32, #tpu.memory_space<hbm>> -> memref<1x64xf32, #tpu.memory_space<hbm>>
    tpu.enqueue_dma source(%dma_start3A_2294 : memref<1x64xf32, #tpu.memory_space<hbm>>) target(%dma_start3A_2292 : memref<1x64xf32, #tpu.memory_space<vmem>>) target_semaphore(%arg4 : memref<!tpu.dma_semaphore, #tpu.memory_space<semaphore_mem>>)
    %mul3A_2295 = arith.constant 256 : i32
    %mul3A_2296 = arith.muli %arg0, %mul3A_2295 : i32
    %add3A_2297 = arith.constant 209 : i32
    %add3A_2298 = arith.addi %mul3A_2296, %add3A_2297 : i32
    %get3A_2299 = arith.index_cast %add3A_2298 : i32 to index
    %get3A_2300 = memref.load %arg1[%get3A_2299] : memref<8192xi32, #tpu.memory_space<smem>>
    %dma_start3A_2301 = arith.constant 209 : i32
    %dma_start3A_2302 = arith.constant 0 : i32
    %dma_start3A_2303 = tpu.memref_slice %arg3[%dma_start3A_2301, %dma_start3A_2302] : memref<256x64xf32, #tpu.memory_space<vmem>> -> memref<1x64xf32, #tpu.memory_space<vmem>>
    %dma_start3A_2304 = arith.constant 0 : i32
    %dma_start3A_2305 = tpu.memref_slice %arg2[%get3A_2300, %dma_start3A_2304] : memref<1000000x64xf32, #tpu.memory_space<hbm>> -> memref<1x64xf32, #tpu.memory_space<hbm>>
    tpu.enqueue_dma source(%dma_start3A_2305 : memref<1x64xf32, #tpu.memory_space<hbm>>) target(%dma_start3A_2303 : memref<1x64xf32, #tpu.memory_space<vmem>>) target_semaphore(%arg4 : memref<!tpu.dma_semaphore, #tpu.memory_space<semaphore_mem>>)
    %mul3A_2306 = arith.constant 256 : i32
    %mul3A_2307 = arith.muli %arg0, %mul3A_2306 : i32
    %add3A_2308 = arith.constant 210 : i32
    %add3A_2309 = arith.addi %mul3A_2307, %add3A_2308 : i32
    %get3A_2310 = arith.index_cast %add3A_2309 : i32 to index
    %get3A_2311 = memref.load %arg1[%get3A_2310] : memref<8192xi32, #tpu.memory_space<smem>>
    %dma_start3A_2312 = arith.constant 210 : i32
    %dma_start3A_2313 = arith.constant 0 : i32
    %dma_start3A_2314 = tpu.memref_slice %arg3[%dma_start3A_2312, %dma_start3A_2313] : memref<256x64xf32, #tpu.memory_space<vmem>> -> memref<1x64xf32, #tpu.memory_space<vmem>>
    %dma_start3A_2315 = arith.constant 0 : i32
    %dma_start3A_2316 = tpu.memref_slice %arg2[%get3A_2311, %dma_start3A_2315] : memref<1000000x64xf32, #tpu.memory_space<hbm>> -> memref<1x64xf32, #tpu.memory_space<hbm>>
    tpu.enqueue_dma source(%dma_start3A_2316 : memref<1x64xf32, #tpu.memory_space<hbm>>) target(%dma_start3A_2314 : memref<1x64xf32, #tpu.memory_space<vmem>>) target_semaphore(%arg4 : memref<!tpu.dma_semaphore, #tpu.memory_space<semaphore_mem>>)
    %mul3A_2317 = arith.constant 256 : i32
    %mul3A_2318 = arith.muli %arg0, %mul3A_2317 : i32
    %add3A_2319 = arith.constant 211 : i32
    %add3A_2320 = arith.addi %mul3A_2318, %add3A_2319 : i32
    %get3A_2321 = arith.index_cast %add3A_2320 : i32 to index
    %get3A_2322 = memref.load %arg1[%get3A_2321] : memref<8192xi32, #tpu.memory_space<smem>>
    %dma_start3A_2323 = arith.constant 211 : i32
    %dma_start3A_2324 = arith.constant 0 : i32
    %dma_start3A_2325 = tpu.memref_slice %arg3[%dma_start3A_2323, %dma_start3A_2324] : memref<256x64xf32, #tpu.memory_space<vmem>> -> memref<1x64xf32, #tpu.memory_space<vmem>>
    %dma_start3A_2326 = arith.constant 0 : i32
    %dma_start3A_2327 = tpu.memref_slice %arg2[%get3A_2322, %dma_start3A_2326] : memref<1000000x64xf32, #tpu.memory_space<hbm>> -> memref<1x64xf32, #tpu.memory_space<hbm>>
    tpu.enqueue_dma source(%dma_start3A_2327 : memref<1x64xf32, #tpu.memory_space<hbm>>) target(%dma_start3A_2325 : memref<1x64xf32, #tpu.memory_space<vmem>>) target_semaphore(%arg4 : memref<!tpu.dma_semaphore, #tpu.memory_space<semaphore_mem>>)
    %mul3A_2328 = arith.constant 256 : i32
    %mul3A_2329 = arith.muli %arg0, %mul3A_2328 : i32
    %add3A_2330 = arith.constant 212 : i32
    %add3A_2331 = arith.addi %mul3A_2329, %add3A_2330 : i32
    %get3A_2332 = arith.index_cast %add3A_2331 : i32 to index
    %get3A_2333 = memref.load %arg1[%get3A_2332] : memref<8192xi32, #tpu.memory_space<smem>>
    %dma_start3A_2334 = arith.constant 212 : i32
    %dma_start3A_2335 = arith.constant 0 : i32
    %dma_start3A_2336 = tpu.memref_slice %arg3[%dma_start3A_2334, %dma_start3A_2335] : memref<256x64xf32, #tpu.memory_space<vmem>> -> memref<1x64xf32, #tpu.memory_space<vmem>>
    %dma_start3A_2337 = arith.constant 0 : i32
    %dma_start3A_2338 = tpu.memref_slice %arg2[%get3A_2333, %dma_start3A_2337] : memref<1000000x64xf32, #tpu.memory_space<hbm>> -> memref<1x64xf32, #tpu.memory_space<hbm>>
    tpu.enqueue_dma source(%dma_start3A_2338 : memref<1x64xf32, #tpu.memory_space<hbm>>) target(%dma_start3A_2336 : memref<1x64xf32, #tpu.memory_space<vmem>>) target_semaphore(%arg4 : memref<!tpu.dma_semaphore, #tpu.memory_space<semaphore_mem>>)
    %mul3A_2339 = arith.constant 256 : i32
    %mul3A_2340 = arith.muli %arg0, %mul3A_2339 : i32
    %add3A_2341 = arith.constant 213 : i32
    %add3A_2342 = arith.addi %mul3A_2340, %add3A_2341 : i32
    %get3A_2343 = arith.index_cast %add3A_2342 : i32 to index
    %get3A_2344 = memref.load %arg1[%get3A_2343] : memref<8192xi32, #tpu.memory_space<smem>>
    %dma_start3A_2345 = arith.constant 213 : i32
    %dma_start3A_2346 = arith.constant 0 : i32
    %dma_start3A_2347 = tpu.memref_slice %arg3[%dma_start3A_2345, %dma_start3A_2346] : memref<256x64xf32, #tpu.memory_space<vmem>> -> memref<1x64xf32, #tpu.memory_space<vmem>>
    %dma_start3A_2348 = arith.constant 0 : i32
    %dma_start3A_2349 = tpu.memref_slice %arg2[%get3A_2344, %dma_start3A_2348] : memref<1000000x64xf32, #tpu.memory_space<hbm>> -> memref<1x64xf32, #tpu.memory_space<hbm>>
    tpu.enqueue_dma source(%dma_start3A_2349 : memref<1x64xf32, #tpu.memory_space<hbm>>) target(%dma_start3A_2347 : memref<1x64xf32, #tpu.memory_space<vmem>>) target_semaphore(%arg4 : memref<!tpu.dma_semaphore, #tpu.memory_space<semaphore_mem>>)
    %mul3A_2350 = arith.constant 256 : i32
    %mul3A_2351 = arith.muli %arg0, %mul3A_2350 : i32
    %add3A_2352 = arith.constant 214 : i32
    %add3A_2353 = arith.addi %mul3A_2351, %add3A_2352 : i32
    %get3A_2354 = arith.index_cast %add3A_2353 : i32 to index
    %get3A_2355 = memref.load %arg1[%get3A_2354] : memref<8192xi32, #tpu.memory_space<smem>>
    %dma_start3A_2356 = arith.constant 214 : i32
    %dma_start3A_2357 = arith.constant 0 : i32
    %dma_start3A_2358 = tpu.memref_slice %arg3[%dma_start3A_2356, %dma_start3A_2357] : memref<256x64xf32, #tpu.memory_space<vmem>> -> memref<1x64xf32, #tpu.memory_space<vmem>>
    %dma_start3A_2359 = arith.constant 0 : i32
    %dma_start3A_2360 = tpu.memref_slice %arg2[%get3A_2355, %dma_start3A_2359] : memref<1000000x64xf32, #tpu.memory_space<hbm>> -> memref<1x64xf32, #tpu.memory_space<hbm>>
    tpu.enqueue_dma source(%dma_start3A_2360 : memref<1x64xf32, #tpu.memory_space<hbm>>) target(%dma_start3A_2358 : memref<1x64xf32, #tpu.memory_space<vmem>>) target_semaphore(%arg4 : memref<!tpu.dma_semaphore, #tpu.memory_space<semaphore_mem>>)
    %mul3A_2361 = arith.constant 256 : i32
    %mul3A_2362 = arith.muli %arg0, %mul3A_2361 : i32
    %add3A_2363 = arith.constant 215 : i32
    %add3A_2364 = arith.addi %mul3A_2362, %add3A_2363 : i32
    %get3A_2365 = arith.index_cast %add3A_2364 : i32 to index
    %get3A_2366 = memref.load %arg1[%get3A_2365] : memref<8192xi32, #tpu.memory_space<smem>>
    %dma_start3A_2367 = arith.constant 215 : i32
    %dma_start3A_2368 = arith.constant 0 : i32
    %dma_start3A_2369 = tpu.memref_slice %arg3[%dma_start3A_2367, %dma_start3A_2368] : memref<256x64xf32, #tpu.memory_space<vmem>> -> memref<1x64xf32, #tpu.memory_space<vmem>>
    %dma_start3A_2370 = arith.constant 0 : i32
    %dma_start3A_2371 = tpu.memref_slice %arg2[%get3A_2366, %dma_start3A_2370] : memref<1000000x64xf32, #tpu.memory_space<hbm>> -> memref<1x64xf32, #tpu.memory_space<hbm>>
    tpu.enqueue_dma source(%dma_start3A_2371 : memref<1x64xf32, #tpu.memory_space<hbm>>) target(%dma_start3A_2369 : memref<1x64xf32, #tpu.memory_space<vmem>>) target_semaphore(%arg4 : memref<!tpu.dma_semaphore, #tpu.memory_space<semaphore_mem>>)
    %mul3A_2372 = arith.constant 256 : i32
    %mul3A_2373 = arith.muli %arg0, %mul3A_2372 : i32
    %add3A_2374 = arith.constant 216 : i32
    %add3A_2375 = arith.addi %mul3A_2373, %add3A_2374 : i32
    %get3A_2376 = arith.index_cast %add3A_2375 : i32 to index
    %get3A_2377 = memref.load %arg1[%get3A_2376] : memref<8192xi32, #tpu.memory_space<smem>>
    %dma_start3A_2378 = arith.constant 216 : i32
    %dma_start3A_2379 = arith.constant 0 : i32
    %dma_start3A_2380 = tpu.memref_slice %arg3[%dma_start3A_2378, %dma_start3A_2379] : memref<256x64xf32, #tpu.memory_space<vmem>> -> memref<1x64xf32, #tpu.memory_space<vmem>>
    %dma_start3A_2381 = arith.constant 0 : i32
    %dma_start3A_2382 = tpu.memref_slice %arg2[%get3A_2377, %dma_start3A_2381] : memref<1000000x64xf32, #tpu.memory_space<hbm>> -> memref<1x64xf32, #tpu.memory_space<hbm>>
    tpu.enqueue_dma source(%dma_start3A_2382 : memref<1x64xf32, #tpu.memory_space<hbm>>) target(%dma_start3A_2380 : memref<1x64xf32, #tpu.memory_space<vmem>>) target_semaphore(%arg4 : memref<!tpu.dma_semaphore, #tpu.memory_space<semaphore_mem>>)
    %mul3A_2383 = arith.constant 256 : i32
    %mul3A_2384 = arith.muli %arg0, %mul3A_2383 : i32
    %add3A_2385 = arith.constant 217 : i32
    %add3A_2386 = arith.addi %mul3A_2384, %add3A_2385 : i32
    %get3A_2387 = arith.index_cast %add3A_2386 : i32 to index
    %get3A_2388 = memref.load %arg1[%get3A_2387] : memref<8192xi32, #tpu.memory_space<smem>>
    %dma_start3A_2389 = arith.constant 217 : i32
    %dma_start3A_2390 = arith.constant 0 : i32
    %dma_start3A_2391 = tpu.memref_slice %arg3[%dma_start3A_2389, %dma_start3A_2390] : memref<256x64xf32, #tpu.memory_space<vmem>> -> memref<1x64xf32, #tpu.memory_space<vmem>>
    %dma_start3A_2392 = arith.constant 0 : i32
    %dma_start3A_2393 = tpu.memref_slice %arg2[%get3A_2388, %dma_start3A_2392] : memref<1000000x64xf32, #tpu.memory_space<hbm>> -> memref<1x64xf32, #tpu.memory_space<hbm>>
    tpu.enqueue_dma source(%dma_start3A_2393 : memref<1x64xf32, #tpu.memory_space<hbm>>) target(%dma_start3A_2391 : memref<1x64xf32, #tpu.memory_space<vmem>>) target_semaphore(%arg4 : memref<!tpu.dma_semaphore, #tpu.memory_space<semaphore_mem>>)
    %mul3A_2394 = arith.constant 256 : i32
    %mul3A_2395 = arith.muli %arg0, %mul3A_2394 : i32
    %add3A_2396 = arith.constant 218 : i32
    %add3A_2397 = arith.addi %mul3A_2395, %add3A_2396 : i32
    %get3A_2398 = arith.index_cast %add3A_2397 : i32 to index
    %get3A_2399 = memref.load %arg1[%get3A_2398] : memref<8192xi32, #tpu.memory_space<smem>>
    %dma_start3A_2400 = arith.constant 218 : i32
    %dma_start3A_2401 = arith.constant 0 : i32
    %dma_start3A_2402 = tpu.memref_slice %arg3[%dma_start3A_2400, %dma_start3A_2401] : memref<256x64xf32, #tpu.memory_space<vmem>> -> memref<1x64xf32, #tpu.memory_space<vmem>>
    %dma_start3A_2403 = arith.constant 0 : i32
    %dma_start3A_2404 = tpu.memref_slice %arg2[%get3A_2399, %dma_start3A_2403] : memref<1000000x64xf32, #tpu.memory_space<hbm>> -> memref<1x64xf32, #tpu.memory_space<hbm>>
    tpu.enqueue_dma source(%dma_start3A_2404 : memref<1x64xf32, #tpu.memory_space<hbm>>) target(%dma_start3A_2402 : memref<1x64xf32, #tpu.memory_space<vmem>>) target_semaphore(%arg4 : memref<!tpu.dma_semaphore, #tpu.memory_space<semaphore_mem>>)
    %mul3A_2405 = arith.constant 256 : i32
    %mul3A_2406 = arith.muli %arg0, %mul3A_2405 : i32
    %add3A_2407 = arith.constant 219 : i32
    %add3A_2408 = arith.addi %mul3A_2406, %add3A_2407 : i32
    %get3A_2409 = arith.index_cast %add3A_2408 : i32 to index
    %get3A_2410 = memref.load %arg1[%get3A_2409] : memref<8192xi32, #tpu.memory_space<smem>>
    %dma_start3A_2411 = arith.constant 219 : i32
    %dma_start3A_2412 = arith.constant 0 : i32
    %dma_start3A_2413 = tpu.memref_slice %arg3[%dma_start3A_2411, %dma_start3A_2412] : memref<256x64xf32, #tpu.memory_space<vmem>> -> memref<1x64xf32, #tpu.memory_space<vmem>>
    %dma_start3A_2414 = arith.constant 0 : i32
    %dma_start3A_2415 = tpu.memref_slice %arg2[%get3A_2410, %dma_start3A_2414] : memref<1000000x64xf32, #tpu.memory_space<hbm>> -> memref<1x64xf32, #tpu.memory_space<hbm>>
    tpu.enqueue_dma source(%dma_start3A_2415 : memref<1x64xf32, #tpu.memory_space<hbm>>) target(%dma_start3A_2413 : memref<1x64xf32, #tpu.memory_space<vmem>>) target_semaphore(%arg4 : memref<!tpu.dma_semaphore, #tpu.memory_space<semaphore_mem>>)
    %mul3A_2416 = arith.constant 256 : i32
    %mul3A_2417 = arith.muli %arg0, %mul3A_2416 : i32
    %add3A_2418 = arith.constant 220 : i32
    %add3A_2419 = arith.addi %mul3A_2417, %add3A_2418 : i32
    %get3A_2420 = arith.index_cast %add3A_2419 : i32 to index
    %get3A_2421 = memref.load %arg1[%get3A_2420] : memref<8192xi32, #tpu.memory_space<smem>>
    %dma_start3A_2422 = arith.constant 220 : i32
    %dma_start3A_2423 = arith.constant 0 : i32
    %dma_start3A_2424 = tpu.memref_slice %arg3[%dma_start3A_2422, %dma_start3A_2423] : memref<256x64xf32, #tpu.memory_space<vmem>> -> memref<1x64xf32, #tpu.memory_space<vmem>>
    %dma_start3A_2425 = arith.constant 0 : i32
    %dma_start3A_2426 = tpu.memref_slice %arg2[%get3A_2421, %dma_start3A_2425] : memref<1000000x64xf32, #tpu.memory_space<hbm>> -> memref<1x64xf32, #tpu.memory_space<hbm>>
    tpu.enqueue_dma source(%dma_start3A_2426 : memref<1x64xf32, #tpu.memory_space<hbm>>) target(%dma_start3A_2424 : memref<1x64xf32, #tpu.memory_space<vmem>>) target_semaphore(%arg4 : memref<!tpu.dma_semaphore, #tpu.memory_space<semaphore_mem>>)
    %mul3A_2427 = arith.constant 256 : i32
    %mul3A_2428 = arith.muli %arg0, %mul3A_2427 : i32
    %add3A_2429 = arith.constant 221 : i32
    %add3A_2430 = arith.addi %mul3A_2428, %add3A_2429 : i32
    %get3A_2431 = arith.index_cast %add3A_2430 : i32 to index
    %get3A_2432 = memref.load %arg1[%get3A_2431] : memref<8192xi32, #tpu.memory_space<smem>>
    %dma_start3A_2433 = arith.constant 221 : i32
    %dma_start3A_2434 = arith.constant 0 : i32
    %dma_start3A_2435 = tpu.memref_slice %arg3[%dma_start3A_2433, %dma_start3A_2434] : memref<256x64xf32, #tpu.memory_space<vmem>> -> memref<1x64xf32, #tpu.memory_space<vmem>>
    %dma_start3A_2436 = arith.constant 0 : i32
    %dma_start3A_2437 = tpu.memref_slice %arg2[%get3A_2432, %dma_start3A_2436] : memref<1000000x64xf32, #tpu.memory_space<hbm>> -> memref<1x64xf32, #tpu.memory_space<hbm>>
    tpu.enqueue_dma source(%dma_start3A_2437 : memref<1x64xf32, #tpu.memory_space<hbm>>) target(%dma_start3A_2435 : memref<1x64xf32, #tpu.memory_space<vmem>>) target_semaphore(%arg4 : memref<!tpu.dma_semaphore, #tpu.memory_space<semaphore_mem>>)
    %mul3A_2438 = arith.constant 256 : i32
    %mul3A_2439 = arith.muli %arg0, %mul3A_2438 : i32
    %add3A_2440 = arith.constant 222 : i32
    %add3A_2441 = arith.addi %mul3A_2439, %add3A_2440 : i32
    %get3A_2442 = arith.index_cast %add3A_2441 : i32 to index
    %get3A_2443 = memref.load %arg1[%get3A_2442] : memref<8192xi32, #tpu.memory_space<smem>>
    %dma_start3A_2444 = arith.constant 222 : i32
    %dma_start3A_2445 = arith.constant 0 : i32
    %dma_start3A_2446 = tpu.memref_slice %arg3[%dma_start3A_2444, %dma_start3A_2445] : memref<256x64xf32, #tpu.memory_space<vmem>> -> memref<1x64xf32, #tpu.memory_space<vmem>>
    %dma_start3A_2447 = arith.constant 0 : i32
    %dma_start3A_2448 = tpu.memref_slice %arg2[%get3A_2443, %dma_start3A_2447] : memref<1000000x64xf32, #tpu.memory_space<hbm>> -> memref<1x64xf32, #tpu.memory_space<hbm>>
    tpu.enqueue_dma source(%dma_start3A_2448 : memref<1x64xf32, #tpu.memory_space<hbm>>) target(%dma_start3A_2446 : memref<1x64xf32, #tpu.memory_space<vmem>>) target_semaphore(%arg4 : memref<!tpu.dma_semaphore, #tpu.memory_space<semaphore_mem>>)
    %mul3A_2449 = arith.constant 256 : i32
    %mul3A_2450 = arith.muli %arg0, %mul3A_2449 : i32
    %add3A_2451 = arith.constant 223 : i32
    %add3A_2452 = arith.addi %mul3A_2450, %add3A_2451 : i32
    %get3A_2453 = arith.index_cast %add3A_2452 : i32 to index
    %get3A_2454 = memref.load %arg1[%get3A_2453] : memref<8192xi32, #tpu.memory_space<smem>>
    %dma_start3A_2455 = arith.constant 223 : i32
    %dma_start3A_2456 = arith.constant 0 : i32
    %dma_start3A_2457 = tpu.memref_slice %arg3[%dma_start3A_2455, %dma_start3A_2456] : memref<256x64xf32, #tpu.memory_space<vmem>> -> memref<1x64xf32, #tpu.memory_space<vmem>>
    %dma_start3A_2458 = arith.constant 0 : i32
    %dma_start3A_2459 = tpu.memref_slice %arg2[%get3A_2454, %dma_start3A_2458] : memref<1000000x64xf32, #tpu.memory_space<hbm>> -> memref<1x64xf32, #tpu.memory_space<hbm>>
    tpu.enqueue_dma source(%dma_start3A_2459 : memref<1x64xf32, #tpu.memory_space<hbm>>) target(%dma_start3A_2457 : memref<1x64xf32, #tpu.memory_space<vmem>>) target_semaphore(%arg4 : memref<!tpu.dma_semaphore, #tpu.memory_space<semaphore_mem>>)
    %mul3A_2460 = arith.constant 256 : i32
    %mul3A_2461 = arith.muli %arg0, %mul3A_2460 : i32
    %add3A_2462 = arith.constant 224 : i32
    %add3A_2463 = arith.addi %mul3A_2461, %add3A_2462 : i32
    %get3A_2464 = arith.index_cast %add3A_2463 : i32 to index
    %get3A_2465 = memref.load %arg1[%get3A_2464] : memref<8192xi32, #tpu.memory_space<smem>>
    %dma_start3A_2466 = arith.constant 224 : i32
    %dma_start3A_2467 = arith.constant 0 : i32
    %dma_start3A_2468 = tpu.memref_slice %arg3[%dma_start3A_2466, %dma_start3A_2467] : memref<256x64xf32, #tpu.memory_space<vmem>> -> memref<1x64xf32, #tpu.memory_space<vmem>>
    %dma_start3A_2469 = arith.constant 0 : i32
    %dma_start3A_2470 = tpu.memref_slice %arg2[%get3A_2465, %dma_start3A_2469] : memref<1000000x64xf32, #tpu.memory_space<hbm>> -> memref<1x64xf32, #tpu.memory_space<hbm>>
    tpu.enqueue_dma source(%dma_start3A_2470 : memref<1x64xf32, #tpu.memory_space<hbm>>) target(%dma_start3A_2468 : memref<1x64xf32, #tpu.memory_space<vmem>>) target_semaphore(%arg4 : memref<!tpu.dma_semaphore, #tpu.memory_space<semaphore_mem>>)
    %mul3A_2471 = arith.constant 256 : i32
    %mul3A_2472 = arith.muli %arg0, %mul3A_2471 : i32
    %add3A_2473 = arith.constant 225 : i32
    %add3A_2474 = arith.addi %mul3A_2472, %add3A_2473 : i32
    %get3A_2475 = arith.index_cast %add3A_2474 : i32 to index
    %get3A_2476 = memref.load %arg1[%get3A_2475] : memref<8192xi32, #tpu.memory_space<smem>>
    %dma_start3A_2477 = arith.constant 225 : i32
    %dma_start3A_2478 = arith.constant 0 : i32
    %dma_start3A_2479 = tpu.memref_slice %arg3[%dma_start3A_2477, %dma_start3A_2478] : memref<256x64xf32, #tpu.memory_space<vmem>> -> memref<1x64xf32, #tpu.memory_space<vmem>>
    %dma_start3A_2480 = arith.constant 0 : i32
    %dma_start3A_2481 = tpu.memref_slice %arg2[%get3A_2476, %dma_start3A_2480] : memref<1000000x64xf32, #tpu.memory_space<hbm>> -> memref<1x64xf32, #tpu.memory_space<hbm>>
    tpu.enqueue_dma source(%dma_start3A_2481 : memref<1x64xf32, #tpu.memory_space<hbm>>) target(%dma_start3A_2479 : memref<1x64xf32, #tpu.memory_space<vmem>>) target_semaphore(%arg4 : memref<!tpu.dma_semaphore, #tpu.memory_space<semaphore_mem>>)
    %mul3A_2482 = arith.constant 256 : i32
    %mul3A_2483 = arith.muli %arg0, %mul3A_2482 : i32
    %add3A_2484 = arith.constant 226 : i32
    %add3A_2485 = arith.addi %mul3A_2483, %add3A_2484 : i32
    %get3A_2486 = arith.index_cast %add3A_2485 : i32 to index
    %get3A_2487 = memref.load %arg1[%get3A_2486] : memref<8192xi32, #tpu.memory_space<smem>>
    %dma_start3A_2488 = arith.constant 226 : i32
    %dma_start3A_2489 = arith.constant 0 : i32
    %dma_start3A_2490 = tpu.memref_slice %arg3[%dma_start3A_2488, %dma_start3A_2489] : memref<256x64xf32, #tpu.memory_space<vmem>> -> memref<1x64xf32, #tpu.memory_space<vmem>>
    %dma_start3A_2491 = arith.constant 0 : i32
    %dma_start3A_2492 = tpu.memref_slice %arg2[%get3A_2487, %dma_start3A_2491] : memref<1000000x64xf32, #tpu.memory_space<hbm>> -> memref<1x64xf32, #tpu.memory_space<hbm>>
    tpu.enqueue_dma source(%dma_start3A_2492 : memref<1x64xf32, #tpu.memory_space<hbm>>) target(%dma_start3A_2490 : memref<1x64xf32, #tpu.memory_space<vmem>>) target_semaphore(%arg4 : memref<!tpu.dma_semaphore, #tpu.memory_space<semaphore_mem>>)
    %mul3A_2493 = arith.constant 256 : i32
    %mul3A_2494 = arith.muli %arg0, %mul3A_2493 : i32
    %add3A_2495 = arith.constant 227 : i32
    %add3A_2496 = arith.addi %mul3A_2494, %add3A_2495 : i32
    %get3A_2497 = arith.index_cast %add3A_2496 : i32 to index
    %get3A_2498 = memref.load %arg1[%get3A_2497] : memref<8192xi32, #tpu.memory_space<smem>>
    %dma_start3A_2499 = arith.constant 227 : i32
    %dma_start3A_2500 = arith.constant 0 : i32
    %dma_start3A_2501 = tpu.memref_slice %arg3[%dma_start3A_2499, %dma_start3A_2500] : memref<256x64xf32, #tpu.memory_space<vmem>> -> memref<1x64xf32, #tpu.memory_space<vmem>>
    %dma_start3A_2502 = arith.constant 0 : i32
    %dma_start3A_2503 = tpu.memref_slice %arg2[%get3A_2498, %dma_start3A_2502] : memref<1000000x64xf32, #tpu.memory_space<hbm>> -> memref<1x64xf32, #tpu.memory_space<hbm>>
    tpu.enqueue_dma source(%dma_start3A_2503 : memref<1x64xf32, #tpu.memory_space<hbm>>) target(%dma_start3A_2501 : memref<1x64xf32, #tpu.memory_space<vmem>>) target_semaphore(%arg4 : memref<!tpu.dma_semaphore, #tpu.memory_space<semaphore_mem>>)
    %mul3A_2504 = arith.constant 256 : i32
    %mul3A_2505 = arith.muli %arg0, %mul3A_2504 : i32
    %add3A_2506 = arith.constant 228 : i32
    %add3A_2507 = arith.addi %mul3A_2505, %add3A_2506 : i32
    %get3A_2508 = arith.index_cast %add3A_2507 : i32 to index
    %get3A_2509 = memref.load %arg1[%get3A_2508] : memref<8192xi32, #tpu.memory_space<smem>>
    %dma_start3A_2510 = arith.constant 228 : i32
    %dma_start3A_2511 = arith.constant 0 : i32
    %dma_start3A_2512 = tpu.memref_slice %arg3[%dma_start3A_2510, %dma_start3A_2511] : memref<256x64xf32, #tpu.memory_space<vmem>> -> memref<1x64xf32, #tpu.memory_space<vmem>>
    %dma_start3A_2513 = arith.constant 0 : i32
    %dma_start3A_2514 = tpu.memref_slice %arg2[%get3A_2509, %dma_start3A_2513] : memref<1000000x64xf32, #tpu.memory_space<hbm>> -> memref<1x64xf32, #tpu.memory_space<hbm>>
    tpu.enqueue_dma source(%dma_start3A_2514 : memref<1x64xf32, #tpu.memory_space<hbm>>) target(%dma_start3A_2512 : memref<1x64xf32, #tpu.memory_space<vmem>>) target_semaphore(%arg4 : memref<!tpu.dma_semaphore, #tpu.memory_space<semaphore_mem>>)
    %mul3A_2515 = arith.constant 256 : i32
    %mul3A_2516 = arith.muli %arg0, %mul3A_2515 : i32
    %add3A_2517 = arith.constant 229 : i32
    %add3A_2518 = arith.addi %mul3A_2516, %add3A_2517 : i32
    %get3A_2519 = arith.index_cast %add3A_2518 : i32 to index
    %get3A_2520 = memref.load %arg1[%get3A_2519] : memref<8192xi32, #tpu.memory_space<smem>>
    %dma_start3A_2521 = arith.constant 229 : i32
    %dma_start3A_2522 = arith.constant 0 : i32
    %dma_start3A_2523 = tpu.memref_slice %arg3[%dma_start3A_2521, %dma_start3A_2522] : memref<256x64xf32, #tpu.memory_space<vmem>> -> memref<1x64xf32, #tpu.memory_space<vmem>>
    %dma_start3A_2524 = arith.constant 0 : i32
    %dma_start3A_2525 = tpu.memref_slice %arg2[%get3A_2520, %dma_start3A_2524] : memref<1000000x64xf32, #tpu.memory_space<hbm>> -> memref<1x64xf32, #tpu.memory_space<hbm>>
    tpu.enqueue_dma source(%dma_start3A_2525 : memref<1x64xf32, #tpu.memory_space<hbm>>) target(%dma_start3A_2523 : memref<1x64xf32, #tpu.memory_space<vmem>>) target_semaphore(%arg4 : memref<!tpu.dma_semaphore, #tpu.memory_space<semaphore_mem>>)
    %mul3A_2526 = arith.constant 256 : i32
    %mul3A_2527 = arith.muli %arg0, %mul3A_2526 : i32
    %add3A_2528 = arith.constant 230 : i32
    %add3A_2529 = arith.addi %mul3A_2527, %add3A_2528 : i32
    %get3A_2530 = arith.index_cast %add3A_2529 : i32 to index
    %get3A_2531 = memref.load %arg1[%get3A_2530] : memref<8192xi32, #tpu.memory_space<smem>>
    %dma_start3A_2532 = arith.constant 230 : i32
    %dma_start3A_2533 = arith.constant 0 : i32
    %dma_start3A_2534 = tpu.memref_slice %arg3[%dma_start3A_2532, %dma_start3A_2533] : memref<256x64xf32, #tpu.memory_space<vmem>> -> memref<1x64xf32, #tpu.memory_space<vmem>>
    %dma_start3A_2535 = arith.constant 0 : i32
    %dma_start3A_2536 = tpu.memref_slice %arg2[%get3A_2531, %dma_start3A_2535] : memref<1000000x64xf32, #tpu.memory_space<hbm>> -> memref<1x64xf32, #tpu.memory_space<hbm>>
    tpu.enqueue_dma source(%dma_start3A_2536 : memref<1x64xf32, #tpu.memory_space<hbm>>) target(%dma_start3A_2534 : memref<1x64xf32, #tpu.memory_space<vmem>>) target_semaphore(%arg4 : memref<!tpu.dma_semaphore, #tpu.memory_space<semaphore_mem>>)
    %mul3A_2537 = arith.constant 256 : i32
    %mul3A_2538 = arith.muli %arg0, %mul3A_2537 : i32
    %add3A_2539 = arith.constant 231 : i32
    %add3A_2540 = arith.addi %mul3A_2538, %add3A_2539 : i32
    %get3A_2541 = arith.index_cast %add3A_2540 : i32 to index
    %get3A_2542 = memref.load %arg1[%get3A_2541] : memref<8192xi32, #tpu.memory_space<smem>>
    %dma_start3A_2543 = arith.constant 231 : i32
    %dma_start3A_2544 = arith.constant 0 : i32
    %dma_start3A_2545 = tpu.memref_slice %arg3[%dma_start3A_2543, %dma_start3A_2544] : memref<256x64xf32, #tpu.memory_space<vmem>> -> memref<1x64xf32, #tpu.memory_space<vmem>>
    %dma_start3A_2546 = arith.constant 0 : i32
    %dma_start3A_2547 = tpu.memref_slice %arg2[%get3A_2542, %dma_start3A_2546] : memref<1000000x64xf32, #tpu.memory_space<hbm>> -> memref<1x64xf32, #tpu.memory_space<hbm>>
    tpu.enqueue_dma source(%dma_start3A_2547 : memref<1x64xf32, #tpu.memory_space<hbm>>) target(%dma_start3A_2545 : memref<1x64xf32, #tpu.memory_space<vmem>>) target_semaphore(%arg4 : memref<!tpu.dma_semaphore, #tpu.memory_space<semaphore_mem>>)
    %mul3A_2548 = arith.constant 256 : i32
    %mul3A_2549 = arith.muli %arg0, %mul3A_2548 : i32
    %add3A_2550 = arith.constant 232 : i32
    %add3A_2551 = arith.addi %mul3A_2549, %add3A_2550 : i32
    %get3A_2552 = arith.index_cast %add3A_2551 : i32 to index
    %get3A_2553 = memref.load %arg1[%get3A_2552] : memref<8192xi32, #tpu.memory_space<smem>>
    %dma_start3A_2554 = arith.constant 232 : i32
    %dma_start3A_2555 = arith.constant 0 : i32
    %dma_start3A_2556 = tpu.memref_slice %arg3[%dma_start3A_2554, %dma_start3A_2555] : memref<256x64xf32, #tpu.memory_space<vmem>> -> memref<1x64xf32, #tpu.memory_space<vmem>>
    %dma_start3A_2557 = arith.constant 0 : i32
    %dma_start3A_2558 = tpu.memref_slice %arg2[%get3A_2553, %dma_start3A_2557] : memref<1000000x64xf32, #tpu.memory_space<hbm>> -> memref<1x64xf32, #tpu.memory_space<hbm>>
    tpu.enqueue_dma source(%dma_start3A_2558 : memref<1x64xf32, #tpu.memory_space<hbm>>) target(%dma_start3A_2556 : memref<1x64xf32, #tpu.memory_space<vmem>>) target_semaphore(%arg4 : memref<!tpu.dma_semaphore, #tpu.memory_space<semaphore_mem>>)
    %mul3A_2559 = arith.constant 256 : i32
    %mul3A_2560 = arith.muli %arg0, %mul3A_2559 : i32
    %add3A_2561 = arith.constant 233 : i32
    %add3A_2562 = arith.addi %mul3A_2560, %add3A_2561 : i32
    %get3A_2563 = arith.index_cast %add3A_2562 : i32 to index
    %get3A_2564 = memref.load %arg1[%get3A_2563] : memref<8192xi32, #tpu.memory_space<smem>>
    %dma_start3A_2565 = arith.constant 233 : i32
    %dma_start3A_2566 = arith.constant 0 : i32
    %dma_start3A_2567 = tpu.memref_slice %arg3[%dma_start3A_2565, %dma_start3A_2566] : memref<256x64xf32, #tpu.memory_space<vmem>> -> memref<1x64xf32, #tpu.memory_space<vmem>>
    %dma_start3A_2568 = arith.constant 0 : i32
    %dma_start3A_2569 = tpu.memref_slice %arg2[%get3A_2564, %dma_start3A_2568] : memref<1000000x64xf32, #tpu.memory_space<hbm>> -> memref<1x64xf32, #tpu.memory_space<hbm>>
    tpu.enqueue_dma source(%dma_start3A_2569 : memref<1x64xf32, #tpu.memory_space<hbm>>) target(%dma_start3A_2567 : memref<1x64xf32, #tpu.memory_space<vmem>>) target_semaphore(%arg4 : memref<!tpu.dma_semaphore, #tpu.memory_space<semaphore_mem>>)
    %mul3A_2570 = arith.constant 256 : i32
    %mul3A_2571 = arith.muli %arg0, %mul3A_2570 : i32
    %add3A_2572 = arith.constant 234 : i32
    %add3A_2573 = arith.addi %mul3A_2571, %add3A_2572 : i32
    %get3A_2574 = arith.index_cast %add3A_2573 : i32 to index
    %get3A_2575 = memref.load %arg1[%get3A_2574] : memref<8192xi32, #tpu.memory_space<smem>>
    %dma_start3A_2576 = arith.constant 234 : i32
    %dma_start3A_2577 = arith.constant 0 : i32
    %dma_start3A_2578 = tpu.memref_slice %arg3[%dma_start3A_2576, %dma_start3A_2577] : memref<256x64xf32, #tpu.memory_space<vmem>> -> memref<1x64xf32, #tpu.memory_space<vmem>>
    %dma_start3A_2579 = arith.constant 0 : i32
    %dma_start3A_2580 = tpu.memref_slice %arg2[%get3A_2575, %dma_start3A_2579] : memref<1000000x64xf32, #tpu.memory_space<hbm>> -> memref<1x64xf32, #tpu.memory_space<hbm>>
    tpu.enqueue_dma source(%dma_start3A_2580 : memref<1x64xf32, #tpu.memory_space<hbm>>) target(%dma_start3A_2578 : memref<1x64xf32, #tpu.memory_space<vmem>>) target_semaphore(%arg4 : memref<!tpu.dma_semaphore, #tpu.memory_space<semaphore_mem>>)
    %mul3A_2581 = arith.constant 256 : i32
    %mul3A_2582 = arith.muli %arg0, %mul3A_2581 : i32
    %add3A_2583 = arith.constant 235 : i32
    %add3A_2584 = arith.addi %mul3A_2582, %add3A_2583 : i32
    %get3A_2585 = arith.index_cast %add3A_2584 : i32 to index
    %get3A_2586 = memref.load %arg1[%get3A_2585] : memref<8192xi32, #tpu.memory_space<smem>>
    %dma_start3A_2587 = arith.constant 235 : i32
    %dma_start3A_2588 = arith.constant 0 : i32
    %dma_start3A_2589 = tpu.memref_slice %arg3[%dma_start3A_2587, %dma_start3A_2588] : memref<256x64xf32, #tpu.memory_space<vmem>> -> memref<1x64xf32, #tpu.memory_space<vmem>>
    %dma_start3A_2590 = arith.constant 0 : i32
    %dma_start3A_2591 = tpu.memref_slice %arg2[%get3A_2586, %dma_start3A_2590] : memref<1000000x64xf32, #tpu.memory_space<hbm>> -> memref<1x64xf32, #tpu.memory_space<hbm>>
    tpu.enqueue_dma source(%dma_start3A_2591 : memref<1x64xf32, #tpu.memory_space<hbm>>) target(%dma_start3A_2589 : memref<1x64xf32, #tpu.memory_space<vmem>>) target_semaphore(%arg4 : memref<!tpu.dma_semaphore, #tpu.memory_space<semaphore_mem>>)
    %mul3A_2592 = arith.constant 256 : i32
    %mul3A_2593 = arith.muli %arg0, %mul3A_2592 : i32
    %add3A_2594 = arith.constant 236 : i32
    %add3A_2595 = arith.addi %mul3A_2593, %add3A_2594 : i32
    %get3A_2596 = arith.index_cast %add3A_2595 : i32 to index
    %get3A_2597 = memref.load %arg1[%get3A_2596] : memref<8192xi32, #tpu.memory_space<smem>>
    %dma_start3A_2598 = arith.constant 236 : i32
    %dma_start3A_2599 = arith.constant 0 : i32
    %dma_start3A_2600 = tpu.memref_slice %arg3[%dma_start3A_2598, %dma_start3A_2599] : memref<256x64xf32, #tpu.memory_space<vmem>> -> memref<1x64xf32, #tpu.memory_space<vmem>>
    %dma_start3A_2601 = arith.constant 0 : i32
    %dma_start3A_2602 = tpu.memref_slice %arg2[%get3A_2597, %dma_start3A_2601] : memref<1000000x64xf32, #tpu.memory_space<hbm>> -> memref<1x64xf32, #tpu.memory_space<hbm>>
    tpu.enqueue_dma source(%dma_start3A_2602 : memref<1x64xf32, #tpu.memory_space<hbm>>) target(%dma_start3A_2600 : memref<1x64xf32, #tpu.memory_space<vmem>>) target_semaphore(%arg4 : memref<!tpu.dma_semaphore, #tpu.memory_space<semaphore_mem>>)
    %mul3A_2603 = arith.constant 256 : i32
    %mul3A_2604 = arith.muli %arg0, %mul3A_2603 : i32
    %add3A_2605 = arith.constant 237 : i32
    %add3A_2606 = arith.addi %mul3A_2604, %add3A_2605 : i32
    %get3A_2607 = arith.index_cast %add3A_2606 : i32 to index
    %get3A_2608 = memref.load %arg1[%get3A_2607] : memref<8192xi32, #tpu.memory_space<smem>>
    %dma_start3A_2609 = arith.constant 237 : i32
    %dma_start3A_2610 = arith.constant 0 : i32
    %dma_start3A_2611 = tpu.memref_slice %arg3[%dma_start3A_2609, %dma_start3A_2610] : memref<256x64xf32, #tpu.memory_space<vmem>> -> memref<1x64xf32, #tpu.memory_space<vmem>>
    %dma_start3A_2612 = arith.constant 0 : i32
    %dma_start3A_2613 = tpu.memref_slice %arg2[%get3A_2608, %dma_start3A_2612] : memref<1000000x64xf32, #tpu.memory_space<hbm>> -> memref<1x64xf32, #tpu.memory_space<hbm>>
    tpu.enqueue_dma source(%dma_start3A_2613 : memref<1x64xf32, #tpu.memory_space<hbm>>) target(%dma_start3A_2611 : memref<1x64xf32, #tpu.memory_space<vmem>>) target_semaphore(%arg4 : memref<!tpu.dma_semaphore, #tpu.memory_space<semaphore_mem>>)
    %mul3A_2614 = arith.constant 256 : i32
    %mul3A_2615 = arith.muli %arg0, %mul3A_2614 : i32
    %add3A_2616 = arith.constant 238 : i32
    %add3A_2617 = arith.addi %mul3A_2615, %add3A_2616 : i32
    %get3A_2618 = arith.index_cast %add3A_2617 : i32 to index
    %get3A_2619 = memref.load %arg1[%get3A_2618] : memref<8192xi32, #tpu.memory_space<smem>>
    %dma_start3A_2620 = arith.constant 238 : i32
    %dma_start3A_2621 = arith.constant 0 : i32
    %dma_start3A_2622 = tpu.memref_slice %arg3[%dma_start3A_2620, %dma_start3A_2621] : memref<256x64xf32, #tpu.memory_space<vmem>> -> memref<1x64xf32, #tpu.memory_space<vmem>>
    %dma_start3A_2623 = arith.constant 0 : i32
    %dma_start3A_2624 = tpu.memref_slice %arg2[%get3A_2619, %dma_start3A_2623] : memref<1000000x64xf32, #tpu.memory_space<hbm>> -> memref<1x64xf32, #tpu.memory_space<hbm>>
    tpu.enqueue_dma source(%dma_start3A_2624 : memref<1x64xf32, #tpu.memory_space<hbm>>) target(%dma_start3A_2622 : memref<1x64xf32, #tpu.memory_space<vmem>>) target_semaphore(%arg4 : memref<!tpu.dma_semaphore, #tpu.memory_space<semaphore_mem>>)
    %mul3A_2625 = arith.constant 256 : i32
    %mul3A_2626 = arith.muli %arg0, %mul3A_2625 : i32
    %add3A_2627 = arith.constant 239 : i32
    %add3A_2628 = arith.addi %mul3A_2626, %add3A_2627 : i32
    %get3A_2629 = arith.index_cast %add3A_2628 : i32 to index
    %get3A_2630 = memref.load %arg1[%get3A_2629] : memref<8192xi32, #tpu.memory_space<smem>>
    %dma_start3A_2631 = arith.constant 239 : i32
    %dma_start3A_2632 = arith.constant 0 : i32
    %dma_start3A_2633 = tpu.memref_slice %arg3[%dma_start3A_2631, %dma_start3A_2632] : memref<256x64xf32, #tpu.memory_space<vmem>> -> memref<1x64xf32, #tpu.memory_space<vmem>>
    %dma_start3A_2634 = arith.constant 0 : i32
    %dma_start3A_2635 = tpu.memref_slice %arg2[%get3A_2630, %dma_start3A_2634] : memref<1000000x64xf32, #tpu.memory_space<hbm>> -> memref<1x64xf32, #tpu.memory_space<hbm>>
    tpu.enqueue_dma source(%dma_start3A_2635 : memref<1x64xf32, #tpu.memory_space<hbm>>) target(%dma_start3A_2633 : memref<1x64xf32, #tpu.memory_space<vmem>>) target_semaphore(%arg4 : memref<!tpu.dma_semaphore, #tpu.memory_space<semaphore_mem>>)
    %mul3A_2636 = arith.constant 256 : i32
    %mul3A_2637 = arith.muli %arg0, %mul3A_2636 : i32
    %add3A_2638 = arith.constant 240 : i32
    %add3A_2639 = arith.addi %mul3A_2637, %add3A_2638 : i32
    %get3A_2640 = arith.index_cast %add3A_2639 : i32 to index
    %get3A_2641 = memref.load %arg1[%get3A_2640] : memref<8192xi32, #tpu.memory_space<smem>>
    %dma_start3A_2642 = arith.constant 240 : i32
    %dma_start3A_2643 = arith.constant 0 : i32
    %dma_start3A_2644 = tpu.memref_slice %arg3[%dma_start3A_2642, %dma_start3A_2643] : memref<256x64xf32, #tpu.memory_space<vmem>> -> memref<1x64xf32, #tpu.memory_space<vmem>>
    %dma_start3A_2645 = arith.constant 0 : i32
    %dma_start3A_2646 = tpu.memref_slice %arg2[%get3A_2641, %dma_start3A_2645] : memref<1000000x64xf32, #tpu.memory_space<hbm>> -> memref<1x64xf32, #tpu.memory_space<hbm>>
    tpu.enqueue_dma source(%dma_start3A_2646 : memref<1x64xf32, #tpu.memory_space<hbm>>) target(%dma_start3A_2644 : memref<1x64xf32, #tpu.memory_space<vmem>>) target_semaphore(%arg4 : memref<!tpu.dma_semaphore, #tpu.memory_space<semaphore_mem>>)
    %mul3A_2647 = arith.constant 256 : i32
    %mul3A_2648 = arith.muli %arg0, %mul3A_2647 : i32
    %add3A_2649 = arith.constant 241 : i32
    %add3A_2650 = arith.addi %mul3A_2648, %add3A_2649 : i32
    %get3A_2651 = arith.index_cast %add3A_2650 : i32 to index
    %get3A_2652 = memref.load %arg1[%get3A_2651] : memref<8192xi32, #tpu.memory_space<smem>>
    %dma_start3A_2653 = arith.constant 241 : i32
    %dma_start3A_2654 = arith.constant 0 : i32
    %dma_start3A_2655 = tpu.memref_slice %arg3[%dma_start3A_2653, %dma_start3A_2654] : memref<256x64xf32, #tpu.memory_space<vmem>> -> memref<1x64xf32, #tpu.memory_space<vmem>>
    %dma_start3A_2656 = arith.constant 0 : i32
    %dma_start3A_2657 = tpu.memref_slice %arg2[%get3A_2652, %dma_start3A_2656] : memref<1000000x64xf32, #tpu.memory_space<hbm>> -> memref<1x64xf32, #tpu.memory_space<hbm>>
    tpu.enqueue_dma source(%dma_start3A_2657 : memref<1x64xf32, #tpu.memory_space<hbm>>) target(%dma_start3A_2655 : memref<1x64xf32, #tpu.memory_space<vmem>>) target_semaphore(%arg4 : memref<!tpu.dma_semaphore, #tpu.memory_space<semaphore_mem>>)
    %mul3A_2658 = arith.constant 256 : i32
    %mul3A_2659 = arith.muli %arg0, %mul3A_2658 : i32
    %add3A_2660 = arith.constant 242 : i32
    %add3A_2661 = arith.addi %mul3A_2659, %add3A_2660 : i32
    %get3A_2662 = arith.index_cast %add3A_2661 : i32 to index
    %get3A_2663 = memref.load %arg1[%get3A_2662] : memref<8192xi32, #tpu.memory_space<smem>>
    %dma_start3A_2664 = arith.constant 242 : i32
    %dma_start3A_2665 = arith.constant 0 : i32
    %dma_start3A_2666 = tpu.memref_slice %arg3[%dma_start3A_2664, %dma_start3A_2665] : memref<256x64xf32, #tpu.memory_space<vmem>> -> memref<1x64xf32, #tpu.memory_space<vmem>>
    %dma_start3A_2667 = arith.constant 0 : i32
    %dma_start3A_2668 = tpu.memref_slice %arg2[%get3A_2663, %dma_start3A_2667] : memref<1000000x64xf32, #tpu.memory_space<hbm>> -> memref<1x64xf32, #tpu.memory_space<hbm>>
    tpu.enqueue_dma source(%dma_start3A_2668 : memref<1x64xf32, #tpu.memory_space<hbm>>) target(%dma_start3A_2666 : memref<1x64xf32, #tpu.memory_space<vmem>>) target_semaphore(%arg4 : memref<!tpu.dma_semaphore, #tpu.memory_space<semaphore_mem>>)
    %mul3A_2669 = arith.constant 256 : i32
    %mul3A_2670 = arith.muli %arg0, %mul3A_2669 : i32
    %add3A_2671 = arith.constant 243 : i32
    %add3A_2672 = arith.addi %mul3A_2670, %add3A_2671 : i32
    %get3A_2673 = arith.index_cast %add3A_2672 : i32 to index
    %get3A_2674 = memref.load %arg1[%get3A_2673] : memref<8192xi32, #tpu.memory_space<smem>>
    %dma_start3A_2675 = arith.constant 243 : i32
    %dma_start3A_2676 = arith.constant 0 : i32
    %dma_start3A_2677 = tpu.memref_slice %arg3[%dma_start3A_2675, %dma_start3A_2676] : memref<256x64xf32, #tpu.memory_space<vmem>> -> memref<1x64xf32, #tpu.memory_space<vmem>>
    %dma_start3A_2678 = arith.constant 0 : i32
    %dma_start3A_2679 = tpu.memref_slice %arg2[%get3A_2674, %dma_start3A_2678] : memref<1000000x64xf32, #tpu.memory_space<hbm>> -> memref<1x64xf32, #tpu.memory_space<hbm>>
    tpu.enqueue_dma source(%dma_start3A_2679 : memref<1x64xf32, #tpu.memory_space<hbm>>) target(%dma_start3A_2677 : memref<1x64xf32, #tpu.memory_space<vmem>>) target_semaphore(%arg4 : memref<!tpu.dma_semaphore, #tpu.memory_space<semaphore_mem>>)
    %mul3A_2680 = arith.constant 256 : i32
    %mul3A_2681 = arith.muli %arg0, %mul3A_2680 : i32
    %add3A_2682 = arith.constant 244 : i32
    %add3A_2683 = arith.addi %mul3A_2681, %add3A_2682 : i32
    %get3A_2684 = arith.index_cast %add3A_2683 : i32 to index
    %get3A_2685 = memref.load %arg1[%get3A_2684] : memref<8192xi32, #tpu.memory_space<smem>>
    %dma_start3A_2686 = arith.constant 244 : i32
    %dma_start3A_2687 = arith.constant 0 : i32
    %dma_start3A_2688 = tpu.memref_slice %arg3[%dma_start3A_2686, %dma_start3A_2687] : memref<256x64xf32, #tpu.memory_space<vmem>> -> memref<1x64xf32, #tpu.memory_space<vmem>>
    %dma_start3A_2689 = arith.constant 0 : i32
    %dma_start3A_2690 = tpu.memref_slice %arg2[%get3A_2685, %dma_start3A_2689] : memref<1000000x64xf32, #tpu.memory_space<hbm>> -> memref<1x64xf32, #tpu.memory_space<hbm>>
    tpu.enqueue_dma source(%dma_start3A_2690 : memref<1x64xf32, #tpu.memory_space<hbm>>) target(%dma_start3A_2688 : memref<1x64xf32, #tpu.memory_space<vmem>>) target_semaphore(%arg4 : memref<!tpu.dma_semaphore, #tpu.memory_space<semaphore_mem>>)
    %mul3A_2691 = arith.constant 256 : i32
    %mul3A_2692 = arith.muli %arg0, %mul3A_2691 : i32
    %add3A_2693 = arith.constant 245 : i32
    %add3A_2694 = arith.addi %mul3A_2692, %add3A_2693 : i32
    %get3A_2695 = arith.index_cast %add3A_2694 : i32 to index
    %get3A_2696 = memref.load %arg1[%get3A_2695] : memref<8192xi32, #tpu.memory_space<smem>>
    %dma_start3A_2697 = arith.constant 245 : i32
    %dma_start3A_2698 = arith.constant 0 : i32
    %dma_start3A_2699 = tpu.memref_slice %arg3[%dma_start3A_2697, %dma_start3A_2698] : memref<256x64xf32, #tpu.memory_space<vmem>> -> memref<1x64xf32, #tpu.memory_space<vmem>>
    %dma_start3A_2700 = arith.constant 0 : i32
    %dma_start3A_2701 = tpu.memref_slice %arg2[%get3A_2696, %dma_start3A_2700] : memref<1000000x64xf32, #tpu.memory_space<hbm>> -> memref<1x64xf32, #tpu.memory_space<hbm>>
    tpu.enqueue_dma source(%dma_start3A_2701 : memref<1x64xf32, #tpu.memory_space<hbm>>) target(%dma_start3A_2699 : memref<1x64xf32, #tpu.memory_space<vmem>>) target_semaphore(%arg4 : memref<!tpu.dma_semaphore, #tpu.memory_space<semaphore_mem>>)
    %mul3A_2702 = arith.constant 256 : i32
    %mul3A_2703 = arith.muli %arg0, %mul3A_2702 : i32
    %add3A_2704 = arith.constant 246 : i32
    %add3A_2705 = arith.addi %mul3A_2703, %add3A_2704 : i32
    %get3A_2706 = arith.index_cast %add3A_2705 : i32 to index
    %get3A_2707 = memref.load %arg1[%get3A_2706] : memref<8192xi32, #tpu.memory_space<smem>>
    %dma_start3A_2708 = arith.constant 246 : i32
    %dma_start3A_2709 = arith.constant 0 : i32
    %dma_start3A_2710 = tpu.memref_slice %arg3[%dma_start3A_2708, %dma_start3A_2709] : memref<256x64xf32, #tpu.memory_space<vmem>> -> memref<1x64xf32, #tpu.memory_space<vmem>>
    %dma_start3A_2711 = arith.constant 0 : i32
    %dma_start3A_2712 = tpu.memref_slice %arg2[%get3A_2707, %dma_start3A_2711] : memref<1000000x64xf32, #tpu.memory_space<hbm>> -> memref<1x64xf32, #tpu.memory_space<hbm>>
    tpu.enqueue_dma source(%dma_start3A_2712 : memref<1x64xf32, #tpu.memory_space<hbm>>) target(%dma_start3A_2710 : memref<1x64xf32, #tpu.memory_space<vmem>>) target_semaphore(%arg4 : memref<!tpu.dma_semaphore, #tpu.memory_space<semaphore_mem>>)
    %mul3A_2713 = arith.constant 256 : i32
    %mul3A_2714 = arith.muli %arg0, %mul3A_2713 : i32
    %add3A_2715 = arith.constant 247 : i32
    %add3A_2716 = arith.addi %mul3A_2714, %add3A_2715 : i32
    %get3A_2717 = arith.index_cast %add3A_2716 : i32 to index
    %get3A_2718 = memref.load %arg1[%get3A_2717] : memref<8192xi32, #tpu.memory_space<smem>>
    %dma_start3A_2719 = arith.constant 247 : i32
    %dma_start3A_2720 = arith.constant 0 : i32
    %dma_start3A_2721 = tpu.memref_slice %arg3[%dma_start3A_2719, %dma_start3A_2720] : memref<256x64xf32, #tpu.memory_space<vmem>> -> memref<1x64xf32, #tpu.memory_space<vmem>>
    %dma_start3A_2722 = arith.constant 0 : i32
    %dma_start3A_2723 = tpu.memref_slice %arg2[%get3A_2718, %dma_start3A_2722] : memref<1000000x64xf32, #tpu.memory_space<hbm>> -> memref<1x64xf32, #tpu.memory_space<hbm>>
    tpu.enqueue_dma source(%dma_start3A_2723 : memref<1x64xf32, #tpu.memory_space<hbm>>) target(%dma_start3A_2721 : memref<1x64xf32, #tpu.memory_space<vmem>>) target_semaphore(%arg4 : memref<!tpu.dma_semaphore, #tpu.memory_space<semaphore_mem>>)
    %mul3A_2724 = arith.constant 256 : i32
    %mul3A_2725 = arith.muli %arg0, %mul3A_2724 : i32
    %add3A_2726 = arith.constant 248 : i32
    %add3A_2727 = arith.addi %mul3A_2725, %add3A_2726 : i32
    %get3A_2728 = arith.index_cast %add3A_2727 : i32 to index
    %get3A_2729 = memref.load %arg1[%get3A_2728] : memref<8192xi32, #tpu.memory_space<smem>>
    %dma_start3A_2730 = arith.constant 248 : i32
    %dma_start3A_2731 = arith.constant 0 : i32
    %dma_start3A_2732 = tpu.memref_slice %arg3[%dma_start3A_2730, %dma_start3A_2731] : memref<256x64xf32, #tpu.memory_space<vmem>> -> memref<1x64xf32, #tpu.memory_space<vmem>>
    %dma_start3A_2733 = arith.constant 0 : i32
    %dma_start3A_2734 = tpu.memref_slice %arg2[%get3A_2729, %dma_start3A_2733] : memref<1000000x64xf32, #tpu.memory_space<hbm>> -> memref<1x64xf32, #tpu.memory_space<hbm>>
    tpu.enqueue_dma source(%dma_start3A_2734 : memref<1x64xf32, #tpu.memory_space<hbm>>) target(%dma_start3A_2732 : memref<1x64xf32, #tpu.memory_space<vmem>>) target_semaphore(%arg4 : memref<!tpu.dma_semaphore, #tpu.memory_space<semaphore_mem>>)
    %mul3A_2735 = arith.constant 256 : i32
    %mul3A_2736 = arith.muli %arg0, %mul3A_2735 : i32
    %add3A_2737 = arith.constant 249 : i32
    %add3A_2738 = arith.addi %mul3A_2736, %add3A_2737 : i32
    %get3A_2739 = arith.index_cast %add3A_2738 : i32 to index
    %get3A_2740 = memref.load %arg1[%get3A_2739] : memref<8192xi32, #tpu.memory_space<smem>>
    %dma_start3A_2741 = arith.constant 249 : i32
    %dma_start3A_2742 = arith.constant 0 : i32
    %dma_start3A_2743 = tpu.memref_slice %arg3[%dma_start3A_2741, %dma_start3A_2742] : memref<256x64xf32, #tpu.memory_space<vmem>> -> memref<1x64xf32, #tpu.memory_space<vmem>>
    %dma_start3A_2744 = arith.constant 0 : i32
    %dma_start3A_2745 = tpu.memref_slice %arg2[%get3A_2740, %dma_start3A_2744] : memref<1000000x64xf32, #tpu.memory_space<hbm>> -> memref<1x64xf32, #tpu.memory_space<hbm>>
    tpu.enqueue_dma source(%dma_start3A_2745 : memref<1x64xf32, #tpu.memory_space<hbm>>) target(%dma_start3A_2743 : memref<1x64xf32, #tpu.memory_space<vmem>>) target_semaphore(%arg4 : memref<!tpu.dma_semaphore, #tpu.memory_space<semaphore_mem>>)
    %mul3A_2746 = arith.constant 256 : i32
    %mul3A_2747 = arith.muli %arg0, %mul3A_2746 : i32
    %add3A_2748 = arith.constant 250 : i32
    %add3A_2749 = arith.addi %mul3A_2747, %add3A_2748 : i32
    %get3A_2750 = arith.index_cast %add3A_2749 : i32 to index
    %get3A_2751 = memref.load %arg1[%get3A_2750] : memref<8192xi32, #tpu.memory_space<smem>>
    %dma_start3A_2752 = arith.constant 250 : i32
    %dma_start3A_2753 = arith.constant 0 : i32
    %dma_start3A_2754 = tpu.memref_slice %arg3[%dma_start3A_2752, %dma_start3A_2753] : memref<256x64xf32, #tpu.memory_space<vmem>> -> memref<1x64xf32, #tpu.memory_space<vmem>>
    %dma_start3A_2755 = arith.constant 0 : i32
    %dma_start3A_2756 = tpu.memref_slice %arg2[%get3A_2751, %dma_start3A_2755] : memref<1000000x64xf32, #tpu.memory_space<hbm>> -> memref<1x64xf32, #tpu.memory_space<hbm>>
    tpu.enqueue_dma source(%dma_start3A_2756 : memref<1x64xf32, #tpu.memory_space<hbm>>) target(%dma_start3A_2754 : memref<1x64xf32, #tpu.memory_space<vmem>>) target_semaphore(%arg4 : memref<!tpu.dma_semaphore, #tpu.memory_space<semaphore_mem>>)
    %mul3A_2757 = arith.constant 256 : i32
    %mul3A_2758 = arith.muli %arg0, %mul3A_2757 : i32
    %add3A_2759 = arith.constant 251 : i32
    %add3A_2760 = arith.addi %mul3A_2758, %add3A_2759 : i32
    %get3A_2761 = arith.index_cast %add3A_2760 : i32 to index
    %get3A_2762 = memref.load %arg1[%get3A_2761] : memref<8192xi32, #tpu.memory_space<smem>>
    %dma_start3A_2763 = arith.constant 251 : i32
    %dma_start3A_2764 = arith.constant 0 : i32
    %dma_start3A_2765 = tpu.memref_slice %arg3[%dma_start3A_2763, %dma_start3A_2764] : memref<256x64xf32, #tpu.memory_space<vmem>> -> memref<1x64xf32, #tpu.memory_space<vmem>>
    %dma_start3A_2766 = arith.constant 0 : i32
    %dma_start3A_2767 = tpu.memref_slice %arg2[%get3A_2762, %dma_start3A_2766] : memref<1000000x64xf32, #tpu.memory_space<hbm>> -> memref<1x64xf32, #tpu.memory_space<hbm>>
    tpu.enqueue_dma source(%dma_start3A_2767 : memref<1x64xf32, #tpu.memory_space<hbm>>) target(%dma_start3A_2765 : memref<1x64xf32, #tpu.memory_space<vmem>>) target_semaphore(%arg4 : memref<!tpu.dma_semaphore, #tpu.memory_space<semaphore_mem>>)
    %mul3A_2768 = arith.constant 256 : i32
    %mul3A_2769 = arith.muli %arg0, %mul3A_2768 : i32
    %add3A_2770 = arith.constant 252 : i32
    %add3A_2771 = arith.addi %mul3A_2769, %add3A_2770 : i32
    %get3A_2772 = arith.index_cast %add3A_2771 : i32 to index
    %get3A_2773 = memref.load %arg1[%get3A_2772] : memref<8192xi32, #tpu.memory_space<smem>>
    %dma_start3A_2774 = arith.constant 252 : i32
    %dma_start3A_2775 = arith.constant 0 : i32
    %dma_start3A_2776 = tpu.memref_slice %arg3[%dma_start3A_2774, %dma_start3A_2775] : memref<256x64xf32, #tpu.memory_space<vmem>> -> memref<1x64xf32, #tpu.memory_space<vmem>>
    %dma_start3A_2777 = arith.constant 0 : i32
    %dma_start3A_2778 = tpu.memref_slice %arg2[%get3A_2773, %dma_start3A_2777] : memref<1000000x64xf32, #tpu.memory_space<hbm>> -> memref<1x64xf32, #tpu.memory_space<hbm>>
    tpu.enqueue_dma source(%dma_start3A_2778 : memref<1x64xf32, #tpu.memory_space<hbm>>) target(%dma_start3A_2776 : memref<1x64xf32, #tpu.memory_space<vmem>>) target_semaphore(%arg4 : memref<!tpu.dma_semaphore, #tpu.memory_space<semaphore_mem>>)
    %mul3A_2779 = arith.constant 256 : i32
    %mul3A_2780 = arith.muli %arg0, %mul3A_2779 : i32
    %add3A_2781 = arith.constant 253 : i32
    %add3A_2782 = arith.addi %mul3A_2780, %add3A_2781 : i32
    %get3A_2783 = arith.index_cast %add3A_2782 : i32 to index
    %get3A_2784 = memref.load %arg1[%get3A_2783] : memref<8192xi32, #tpu.memory_space<smem>>
    %dma_start3A_2785 = arith.constant 253 : i32
    %dma_start3A_2786 = arith.constant 0 : i32
    %dma_start3A_2787 = tpu.memref_slice %arg3[%dma_start3A_2785, %dma_start3A_2786] : memref<256x64xf32, #tpu.memory_space<vmem>> -> memref<1x64xf32, #tpu.memory_space<vmem>>
    %dma_start3A_2788 = arith.constant 0 : i32
    %dma_start3A_2789 = tpu.memref_slice %arg2[%get3A_2784, %dma_start3A_2788] : memref<1000000x64xf32, #tpu.memory_space<hbm>> -> memref<1x64xf32, #tpu.memory_space<hbm>>
    tpu.enqueue_dma source(%dma_start3A_2789 : memref<1x64xf32, #tpu.memory_space<hbm>>) target(%dma_start3A_2787 : memref<1x64xf32, #tpu.memory_space<vmem>>) target_semaphore(%arg4 : memref<!tpu.dma_semaphore, #tpu.memory_space<semaphore_mem>>)
    %mul3A_2790 = arith.constant 256 : i32
    %mul3A_2791 = arith.muli %arg0, %mul3A_2790 : i32
    %add3A_2792 = arith.constant 254 : i32
    %add3A_2793 = arith.addi %mul3A_2791, %add3A_2792 : i32
    %get3A_2794 = arith.index_cast %add3A_2793 : i32 to index
    %get3A_2795 = memref.load %arg1[%get3A_2794] : memref<8192xi32, #tpu.memory_space<smem>>
    %dma_start3A_2796 = arith.constant 254 : i32
    %dma_start3A_2797 = arith.constant 0 : i32
    %dma_start3A_2798 = tpu.memref_slice %arg3[%dma_start3A_2796, %dma_start3A_2797] : memref<256x64xf32, #tpu.memory_space<vmem>> -> memref<1x64xf32, #tpu.memory_space<vmem>>
    %dma_start3A_2799 = arith.constant 0 : i32
    %dma_start3A_2800 = tpu.memref_slice %arg2[%get3A_2795, %dma_start3A_2799] : memref<1000000x64xf32, #tpu.memory_space<hbm>> -> memref<1x64xf32, #tpu.memory_space<hbm>>
    tpu.enqueue_dma source(%dma_start3A_2800 : memref<1x64xf32, #tpu.memory_space<hbm>>) target(%dma_start3A_2798 : memref<1x64xf32, #tpu.memory_space<vmem>>) target_semaphore(%arg4 : memref<!tpu.dma_semaphore, #tpu.memory_space<semaphore_mem>>)
    %mul3A_2801 = arith.constant 256 : i32
    %mul3A_2802 = arith.muli %arg0, %mul3A_2801 : i32
    %add3A_2803 = arith.constant 255 : i32
    %add3A_2804 = arith.addi %mul3A_2802, %add3A_2803 : i32
    %get3A_2805 = arith.index_cast %add3A_2804 : i32 to index
    %get3A_2806 = memref.load %arg1[%get3A_2805] : memref<8192xi32, #tpu.memory_space<smem>>
    %dma_start3A_2807 = arith.constant 255 : i32
    %dma_start3A_2808 = arith.constant 0 : i32
    %dma_start3A_2809 = tpu.memref_slice %arg3[%dma_start3A_2807, %dma_start3A_2808] : memref<256x64xf32, #tpu.memory_space<vmem>> -> memref<1x64xf32, #tpu.memory_space<vmem>>
    %dma_start3A_2810 = arith.constant 0 : i32
    %dma_start3A_2811 = tpu.memref_slice %arg2[%get3A_2806, %dma_start3A_2810] : memref<1000000x64xf32, #tpu.memory_space<hbm>> -> memref<1x64xf32, #tpu.memory_space<hbm>>
    tpu.enqueue_dma source(%dma_start3A_2811 : memref<1x64xf32, #tpu.memory_space<hbm>>) target(%dma_start3A_2809 : memref<1x64xf32, #tpu.memory_space<vmem>>) target_semaphore(%arg4 : memref<!tpu.dma_semaphore, #tpu.memory_space<semaphore_mem>>)
    %dma_wait3A = arith.constant 0 : i32
    %dma_wait3A_2812 = arith.constant 0 : i32
    %dma_wait3A_2813 = tpu.memref_slice %arg3[%dma_wait3A, %dma_wait3A_2812] : memref<256x64xf32, #tpu.memory_space<vmem>> -> memref<1x64xf32, #tpu.memory_space<vmem>>
    %dma_wait3A_2814 = arith.constant 0 : i32
    %dma_wait3A_2815 = tpu.memref_slice %arg2[%get3A_2, %dma_wait3A_2814] : memref<1000000x64xf32, #tpu.memory_space<hbm>> -> memref<1x64xf32, #tpu.memory_space<hbm>>
    tpu.wait_dma2 semaphore(%arg4 : memref<!tpu.dma_semaphore, #tpu.memory_space<semaphore_mem>>) src(%dma_wait3A_2815 : memref<1x64xf32, #tpu.memory_space<hbm>>) dst(%dma_wait3A_2813 : memref<1x64xf32, #tpu.memory_space<vmem>>)
    %dma_wait3A_2816 = arith.constant 1 : i32
    %dma_wait3A_2817 = arith.constant 0 : i32
    %dma_wait3A_2818 = tpu.memref_slice %arg3[%dma_wait3A_2816, %dma_wait3A_2817] : memref<256x64xf32, #tpu.memory_space<vmem>> -> memref<1x64xf32, #tpu.memory_space<vmem>>
    %dma_wait3A_2819 = arith.constant 0 : i32
    %dma_wait3A_2820 = tpu.memref_slice %arg2[%get3A_12, %dma_wait3A_2819] : memref<1000000x64xf32, #tpu.memory_space<hbm>> -> memref<1x64xf32, #tpu.memory_space<hbm>>
    tpu.wait_dma2 semaphore(%arg4 : memref<!tpu.dma_semaphore, #tpu.memory_space<semaphore_mem>>) src(%dma_wait3A_2820 : memref<1x64xf32, #tpu.memory_space<hbm>>) dst(%dma_wait3A_2818 : memref<1x64xf32, #tpu.memory_space<vmem>>)
    %dma_wait3A_2821 = arith.constant 2 : i32
    %dma_wait3A_2822 = arith.constant 0 : i32
    %dma_wait3A_2823 = tpu.memref_slice %arg3[%dma_wait3A_2821, %dma_wait3A_2822] : memref<256x64xf32, #tpu.memory_space<vmem>> -> memref<1x64xf32, #tpu.memory_space<vmem>>
    %dma_wait3A_2824 = arith.constant 0 : i32
    %dma_wait3A_2825 = tpu.memref_slice %arg2[%get3A_23, %dma_wait3A_2824] : memref<1000000x64xf32, #tpu.memory_space<hbm>> -> memref<1x64xf32, #tpu.memory_space<hbm>>
    tpu.wait_dma2 semaphore(%arg4 : memref<!tpu.dma_semaphore, #tpu.memory_space<semaphore_mem>>) src(%dma_wait3A_2825 : memref<1x64xf32, #tpu.memory_space<hbm>>) dst(%dma_wait3A_2823 : memref<1x64xf32, #tpu.memory_space<vmem>>)
    %dma_wait3A_2826 = arith.constant 3 : i32
    %dma_wait3A_2827 = arith.constant 0 : i32
    %dma_wait3A_2828 = tpu.memref_slice %arg3[%dma_wait3A_2826, %dma_wait3A_2827] : memref<256x64xf32, #tpu.memory_space<vmem>> -> memref<1x64xf32, #tpu.memory_space<vmem>>
    %dma_wait3A_2829 = arith.constant 0 : i32
    %dma_wait3A_2830 = tpu.memref_slice %arg2[%get3A_34, %dma_wait3A_2829] : memref<1000000x64xf32, #tpu.memory_space<hbm>> -> memref<1x64xf32, #tpu.memory_space<hbm>>
    tpu.wait_dma2 semaphore(%arg4 : memref<!tpu.dma_semaphore, #tpu.memory_space<semaphore_mem>>) src(%dma_wait3A_2830 : memref<1x64xf32, #tpu.memory_space<hbm>>) dst(%dma_wait3A_2828 : memref<1x64xf32, #tpu.memory_space<vmem>>)
    %dma_wait3A_2831 = arith.constant 4 : i32
    %dma_wait3A_2832 = arith.constant 0 : i32
    %dma_wait3A_2833 = tpu.memref_slice %arg3[%dma_wait3A_2831, %dma_wait3A_2832] : memref<256x64xf32, #tpu.memory_space<vmem>> -> memref<1x64xf32, #tpu.memory_space<vmem>>
    %dma_wait3A_2834 = arith.constant 0 : i32
    %dma_wait3A_2835 = tpu.memref_slice %arg2[%get3A_45, %dma_wait3A_2834] : memref<1000000x64xf32, #tpu.memory_space<hbm>> -> memref<1x64xf32, #tpu.memory_space<hbm>>
    tpu.wait_dma2 semaphore(%arg4 : memref<!tpu.dma_semaphore, #tpu.memory_space<semaphore_mem>>) src(%dma_wait3A_2835 : memref<1x64xf32, #tpu.memory_space<hbm>>) dst(%dma_wait3A_2833 : memref<1x64xf32, #tpu.memory_space<vmem>>)
    %dma_wait3A_2836 = arith.constant 5 : i32
    %dma_wait3A_2837 = arith.constant 0 : i32
    %dma_wait3A_2838 = tpu.memref_slice %arg3[%dma_wait3A_2836, %dma_wait3A_2837] : memref<256x64xf32, #tpu.memory_space<vmem>> -> memref<1x64xf32, #tpu.memory_space<vmem>>
    %dma_wait3A_2839 = arith.constant 0 : i32
    %dma_wait3A_2840 = tpu.memref_slice %arg2[%get3A_56, %dma_wait3A_2839] : memref<1000000x64xf32, #tpu.memory_space<hbm>> -> memref<1x64xf32, #tpu.memory_space<hbm>>
    tpu.wait_dma2 semaphore(%arg4 : memref<!tpu.dma_semaphore, #tpu.memory_space<semaphore_mem>>) src(%dma_wait3A_2840 : memref<1x64xf32, #tpu.memory_space<hbm>>) dst(%dma_wait3A_2838 : memref<1x64xf32, #tpu.memory_space<vmem>>)
    %dma_wait3A_2841 = arith.constant 6 : i32
    %dma_wait3A_2842 = arith.constant 0 : i32
    %dma_wait3A_2843 = tpu.memref_slice %arg3[%dma_wait3A_2841, %dma_wait3A_2842] : memref<256x64xf32, #tpu.memory_space<vmem>> -> memref<1x64xf32, #tpu.memory_space<vmem>>
    %dma_wait3A_2844 = arith.constant 0 : i32
    %dma_wait3A_2845 = tpu.memref_slice %arg2[%get3A_67, %dma_wait3A_2844] : memref<1000000x64xf32, #tpu.memory_space<hbm>> -> memref<1x64xf32, #tpu.memory_space<hbm>>
    tpu.wait_dma2 semaphore(%arg4 : memref<!tpu.dma_semaphore, #tpu.memory_space<semaphore_mem>>) src(%dma_wait3A_2845 : memref<1x64xf32, #tpu.memory_space<hbm>>) dst(%dma_wait3A_2843 : memref<1x64xf32, #tpu.memory_space<vmem>>)
    %dma_wait3A_2846 = arith.constant 7 : i32
    %dma_wait3A_2847 = arith.constant 0 : i32
    %dma_wait3A_2848 = tpu.memref_slice %arg3[%dma_wait3A_2846, %dma_wait3A_2847] : memref<256x64xf32, #tpu.memory_space<vmem>> -> memref<1x64xf32, #tpu.memory_space<vmem>>
    %dma_wait3A_2849 = arith.constant 0 : i32
    %dma_wait3A_2850 = tpu.memref_slice %arg2[%get3A_78, %dma_wait3A_2849] : memref<1000000x64xf32, #tpu.memory_space<hbm>> -> memref<1x64xf32, #tpu.memory_space<hbm>>
    tpu.wait_dma2 semaphore(%arg4 : memref<!tpu.dma_semaphore, #tpu.memory_space<semaphore_mem>>) src(%dma_wait3A_2850 : memref<1x64xf32, #tpu.memory_space<hbm>>) dst(%dma_wait3A_2848 : memref<1x64xf32, #tpu.memory_space<vmem>>)
    %dma_wait3A_2851 = arith.constant 8 : i32
    %dma_wait3A_2852 = arith.constant 0 : i32
    %dma_wait3A_2853 = tpu.memref_slice %arg3[%dma_wait3A_2851, %dma_wait3A_2852] : memref<256x64xf32, #tpu.memory_space<vmem>> -> memref<1x64xf32, #tpu.memory_space<vmem>>
    %dma_wait3A_2854 = arith.constant 0 : i32
    %dma_wait3A_2855 = tpu.memref_slice %arg2[%get3A_89, %dma_wait3A_2854] : memref<1000000x64xf32, #tpu.memory_space<hbm>> -> memref<1x64xf32, #tpu.memory_space<hbm>>
    tpu.wait_dma2 semaphore(%arg4 : memref<!tpu.dma_semaphore, #tpu.memory_space<semaphore_mem>>) src(%dma_wait3A_2855 : memref<1x64xf32, #tpu.memory_space<hbm>>) dst(%dma_wait3A_2853 : memref<1x64xf32, #tpu.memory_space<vmem>>)
    %dma_wait3A_2856 = arith.constant 9 : i32
    %dma_wait3A_2857 = arith.constant 0 : i32
    %dma_wait3A_2858 = tpu.memref_slice %arg3[%dma_wait3A_2856, %dma_wait3A_2857] : memref<256x64xf32, #tpu.memory_space<vmem>> -> memref<1x64xf32, #tpu.memory_space<vmem>>
    %dma_wait3A_2859 = arith.constant 0 : i32
    %dma_wait3A_2860 = tpu.memref_slice %arg2[%get3A_100, %dma_wait3A_2859] : memref<1000000x64xf32, #tpu.memory_space<hbm>> -> memref<1x64xf32, #tpu.memory_space<hbm>>
    tpu.wait_dma2 semaphore(%arg4 : memref<!tpu.dma_semaphore, #tpu.memory_space<semaphore_mem>>) src(%dma_wait3A_2860 : memref<1x64xf32, #tpu.memory_space<hbm>>) dst(%dma_wait3A_2858 : memref<1x64xf32, #tpu.memory_space<vmem>>)
    %dma_wait3A_2861 = arith.constant 10 : i32
    %dma_wait3A_2862 = arith.constant 0 : i32
    %dma_wait3A_2863 = tpu.memref_slice %arg3[%dma_wait3A_2861, %dma_wait3A_2862] : memref<256x64xf32, #tpu.memory_space<vmem>> -> memref<1x64xf32, #tpu.memory_space<vmem>>
    %dma_wait3A_2864 = arith.constant 0 : i32
    %dma_wait3A_2865 = tpu.memref_slice %arg2[%get3A_111, %dma_wait3A_2864] : memref<1000000x64xf32, #tpu.memory_space<hbm>> -> memref<1x64xf32, #tpu.memory_space<hbm>>
    tpu.wait_dma2 semaphore(%arg4 : memref<!tpu.dma_semaphore, #tpu.memory_space<semaphore_mem>>) src(%dma_wait3A_2865 : memref<1x64xf32, #tpu.memory_space<hbm>>) dst(%dma_wait3A_2863 : memref<1x64xf32, #tpu.memory_space<vmem>>)
    %dma_wait3A_2866 = arith.constant 11 : i32
    %dma_wait3A_2867 = arith.constant 0 : i32
    %dma_wait3A_2868 = tpu.memref_slice %arg3[%dma_wait3A_2866, %dma_wait3A_2867] : memref<256x64xf32, #tpu.memory_space<vmem>> -> memref<1x64xf32, #tpu.memory_space<vmem>>
    %dma_wait3A_2869 = arith.constant 0 : i32
    %dma_wait3A_2870 = tpu.memref_slice %arg2[%get3A_122, %dma_wait3A_2869] : memref<1000000x64xf32, #tpu.memory_space<hbm>> -> memref<1x64xf32, #tpu.memory_space<hbm>>
    tpu.wait_dma2 semaphore(%arg4 : memref<!tpu.dma_semaphore, #tpu.memory_space<semaphore_mem>>) src(%dma_wait3A_2870 : memref<1x64xf32, #tpu.memory_space<hbm>>) dst(%dma_wait3A_2868 : memref<1x64xf32, #tpu.memory_space<vmem>>)
    %dma_wait3A_2871 = arith.constant 12 : i32
    %dma_wait3A_2872 = arith.constant 0 : i32
    %dma_wait3A_2873 = tpu.memref_slice %arg3[%dma_wait3A_2871, %dma_wait3A_2872] : memref<256x64xf32, #tpu.memory_space<vmem>> -> memref<1x64xf32, #tpu.memory_space<vmem>>
    %dma_wait3A_2874 = arith.constant 0 : i32
    %dma_wait3A_2875 = tpu.memref_slice %arg2[%get3A_133, %dma_wait3A_2874] : memref<1000000x64xf32, #tpu.memory_space<hbm>> -> memref<1x64xf32, #tpu.memory_space<hbm>>
    tpu.wait_dma2 semaphore(%arg4 : memref<!tpu.dma_semaphore, #tpu.memory_space<semaphore_mem>>) src(%dma_wait3A_2875 : memref<1x64xf32, #tpu.memory_space<hbm>>) dst(%dma_wait3A_2873 : memref<1x64xf32, #tpu.memory_space<vmem>>)
    %dma_wait3A_2876 = arith.constant 13 : i32
    %dma_wait3A_2877 = arith.constant 0 : i32
    %dma_wait3A_2878 = tpu.memref_slice %arg3[%dma_wait3A_2876, %dma_wait3A_2877] : memref<256x64xf32, #tpu.memory_space<vmem>> -> memref<1x64xf32, #tpu.memory_space<vmem>>
    %dma_wait3A_2879 = arith.constant 0 : i32
    %dma_wait3A_2880 = tpu.memref_slice %arg2[%get3A_144, %dma_wait3A_2879] : memref<1000000x64xf32, #tpu.memory_space<hbm>> -> memref<1x64xf32, #tpu.memory_space<hbm>>
    tpu.wait_dma2 semaphore(%arg4 : memref<!tpu.dma_semaphore, #tpu.memory_space<semaphore_mem>>) src(%dma_wait3A_2880 : memref<1x64xf32, #tpu.memory_space<hbm>>) dst(%dma_wait3A_2878 : memref<1x64xf32, #tpu.memory_space<vmem>>)
    %dma_wait3A_2881 = arith.constant 14 : i32
    %dma_wait3A_2882 = arith.constant 0 : i32
    %dma_wait3A_2883 = tpu.memref_slice %arg3[%dma_wait3A_2881, %dma_wait3A_2882] : memref<256x64xf32, #tpu.memory_space<vmem>> -> memref<1x64xf32, #tpu.memory_space<vmem>>
    %dma_wait3A_2884 = arith.constant 0 : i32
    %dma_wait3A_2885 = tpu.memref_slice %arg2[%get3A_155, %dma_wait3A_2884] : memref<1000000x64xf32, #tpu.memory_space<hbm>> -> memref<1x64xf32, #tpu.memory_space<hbm>>
    tpu.wait_dma2 semaphore(%arg4 : memref<!tpu.dma_semaphore, #tpu.memory_space<semaphore_mem>>) src(%dma_wait3A_2885 : memref<1x64xf32, #tpu.memory_space<hbm>>) dst(%dma_wait3A_2883 : memref<1x64xf32, #tpu.memory_space<vmem>>)
    %dma_wait3A_2886 = arith.constant 15 : i32
    %dma_wait3A_2887 = arith.constant 0 : i32
    %dma_wait3A_2888 = tpu.memref_slice %arg3[%dma_wait3A_2886, %dma_wait3A_2887] : memref<256x64xf32, #tpu.memory_space<vmem>> -> memref<1x64xf32, #tpu.memory_space<vmem>>
    %dma_wait3A_2889 = arith.constant 0 : i32
    %dma_wait3A_2890 = tpu.memref_slice %arg2[%get3A_166, %dma_wait3A_2889] : memref<1000000x64xf32, #tpu.memory_space<hbm>> -> memref<1x64xf32, #tpu.memory_space<hbm>>
    tpu.wait_dma2 semaphore(%arg4 : memref<!tpu.dma_semaphore, #tpu.memory_space<semaphore_mem>>) src(%dma_wait3A_2890 : memref<1x64xf32, #tpu.memory_space<hbm>>) dst(%dma_wait3A_2888 : memref<1x64xf32, #tpu.memory_space<vmem>>)
    %dma_wait3A_2891 = arith.constant 16 : i32
    %dma_wait3A_2892 = arith.constant 0 : i32
    %dma_wait3A_2893 = tpu.memref_slice %arg3[%dma_wait3A_2891, %dma_wait3A_2892] : memref<256x64xf32, #tpu.memory_space<vmem>> -> memref<1x64xf32, #tpu.memory_space<vmem>>
    %dma_wait3A_2894 = arith.constant 0 : i32
    %dma_wait3A_2895 = tpu.memref_slice %arg2[%get3A_177, %dma_wait3A_2894] : memref<1000000x64xf32, #tpu.memory_space<hbm>> -> memref<1x64xf32, #tpu.memory_space<hbm>>
    tpu.wait_dma2 semaphore(%arg4 : memref<!tpu.dma_semaphore, #tpu.memory_space<semaphore_mem>>) src(%dma_wait3A_2895 : memref<1x64xf32, #tpu.memory_space<hbm>>) dst(%dma_wait3A_2893 : memref<1x64xf32, #tpu.memory_space<vmem>>)
    %dma_wait3A_2896 = arith.constant 17 : i32
    %dma_wait3A_2897 = arith.constant 0 : i32
    %dma_wait3A_2898 = tpu.memref_slice %arg3[%dma_wait3A_2896, %dma_wait3A_2897] : memref<256x64xf32, #tpu.memory_space<vmem>> -> memref<1x64xf32, #tpu.memory_space<vmem>>
    %dma_wait3A_2899 = arith.constant 0 : i32
    %dma_wait3A_2900 = tpu.memref_slice %arg2[%get3A_188, %dma_wait3A_2899] : memref<1000000x64xf32, #tpu.memory_space<hbm>> -> memref<1x64xf32, #tpu.memory_space<hbm>>
    tpu.wait_dma2 semaphore(%arg4 : memref<!tpu.dma_semaphore, #tpu.memory_space<semaphore_mem>>) src(%dma_wait3A_2900 : memref<1x64xf32, #tpu.memory_space<hbm>>) dst(%dma_wait3A_2898 : memref<1x64xf32, #tpu.memory_space<vmem>>)
    %dma_wait3A_2901 = arith.constant 18 : i32
    %dma_wait3A_2902 = arith.constant 0 : i32
    %dma_wait3A_2903 = tpu.memref_slice %arg3[%dma_wait3A_2901, %dma_wait3A_2902] : memref<256x64xf32, #tpu.memory_space<vmem>> -> memref<1x64xf32, #tpu.memory_space<vmem>>
    %dma_wait3A_2904 = arith.constant 0 : i32
    %dma_wait3A_2905 = tpu.memref_slice %arg2[%get3A_199, %dma_wait3A_2904] : memref<1000000x64xf32, #tpu.memory_space<hbm>> -> memref<1x64xf32, #tpu.memory_space<hbm>>
    tpu.wait_dma2 semaphore(%arg4 : memref<!tpu.dma_semaphore, #tpu.memory_space<semaphore_mem>>) src(%dma_wait3A_2905 : memref<1x64xf32, #tpu.memory_space<hbm>>) dst(%dma_wait3A_2903 : memref<1x64xf32, #tpu.memory_space<vmem>>)
    %dma_wait3A_2906 = arith.constant 19 : i32
    %dma_wait3A_2907 = arith.constant 0 : i32
    %dma_wait3A_2908 = tpu.memref_slice %arg3[%dma_wait3A_2906, %dma_wait3A_2907] : memref<256x64xf32, #tpu.memory_space<vmem>> -> memref<1x64xf32, #tpu.memory_space<vmem>>
    %dma_wait3A_2909 = arith.constant 0 : i32
    %dma_wait3A_2910 = tpu.memref_slice %arg2[%get3A_210, %dma_wait3A_2909] : memref<1000000x64xf32, #tpu.memory_space<hbm>> -> memref<1x64xf32, #tpu.memory_space<hbm>>
    tpu.wait_dma2 semaphore(%arg4 : memref<!tpu.dma_semaphore, #tpu.memory_space<semaphore_mem>>) src(%dma_wait3A_2910 : memref<1x64xf32, #tpu.memory_space<hbm>>) dst(%dma_wait3A_2908 : memref<1x64xf32, #tpu.memory_space<vmem>>)
    %dma_wait3A_2911 = arith.constant 20 : i32
    %dma_wait3A_2912 = arith.constant 0 : i32
    %dma_wait3A_2913 = tpu.memref_slice %arg3[%dma_wait3A_2911, %dma_wait3A_2912] : memref<256x64xf32, #tpu.memory_space<vmem>> -> memref<1x64xf32, #tpu.memory_space<vmem>>
    %dma_wait3A_2914 = arith.constant 0 : i32
    %dma_wait3A_2915 = tpu.memref_slice %arg2[%get3A_221, %dma_wait3A_2914] : memref<1000000x64xf32, #tpu.memory_space<hbm>> -> memref<1x64xf32, #tpu.memory_space<hbm>>
    tpu.wait_dma2 semaphore(%arg4 : memref<!tpu.dma_semaphore, #tpu.memory_space<semaphore_mem>>) src(%dma_wait3A_2915 : memref<1x64xf32, #tpu.memory_space<hbm>>) dst(%dma_wait3A_2913 : memref<1x64xf32, #tpu.memory_space<vmem>>)
    %dma_wait3A_2916 = arith.constant 21 : i32
    %dma_wait3A_2917 = arith.constant 0 : i32
    %dma_wait3A_2918 = tpu.memref_slice %arg3[%dma_wait3A_2916, %dma_wait3A_2917] : memref<256x64xf32, #tpu.memory_space<vmem>> -> memref<1x64xf32, #tpu.memory_space<vmem>>
    %dma_wait3A_2919 = arith.constant 0 : i32
    %dma_wait3A_2920 = tpu.memref_slice %arg2[%get3A_232, %dma_wait3A_2919] : memref<1000000x64xf32, #tpu.memory_space<hbm>> -> memref<1x64xf32, #tpu.memory_space<hbm>>
    tpu.wait_dma2 semaphore(%arg4 : memref<!tpu.dma_semaphore, #tpu.memory_space<semaphore_mem>>) src(%dma_wait3A_2920 : memref<1x64xf32, #tpu.memory_space<hbm>>) dst(%dma_wait3A_2918 : memref<1x64xf32, #tpu.memory_space<vmem>>)
    %dma_wait3A_2921 = arith.constant 22 : i32
    %dma_wait3A_2922 = arith.constant 0 : i32
    %dma_wait3A_2923 = tpu.memref_slice %arg3[%dma_wait3A_2921, %dma_wait3A_2922] : memref<256x64xf32, #tpu.memory_space<vmem>> -> memref<1x64xf32, #tpu.memory_space<vmem>>
    %dma_wait3A_2924 = arith.constant 0 : i32
    %dma_wait3A_2925 = tpu.memref_slice %arg2[%get3A_243, %dma_wait3A_2924] : memref<1000000x64xf32, #tpu.memory_space<hbm>> -> memref<1x64xf32, #tpu.memory_space<hbm>>
    tpu.wait_dma2 semaphore(%arg4 : memref<!tpu.dma_semaphore, #tpu.memory_space<semaphore_mem>>) src(%dma_wait3A_2925 : memref<1x64xf32, #tpu.memory_space<hbm>>) dst(%dma_wait3A_2923 : memref<1x64xf32, #tpu.memory_space<vmem>>)
    %dma_wait3A_2926 = arith.constant 23 : i32
    %dma_wait3A_2927 = arith.constant 0 : i32
    %dma_wait3A_2928 = tpu.memref_slice %arg3[%dma_wait3A_2926, %dma_wait3A_2927] : memref<256x64xf32, #tpu.memory_space<vmem>> -> memref<1x64xf32, #tpu.memory_space<vmem>>
    %dma_wait3A_2929 = arith.constant 0 : i32
    %dma_wait3A_2930 = tpu.memref_slice %arg2[%get3A_254, %dma_wait3A_2929] : memref<1000000x64xf32, #tpu.memory_space<hbm>> -> memref<1x64xf32, #tpu.memory_space<hbm>>
    tpu.wait_dma2 semaphore(%arg4 : memref<!tpu.dma_semaphore, #tpu.memory_space<semaphore_mem>>) src(%dma_wait3A_2930 : memref<1x64xf32, #tpu.memory_space<hbm>>) dst(%dma_wait3A_2928 : memref<1x64xf32, #tpu.memory_space<vmem>>)
    %dma_wait3A_2931 = arith.constant 24 : i32
    %dma_wait3A_2932 = arith.constant 0 : i32
    %dma_wait3A_2933 = tpu.memref_slice %arg3[%dma_wait3A_2931, %dma_wait3A_2932] : memref<256x64xf32, #tpu.memory_space<vmem>> -> memref<1x64xf32, #tpu.memory_space<vmem>>
    %dma_wait3A_2934 = arith.constant 0 : i32
    %dma_wait3A_2935 = tpu.memref_slice %arg2[%get3A_265, %dma_wait3A_2934] : memref<1000000x64xf32, #tpu.memory_space<hbm>> -> memref<1x64xf32, #tpu.memory_space<hbm>>
    tpu.wait_dma2 semaphore(%arg4 : memref<!tpu.dma_semaphore, #tpu.memory_space<semaphore_mem>>) src(%dma_wait3A_2935 : memref<1x64xf32, #tpu.memory_space<hbm>>) dst(%dma_wait3A_2933 : memref<1x64xf32, #tpu.memory_space<vmem>>)
    %dma_wait3A_2936 = arith.constant 25 : i32
    %dma_wait3A_2937 = arith.constant 0 : i32
    %dma_wait3A_2938 = tpu.memref_slice %arg3[%dma_wait3A_2936, %dma_wait3A_2937] : memref<256x64xf32, #tpu.memory_space<vmem>> -> memref<1x64xf32, #tpu.memory_space<vmem>>
    %dma_wait3A_2939 = arith.constant 0 : i32
    %dma_wait3A_2940 = tpu.memref_slice %arg2[%get3A_276, %dma_wait3A_2939] : memref<1000000x64xf32, #tpu.memory_space<hbm>> -> memref<1x64xf32, #tpu.memory_space<hbm>>
    tpu.wait_dma2 semaphore(%arg4 : memref<!tpu.dma_semaphore, #tpu.memory_space<semaphore_mem>>) src(%dma_wait3A_2940 : memref<1x64xf32, #tpu.memory_space<hbm>>) dst(%dma_wait3A_2938 : memref<1x64xf32, #tpu.memory_space<vmem>>)
    %dma_wait3A_2941 = arith.constant 26 : i32
    %dma_wait3A_2942 = arith.constant 0 : i32
    %dma_wait3A_2943 = tpu.memref_slice %arg3[%dma_wait3A_2941, %dma_wait3A_2942] : memref<256x64xf32, #tpu.memory_space<vmem>> -> memref<1x64xf32, #tpu.memory_space<vmem>>
    %dma_wait3A_2944 = arith.constant 0 : i32
    %dma_wait3A_2945 = tpu.memref_slice %arg2[%get3A_287, %dma_wait3A_2944] : memref<1000000x64xf32, #tpu.memory_space<hbm>> -> memref<1x64xf32, #tpu.memory_space<hbm>>
    tpu.wait_dma2 semaphore(%arg4 : memref<!tpu.dma_semaphore, #tpu.memory_space<semaphore_mem>>) src(%dma_wait3A_2945 : memref<1x64xf32, #tpu.memory_space<hbm>>) dst(%dma_wait3A_2943 : memref<1x64xf32, #tpu.memory_space<vmem>>)
    %dma_wait3A_2946 = arith.constant 27 : i32
    %dma_wait3A_2947 = arith.constant 0 : i32
    %dma_wait3A_2948 = tpu.memref_slice %arg3[%dma_wait3A_2946, %dma_wait3A_2947] : memref<256x64xf32, #tpu.memory_space<vmem>> -> memref<1x64xf32, #tpu.memory_space<vmem>>
    %dma_wait3A_2949 = arith.constant 0 : i32
    %dma_wait3A_2950 = tpu.memref_slice %arg2[%get3A_298, %dma_wait3A_2949] : memref<1000000x64xf32, #tpu.memory_space<hbm>> -> memref<1x64xf32, #tpu.memory_space<hbm>>
    tpu.wait_dma2 semaphore(%arg4 : memref<!tpu.dma_semaphore, #tpu.memory_space<semaphore_mem>>) src(%dma_wait3A_2950 : memref<1x64xf32, #tpu.memory_space<hbm>>) dst(%dma_wait3A_2948 : memref<1x64xf32, #tpu.memory_space<vmem>>)
    %dma_wait3A_2951 = arith.constant 28 : i32
    %dma_wait3A_2952 = arith.constant 0 : i32
    %dma_wait3A_2953 = tpu.memref_slice %arg3[%dma_wait3A_2951, %dma_wait3A_2952] : memref<256x64xf32, #tpu.memory_space<vmem>> -> memref<1x64xf32, #tpu.memory_space<vmem>>
    %dma_wait3A_2954 = arith.constant 0 : i32
    %dma_wait3A_2955 = tpu.memref_slice %arg2[%get3A_309, %dma_wait3A_2954] : memref<1000000x64xf32, #tpu.memory_space<hbm>> -> memref<1x64xf32, #tpu.memory_space<hbm>>
    tpu.wait_dma2 semaphore(%arg4 : memref<!tpu.dma_semaphore, #tpu.memory_space<semaphore_mem>>) src(%dma_wait3A_2955 : memref<1x64xf32, #tpu.memory_space<hbm>>) dst(%dma_wait3A_2953 : memref<1x64xf32, #tpu.memory_space<vmem>>)
    %dma_wait3A_2956 = arith.constant 29 : i32
    %dma_wait3A_2957 = arith.constant 0 : i32
    %dma_wait3A_2958 = tpu.memref_slice %arg3[%dma_wait3A_2956, %dma_wait3A_2957] : memref<256x64xf32, #tpu.memory_space<vmem>> -> memref<1x64xf32, #tpu.memory_space<vmem>>
    %dma_wait3A_2959 = arith.constant 0 : i32
    %dma_wait3A_2960 = tpu.memref_slice %arg2[%get3A_320, %dma_wait3A_2959] : memref<1000000x64xf32, #tpu.memory_space<hbm>> -> memref<1x64xf32, #tpu.memory_space<hbm>>
    tpu.wait_dma2 semaphore(%arg4 : memref<!tpu.dma_semaphore, #tpu.memory_space<semaphore_mem>>) src(%dma_wait3A_2960 : memref<1x64xf32, #tpu.memory_space<hbm>>) dst(%dma_wait3A_2958 : memref<1x64xf32, #tpu.memory_space<vmem>>)
    %dma_wait3A_2961 = arith.constant 30 : i32
    %dma_wait3A_2962 = arith.constant 0 : i32
    %dma_wait3A_2963 = tpu.memref_slice %arg3[%dma_wait3A_2961, %dma_wait3A_2962] : memref<256x64xf32, #tpu.memory_space<vmem>> -> memref<1x64xf32, #tpu.memory_space<vmem>>
    %dma_wait3A_2964 = arith.constant 0 : i32
    %dma_wait3A_2965 = tpu.memref_slice %arg2[%get3A_331, %dma_wait3A_2964] : memref<1000000x64xf32, #tpu.memory_space<hbm>> -> memref<1x64xf32, #tpu.memory_space<hbm>>
    tpu.wait_dma2 semaphore(%arg4 : memref<!tpu.dma_semaphore, #tpu.memory_space<semaphore_mem>>) src(%dma_wait3A_2965 : memref<1x64xf32, #tpu.memory_space<hbm>>) dst(%dma_wait3A_2963 : memref<1x64xf32, #tpu.memory_space<vmem>>)
    %dma_wait3A_2966 = arith.constant 31 : i32
    %dma_wait3A_2967 = arith.constant 0 : i32
    %dma_wait3A_2968 = tpu.memref_slice %arg3[%dma_wait3A_2966, %dma_wait3A_2967] : memref<256x64xf32, #tpu.memory_space<vmem>> -> memref<1x64xf32, #tpu.memory_space<vmem>>
    %dma_wait3A_2969 = arith.constant 0 : i32
    %dma_wait3A_2970 = tpu.memref_slice %arg2[%get3A_342, %dma_wait3A_2969] : memref<1000000x64xf32, #tpu.memory_space<hbm>> -> memref<1x64xf32, #tpu.memory_space<hbm>>
    tpu.wait_dma2 semaphore(%arg4 : memref<!tpu.dma_semaphore, #tpu.memory_space<semaphore_mem>>) src(%dma_wait3A_2970 : memref<1x64xf32, #tpu.memory_space<hbm>>) dst(%dma_wait3A_2968 : memref<1x64xf32, #tpu.memory_space<vmem>>)
    %dma_wait3A_2971 = arith.constant 32 : i32
    %dma_wait3A_2972 = arith.constant 0 : i32
    %dma_wait3A_2973 = tpu.memref_slice %arg3[%dma_wait3A_2971, %dma_wait3A_2972] : memref<256x64xf32, #tpu.memory_space<vmem>> -> memref<1x64xf32, #tpu.memory_space<vmem>>
    %dma_wait3A_2974 = arith.constant 0 : i32
    %dma_wait3A_2975 = tpu.memref_slice %arg2[%get3A_353, %dma_wait3A_2974] : memref<1000000x64xf32, #tpu.memory_space<hbm>> -> memref<1x64xf32, #tpu.memory_space<hbm>>
    tpu.wait_dma2 semaphore(%arg4 : memref<!tpu.dma_semaphore, #tpu.memory_space<semaphore_mem>>) src(%dma_wait3A_2975 : memref<1x64xf32, #tpu.memory_space<hbm>>) dst(%dma_wait3A_2973 : memref<1x64xf32, #tpu.memory_space<vmem>>)
    %dma_wait3A_2976 = arith.constant 33 : i32
    %dma_wait3A_2977 = arith.constant 0 : i32
    %dma_wait3A_2978 = tpu.memref_slice %arg3[%dma_wait3A_2976, %dma_wait3A_2977] : memref<256x64xf32, #tpu.memory_space<vmem>> -> memref<1x64xf32, #tpu.memory_space<vmem>>
    %dma_wait3A_2979 = arith.constant 0 : i32
    %dma_wait3A_2980 = tpu.memref_slice %arg2[%get3A_364, %dma_wait3A_2979] : memref<1000000x64xf32, #tpu.memory_space<hbm>> -> memref<1x64xf32, #tpu.memory_space<hbm>>
    tpu.wait_dma2 semaphore(%arg4 : memref<!tpu.dma_semaphore, #tpu.memory_space<semaphore_mem>>) src(%dma_wait3A_2980 : memref<1x64xf32, #tpu.memory_space<hbm>>) dst(%dma_wait3A_2978 : memref<1x64xf32, #tpu.memory_space<vmem>>)
    %dma_wait3A_2981 = arith.constant 34 : i32
    %dma_wait3A_2982 = arith.constant 0 : i32
    %dma_wait3A_2983 = tpu.memref_slice %arg3[%dma_wait3A_2981, %dma_wait3A_2982] : memref<256x64xf32, #tpu.memory_space<vmem>> -> memref<1x64xf32, #tpu.memory_space<vmem>>
    %dma_wait3A_2984 = arith.constant 0 : i32
    %dma_wait3A_2985 = tpu.memref_slice %arg2[%get3A_375, %dma_wait3A_2984] : memref<1000000x64xf32, #tpu.memory_space<hbm>> -> memref<1x64xf32, #tpu.memory_space<hbm>>
    tpu.wait_dma2 semaphore(%arg4 : memref<!tpu.dma_semaphore, #tpu.memory_space<semaphore_mem>>) src(%dma_wait3A_2985 : memref<1x64xf32, #tpu.memory_space<hbm>>) dst(%dma_wait3A_2983 : memref<1x64xf32, #tpu.memory_space<vmem>>)
    %dma_wait3A_2986 = arith.constant 35 : i32
    %dma_wait3A_2987 = arith.constant 0 : i32
    %dma_wait3A_2988 = tpu.memref_slice %arg3[%dma_wait3A_2986, %dma_wait3A_2987] : memref<256x64xf32, #tpu.memory_space<vmem>> -> memref<1x64xf32, #tpu.memory_space<vmem>>
    %dma_wait3A_2989 = arith.constant 0 : i32
    %dma_wait3A_2990 = tpu.memref_slice %arg2[%get3A_386, %dma_wait3A_2989] : memref<1000000x64xf32, #tpu.memory_space<hbm>> -> memref<1x64xf32, #tpu.memory_space<hbm>>
    tpu.wait_dma2 semaphore(%arg4 : memref<!tpu.dma_semaphore, #tpu.memory_space<semaphore_mem>>) src(%dma_wait3A_2990 : memref<1x64xf32, #tpu.memory_space<hbm>>) dst(%dma_wait3A_2988 : memref<1x64xf32, #tpu.memory_space<vmem>>)
    %dma_wait3A_2991 = arith.constant 36 : i32
    %dma_wait3A_2992 = arith.constant 0 : i32
    %dma_wait3A_2993 = tpu.memref_slice %arg3[%dma_wait3A_2991, %dma_wait3A_2992] : memref<256x64xf32, #tpu.memory_space<vmem>> -> memref<1x64xf32, #tpu.memory_space<vmem>>
    %dma_wait3A_2994 = arith.constant 0 : i32
    %dma_wait3A_2995 = tpu.memref_slice %arg2[%get3A_397, %dma_wait3A_2994] : memref<1000000x64xf32, #tpu.memory_space<hbm>> -> memref<1x64xf32, #tpu.memory_space<hbm>>
    tpu.wait_dma2 semaphore(%arg4 : memref<!tpu.dma_semaphore, #tpu.memory_space<semaphore_mem>>) src(%dma_wait3A_2995 : memref<1x64xf32, #tpu.memory_space<hbm>>) dst(%dma_wait3A_2993 : memref<1x64xf32, #tpu.memory_space<vmem>>)
    %dma_wait3A_2996 = arith.constant 37 : i32
    %dma_wait3A_2997 = arith.constant 0 : i32
    %dma_wait3A_2998 = tpu.memref_slice %arg3[%dma_wait3A_2996, %dma_wait3A_2997] : memref<256x64xf32, #tpu.memory_space<vmem>> -> memref<1x64xf32, #tpu.memory_space<vmem>>
    %dma_wait3A_2999 = arith.constant 0 : i32
    %dma_wait3A_3000 = tpu.memref_slice %arg2[%get3A_408, %dma_wait3A_2999] : memref<1000000x64xf32, #tpu.memory_space<hbm>> -> memref<1x64xf32, #tpu.memory_space<hbm>>
    tpu.wait_dma2 semaphore(%arg4 : memref<!tpu.dma_semaphore, #tpu.memory_space<semaphore_mem>>) src(%dma_wait3A_3000 : memref<1x64xf32, #tpu.memory_space<hbm>>) dst(%dma_wait3A_2998 : memref<1x64xf32, #tpu.memory_space<vmem>>)
    %dma_wait3A_3001 = arith.constant 38 : i32
    %dma_wait3A_3002 = arith.constant 0 : i32
    %dma_wait3A_3003 = tpu.memref_slice %arg3[%dma_wait3A_3001, %dma_wait3A_3002] : memref<256x64xf32, #tpu.memory_space<vmem>> -> memref<1x64xf32, #tpu.memory_space<vmem>>
    %dma_wait3A_3004 = arith.constant 0 : i32
    %dma_wait3A_3005 = tpu.memref_slice %arg2[%get3A_419, %dma_wait3A_3004] : memref<1000000x64xf32, #tpu.memory_space<hbm>> -> memref<1x64xf32, #tpu.memory_space<hbm>>
    tpu.wait_dma2 semaphore(%arg4 : memref<!tpu.dma_semaphore, #tpu.memory_space<semaphore_mem>>) src(%dma_wait3A_3005 : memref<1x64xf32, #tpu.memory_space<hbm>>) dst(%dma_wait3A_3003 : memref<1x64xf32, #tpu.memory_space<vmem>>)
    %dma_wait3A_3006 = arith.constant 39 : i32
    %dma_wait3A_3007 = arith.constant 0 : i32
    %dma_wait3A_3008 = tpu.memref_slice %arg3[%dma_wait3A_3006, %dma_wait3A_3007] : memref<256x64xf32, #tpu.memory_space<vmem>> -> memref<1x64xf32, #tpu.memory_space<vmem>>
    %dma_wait3A_3009 = arith.constant 0 : i32
    %dma_wait3A_3010 = tpu.memref_slice %arg2[%get3A_430, %dma_wait3A_3009] : memref<1000000x64xf32, #tpu.memory_space<hbm>> -> memref<1x64xf32, #tpu.memory_space<hbm>>
    tpu.wait_dma2 semaphore(%arg4 : memref<!tpu.dma_semaphore, #tpu.memory_space<semaphore_mem>>) src(%dma_wait3A_3010 : memref<1x64xf32, #tpu.memory_space<hbm>>) dst(%dma_wait3A_3008 : memref<1x64xf32, #tpu.memory_space<vmem>>)
    %dma_wait3A_3011 = arith.constant 40 : i32
    %dma_wait3A_3012 = arith.constant 0 : i32
    %dma_wait3A_3013 = tpu.memref_slice %arg3[%dma_wait3A_3011, %dma_wait3A_3012] : memref<256x64xf32, #tpu.memory_space<vmem>> -> memref<1x64xf32, #tpu.memory_space<vmem>>
    %dma_wait3A_3014 = arith.constant 0 : i32
    %dma_wait3A_3015 = tpu.memref_slice %arg2[%get3A_441, %dma_wait3A_3014] : memref<1000000x64xf32, #tpu.memory_space<hbm>> -> memref<1x64xf32, #tpu.memory_space<hbm>>
    tpu.wait_dma2 semaphore(%arg4 : memref<!tpu.dma_semaphore, #tpu.memory_space<semaphore_mem>>) src(%dma_wait3A_3015 : memref<1x64xf32, #tpu.memory_space<hbm>>) dst(%dma_wait3A_3013 : memref<1x64xf32, #tpu.memory_space<vmem>>)
    %dma_wait3A_3016 = arith.constant 41 : i32
    %dma_wait3A_3017 = arith.constant 0 : i32
    %dma_wait3A_3018 = tpu.memref_slice %arg3[%dma_wait3A_3016, %dma_wait3A_3017] : memref<256x64xf32, #tpu.memory_space<vmem>> -> memref<1x64xf32, #tpu.memory_space<vmem>>
    %dma_wait3A_3019 = arith.constant 0 : i32
    %dma_wait3A_3020 = tpu.memref_slice %arg2[%get3A_452, %dma_wait3A_3019] : memref<1000000x64xf32, #tpu.memory_space<hbm>> -> memref<1x64xf32, #tpu.memory_space<hbm>>
    tpu.wait_dma2 semaphore(%arg4 : memref<!tpu.dma_semaphore, #tpu.memory_space<semaphore_mem>>) src(%dma_wait3A_3020 : memref<1x64xf32, #tpu.memory_space<hbm>>) dst(%dma_wait3A_3018 : memref<1x64xf32, #tpu.memory_space<vmem>>)
    %dma_wait3A_3021 = arith.constant 42 : i32
    %dma_wait3A_3022 = arith.constant 0 : i32
    %dma_wait3A_3023 = tpu.memref_slice %arg3[%dma_wait3A_3021, %dma_wait3A_3022] : memref<256x64xf32, #tpu.memory_space<vmem>> -> memref<1x64xf32, #tpu.memory_space<vmem>>
    %dma_wait3A_3024 = arith.constant 0 : i32
    %dma_wait3A_3025 = tpu.memref_slice %arg2[%get3A_463, %dma_wait3A_3024] : memref<1000000x64xf32, #tpu.memory_space<hbm>> -> memref<1x64xf32, #tpu.memory_space<hbm>>
    tpu.wait_dma2 semaphore(%arg4 : memref<!tpu.dma_semaphore, #tpu.memory_space<semaphore_mem>>) src(%dma_wait3A_3025 : memref<1x64xf32, #tpu.memory_space<hbm>>) dst(%dma_wait3A_3023 : memref<1x64xf32, #tpu.memory_space<vmem>>)
    %dma_wait3A_3026 = arith.constant 43 : i32
    %dma_wait3A_3027 = arith.constant 0 : i32
    %dma_wait3A_3028 = tpu.memref_slice %arg3[%dma_wait3A_3026, %dma_wait3A_3027] : memref<256x64xf32, #tpu.memory_space<vmem>> -> memref<1x64xf32, #tpu.memory_space<vmem>>
    %dma_wait3A_3029 = arith.constant 0 : i32
    %dma_wait3A_3030 = tpu.memref_slice %arg2[%get3A_474, %dma_wait3A_3029] : memref<1000000x64xf32, #tpu.memory_space<hbm>> -> memref<1x64xf32, #tpu.memory_space<hbm>>
    tpu.wait_dma2 semaphore(%arg4 : memref<!tpu.dma_semaphore, #tpu.memory_space<semaphore_mem>>) src(%dma_wait3A_3030 : memref<1x64xf32, #tpu.memory_space<hbm>>) dst(%dma_wait3A_3028 : memref<1x64xf32, #tpu.memory_space<vmem>>)
    %dma_wait3A_3031 = arith.constant 44 : i32
    %dma_wait3A_3032 = arith.constant 0 : i32
    %dma_wait3A_3033 = tpu.memref_slice %arg3[%dma_wait3A_3031, %dma_wait3A_3032] : memref<256x64xf32, #tpu.memory_space<vmem>> -> memref<1x64xf32, #tpu.memory_space<vmem>>
    %dma_wait3A_3034 = arith.constant 0 : i32
    %dma_wait3A_3035 = tpu.memref_slice %arg2[%get3A_485, %dma_wait3A_3034] : memref<1000000x64xf32, #tpu.memory_space<hbm>> -> memref<1x64xf32, #tpu.memory_space<hbm>>
    tpu.wait_dma2 semaphore(%arg4 : memref<!tpu.dma_semaphore, #tpu.memory_space<semaphore_mem>>) src(%dma_wait3A_3035 : memref<1x64xf32, #tpu.memory_space<hbm>>) dst(%dma_wait3A_3033 : memref<1x64xf32, #tpu.memory_space<vmem>>)
    %dma_wait3A_3036 = arith.constant 45 : i32
    %dma_wait3A_3037 = arith.constant 0 : i32
    %dma_wait3A_3038 = tpu.memref_slice %arg3[%dma_wait3A_3036, %dma_wait3A_3037] : memref<256x64xf32, #tpu.memory_space<vmem>> -> memref<1x64xf32, #tpu.memory_space<vmem>>
    %dma_wait3A_3039 = arith.constant 0 : i32
    %dma_wait3A_3040 = tpu.memref_slice %arg2[%get3A_496, %dma_wait3A_3039] : memref<1000000x64xf32, #tpu.memory_space<hbm>> -> memref<1x64xf32, #tpu.memory_space<hbm>>
    tpu.wait_dma2 semaphore(%arg4 : memref<!tpu.dma_semaphore, #tpu.memory_space<semaphore_mem>>) src(%dma_wait3A_3040 : memref<1x64xf32, #tpu.memory_space<hbm>>) dst(%dma_wait3A_3038 : memref<1x64xf32, #tpu.memory_space<vmem>>)
    %dma_wait3A_3041 = arith.constant 46 : i32
    %dma_wait3A_3042 = arith.constant 0 : i32
    %dma_wait3A_3043 = tpu.memref_slice %arg3[%dma_wait3A_3041, %dma_wait3A_3042] : memref<256x64xf32, #tpu.memory_space<vmem>> -> memref<1x64xf32, #tpu.memory_space<vmem>>
    %dma_wait3A_3044 = arith.constant 0 : i32
    %dma_wait3A_3045 = tpu.memref_slice %arg2[%get3A_507, %dma_wait3A_3044] : memref<1000000x64xf32, #tpu.memory_space<hbm>> -> memref<1x64xf32, #tpu.memory_space<hbm>>
    tpu.wait_dma2 semaphore(%arg4 : memref<!tpu.dma_semaphore, #tpu.memory_space<semaphore_mem>>) src(%dma_wait3A_3045 : memref<1x64xf32, #tpu.memory_space<hbm>>) dst(%dma_wait3A_3043 : memref<1x64xf32, #tpu.memory_space<vmem>>)
    %dma_wait3A_3046 = arith.constant 47 : i32
    %dma_wait3A_3047 = arith.constant 0 : i32
    %dma_wait3A_3048 = tpu.memref_slice %arg3[%dma_wait3A_3046, %dma_wait3A_3047] : memref<256x64xf32, #tpu.memory_space<vmem>> -> memref<1x64xf32, #tpu.memory_space<vmem>>
    %dma_wait3A_3049 = arith.constant 0 : i32
    %dma_wait3A_3050 = tpu.memref_slice %arg2[%get3A_518, %dma_wait3A_3049] : memref<1000000x64xf32, #tpu.memory_space<hbm>> -> memref<1x64xf32, #tpu.memory_space<hbm>>
    tpu.wait_dma2 semaphore(%arg4 : memref<!tpu.dma_semaphore, #tpu.memory_space<semaphore_mem>>) src(%dma_wait3A_3050 : memref<1x64xf32, #tpu.memory_space<hbm>>) dst(%dma_wait3A_3048 : memref<1x64xf32, #tpu.memory_space<vmem>>)
    %dma_wait3A_3051 = arith.constant 48 : i32
    %dma_wait3A_3052 = arith.constant 0 : i32
    %dma_wait3A_3053 = tpu.memref_slice %arg3[%dma_wait3A_3051, %dma_wait3A_3052] : memref<256x64xf32, #tpu.memory_space<vmem>> -> memref<1x64xf32, #tpu.memory_space<vmem>>
    %dma_wait3A_3054 = arith.constant 0 : i32
    %dma_wait3A_3055 = tpu.memref_slice %arg2[%get3A_529, %dma_wait3A_3054] : memref<1000000x64xf32, #tpu.memory_space<hbm>> -> memref<1x64xf32, #tpu.memory_space<hbm>>
    tpu.wait_dma2 semaphore(%arg4 : memref<!tpu.dma_semaphore, #tpu.memory_space<semaphore_mem>>) src(%dma_wait3A_3055 : memref<1x64xf32, #tpu.memory_space<hbm>>) dst(%dma_wait3A_3053 : memref<1x64xf32, #tpu.memory_space<vmem>>)
    %dma_wait3A_3056 = arith.constant 49 : i32
    %dma_wait3A_3057 = arith.constant 0 : i32
    %dma_wait3A_3058 = tpu.memref_slice %arg3[%dma_wait3A_3056, %dma_wait3A_3057] : memref<256x64xf32, #tpu.memory_space<vmem>> -> memref<1x64xf32, #tpu.memory_space<vmem>>
    %dma_wait3A_3059 = arith.constant 0 : i32
    %dma_wait3A_3060 = tpu.memref_slice %arg2[%get3A_540, %dma_wait3A_3059] : memref<1000000x64xf32, #tpu.memory_space<hbm>> -> memref<1x64xf32, #tpu.memory_space<hbm>>
    tpu.wait_dma2 semaphore(%arg4 : memref<!tpu.dma_semaphore, #tpu.memory_space<semaphore_mem>>) src(%dma_wait3A_3060 : memref<1x64xf32, #tpu.memory_space<hbm>>) dst(%dma_wait3A_3058 : memref<1x64xf32, #tpu.memory_space<vmem>>)
    %dma_wait3A_3061 = arith.constant 50 : i32
    %dma_wait3A_3062 = arith.constant 0 : i32
    %dma_wait3A_3063 = tpu.memref_slice %arg3[%dma_wait3A_3061, %dma_wait3A_3062] : memref<256x64xf32, #tpu.memory_space<vmem>> -> memref<1x64xf32, #tpu.memory_space<vmem>>
    %dma_wait3A_3064 = arith.constant 0 : i32
    %dma_wait3A_3065 = tpu.memref_slice %arg2[%get3A_551, %dma_wait3A_3064] : memref<1000000x64xf32, #tpu.memory_space<hbm>> -> memref<1x64xf32, #tpu.memory_space<hbm>>
    tpu.wait_dma2 semaphore(%arg4 : memref<!tpu.dma_semaphore, #tpu.memory_space<semaphore_mem>>) src(%dma_wait3A_3065 : memref<1x64xf32, #tpu.memory_space<hbm>>) dst(%dma_wait3A_3063 : memref<1x64xf32, #tpu.memory_space<vmem>>)
    %dma_wait3A_3066 = arith.constant 51 : i32
    %dma_wait3A_3067 = arith.constant 0 : i32
    %dma_wait3A_3068 = tpu.memref_slice %arg3[%dma_wait3A_3066, %dma_wait3A_3067] : memref<256x64xf32, #tpu.memory_space<vmem>> -> memref<1x64xf32, #tpu.memory_space<vmem>>
    %dma_wait3A_3069 = arith.constant 0 : i32
    %dma_wait3A_3070 = tpu.memref_slice %arg2[%get3A_562, %dma_wait3A_3069] : memref<1000000x64xf32, #tpu.memory_space<hbm>> -> memref<1x64xf32, #tpu.memory_space<hbm>>
    tpu.wait_dma2 semaphore(%arg4 : memref<!tpu.dma_semaphore, #tpu.memory_space<semaphore_mem>>) src(%dma_wait3A_3070 : memref<1x64xf32, #tpu.memory_space<hbm>>) dst(%dma_wait3A_3068 : memref<1x64xf32, #tpu.memory_space<vmem>>)
    %dma_wait3A_3071 = arith.constant 52 : i32
    %dma_wait3A_3072 = arith.constant 0 : i32
    %dma_wait3A_3073 = tpu.memref_slice %arg3[%dma_wait3A_3071, %dma_wait3A_3072] : memref<256x64xf32, #tpu.memory_space<vmem>> -> memref<1x64xf32, #tpu.memory_space<vmem>>
    %dma_wait3A_3074 = arith.constant 0 : i32
    %dma_wait3A_3075 = tpu.memref_slice %arg2[%get3A_573, %dma_wait3A_3074] : memref<1000000x64xf32, #tpu.memory_space<hbm>> -> memref<1x64xf32, #tpu.memory_space<hbm>>
    tpu.wait_dma2 semaphore(%arg4 : memref<!tpu.dma_semaphore, #tpu.memory_space<semaphore_mem>>) src(%dma_wait3A_3075 : memref<1x64xf32, #tpu.memory_space<hbm>>) dst(%dma_wait3A_3073 : memref<1x64xf32, #tpu.memory_space<vmem>>)
    %dma_wait3A_3076 = arith.constant 53 : i32
    %dma_wait3A_3077 = arith.constant 0 : i32
    %dma_wait3A_3078 = tpu.memref_slice %arg3[%dma_wait3A_3076, %dma_wait3A_3077] : memref<256x64xf32, #tpu.memory_space<vmem>> -> memref<1x64xf32, #tpu.memory_space<vmem>>
    %dma_wait3A_3079 = arith.constant 0 : i32
    %dma_wait3A_3080 = tpu.memref_slice %arg2[%get3A_584, %dma_wait3A_3079] : memref<1000000x64xf32, #tpu.memory_space<hbm>> -> memref<1x64xf32, #tpu.memory_space<hbm>>
    tpu.wait_dma2 semaphore(%arg4 : memref<!tpu.dma_semaphore, #tpu.memory_space<semaphore_mem>>) src(%dma_wait3A_3080 : memref<1x64xf32, #tpu.memory_space<hbm>>) dst(%dma_wait3A_3078 : memref<1x64xf32, #tpu.memory_space<vmem>>)
    %dma_wait3A_3081 = arith.constant 54 : i32
    %dma_wait3A_3082 = arith.constant 0 : i32
    %dma_wait3A_3083 = tpu.memref_slice %arg3[%dma_wait3A_3081, %dma_wait3A_3082] : memref<256x64xf32, #tpu.memory_space<vmem>> -> memref<1x64xf32, #tpu.memory_space<vmem>>
    %dma_wait3A_3084 = arith.constant 0 : i32
    %dma_wait3A_3085 = tpu.memref_slice %arg2[%get3A_595, %dma_wait3A_3084] : memref<1000000x64xf32, #tpu.memory_space<hbm>> -> memref<1x64xf32, #tpu.memory_space<hbm>>
    tpu.wait_dma2 semaphore(%arg4 : memref<!tpu.dma_semaphore, #tpu.memory_space<semaphore_mem>>) src(%dma_wait3A_3085 : memref<1x64xf32, #tpu.memory_space<hbm>>) dst(%dma_wait3A_3083 : memref<1x64xf32, #tpu.memory_space<vmem>>)
    %dma_wait3A_3086 = arith.constant 55 : i32
    %dma_wait3A_3087 = arith.constant 0 : i32
    %dma_wait3A_3088 = tpu.memref_slice %arg3[%dma_wait3A_3086, %dma_wait3A_3087] : memref<256x64xf32, #tpu.memory_space<vmem>> -> memref<1x64xf32, #tpu.memory_space<vmem>>
    %dma_wait3A_3089 = arith.constant 0 : i32
    %dma_wait3A_3090 = tpu.memref_slice %arg2[%get3A_606, %dma_wait3A_3089] : memref<1000000x64xf32, #tpu.memory_space<hbm>> -> memref<1x64xf32, #tpu.memory_space<hbm>>
    tpu.wait_dma2 semaphore(%arg4 : memref<!tpu.dma_semaphore, #tpu.memory_space<semaphore_mem>>) src(%dma_wait3A_3090 : memref<1x64xf32, #tpu.memory_space<hbm>>) dst(%dma_wait3A_3088 : memref<1x64xf32, #tpu.memory_space<vmem>>)
    %dma_wait3A_3091 = arith.constant 56 : i32
    %dma_wait3A_3092 = arith.constant 0 : i32
    %dma_wait3A_3093 = tpu.memref_slice %arg3[%dma_wait3A_3091, %dma_wait3A_3092] : memref<256x64xf32, #tpu.memory_space<vmem>> -> memref<1x64xf32, #tpu.memory_space<vmem>>
    %dma_wait3A_3094 = arith.constant 0 : i32
    %dma_wait3A_3095 = tpu.memref_slice %arg2[%get3A_617, %dma_wait3A_3094] : memref<1000000x64xf32, #tpu.memory_space<hbm>> -> memref<1x64xf32, #tpu.memory_space<hbm>>
    tpu.wait_dma2 semaphore(%arg4 : memref<!tpu.dma_semaphore, #tpu.memory_space<semaphore_mem>>) src(%dma_wait3A_3095 : memref<1x64xf32, #tpu.memory_space<hbm>>) dst(%dma_wait3A_3093 : memref<1x64xf32, #tpu.memory_space<vmem>>)
    %dma_wait3A_3096 = arith.constant 57 : i32
    %dma_wait3A_3097 = arith.constant 0 : i32
    %dma_wait3A_3098 = tpu.memref_slice %arg3[%dma_wait3A_3096, %dma_wait3A_3097] : memref<256x64xf32, #tpu.memory_space<vmem>> -> memref<1x64xf32, #tpu.memory_space<vmem>>
    %dma_wait3A_3099 = arith.constant 0 : i32
    %dma_wait3A_3100 = tpu.memref_slice %arg2[%get3A_628, %dma_wait3A_3099] : memref<1000000x64xf32, #tpu.memory_space<hbm>> -> memref<1x64xf32, #tpu.memory_space<hbm>>
    tpu.wait_dma2 semaphore(%arg4 : memref<!tpu.dma_semaphore, #tpu.memory_space<semaphore_mem>>) src(%dma_wait3A_3100 : memref<1x64xf32, #tpu.memory_space<hbm>>) dst(%dma_wait3A_3098 : memref<1x64xf32, #tpu.memory_space<vmem>>)
    %dma_wait3A_3101 = arith.constant 58 : i32
    %dma_wait3A_3102 = arith.constant 0 : i32
    %dma_wait3A_3103 = tpu.memref_slice %arg3[%dma_wait3A_3101, %dma_wait3A_3102] : memref<256x64xf32, #tpu.memory_space<vmem>> -> memref<1x64xf32, #tpu.memory_space<vmem>>
    %dma_wait3A_3104 = arith.constant 0 : i32
    %dma_wait3A_3105 = tpu.memref_slice %arg2[%get3A_639, %dma_wait3A_3104] : memref<1000000x64xf32, #tpu.memory_space<hbm>> -> memref<1x64xf32, #tpu.memory_space<hbm>>
    tpu.wait_dma2 semaphore(%arg4 : memref<!tpu.dma_semaphore, #tpu.memory_space<semaphore_mem>>) src(%dma_wait3A_3105 : memref<1x64xf32, #tpu.memory_space<hbm>>) dst(%dma_wait3A_3103 : memref<1x64xf32, #tpu.memory_space<vmem>>)
    %dma_wait3A_3106 = arith.constant 59 : i32
    %dma_wait3A_3107 = arith.constant 0 : i32
    %dma_wait3A_3108 = tpu.memref_slice %arg3[%dma_wait3A_3106, %dma_wait3A_3107] : memref<256x64xf32, #tpu.memory_space<vmem>> -> memref<1x64xf32, #tpu.memory_space<vmem>>
    %dma_wait3A_3109 = arith.constant 0 : i32
    %dma_wait3A_3110 = tpu.memref_slice %arg2[%get3A_650, %dma_wait3A_3109] : memref<1000000x64xf32, #tpu.memory_space<hbm>> -> memref<1x64xf32, #tpu.memory_space<hbm>>
    tpu.wait_dma2 semaphore(%arg4 : memref<!tpu.dma_semaphore, #tpu.memory_space<semaphore_mem>>) src(%dma_wait3A_3110 : memref<1x64xf32, #tpu.memory_space<hbm>>) dst(%dma_wait3A_3108 : memref<1x64xf32, #tpu.memory_space<vmem>>)
    %dma_wait3A_3111 = arith.constant 60 : i32
    %dma_wait3A_3112 = arith.constant 0 : i32
    %dma_wait3A_3113 = tpu.memref_slice %arg3[%dma_wait3A_3111, %dma_wait3A_3112] : memref<256x64xf32, #tpu.memory_space<vmem>> -> memref<1x64xf32, #tpu.memory_space<vmem>>
    %dma_wait3A_3114 = arith.constant 0 : i32
    %dma_wait3A_3115 = tpu.memref_slice %arg2[%get3A_661, %dma_wait3A_3114] : memref<1000000x64xf32, #tpu.memory_space<hbm>> -> memref<1x64xf32, #tpu.memory_space<hbm>>
    tpu.wait_dma2 semaphore(%arg4 : memref<!tpu.dma_semaphore, #tpu.memory_space<semaphore_mem>>) src(%dma_wait3A_3115 : memref<1x64xf32, #tpu.memory_space<hbm>>) dst(%dma_wait3A_3113 : memref<1x64xf32, #tpu.memory_space<vmem>>)
    %dma_wait3A_3116 = arith.constant 61 : i32
    %dma_wait3A_3117 = arith.constant 0 : i32
    %dma_wait3A_3118 = tpu.memref_slice %arg3[%dma_wait3A_3116, %dma_wait3A_3117] : memref<256x64xf32, #tpu.memory_space<vmem>> -> memref<1x64xf32, #tpu.memory_space<vmem>>
    %dma_wait3A_3119 = arith.constant 0 : i32
    %dma_wait3A_3120 = tpu.memref_slice %arg2[%get3A_672, %dma_wait3A_3119] : memref<1000000x64xf32, #tpu.memory_space<hbm>> -> memref<1x64xf32, #tpu.memory_space<hbm>>
    tpu.wait_dma2 semaphore(%arg4 : memref<!tpu.dma_semaphore, #tpu.memory_space<semaphore_mem>>) src(%dma_wait3A_3120 : memref<1x64xf32, #tpu.memory_space<hbm>>) dst(%dma_wait3A_3118 : memref<1x64xf32, #tpu.memory_space<vmem>>)
    %dma_wait3A_3121 = arith.constant 62 : i32
    %dma_wait3A_3122 = arith.constant 0 : i32
    %dma_wait3A_3123 = tpu.memref_slice %arg3[%dma_wait3A_3121, %dma_wait3A_3122] : memref<256x64xf32, #tpu.memory_space<vmem>> -> memref<1x64xf32, #tpu.memory_space<vmem>>
    %dma_wait3A_3124 = arith.constant 0 : i32
    %dma_wait3A_3125 = tpu.memref_slice %arg2[%get3A_683, %dma_wait3A_3124] : memref<1000000x64xf32, #tpu.memory_space<hbm>> -> memref<1x64xf32, #tpu.memory_space<hbm>>
    tpu.wait_dma2 semaphore(%arg4 : memref<!tpu.dma_semaphore, #tpu.memory_space<semaphore_mem>>) src(%dma_wait3A_3125 : memref<1x64xf32, #tpu.memory_space<hbm>>) dst(%dma_wait3A_3123 : memref<1x64xf32, #tpu.memory_space<vmem>>)
    %dma_wait3A_3126 = arith.constant 63 : i32
    %dma_wait3A_3127 = arith.constant 0 : i32
    %dma_wait3A_3128 = tpu.memref_slice %arg3[%dma_wait3A_3126, %dma_wait3A_3127] : memref<256x64xf32, #tpu.memory_space<vmem>> -> memref<1x64xf32, #tpu.memory_space<vmem>>
    %dma_wait3A_3129 = arith.constant 0 : i32
    %dma_wait3A_3130 = tpu.memref_slice %arg2[%get3A_694, %dma_wait3A_3129] : memref<1000000x64xf32, #tpu.memory_space<hbm>> -> memref<1x64xf32, #tpu.memory_space<hbm>>
    tpu.wait_dma2 semaphore(%arg4 : memref<!tpu.dma_semaphore, #tpu.memory_space<semaphore_mem>>) src(%dma_wait3A_3130 : memref<1x64xf32, #tpu.memory_space<hbm>>) dst(%dma_wait3A_3128 : memref<1x64xf32, #tpu.memory_space<vmem>>)
    %dma_wait3A_3131 = arith.constant 64 : i32
    %dma_wait3A_3132 = arith.constant 0 : i32
    %dma_wait3A_3133 = tpu.memref_slice %arg3[%dma_wait3A_3131, %dma_wait3A_3132] : memref<256x64xf32, #tpu.memory_space<vmem>> -> memref<1x64xf32, #tpu.memory_space<vmem>>
    %dma_wait3A_3134 = arith.constant 0 : i32
    %dma_wait3A_3135 = tpu.memref_slice %arg2[%get3A_705, %dma_wait3A_3134] : memref<1000000x64xf32, #tpu.memory_space<hbm>> -> memref<1x64xf32, #tpu.memory_space<hbm>>
    tpu.wait_dma2 semaphore(%arg4 : memref<!tpu.dma_semaphore, #tpu.memory_space<semaphore_mem>>) src(%dma_wait3A_3135 : memref<1x64xf32, #tpu.memory_space<hbm>>) dst(%dma_wait3A_3133 : memref<1x64xf32, #tpu.memory_space<vmem>>)
    %dma_wait3A_3136 = arith.constant 65 : i32
    %dma_wait3A_3137 = arith.constant 0 : i32
    %dma_wait3A_3138 = tpu.memref_slice %arg3[%dma_wait3A_3136, %dma_wait3A_3137] : memref<256x64xf32, #tpu.memory_space<vmem>> -> memref<1x64xf32, #tpu.memory_space<vmem>>
    %dma_wait3A_3139 = arith.constant 0 : i32
    %dma_wait3A_3140 = tpu.memref_slice %arg2[%get3A_716, %dma_wait3A_3139] : memref<1000000x64xf32, #tpu.memory_space<hbm>> -> memref<1x64xf32, #tpu.memory_space<hbm>>
    tpu.wait_dma2 semaphore(%arg4 : memref<!tpu.dma_semaphore, #tpu.memory_space<semaphore_mem>>) src(%dma_wait3A_3140 : memref<1x64xf32, #tpu.memory_space<hbm>>) dst(%dma_wait3A_3138 : memref<1x64xf32, #tpu.memory_space<vmem>>)
    %dma_wait3A_3141 = arith.constant 66 : i32
    %dma_wait3A_3142 = arith.constant 0 : i32
    %dma_wait3A_3143 = tpu.memref_slice %arg3[%dma_wait3A_3141, %dma_wait3A_3142] : memref<256x64xf32, #tpu.memory_space<vmem>> -> memref<1x64xf32, #tpu.memory_space<vmem>>
    %dma_wait3A_3144 = arith.constant 0 : i32
    %dma_wait3A_3145 = tpu.memref_slice %arg2[%get3A_727, %dma_wait3A_3144] : memref<1000000x64xf32, #tpu.memory_space<hbm>> -> memref<1x64xf32, #tpu.memory_space<hbm>>
    tpu.wait_dma2 semaphore(%arg4 : memref<!tpu.dma_semaphore, #tpu.memory_space<semaphore_mem>>) src(%dma_wait3A_3145 : memref<1x64xf32, #tpu.memory_space<hbm>>) dst(%dma_wait3A_3143 : memref<1x64xf32, #tpu.memory_space<vmem>>)
    %dma_wait3A_3146 = arith.constant 67 : i32
    %dma_wait3A_3147 = arith.constant 0 : i32
    %dma_wait3A_3148 = tpu.memref_slice %arg3[%dma_wait3A_3146, %dma_wait3A_3147] : memref<256x64xf32, #tpu.memory_space<vmem>> -> memref<1x64xf32, #tpu.memory_space<vmem>>
    %dma_wait3A_3149 = arith.constant 0 : i32
    %dma_wait3A_3150 = tpu.memref_slice %arg2[%get3A_738, %dma_wait3A_3149] : memref<1000000x64xf32, #tpu.memory_space<hbm>> -> memref<1x64xf32, #tpu.memory_space<hbm>>
    tpu.wait_dma2 semaphore(%arg4 : memref<!tpu.dma_semaphore, #tpu.memory_space<semaphore_mem>>) src(%dma_wait3A_3150 : memref<1x64xf32, #tpu.memory_space<hbm>>) dst(%dma_wait3A_3148 : memref<1x64xf32, #tpu.memory_space<vmem>>)
    %dma_wait3A_3151 = arith.constant 68 : i32
    %dma_wait3A_3152 = arith.constant 0 : i32
    %dma_wait3A_3153 = tpu.memref_slice %arg3[%dma_wait3A_3151, %dma_wait3A_3152] : memref<256x64xf32, #tpu.memory_space<vmem>> -> memref<1x64xf32, #tpu.memory_space<vmem>>
    %dma_wait3A_3154 = arith.constant 0 : i32
    %dma_wait3A_3155 = tpu.memref_slice %arg2[%get3A_749, %dma_wait3A_3154] : memref<1000000x64xf32, #tpu.memory_space<hbm>> -> memref<1x64xf32, #tpu.memory_space<hbm>>
    tpu.wait_dma2 semaphore(%arg4 : memref<!tpu.dma_semaphore, #tpu.memory_space<semaphore_mem>>) src(%dma_wait3A_3155 : memref<1x64xf32, #tpu.memory_space<hbm>>) dst(%dma_wait3A_3153 : memref<1x64xf32, #tpu.memory_space<vmem>>)
    %dma_wait3A_3156 = arith.constant 69 : i32
    %dma_wait3A_3157 = arith.constant 0 : i32
    %dma_wait3A_3158 = tpu.memref_slice %arg3[%dma_wait3A_3156, %dma_wait3A_3157] : memref<256x64xf32, #tpu.memory_space<vmem>> -> memref<1x64xf32, #tpu.memory_space<vmem>>
    %dma_wait3A_3159 = arith.constant 0 : i32
    %dma_wait3A_3160 = tpu.memref_slice %arg2[%get3A_760, %dma_wait3A_3159] : memref<1000000x64xf32, #tpu.memory_space<hbm>> -> memref<1x64xf32, #tpu.memory_space<hbm>>
    tpu.wait_dma2 semaphore(%arg4 : memref<!tpu.dma_semaphore, #tpu.memory_space<semaphore_mem>>) src(%dma_wait3A_3160 : memref<1x64xf32, #tpu.memory_space<hbm>>) dst(%dma_wait3A_3158 : memref<1x64xf32, #tpu.memory_space<vmem>>)
    %dma_wait3A_3161 = arith.constant 70 : i32
    %dma_wait3A_3162 = arith.constant 0 : i32
    %dma_wait3A_3163 = tpu.memref_slice %arg3[%dma_wait3A_3161, %dma_wait3A_3162] : memref<256x64xf32, #tpu.memory_space<vmem>> -> memref<1x64xf32, #tpu.memory_space<vmem>>
    %dma_wait3A_3164 = arith.constant 0 : i32
    %dma_wait3A_3165 = tpu.memref_slice %arg2[%get3A_771, %dma_wait3A_3164] : memref<1000000x64xf32, #tpu.memory_space<hbm>> -> memref<1x64xf32, #tpu.memory_space<hbm>>
    tpu.wait_dma2 semaphore(%arg4 : memref<!tpu.dma_semaphore, #tpu.memory_space<semaphore_mem>>) src(%dma_wait3A_3165 : memref<1x64xf32, #tpu.memory_space<hbm>>) dst(%dma_wait3A_3163 : memref<1x64xf32, #tpu.memory_space<vmem>>)
    %dma_wait3A_3166 = arith.constant 71 : i32
    %dma_wait3A_3167 = arith.constant 0 : i32
    %dma_wait3A_3168 = tpu.memref_slice %arg3[%dma_wait3A_3166, %dma_wait3A_3167] : memref<256x64xf32, #tpu.memory_space<vmem>> -> memref<1x64xf32, #tpu.memory_space<vmem>>
    %dma_wait3A_3169 = arith.constant 0 : i32
    %dma_wait3A_3170 = tpu.memref_slice %arg2[%get3A_782, %dma_wait3A_3169] : memref<1000000x64xf32, #tpu.memory_space<hbm>> -> memref<1x64xf32, #tpu.memory_space<hbm>>
    tpu.wait_dma2 semaphore(%arg4 : memref<!tpu.dma_semaphore, #tpu.memory_space<semaphore_mem>>) src(%dma_wait3A_3170 : memref<1x64xf32, #tpu.memory_space<hbm>>) dst(%dma_wait3A_3168 : memref<1x64xf32, #tpu.memory_space<vmem>>)
    %dma_wait3A_3171 = arith.constant 72 : i32
    %dma_wait3A_3172 = arith.constant 0 : i32
    %dma_wait3A_3173 = tpu.memref_slice %arg3[%dma_wait3A_3171, %dma_wait3A_3172] : memref<256x64xf32, #tpu.memory_space<vmem>> -> memref<1x64xf32, #tpu.memory_space<vmem>>
    %dma_wait3A_3174 = arith.constant 0 : i32
    %dma_wait3A_3175 = tpu.memref_slice %arg2[%get3A_793, %dma_wait3A_3174] : memref<1000000x64xf32, #tpu.memory_space<hbm>> -> memref<1x64xf32, #tpu.memory_space<hbm>>
    tpu.wait_dma2 semaphore(%arg4 : memref<!tpu.dma_semaphore, #tpu.memory_space<semaphore_mem>>) src(%dma_wait3A_3175 : memref<1x64xf32, #tpu.memory_space<hbm>>) dst(%dma_wait3A_3173 : memref<1x64xf32, #tpu.memory_space<vmem>>)
    %dma_wait3A_3176 = arith.constant 73 : i32
    %dma_wait3A_3177 = arith.constant 0 : i32
    %dma_wait3A_3178 = tpu.memref_slice %arg3[%dma_wait3A_3176, %dma_wait3A_3177] : memref<256x64xf32, #tpu.memory_space<vmem>> -> memref<1x64xf32, #tpu.memory_space<vmem>>
    %dma_wait3A_3179 = arith.constant 0 : i32
    %dma_wait3A_3180 = tpu.memref_slice %arg2[%get3A_804, %dma_wait3A_3179] : memref<1000000x64xf32, #tpu.memory_space<hbm>> -> memref<1x64xf32, #tpu.memory_space<hbm>>
    tpu.wait_dma2 semaphore(%arg4 : memref<!tpu.dma_semaphore, #tpu.memory_space<semaphore_mem>>) src(%dma_wait3A_3180 : memref<1x64xf32, #tpu.memory_space<hbm>>) dst(%dma_wait3A_3178 : memref<1x64xf32, #tpu.memory_space<vmem>>)
    %dma_wait3A_3181 = arith.constant 74 : i32
    %dma_wait3A_3182 = arith.constant 0 : i32
    %dma_wait3A_3183 = tpu.memref_slice %arg3[%dma_wait3A_3181, %dma_wait3A_3182] : memref<256x64xf32, #tpu.memory_space<vmem>> -> memref<1x64xf32, #tpu.memory_space<vmem>>
    %dma_wait3A_3184 = arith.constant 0 : i32
    %dma_wait3A_3185 = tpu.memref_slice %arg2[%get3A_815, %dma_wait3A_3184] : memref<1000000x64xf32, #tpu.memory_space<hbm>> -> memref<1x64xf32, #tpu.memory_space<hbm>>
    tpu.wait_dma2 semaphore(%arg4 : memref<!tpu.dma_semaphore, #tpu.memory_space<semaphore_mem>>) src(%dma_wait3A_3185 : memref<1x64xf32, #tpu.memory_space<hbm>>) dst(%dma_wait3A_3183 : memref<1x64xf32, #tpu.memory_space<vmem>>)
    %dma_wait3A_3186 = arith.constant 75 : i32
    %dma_wait3A_3187 = arith.constant 0 : i32
    %dma_wait3A_3188 = tpu.memref_slice %arg3[%dma_wait3A_3186, %dma_wait3A_3187] : memref<256x64xf32, #tpu.memory_space<vmem>> -> memref<1x64xf32, #tpu.memory_space<vmem>>
    %dma_wait3A_3189 = arith.constant 0 : i32
    %dma_wait3A_3190 = tpu.memref_slice %arg2[%get3A_826, %dma_wait3A_3189] : memref<1000000x64xf32, #tpu.memory_space<hbm>> -> memref<1x64xf32, #tpu.memory_space<hbm>>
    tpu.wait_dma2 semaphore(%arg4 : memref<!tpu.dma_semaphore, #tpu.memory_space<semaphore_mem>>) src(%dma_wait3A_3190 : memref<1x64xf32, #tpu.memory_space<hbm>>) dst(%dma_wait3A_3188 : memref<1x64xf32, #tpu.memory_space<vmem>>)
    %dma_wait3A_3191 = arith.constant 76 : i32
    %dma_wait3A_3192 = arith.constant 0 : i32
    %dma_wait3A_3193 = tpu.memref_slice %arg3[%dma_wait3A_3191, %dma_wait3A_3192] : memref<256x64xf32, #tpu.memory_space<vmem>> -> memref<1x64xf32, #tpu.memory_space<vmem>>
    %dma_wait3A_3194 = arith.constant 0 : i32
    %dma_wait3A_3195 = tpu.memref_slice %arg2[%get3A_837, %dma_wait3A_3194] : memref<1000000x64xf32, #tpu.memory_space<hbm>> -> memref<1x64xf32, #tpu.memory_space<hbm>>
    tpu.wait_dma2 semaphore(%arg4 : memref<!tpu.dma_semaphore, #tpu.memory_space<semaphore_mem>>) src(%dma_wait3A_3195 : memref<1x64xf32, #tpu.memory_space<hbm>>) dst(%dma_wait3A_3193 : memref<1x64xf32, #tpu.memory_space<vmem>>)
    %dma_wait3A_3196 = arith.constant 77 : i32
    %dma_wait3A_3197 = arith.constant 0 : i32
    %dma_wait3A_3198 = tpu.memref_slice %arg3[%dma_wait3A_3196, %dma_wait3A_3197] : memref<256x64xf32, #tpu.memory_space<vmem>> -> memref<1x64xf32, #tpu.memory_space<vmem>>
    %dma_wait3A_3199 = arith.constant 0 : i32
    %dma_wait3A_3200 = tpu.memref_slice %arg2[%get3A_848, %dma_wait3A_3199] : memref<1000000x64xf32, #tpu.memory_space<hbm>> -> memref<1x64xf32, #tpu.memory_space<hbm>>
    tpu.wait_dma2 semaphore(%arg4 : memref<!tpu.dma_semaphore, #tpu.memory_space<semaphore_mem>>) src(%dma_wait3A_3200 : memref<1x64xf32, #tpu.memory_space<hbm>>) dst(%dma_wait3A_3198 : memref<1x64xf32, #tpu.memory_space<vmem>>)
    %dma_wait3A_3201 = arith.constant 78 : i32
    %dma_wait3A_3202 = arith.constant 0 : i32
    %dma_wait3A_3203 = tpu.memref_slice %arg3[%dma_wait3A_3201, %dma_wait3A_3202] : memref<256x64xf32, #tpu.memory_space<vmem>> -> memref<1x64xf32, #tpu.memory_space<vmem>>
    %dma_wait3A_3204 = arith.constant 0 : i32
    %dma_wait3A_3205 = tpu.memref_slice %arg2[%get3A_859, %dma_wait3A_3204] : memref<1000000x64xf32, #tpu.memory_space<hbm>> -> memref<1x64xf32, #tpu.memory_space<hbm>>
    tpu.wait_dma2 semaphore(%arg4 : memref<!tpu.dma_semaphore, #tpu.memory_space<semaphore_mem>>) src(%dma_wait3A_3205 : memref<1x64xf32, #tpu.memory_space<hbm>>) dst(%dma_wait3A_3203 : memref<1x64xf32, #tpu.memory_space<vmem>>)
    %dma_wait3A_3206 = arith.constant 79 : i32
    %dma_wait3A_3207 = arith.constant 0 : i32
    %dma_wait3A_3208 = tpu.memref_slice %arg3[%dma_wait3A_3206, %dma_wait3A_3207] : memref<256x64xf32, #tpu.memory_space<vmem>> -> memref<1x64xf32, #tpu.memory_space<vmem>>
    %dma_wait3A_3209 = arith.constant 0 : i32
    %dma_wait3A_3210 = tpu.memref_slice %arg2[%get3A_870, %dma_wait3A_3209] : memref<1000000x64xf32, #tpu.memory_space<hbm>> -> memref<1x64xf32, #tpu.memory_space<hbm>>
    tpu.wait_dma2 semaphore(%arg4 : memref<!tpu.dma_semaphore, #tpu.memory_space<semaphore_mem>>) src(%dma_wait3A_3210 : memref<1x64xf32, #tpu.memory_space<hbm>>) dst(%dma_wait3A_3208 : memref<1x64xf32, #tpu.memory_space<vmem>>)
    %dma_wait3A_3211 = arith.constant 80 : i32
    %dma_wait3A_3212 = arith.constant 0 : i32
    %dma_wait3A_3213 = tpu.memref_slice %arg3[%dma_wait3A_3211, %dma_wait3A_3212] : memref<256x64xf32, #tpu.memory_space<vmem>> -> memref<1x64xf32, #tpu.memory_space<vmem>>
    %dma_wait3A_3214 = arith.constant 0 : i32
    %dma_wait3A_3215 = tpu.memref_slice %arg2[%get3A_881, %dma_wait3A_3214] : memref<1000000x64xf32, #tpu.memory_space<hbm>> -> memref<1x64xf32, #tpu.memory_space<hbm>>
    tpu.wait_dma2 semaphore(%arg4 : memref<!tpu.dma_semaphore, #tpu.memory_space<semaphore_mem>>) src(%dma_wait3A_3215 : memref<1x64xf32, #tpu.memory_space<hbm>>) dst(%dma_wait3A_3213 : memref<1x64xf32, #tpu.memory_space<vmem>>)
    %dma_wait3A_3216 = arith.constant 81 : i32
    %dma_wait3A_3217 = arith.constant 0 : i32
    %dma_wait3A_3218 = tpu.memref_slice %arg3[%dma_wait3A_3216, %dma_wait3A_3217] : memref<256x64xf32, #tpu.memory_space<vmem>> -> memref<1x64xf32, #tpu.memory_space<vmem>>
    %dma_wait3A_3219 = arith.constant 0 : i32
    %dma_wait3A_3220 = tpu.memref_slice %arg2[%get3A_892, %dma_wait3A_3219] : memref<1000000x64xf32, #tpu.memory_space<hbm>> -> memref<1x64xf32, #tpu.memory_space<hbm>>
    tpu.wait_dma2 semaphore(%arg4 : memref<!tpu.dma_semaphore, #tpu.memory_space<semaphore_mem>>) src(%dma_wait3A_3220 : memref<1x64xf32, #tpu.memory_space<hbm>>) dst(%dma_wait3A_3218 : memref<1x64xf32, #tpu.memory_space<vmem>>)
    %dma_wait3A_3221 = arith.constant 82 : i32
    %dma_wait3A_3222 = arith.constant 0 : i32
    %dma_wait3A_3223 = tpu.memref_slice %arg3[%dma_wait3A_3221, %dma_wait3A_3222] : memref<256x64xf32, #tpu.memory_space<vmem>> -> memref<1x64xf32, #tpu.memory_space<vmem>>
    %dma_wait3A_3224 = arith.constant 0 : i32
    %dma_wait3A_3225 = tpu.memref_slice %arg2[%get3A_903, %dma_wait3A_3224] : memref<1000000x64xf32, #tpu.memory_space<hbm>> -> memref<1x64xf32, #tpu.memory_space<hbm>>
    tpu.wait_dma2 semaphore(%arg4 : memref<!tpu.dma_semaphore, #tpu.memory_space<semaphore_mem>>) src(%dma_wait3A_3225 : memref<1x64xf32, #tpu.memory_space<hbm>>) dst(%dma_wait3A_3223 : memref<1x64xf32, #tpu.memory_space<vmem>>)
    %dma_wait3A_3226 = arith.constant 83 : i32
    %dma_wait3A_3227 = arith.constant 0 : i32
    %dma_wait3A_3228 = tpu.memref_slice %arg3[%dma_wait3A_3226, %dma_wait3A_3227] : memref<256x64xf32, #tpu.memory_space<vmem>> -> memref<1x64xf32, #tpu.memory_space<vmem>>
    %dma_wait3A_3229 = arith.constant 0 : i32
    %dma_wait3A_3230 = tpu.memref_slice %arg2[%get3A_914, %dma_wait3A_3229] : memref<1000000x64xf32, #tpu.memory_space<hbm>> -> memref<1x64xf32, #tpu.memory_space<hbm>>
    tpu.wait_dma2 semaphore(%arg4 : memref<!tpu.dma_semaphore, #tpu.memory_space<semaphore_mem>>) src(%dma_wait3A_3230 : memref<1x64xf32, #tpu.memory_space<hbm>>) dst(%dma_wait3A_3228 : memref<1x64xf32, #tpu.memory_space<vmem>>)
    %dma_wait3A_3231 = arith.constant 84 : i32
    %dma_wait3A_3232 = arith.constant 0 : i32
    %dma_wait3A_3233 = tpu.memref_slice %arg3[%dma_wait3A_3231, %dma_wait3A_3232] : memref<256x64xf32, #tpu.memory_space<vmem>> -> memref<1x64xf32, #tpu.memory_space<vmem>>
    %dma_wait3A_3234 = arith.constant 0 : i32
    %dma_wait3A_3235 = tpu.memref_slice %arg2[%get3A_925, %dma_wait3A_3234] : memref<1000000x64xf32, #tpu.memory_space<hbm>> -> memref<1x64xf32, #tpu.memory_space<hbm>>
    tpu.wait_dma2 semaphore(%arg4 : memref<!tpu.dma_semaphore, #tpu.memory_space<semaphore_mem>>) src(%dma_wait3A_3235 : memref<1x64xf32, #tpu.memory_space<hbm>>) dst(%dma_wait3A_3233 : memref<1x64xf32, #tpu.memory_space<vmem>>)
    %dma_wait3A_3236 = arith.constant 85 : i32
    %dma_wait3A_3237 = arith.constant 0 : i32
    %dma_wait3A_3238 = tpu.memref_slice %arg3[%dma_wait3A_3236, %dma_wait3A_3237] : memref<256x64xf32, #tpu.memory_space<vmem>> -> memref<1x64xf32, #tpu.memory_space<vmem>>
    %dma_wait3A_3239 = arith.constant 0 : i32
    %dma_wait3A_3240 = tpu.memref_slice %arg2[%get3A_936, %dma_wait3A_3239] : memref<1000000x64xf32, #tpu.memory_space<hbm>> -> memref<1x64xf32, #tpu.memory_space<hbm>>
    tpu.wait_dma2 semaphore(%arg4 : memref<!tpu.dma_semaphore, #tpu.memory_space<semaphore_mem>>) src(%dma_wait3A_3240 : memref<1x64xf32, #tpu.memory_space<hbm>>) dst(%dma_wait3A_3238 : memref<1x64xf32, #tpu.memory_space<vmem>>)
    %dma_wait3A_3241 = arith.constant 86 : i32
    %dma_wait3A_3242 = arith.constant 0 : i32
    %dma_wait3A_3243 = tpu.memref_slice %arg3[%dma_wait3A_3241, %dma_wait3A_3242] : memref<256x64xf32, #tpu.memory_space<vmem>> -> memref<1x64xf32, #tpu.memory_space<vmem>>
    %dma_wait3A_3244 = arith.constant 0 : i32
    %dma_wait3A_3245 = tpu.memref_slice %arg2[%get3A_947, %dma_wait3A_3244] : memref<1000000x64xf32, #tpu.memory_space<hbm>> -> memref<1x64xf32, #tpu.memory_space<hbm>>
    tpu.wait_dma2 semaphore(%arg4 : memref<!tpu.dma_semaphore, #tpu.memory_space<semaphore_mem>>) src(%dma_wait3A_3245 : memref<1x64xf32, #tpu.memory_space<hbm>>) dst(%dma_wait3A_3243 : memref<1x64xf32, #tpu.memory_space<vmem>>)
    %dma_wait3A_3246 = arith.constant 87 : i32
    %dma_wait3A_3247 = arith.constant 0 : i32
    %dma_wait3A_3248 = tpu.memref_slice %arg3[%dma_wait3A_3246, %dma_wait3A_3247] : memref<256x64xf32, #tpu.memory_space<vmem>> -> memref<1x64xf32, #tpu.memory_space<vmem>>
    %dma_wait3A_3249 = arith.constant 0 : i32
    %dma_wait3A_3250 = tpu.memref_slice %arg2[%get3A_958, %dma_wait3A_3249] : memref<1000000x64xf32, #tpu.memory_space<hbm>> -> memref<1x64xf32, #tpu.memory_space<hbm>>
    tpu.wait_dma2 semaphore(%arg4 : memref<!tpu.dma_semaphore, #tpu.memory_space<semaphore_mem>>) src(%dma_wait3A_3250 : memref<1x64xf32, #tpu.memory_space<hbm>>) dst(%dma_wait3A_3248 : memref<1x64xf32, #tpu.memory_space<vmem>>)
    %dma_wait3A_3251 = arith.constant 88 : i32
    %dma_wait3A_3252 = arith.constant 0 : i32
    %dma_wait3A_3253 = tpu.memref_slice %arg3[%dma_wait3A_3251, %dma_wait3A_3252] : memref<256x64xf32, #tpu.memory_space<vmem>> -> memref<1x64xf32, #tpu.memory_space<vmem>>
    %dma_wait3A_3254 = arith.constant 0 : i32
    %dma_wait3A_3255 = tpu.memref_slice %arg2[%get3A_969, %dma_wait3A_3254] : memref<1000000x64xf32, #tpu.memory_space<hbm>> -> memref<1x64xf32, #tpu.memory_space<hbm>>
    tpu.wait_dma2 semaphore(%arg4 : memref<!tpu.dma_semaphore, #tpu.memory_space<semaphore_mem>>) src(%dma_wait3A_3255 : memref<1x64xf32, #tpu.memory_space<hbm>>) dst(%dma_wait3A_3253 : memref<1x64xf32, #tpu.memory_space<vmem>>)
    %dma_wait3A_3256 = arith.constant 89 : i32
    %dma_wait3A_3257 = arith.constant 0 : i32
    %dma_wait3A_3258 = tpu.memref_slice %arg3[%dma_wait3A_3256, %dma_wait3A_3257] : memref<256x64xf32, #tpu.memory_space<vmem>> -> memref<1x64xf32, #tpu.memory_space<vmem>>
    %dma_wait3A_3259 = arith.constant 0 : i32
    %dma_wait3A_3260 = tpu.memref_slice %arg2[%get3A_980, %dma_wait3A_3259] : memref<1000000x64xf32, #tpu.memory_space<hbm>> -> memref<1x64xf32, #tpu.memory_space<hbm>>
    tpu.wait_dma2 semaphore(%arg4 : memref<!tpu.dma_semaphore, #tpu.memory_space<semaphore_mem>>) src(%dma_wait3A_3260 : memref<1x64xf32, #tpu.memory_space<hbm>>) dst(%dma_wait3A_3258 : memref<1x64xf32, #tpu.memory_space<vmem>>)
    %dma_wait3A_3261 = arith.constant 90 : i32
    %dma_wait3A_3262 = arith.constant 0 : i32
    %dma_wait3A_3263 = tpu.memref_slice %arg3[%dma_wait3A_3261, %dma_wait3A_3262] : memref<256x64xf32, #tpu.memory_space<vmem>> -> memref<1x64xf32, #tpu.memory_space<vmem>>
    %dma_wait3A_3264 = arith.constant 0 : i32
    %dma_wait3A_3265 = tpu.memref_slice %arg2[%get3A_991, %dma_wait3A_3264] : memref<1000000x64xf32, #tpu.memory_space<hbm>> -> memref<1x64xf32, #tpu.memory_space<hbm>>
    tpu.wait_dma2 semaphore(%arg4 : memref<!tpu.dma_semaphore, #tpu.memory_space<semaphore_mem>>) src(%dma_wait3A_3265 : memref<1x64xf32, #tpu.memory_space<hbm>>) dst(%dma_wait3A_3263 : memref<1x64xf32, #tpu.memory_space<vmem>>)
    %dma_wait3A_3266 = arith.constant 91 : i32
    %dma_wait3A_3267 = arith.constant 0 : i32
    %dma_wait3A_3268 = tpu.memref_slice %arg3[%dma_wait3A_3266, %dma_wait3A_3267] : memref<256x64xf32, #tpu.memory_space<vmem>> -> memref<1x64xf32, #tpu.memory_space<vmem>>
    %dma_wait3A_3269 = arith.constant 0 : i32
    %dma_wait3A_3270 = tpu.memref_slice %arg2[%get3A_1002, %dma_wait3A_3269] : memref<1000000x64xf32, #tpu.memory_space<hbm>> -> memref<1x64xf32, #tpu.memory_space<hbm>>
    tpu.wait_dma2 semaphore(%arg4 : memref<!tpu.dma_semaphore, #tpu.memory_space<semaphore_mem>>) src(%dma_wait3A_3270 : memref<1x64xf32, #tpu.memory_space<hbm>>) dst(%dma_wait3A_3268 : memref<1x64xf32, #tpu.memory_space<vmem>>)
    %dma_wait3A_3271 = arith.constant 92 : i32
    %dma_wait3A_3272 = arith.constant 0 : i32
    %dma_wait3A_3273 = tpu.memref_slice %arg3[%dma_wait3A_3271, %dma_wait3A_3272] : memref<256x64xf32, #tpu.memory_space<vmem>> -> memref<1x64xf32, #tpu.memory_space<vmem>>
    %dma_wait3A_3274 = arith.constant 0 : i32
    %dma_wait3A_3275 = tpu.memref_slice %arg2[%get3A_1013, %dma_wait3A_3274] : memref<1000000x64xf32, #tpu.memory_space<hbm>> -> memref<1x64xf32, #tpu.memory_space<hbm>>
    tpu.wait_dma2 semaphore(%arg4 : memref<!tpu.dma_semaphore, #tpu.memory_space<semaphore_mem>>) src(%dma_wait3A_3275 : memref<1x64xf32, #tpu.memory_space<hbm>>) dst(%dma_wait3A_3273 : memref<1x64xf32, #tpu.memory_space<vmem>>)
    %dma_wait3A_3276 = arith.constant 93 : i32
    %dma_wait3A_3277 = arith.constant 0 : i32
    %dma_wait3A_3278 = tpu.memref_slice %arg3[%dma_wait3A_3276, %dma_wait3A_3277] : memref<256x64xf32, #tpu.memory_space<vmem>> -> memref<1x64xf32, #tpu.memory_space<vmem>>
    %dma_wait3A_3279 = arith.constant 0 : i32
    %dma_wait3A_3280 = tpu.memref_slice %arg2[%get3A_1024, %dma_wait3A_3279] : memref<1000000x64xf32, #tpu.memory_space<hbm>> -> memref<1x64xf32, #tpu.memory_space<hbm>>
    tpu.wait_dma2 semaphore(%arg4 : memref<!tpu.dma_semaphore, #tpu.memory_space<semaphore_mem>>) src(%dma_wait3A_3280 : memref<1x64xf32, #tpu.memory_space<hbm>>) dst(%dma_wait3A_3278 : memref<1x64xf32, #tpu.memory_space<vmem>>)
    %dma_wait3A_3281 = arith.constant 94 : i32
    %dma_wait3A_3282 = arith.constant 0 : i32
    %dma_wait3A_3283 = tpu.memref_slice %arg3[%dma_wait3A_3281, %dma_wait3A_3282] : memref<256x64xf32, #tpu.memory_space<vmem>> -> memref<1x64xf32, #tpu.memory_space<vmem>>
    %dma_wait3A_3284 = arith.constant 0 : i32
    %dma_wait3A_3285 = tpu.memref_slice %arg2[%get3A_1035, %dma_wait3A_3284] : memref<1000000x64xf32, #tpu.memory_space<hbm>> -> memref<1x64xf32, #tpu.memory_space<hbm>>
    tpu.wait_dma2 semaphore(%arg4 : memref<!tpu.dma_semaphore, #tpu.memory_space<semaphore_mem>>) src(%dma_wait3A_3285 : memref<1x64xf32, #tpu.memory_space<hbm>>) dst(%dma_wait3A_3283 : memref<1x64xf32, #tpu.memory_space<vmem>>)
    %dma_wait3A_3286 = arith.constant 95 : i32
    %dma_wait3A_3287 = arith.constant 0 : i32
    %dma_wait3A_3288 = tpu.memref_slice %arg3[%dma_wait3A_3286, %dma_wait3A_3287] : memref<256x64xf32, #tpu.memory_space<vmem>> -> memref<1x64xf32, #tpu.memory_space<vmem>>
    %dma_wait3A_3289 = arith.constant 0 : i32
    %dma_wait3A_3290 = tpu.memref_slice %arg2[%get3A_1046, %dma_wait3A_3289] : memref<1000000x64xf32, #tpu.memory_space<hbm>> -> memref<1x64xf32, #tpu.memory_space<hbm>>
    tpu.wait_dma2 semaphore(%arg4 : memref<!tpu.dma_semaphore, #tpu.memory_space<semaphore_mem>>) src(%dma_wait3A_3290 : memref<1x64xf32, #tpu.memory_space<hbm>>) dst(%dma_wait3A_3288 : memref<1x64xf32, #tpu.memory_space<vmem>>)
    %dma_wait3A_3291 = arith.constant 96 : i32
    %dma_wait3A_3292 = arith.constant 0 : i32
    %dma_wait3A_3293 = tpu.memref_slice %arg3[%dma_wait3A_3291, %dma_wait3A_3292] : memref<256x64xf32, #tpu.memory_space<vmem>> -> memref<1x64xf32, #tpu.memory_space<vmem>>
    %dma_wait3A_3294 = arith.constant 0 : i32
    %dma_wait3A_3295 = tpu.memref_slice %arg2[%get3A_1057, %dma_wait3A_3294] : memref<1000000x64xf32, #tpu.memory_space<hbm>> -> memref<1x64xf32, #tpu.memory_space<hbm>>
    tpu.wait_dma2 semaphore(%arg4 : memref<!tpu.dma_semaphore, #tpu.memory_space<semaphore_mem>>) src(%dma_wait3A_3295 : memref<1x64xf32, #tpu.memory_space<hbm>>) dst(%dma_wait3A_3293 : memref<1x64xf32, #tpu.memory_space<vmem>>)
    %dma_wait3A_3296 = arith.constant 97 : i32
    %dma_wait3A_3297 = arith.constant 0 : i32
    %dma_wait3A_3298 = tpu.memref_slice %arg3[%dma_wait3A_3296, %dma_wait3A_3297] : memref<256x64xf32, #tpu.memory_space<vmem>> -> memref<1x64xf32, #tpu.memory_space<vmem>>
    %dma_wait3A_3299 = arith.constant 0 : i32
    %dma_wait3A_3300 = tpu.memref_slice %arg2[%get3A_1068, %dma_wait3A_3299] : memref<1000000x64xf32, #tpu.memory_space<hbm>> -> memref<1x64xf32, #tpu.memory_space<hbm>>
    tpu.wait_dma2 semaphore(%arg4 : memref<!tpu.dma_semaphore, #tpu.memory_space<semaphore_mem>>) src(%dma_wait3A_3300 : memref<1x64xf32, #tpu.memory_space<hbm>>) dst(%dma_wait3A_3298 : memref<1x64xf32, #tpu.memory_space<vmem>>)
    %dma_wait3A_3301 = arith.constant 98 : i32
    %dma_wait3A_3302 = arith.constant 0 : i32
    %dma_wait3A_3303 = tpu.memref_slice %arg3[%dma_wait3A_3301, %dma_wait3A_3302] : memref<256x64xf32, #tpu.memory_space<vmem>> -> memref<1x64xf32, #tpu.memory_space<vmem>>
    %dma_wait3A_3304 = arith.constant 0 : i32
    %dma_wait3A_3305 = tpu.memref_slice %arg2[%get3A_1079, %dma_wait3A_3304] : memref<1000000x64xf32, #tpu.memory_space<hbm>> -> memref<1x64xf32, #tpu.memory_space<hbm>>
    tpu.wait_dma2 semaphore(%arg4 : memref<!tpu.dma_semaphore, #tpu.memory_space<semaphore_mem>>) src(%dma_wait3A_3305 : memref<1x64xf32, #tpu.memory_space<hbm>>) dst(%dma_wait3A_3303 : memref<1x64xf32, #tpu.memory_space<vmem>>)
    %dma_wait3A_3306 = arith.constant 99 : i32
    %dma_wait3A_3307 = arith.constant 0 : i32
    %dma_wait3A_3308 = tpu.memref_slice %arg3[%dma_wait3A_3306, %dma_wait3A_3307] : memref<256x64xf32, #tpu.memory_space<vmem>> -> memref<1x64xf32, #tpu.memory_space<vmem>>
    %dma_wait3A_3309 = arith.constant 0 : i32
    %dma_wait3A_3310 = tpu.memref_slice %arg2[%get3A_1090, %dma_wait3A_3309] : memref<1000000x64xf32, #tpu.memory_space<hbm>> -> memref<1x64xf32, #tpu.memory_space<hbm>>
    tpu.wait_dma2 semaphore(%arg4 : memref<!tpu.dma_semaphore, #tpu.memory_space<semaphore_mem>>) src(%dma_wait3A_3310 : memref<1x64xf32, #tpu.memory_space<hbm>>) dst(%dma_wait3A_3308 : memref<1x64xf32, #tpu.memory_space<vmem>>)
    %dma_wait3A_3311 = arith.constant 100 : i32
    %dma_wait3A_3312 = arith.constant 0 : i32
    %dma_wait3A_3313 = tpu.memref_slice %arg3[%dma_wait3A_3311, %dma_wait3A_3312] : memref<256x64xf32, #tpu.memory_space<vmem>> -> memref<1x64xf32, #tpu.memory_space<vmem>>
    %dma_wait3A_3314 = arith.constant 0 : i32
    %dma_wait3A_3315 = tpu.memref_slice %arg2[%get3A_1101, %dma_wait3A_3314] : memref<1000000x64xf32, #tpu.memory_space<hbm>> -> memref<1x64xf32, #tpu.memory_space<hbm>>
    tpu.wait_dma2 semaphore(%arg4 : memref<!tpu.dma_semaphore, #tpu.memory_space<semaphore_mem>>) src(%dma_wait3A_3315 : memref<1x64xf32, #tpu.memory_space<hbm>>) dst(%dma_wait3A_3313 : memref<1x64xf32, #tpu.memory_space<vmem>>)
    %dma_wait3A_3316 = arith.constant 101 : i32
    %dma_wait3A_3317 = arith.constant 0 : i32
    %dma_wait3A_3318 = tpu.memref_slice %arg3[%dma_wait3A_3316, %dma_wait3A_3317] : memref<256x64xf32, #tpu.memory_space<vmem>> -> memref<1x64xf32, #tpu.memory_space<vmem>>
    %dma_wait3A_3319 = arith.constant 0 : i32
    %dma_wait3A_3320 = tpu.memref_slice %arg2[%get3A_1112, %dma_wait3A_3319] : memref<1000000x64xf32, #tpu.memory_space<hbm>> -> memref<1x64xf32, #tpu.memory_space<hbm>>
    tpu.wait_dma2 semaphore(%arg4 : memref<!tpu.dma_semaphore, #tpu.memory_space<semaphore_mem>>) src(%dma_wait3A_3320 : memref<1x64xf32, #tpu.memory_space<hbm>>) dst(%dma_wait3A_3318 : memref<1x64xf32, #tpu.memory_space<vmem>>)
    %dma_wait3A_3321 = arith.constant 102 : i32
    %dma_wait3A_3322 = arith.constant 0 : i32
    %dma_wait3A_3323 = tpu.memref_slice %arg3[%dma_wait3A_3321, %dma_wait3A_3322] : memref<256x64xf32, #tpu.memory_space<vmem>> -> memref<1x64xf32, #tpu.memory_space<vmem>>
    %dma_wait3A_3324 = arith.constant 0 : i32
    %dma_wait3A_3325 = tpu.memref_slice %arg2[%get3A_1123, %dma_wait3A_3324] : memref<1000000x64xf32, #tpu.memory_space<hbm>> -> memref<1x64xf32, #tpu.memory_space<hbm>>
    tpu.wait_dma2 semaphore(%arg4 : memref<!tpu.dma_semaphore, #tpu.memory_space<semaphore_mem>>) src(%dma_wait3A_3325 : memref<1x64xf32, #tpu.memory_space<hbm>>) dst(%dma_wait3A_3323 : memref<1x64xf32, #tpu.memory_space<vmem>>)
    %dma_wait3A_3326 = arith.constant 103 : i32
    %dma_wait3A_3327 = arith.constant 0 : i32
    %dma_wait3A_3328 = tpu.memref_slice %arg3[%dma_wait3A_3326, %dma_wait3A_3327] : memref<256x64xf32, #tpu.memory_space<vmem>> -> memref<1x64xf32, #tpu.memory_space<vmem>>
    %dma_wait3A_3329 = arith.constant 0 : i32
    %dma_wait3A_3330 = tpu.memref_slice %arg2[%get3A_1134, %dma_wait3A_3329] : memref<1000000x64xf32, #tpu.memory_space<hbm>> -> memref<1x64xf32, #tpu.memory_space<hbm>>
    tpu.wait_dma2 semaphore(%arg4 : memref<!tpu.dma_semaphore, #tpu.memory_space<semaphore_mem>>) src(%dma_wait3A_3330 : memref<1x64xf32, #tpu.memory_space<hbm>>) dst(%dma_wait3A_3328 : memref<1x64xf32, #tpu.memory_space<vmem>>)
    %dma_wait3A_3331 = arith.constant 104 : i32
    %dma_wait3A_3332 = arith.constant 0 : i32
    %dma_wait3A_3333 = tpu.memref_slice %arg3[%dma_wait3A_3331, %dma_wait3A_3332] : memref<256x64xf32, #tpu.memory_space<vmem>> -> memref<1x64xf32, #tpu.memory_space<vmem>>
    %dma_wait3A_3334 = arith.constant 0 : i32
    %dma_wait3A_3335 = tpu.memref_slice %arg2[%get3A_1145, %dma_wait3A_3334] : memref<1000000x64xf32, #tpu.memory_space<hbm>> -> memref<1x64xf32, #tpu.memory_space<hbm>>
    tpu.wait_dma2 semaphore(%arg4 : memref<!tpu.dma_semaphore, #tpu.memory_space<semaphore_mem>>) src(%dma_wait3A_3335 : memref<1x64xf32, #tpu.memory_space<hbm>>) dst(%dma_wait3A_3333 : memref<1x64xf32, #tpu.memory_space<vmem>>)
    %dma_wait3A_3336 = arith.constant 105 : i32
    %dma_wait3A_3337 = arith.constant 0 : i32
    %dma_wait3A_3338 = tpu.memref_slice %arg3[%dma_wait3A_3336, %dma_wait3A_3337] : memref<256x64xf32, #tpu.memory_space<vmem>> -> memref<1x64xf32, #tpu.memory_space<vmem>>
    %dma_wait3A_3339 = arith.constant 0 : i32
    %dma_wait3A_3340 = tpu.memref_slice %arg2[%get3A_1156, %dma_wait3A_3339] : memref<1000000x64xf32, #tpu.memory_space<hbm>> -> memref<1x64xf32, #tpu.memory_space<hbm>>
    tpu.wait_dma2 semaphore(%arg4 : memref<!tpu.dma_semaphore, #tpu.memory_space<semaphore_mem>>) src(%dma_wait3A_3340 : memref<1x64xf32, #tpu.memory_space<hbm>>) dst(%dma_wait3A_3338 : memref<1x64xf32, #tpu.memory_space<vmem>>)
    %dma_wait3A_3341 = arith.constant 106 : i32
    %dma_wait3A_3342 = arith.constant 0 : i32
    %dma_wait3A_3343 = tpu.memref_slice %arg3[%dma_wait3A_3341, %dma_wait3A_3342] : memref<256x64xf32, #tpu.memory_space<vmem>> -> memref<1x64xf32, #tpu.memory_space<vmem>>
    %dma_wait3A_3344 = arith.constant 0 : i32
    %dma_wait3A_3345 = tpu.memref_slice %arg2[%get3A_1167, %dma_wait3A_3344] : memref<1000000x64xf32, #tpu.memory_space<hbm>> -> memref<1x64xf32, #tpu.memory_space<hbm>>
    tpu.wait_dma2 semaphore(%arg4 : memref<!tpu.dma_semaphore, #tpu.memory_space<semaphore_mem>>) src(%dma_wait3A_3345 : memref<1x64xf32, #tpu.memory_space<hbm>>) dst(%dma_wait3A_3343 : memref<1x64xf32, #tpu.memory_space<vmem>>)
    %dma_wait3A_3346 = arith.constant 107 : i32
    %dma_wait3A_3347 = arith.constant 0 : i32
    %dma_wait3A_3348 = tpu.memref_slice %arg3[%dma_wait3A_3346, %dma_wait3A_3347] : memref<256x64xf32, #tpu.memory_space<vmem>> -> memref<1x64xf32, #tpu.memory_space<vmem>>
    %dma_wait3A_3349 = arith.constant 0 : i32
    %dma_wait3A_3350 = tpu.memref_slice %arg2[%get3A_1178, %dma_wait3A_3349] : memref<1000000x64xf32, #tpu.memory_space<hbm>> -> memref<1x64xf32, #tpu.memory_space<hbm>>
    tpu.wait_dma2 semaphore(%arg4 : memref<!tpu.dma_semaphore, #tpu.memory_space<semaphore_mem>>) src(%dma_wait3A_3350 : memref<1x64xf32, #tpu.memory_space<hbm>>) dst(%dma_wait3A_3348 : memref<1x64xf32, #tpu.memory_space<vmem>>)
    %dma_wait3A_3351 = arith.constant 108 : i32
    %dma_wait3A_3352 = arith.constant 0 : i32
    %dma_wait3A_3353 = tpu.memref_slice %arg3[%dma_wait3A_3351, %dma_wait3A_3352] : memref<256x64xf32, #tpu.memory_space<vmem>> -> memref<1x64xf32, #tpu.memory_space<vmem>>
    %dma_wait3A_3354 = arith.constant 0 : i32
    %dma_wait3A_3355 = tpu.memref_slice %arg2[%get3A_1189, %dma_wait3A_3354] : memref<1000000x64xf32, #tpu.memory_space<hbm>> -> memref<1x64xf32, #tpu.memory_space<hbm>>
    tpu.wait_dma2 semaphore(%arg4 : memref<!tpu.dma_semaphore, #tpu.memory_space<semaphore_mem>>) src(%dma_wait3A_3355 : memref<1x64xf32, #tpu.memory_space<hbm>>) dst(%dma_wait3A_3353 : memref<1x64xf32, #tpu.memory_space<vmem>>)
    %dma_wait3A_3356 = arith.constant 109 : i32
    %dma_wait3A_3357 = arith.constant 0 : i32
    %dma_wait3A_3358 = tpu.memref_slice %arg3[%dma_wait3A_3356, %dma_wait3A_3357] : memref<256x64xf32, #tpu.memory_space<vmem>> -> memref<1x64xf32, #tpu.memory_space<vmem>>
    %dma_wait3A_3359 = arith.constant 0 : i32
    %dma_wait3A_3360 = tpu.memref_slice %arg2[%get3A_1200, %dma_wait3A_3359] : memref<1000000x64xf32, #tpu.memory_space<hbm>> -> memref<1x64xf32, #tpu.memory_space<hbm>>
    tpu.wait_dma2 semaphore(%arg4 : memref<!tpu.dma_semaphore, #tpu.memory_space<semaphore_mem>>) src(%dma_wait3A_3360 : memref<1x64xf32, #tpu.memory_space<hbm>>) dst(%dma_wait3A_3358 : memref<1x64xf32, #tpu.memory_space<vmem>>)
    %dma_wait3A_3361 = arith.constant 110 : i32
    %dma_wait3A_3362 = arith.constant 0 : i32
    %dma_wait3A_3363 = tpu.memref_slice %arg3[%dma_wait3A_3361, %dma_wait3A_3362] : memref<256x64xf32, #tpu.memory_space<vmem>> -> memref<1x64xf32, #tpu.memory_space<vmem>>
    %dma_wait3A_3364 = arith.constant 0 : i32
    %dma_wait3A_3365 = tpu.memref_slice %arg2[%get3A_1211, %dma_wait3A_3364] : memref<1000000x64xf32, #tpu.memory_space<hbm>> -> memref<1x64xf32, #tpu.memory_space<hbm>>
    tpu.wait_dma2 semaphore(%arg4 : memref<!tpu.dma_semaphore, #tpu.memory_space<semaphore_mem>>) src(%dma_wait3A_3365 : memref<1x64xf32, #tpu.memory_space<hbm>>) dst(%dma_wait3A_3363 : memref<1x64xf32, #tpu.memory_space<vmem>>)
    %dma_wait3A_3366 = arith.constant 111 : i32
    %dma_wait3A_3367 = arith.constant 0 : i32
    %dma_wait3A_3368 = tpu.memref_slice %arg3[%dma_wait3A_3366, %dma_wait3A_3367] : memref<256x64xf32, #tpu.memory_space<vmem>> -> memref<1x64xf32, #tpu.memory_space<vmem>>
    %dma_wait3A_3369 = arith.constant 0 : i32
    %dma_wait3A_3370 = tpu.memref_slice %arg2[%get3A_1222, %dma_wait3A_3369] : memref<1000000x64xf32, #tpu.memory_space<hbm>> -> memref<1x64xf32, #tpu.memory_space<hbm>>
    tpu.wait_dma2 semaphore(%arg4 : memref<!tpu.dma_semaphore, #tpu.memory_space<semaphore_mem>>) src(%dma_wait3A_3370 : memref<1x64xf32, #tpu.memory_space<hbm>>) dst(%dma_wait3A_3368 : memref<1x64xf32, #tpu.memory_space<vmem>>)
    %dma_wait3A_3371 = arith.constant 112 : i32
    %dma_wait3A_3372 = arith.constant 0 : i32
    %dma_wait3A_3373 = tpu.memref_slice %arg3[%dma_wait3A_3371, %dma_wait3A_3372] : memref<256x64xf32, #tpu.memory_space<vmem>> -> memref<1x64xf32, #tpu.memory_space<vmem>>
    %dma_wait3A_3374 = arith.constant 0 : i32
    %dma_wait3A_3375 = tpu.memref_slice %arg2[%get3A_1233, %dma_wait3A_3374] : memref<1000000x64xf32, #tpu.memory_space<hbm>> -> memref<1x64xf32, #tpu.memory_space<hbm>>
    tpu.wait_dma2 semaphore(%arg4 : memref<!tpu.dma_semaphore, #tpu.memory_space<semaphore_mem>>) src(%dma_wait3A_3375 : memref<1x64xf32, #tpu.memory_space<hbm>>) dst(%dma_wait3A_3373 : memref<1x64xf32, #tpu.memory_space<vmem>>)
    %dma_wait3A_3376 = arith.constant 113 : i32
    %dma_wait3A_3377 = arith.constant 0 : i32
    %dma_wait3A_3378 = tpu.memref_slice %arg3[%dma_wait3A_3376, %dma_wait3A_3377] : memref<256x64xf32, #tpu.memory_space<vmem>> -> memref<1x64xf32, #tpu.memory_space<vmem>>
    %dma_wait3A_3379 = arith.constant 0 : i32
    %dma_wait3A_3380 = tpu.memref_slice %arg2[%get3A_1244, %dma_wait3A_3379] : memref<1000000x64xf32, #tpu.memory_space<hbm>> -> memref<1x64xf32, #tpu.memory_space<hbm>>
    tpu.wait_dma2 semaphore(%arg4 : memref<!tpu.dma_semaphore, #tpu.memory_space<semaphore_mem>>) src(%dma_wait3A_3380 : memref<1x64xf32, #tpu.memory_space<hbm>>) dst(%dma_wait3A_3378 : memref<1x64xf32, #tpu.memory_space<vmem>>)
    %dma_wait3A_3381 = arith.constant 114 : i32
    %dma_wait3A_3382 = arith.constant 0 : i32
    %dma_wait3A_3383 = tpu.memref_slice %arg3[%dma_wait3A_3381, %dma_wait3A_3382] : memref<256x64xf32, #tpu.memory_space<vmem>> -> memref<1x64xf32, #tpu.memory_space<vmem>>
    %dma_wait3A_3384 = arith.constant 0 : i32
    %dma_wait3A_3385 = tpu.memref_slice %arg2[%get3A_1255, %dma_wait3A_3384] : memref<1000000x64xf32, #tpu.memory_space<hbm>> -> memref<1x64xf32, #tpu.memory_space<hbm>>
    tpu.wait_dma2 semaphore(%arg4 : memref<!tpu.dma_semaphore, #tpu.memory_space<semaphore_mem>>) src(%dma_wait3A_3385 : memref<1x64xf32, #tpu.memory_space<hbm>>) dst(%dma_wait3A_3383 : memref<1x64xf32, #tpu.memory_space<vmem>>)
    %dma_wait3A_3386 = arith.constant 115 : i32
    %dma_wait3A_3387 = arith.constant 0 : i32
    %dma_wait3A_3388 = tpu.memref_slice %arg3[%dma_wait3A_3386, %dma_wait3A_3387] : memref<256x64xf32, #tpu.memory_space<vmem>> -> memref<1x64xf32, #tpu.memory_space<vmem>>
    %dma_wait3A_3389 = arith.constant 0 : i32
    %dma_wait3A_3390 = tpu.memref_slice %arg2[%get3A_1266, %dma_wait3A_3389] : memref<1000000x64xf32, #tpu.memory_space<hbm>> -> memref<1x64xf32, #tpu.memory_space<hbm>>
    tpu.wait_dma2 semaphore(%arg4 : memref<!tpu.dma_semaphore, #tpu.memory_space<semaphore_mem>>) src(%dma_wait3A_3390 : memref<1x64xf32, #tpu.memory_space<hbm>>) dst(%dma_wait3A_3388 : memref<1x64xf32, #tpu.memory_space<vmem>>)
    %dma_wait3A_3391 = arith.constant 116 : i32
    %dma_wait3A_3392 = arith.constant 0 : i32
    %dma_wait3A_3393 = tpu.memref_slice %arg3[%dma_wait3A_3391, %dma_wait3A_3392] : memref<256x64xf32, #tpu.memory_space<vmem>> -> memref<1x64xf32, #tpu.memory_space<vmem>>
    %dma_wait3A_3394 = arith.constant 0 : i32
    %dma_wait3A_3395 = tpu.memref_slice %arg2[%get3A_1277, %dma_wait3A_3394] : memref<1000000x64xf32, #tpu.memory_space<hbm>> -> memref<1x64xf32, #tpu.memory_space<hbm>>
    tpu.wait_dma2 semaphore(%arg4 : memref<!tpu.dma_semaphore, #tpu.memory_space<semaphore_mem>>) src(%dma_wait3A_3395 : memref<1x64xf32, #tpu.memory_space<hbm>>) dst(%dma_wait3A_3393 : memref<1x64xf32, #tpu.memory_space<vmem>>)
    %dma_wait3A_3396 = arith.constant 117 : i32
    %dma_wait3A_3397 = arith.constant 0 : i32
    %dma_wait3A_3398 = tpu.memref_slice %arg3[%dma_wait3A_3396, %dma_wait3A_3397] : memref<256x64xf32, #tpu.memory_space<vmem>> -> memref<1x64xf32, #tpu.memory_space<vmem>>
    %dma_wait3A_3399 = arith.constant 0 : i32
    %dma_wait3A_3400 = tpu.memref_slice %arg2[%get3A_1288, %dma_wait3A_3399] : memref<1000000x64xf32, #tpu.memory_space<hbm>> -> memref<1x64xf32, #tpu.memory_space<hbm>>
    tpu.wait_dma2 semaphore(%arg4 : memref<!tpu.dma_semaphore, #tpu.memory_space<semaphore_mem>>) src(%dma_wait3A_3400 : memref<1x64xf32, #tpu.memory_space<hbm>>) dst(%dma_wait3A_3398 : memref<1x64xf32, #tpu.memory_space<vmem>>)
    %dma_wait3A_3401 = arith.constant 118 : i32
    %dma_wait3A_3402 = arith.constant 0 : i32
    %dma_wait3A_3403 = tpu.memref_slice %arg3[%dma_wait3A_3401, %dma_wait3A_3402] : memref<256x64xf32, #tpu.memory_space<vmem>> -> memref<1x64xf32, #tpu.memory_space<vmem>>
    %dma_wait3A_3404 = arith.constant 0 : i32
    %dma_wait3A_3405 = tpu.memref_slice %arg2[%get3A_1299, %dma_wait3A_3404] : memref<1000000x64xf32, #tpu.memory_space<hbm>> -> memref<1x64xf32, #tpu.memory_space<hbm>>
    tpu.wait_dma2 semaphore(%arg4 : memref<!tpu.dma_semaphore, #tpu.memory_space<semaphore_mem>>) src(%dma_wait3A_3405 : memref<1x64xf32, #tpu.memory_space<hbm>>) dst(%dma_wait3A_3403 : memref<1x64xf32, #tpu.memory_space<vmem>>)
    %dma_wait3A_3406 = arith.constant 119 : i32
    %dma_wait3A_3407 = arith.constant 0 : i32
    %dma_wait3A_3408 = tpu.memref_slice %arg3[%dma_wait3A_3406, %dma_wait3A_3407] : memref<256x64xf32, #tpu.memory_space<vmem>> -> memref<1x64xf32, #tpu.memory_space<vmem>>
    %dma_wait3A_3409 = arith.constant 0 : i32
    %dma_wait3A_3410 = tpu.memref_slice %arg2[%get3A_1310, %dma_wait3A_3409] : memref<1000000x64xf32, #tpu.memory_space<hbm>> -> memref<1x64xf32, #tpu.memory_space<hbm>>
    tpu.wait_dma2 semaphore(%arg4 : memref<!tpu.dma_semaphore, #tpu.memory_space<semaphore_mem>>) src(%dma_wait3A_3410 : memref<1x64xf32, #tpu.memory_space<hbm>>) dst(%dma_wait3A_3408 : memref<1x64xf32, #tpu.memory_space<vmem>>)
    %dma_wait3A_3411 = arith.constant 120 : i32
    %dma_wait3A_3412 = arith.constant 0 : i32
    %dma_wait3A_3413 = tpu.memref_slice %arg3[%dma_wait3A_3411, %dma_wait3A_3412] : memref<256x64xf32, #tpu.memory_space<vmem>> -> memref<1x64xf32, #tpu.memory_space<vmem>>
    %dma_wait3A_3414 = arith.constant 0 : i32
    %dma_wait3A_3415 = tpu.memref_slice %arg2[%get3A_1321, %dma_wait3A_3414] : memref<1000000x64xf32, #tpu.memory_space<hbm>> -> memref<1x64xf32, #tpu.memory_space<hbm>>
    tpu.wait_dma2 semaphore(%arg4 : memref<!tpu.dma_semaphore, #tpu.memory_space<semaphore_mem>>) src(%dma_wait3A_3415 : memref<1x64xf32, #tpu.memory_space<hbm>>) dst(%dma_wait3A_3413 : memref<1x64xf32, #tpu.memory_space<vmem>>)
    %dma_wait3A_3416 = arith.constant 121 : i32
    %dma_wait3A_3417 = arith.constant 0 : i32
    %dma_wait3A_3418 = tpu.memref_slice %arg3[%dma_wait3A_3416, %dma_wait3A_3417] : memref<256x64xf32, #tpu.memory_space<vmem>> -> memref<1x64xf32, #tpu.memory_space<vmem>>
    %dma_wait3A_3419 = arith.constant 0 : i32
    %dma_wait3A_3420 = tpu.memref_slice %arg2[%get3A_1332, %dma_wait3A_3419] : memref<1000000x64xf32, #tpu.memory_space<hbm>> -> memref<1x64xf32, #tpu.memory_space<hbm>>
    tpu.wait_dma2 semaphore(%arg4 : memref<!tpu.dma_semaphore, #tpu.memory_space<semaphore_mem>>) src(%dma_wait3A_3420 : memref<1x64xf32, #tpu.memory_space<hbm>>) dst(%dma_wait3A_3418 : memref<1x64xf32, #tpu.memory_space<vmem>>)
    %dma_wait3A_3421 = arith.constant 122 : i32
    %dma_wait3A_3422 = arith.constant 0 : i32
    %dma_wait3A_3423 = tpu.memref_slice %arg3[%dma_wait3A_3421, %dma_wait3A_3422] : memref<256x64xf32, #tpu.memory_space<vmem>> -> memref<1x64xf32, #tpu.memory_space<vmem>>
    %dma_wait3A_3424 = arith.constant 0 : i32
    %dma_wait3A_3425 = tpu.memref_slice %arg2[%get3A_1343, %dma_wait3A_3424] : memref<1000000x64xf32, #tpu.memory_space<hbm>> -> memref<1x64xf32, #tpu.memory_space<hbm>>
    tpu.wait_dma2 semaphore(%arg4 : memref<!tpu.dma_semaphore, #tpu.memory_space<semaphore_mem>>) src(%dma_wait3A_3425 : memref<1x64xf32, #tpu.memory_space<hbm>>) dst(%dma_wait3A_3423 : memref<1x64xf32, #tpu.memory_space<vmem>>)
    %dma_wait3A_3426 = arith.constant 123 : i32
    %dma_wait3A_3427 = arith.constant 0 : i32
    %dma_wait3A_3428 = tpu.memref_slice %arg3[%dma_wait3A_3426, %dma_wait3A_3427] : memref<256x64xf32, #tpu.memory_space<vmem>> -> memref<1x64xf32, #tpu.memory_space<vmem>>
    %dma_wait3A_3429 = arith.constant 0 : i32
    %dma_wait3A_3430 = tpu.memref_slice %arg2[%get3A_1354, %dma_wait3A_3429] : memref<1000000x64xf32, #tpu.memory_space<hbm>> -> memref<1x64xf32, #tpu.memory_space<hbm>>
    tpu.wait_dma2 semaphore(%arg4 : memref<!tpu.dma_semaphore, #tpu.memory_space<semaphore_mem>>) src(%dma_wait3A_3430 : memref<1x64xf32, #tpu.memory_space<hbm>>) dst(%dma_wait3A_3428 : memref<1x64xf32, #tpu.memory_space<vmem>>)
    %dma_wait3A_3431 = arith.constant 124 : i32
    %dma_wait3A_3432 = arith.constant 0 : i32
    %dma_wait3A_3433 = tpu.memref_slice %arg3[%dma_wait3A_3431, %dma_wait3A_3432] : memref<256x64xf32, #tpu.memory_space<vmem>> -> memref<1x64xf32, #tpu.memory_space<vmem>>
    %dma_wait3A_3434 = arith.constant 0 : i32
    %dma_wait3A_3435 = tpu.memref_slice %arg2[%get3A_1365, %dma_wait3A_3434] : memref<1000000x64xf32, #tpu.memory_space<hbm>> -> memref<1x64xf32, #tpu.memory_space<hbm>>
    tpu.wait_dma2 semaphore(%arg4 : memref<!tpu.dma_semaphore, #tpu.memory_space<semaphore_mem>>) src(%dma_wait3A_3435 : memref<1x64xf32, #tpu.memory_space<hbm>>) dst(%dma_wait3A_3433 : memref<1x64xf32, #tpu.memory_space<vmem>>)
    %dma_wait3A_3436 = arith.constant 125 : i32
    %dma_wait3A_3437 = arith.constant 0 : i32
    %dma_wait3A_3438 = tpu.memref_slice %arg3[%dma_wait3A_3436, %dma_wait3A_3437] : memref<256x64xf32, #tpu.memory_space<vmem>> -> memref<1x64xf32, #tpu.memory_space<vmem>>
    %dma_wait3A_3439 = arith.constant 0 : i32
    %dma_wait3A_3440 = tpu.memref_slice %arg2[%get3A_1376, %dma_wait3A_3439] : memref<1000000x64xf32, #tpu.memory_space<hbm>> -> memref<1x64xf32, #tpu.memory_space<hbm>>
    tpu.wait_dma2 semaphore(%arg4 : memref<!tpu.dma_semaphore, #tpu.memory_space<semaphore_mem>>) src(%dma_wait3A_3440 : memref<1x64xf32, #tpu.memory_space<hbm>>) dst(%dma_wait3A_3438 : memref<1x64xf32, #tpu.memory_space<vmem>>)
    %dma_wait3A_3441 = arith.constant 126 : i32
    %dma_wait3A_3442 = arith.constant 0 : i32
    %dma_wait3A_3443 = tpu.memref_slice %arg3[%dma_wait3A_3441, %dma_wait3A_3442] : memref<256x64xf32, #tpu.memory_space<vmem>> -> memref<1x64xf32, #tpu.memory_space<vmem>>
    %dma_wait3A_3444 = arith.constant 0 : i32
    %dma_wait3A_3445 = tpu.memref_slice %arg2[%get3A_1387, %dma_wait3A_3444] : memref<1000000x64xf32, #tpu.memory_space<hbm>> -> memref<1x64xf32, #tpu.memory_space<hbm>>
    tpu.wait_dma2 semaphore(%arg4 : memref<!tpu.dma_semaphore, #tpu.memory_space<semaphore_mem>>) src(%dma_wait3A_3445 : memref<1x64xf32, #tpu.memory_space<hbm>>) dst(%dma_wait3A_3443 : memref<1x64xf32, #tpu.memory_space<vmem>>)
    %dma_wait3A_3446 = arith.constant 127 : i32
    %dma_wait3A_3447 = arith.constant 0 : i32
    %dma_wait3A_3448 = tpu.memref_slice %arg3[%dma_wait3A_3446, %dma_wait3A_3447] : memref<256x64xf32, #tpu.memory_space<vmem>> -> memref<1x64xf32, #tpu.memory_space<vmem>>
    %dma_wait3A_3449 = arith.constant 0 : i32
    %dma_wait3A_3450 = tpu.memref_slice %arg2[%get3A_1398, %dma_wait3A_3449] : memref<1000000x64xf32, #tpu.memory_space<hbm>> -> memref<1x64xf32, #tpu.memory_space<hbm>>
    tpu.wait_dma2 semaphore(%arg4 : memref<!tpu.dma_semaphore, #tpu.memory_space<semaphore_mem>>) src(%dma_wait3A_3450 : memref<1x64xf32, #tpu.memory_space<hbm>>) dst(%dma_wait3A_3448 : memref<1x64xf32, #tpu.memory_space<vmem>>)
    %dma_wait3A_3451 = arith.constant 128 : i32
    %dma_wait3A_3452 = arith.constant 0 : i32
    %dma_wait3A_3453 = tpu.memref_slice %arg3[%dma_wait3A_3451, %dma_wait3A_3452] : memref<256x64xf32, #tpu.memory_space<vmem>> -> memref<1x64xf32, #tpu.memory_space<vmem>>
    %dma_wait3A_3454 = arith.constant 0 : i32
    %dma_wait3A_3455 = tpu.memref_slice %arg2[%get3A_1409, %dma_wait3A_3454] : memref<1000000x64xf32, #tpu.memory_space<hbm>> -> memref<1x64xf32, #tpu.memory_space<hbm>>
    tpu.wait_dma2 semaphore(%arg4 : memref<!tpu.dma_semaphore, #tpu.memory_space<semaphore_mem>>) src(%dma_wait3A_3455 : memref<1x64xf32, #tpu.memory_space<hbm>>) dst(%dma_wait3A_3453 : memref<1x64xf32, #tpu.memory_space<vmem>>)
    %dma_wait3A_3456 = arith.constant 129 : i32
    %dma_wait3A_3457 = arith.constant 0 : i32
    %dma_wait3A_3458 = tpu.memref_slice %arg3[%dma_wait3A_3456, %dma_wait3A_3457] : memref<256x64xf32, #tpu.memory_space<vmem>> -> memref<1x64xf32, #tpu.memory_space<vmem>>
    %dma_wait3A_3459 = arith.constant 0 : i32
    %dma_wait3A_3460 = tpu.memref_slice %arg2[%get3A_1420, %dma_wait3A_3459] : memref<1000000x64xf32, #tpu.memory_space<hbm>> -> memref<1x64xf32, #tpu.memory_space<hbm>>
    tpu.wait_dma2 semaphore(%arg4 : memref<!tpu.dma_semaphore, #tpu.memory_space<semaphore_mem>>) src(%dma_wait3A_3460 : memref<1x64xf32, #tpu.memory_space<hbm>>) dst(%dma_wait3A_3458 : memref<1x64xf32, #tpu.memory_space<vmem>>)
    %dma_wait3A_3461 = arith.constant 130 : i32
    %dma_wait3A_3462 = arith.constant 0 : i32
    %dma_wait3A_3463 = tpu.memref_slice %arg3[%dma_wait3A_3461, %dma_wait3A_3462] : memref<256x64xf32, #tpu.memory_space<vmem>> -> memref<1x64xf32, #tpu.memory_space<vmem>>
    %dma_wait3A_3464 = arith.constant 0 : i32
    %dma_wait3A_3465 = tpu.memref_slice %arg2[%get3A_1431, %dma_wait3A_3464] : memref<1000000x64xf32, #tpu.memory_space<hbm>> -> memref<1x64xf32, #tpu.memory_space<hbm>>
    tpu.wait_dma2 semaphore(%arg4 : memref<!tpu.dma_semaphore, #tpu.memory_space<semaphore_mem>>) src(%dma_wait3A_3465 : memref<1x64xf32, #tpu.memory_space<hbm>>) dst(%dma_wait3A_3463 : memref<1x64xf32, #tpu.memory_space<vmem>>)
    %dma_wait3A_3466 = arith.constant 131 : i32
    %dma_wait3A_3467 = arith.constant 0 : i32
    %dma_wait3A_3468 = tpu.memref_slice %arg3[%dma_wait3A_3466, %dma_wait3A_3467] : memref<256x64xf32, #tpu.memory_space<vmem>> -> memref<1x64xf32, #tpu.memory_space<vmem>>
    %dma_wait3A_3469 = arith.constant 0 : i32
    %dma_wait3A_3470 = tpu.memref_slice %arg2[%get3A_1442, %dma_wait3A_3469] : memref<1000000x64xf32, #tpu.memory_space<hbm>> -> memref<1x64xf32, #tpu.memory_space<hbm>>
    tpu.wait_dma2 semaphore(%arg4 : memref<!tpu.dma_semaphore, #tpu.memory_space<semaphore_mem>>) src(%dma_wait3A_3470 : memref<1x64xf32, #tpu.memory_space<hbm>>) dst(%dma_wait3A_3468 : memref<1x64xf32, #tpu.memory_space<vmem>>)
    %dma_wait3A_3471 = arith.constant 132 : i32
    %dma_wait3A_3472 = arith.constant 0 : i32
    %dma_wait3A_3473 = tpu.memref_slice %arg3[%dma_wait3A_3471, %dma_wait3A_3472] : memref<256x64xf32, #tpu.memory_space<vmem>> -> memref<1x64xf32, #tpu.memory_space<vmem>>
    %dma_wait3A_3474 = arith.constant 0 : i32
    %dma_wait3A_3475 = tpu.memref_slice %arg2[%get3A_1453, %dma_wait3A_3474] : memref<1000000x64xf32, #tpu.memory_space<hbm>> -> memref<1x64xf32, #tpu.memory_space<hbm>>
    tpu.wait_dma2 semaphore(%arg4 : memref<!tpu.dma_semaphore, #tpu.memory_space<semaphore_mem>>) src(%dma_wait3A_3475 : memref<1x64xf32, #tpu.memory_space<hbm>>) dst(%dma_wait3A_3473 : memref<1x64xf32, #tpu.memory_space<vmem>>)
    %dma_wait3A_3476 = arith.constant 133 : i32
    %dma_wait3A_3477 = arith.constant 0 : i32
    %dma_wait3A_3478 = tpu.memref_slice %arg3[%dma_wait3A_3476, %dma_wait3A_3477] : memref<256x64xf32, #tpu.memory_space<vmem>> -> memref<1x64xf32, #tpu.memory_space<vmem>>
    %dma_wait3A_3479 = arith.constant 0 : i32
    %dma_wait3A_3480 = tpu.memref_slice %arg2[%get3A_1464, %dma_wait3A_3479] : memref<1000000x64xf32, #tpu.memory_space<hbm>> -> memref<1x64xf32, #tpu.memory_space<hbm>>
    tpu.wait_dma2 semaphore(%arg4 : memref<!tpu.dma_semaphore, #tpu.memory_space<semaphore_mem>>) src(%dma_wait3A_3480 : memref<1x64xf32, #tpu.memory_space<hbm>>) dst(%dma_wait3A_3478 : memref<1x64xf32, #tpu.memory_space<vmem>>)
    %dma_wait3A_3481 = arith.constant 134 : i32
    %dma_wait3A_3482 = arith.constant 0 : i32
    %dma_wait3A_3483 = tpu.memref_slice %arg3[%dma_wait3A_3481, %dma_wait3A_3482] : memref<256x64xf32, #tpu.memory_space<vmem>> -> memref<1x64xf32, #tpu.memory_space<vmem>>
    %dma_wait3A_3484 = arith.constant 0 : i32
    %dma_wait3A_3485 = tpu.memref_slice %arg2[%get3A_1475, %dma_wait3A_3484] : memref<1000000x64xf32, #tpu.memory_space<hbm>> -> memref<1x64xf32, #tpu.memory_space<hbm>>
    tpu.wait_dma2 semaphore(%arg4 : memref<!tpu.dma_semaphore, #tpu.memory_space<semaphore_mem>>) src(%dma_wait3A_3485 : memref<1x64xf32, #tpu.memory_space<hbm>>) dst(%dma_wait3A_3483 : memref<1x64xf32, #tpu.memory_space<vmem>>)
    %dma_wait3A_3486 = arith.constant 135 : i32
    %dma_wait3A_3487 = arith.constant 0 : i32
    %dma_wait3A_3488 = tpu.memref_slice %arg3[%dma_wait3A_3486, %dma_wait3A_3487] : memref<256x64xf32, #tpu.memory_space<vmem>> -> memref<1x64xf32, #tpu.memory_space<vmem>>
    %dma_wait3A_3489 = arith.constant 0 : i32
    %dma_wait3A_3490 = tpu.memref_slice %arg2[%get3A_1486, %dma_wait3A_3489] : memref<1000000x64xf32, #tpu.memory_space<hbm>> -> memref<1x64xf32, #tpu.memory_space<hbm>>
    tpu.wait_dma2 semaphore(%arg4 : memref<!tpu.dma_semaphore, #tpu.memory_space<semaphore_mem>>) src(%dma_wait3A_3490 : memref<1x64xf32, #tpu.memory_space<hbm>>) dst(%dma_wait3A_3488 : memref<1x64xf32, #tpu.memory_space<vmem>>)
    %dma_wait3A_3491 = arith.constant 136 : i32
    %dma_wait3A_3492 = arith.constant 0 : i32
    %dma_wait3A_3493 = tpu.memref_slice %arg3[%dma_wait3A_3491, %dma_wait3A_3492] : memref<256x64xf32, #tpu.memory_space<vmem>> -> memref<1x64xf32, #tpu.memory_space<vmem>>
    %dma_wait3A_3494 = arith.constant 0 : i32
    %dma_wait3A_3495 = tpu.memref_slice %arg2[%get3A_1497, %dma_wait3A_3494] : memref<1000000x64xf32, #tpu.memory_space<hbm>> -> memref<1x64xf32, #tpu.memory_space<hbm>>
    tpu.wait_dma2 semaphore(%arg4 : memref<!tpu.dma_semaphore, #tpu.memory_space<semaphore_mem>>) src(%dma_wait3A_3495 : memref<1x64xf32, #tpu.memory_space<hbm>>) dst(%dma_wait3A_3493 : memref<1x64xf32, #tpu.memory_space<vmem>>)
    %dma_wait3A_3496 = arith.constant 137 : i32
    %dma_wait3A_3497 = arith.constant 0 : i32
    %dma_wait3A_3498 = tpu.memref_slice %arg3[%dma_wait3A_3496, %dma_wait3A_3497] : memref<256x64xf32, #tpu.memory_space<vmem>> -> memref<1x64xf32, #tpu.memory_space<vmem>>
    %dma_wait3A_3499 = arith.constant 0 : i32
    %dma_wait3A_3500 = tpu.memref_slice %arg2[%get3A_1508, %dma_wait3A_3499] : memref<1000000x64xf32, #tpu.memory_space<hbm>> -> memref<1x64xf32, #tpu.memory_space<hbm>>
    tpu.wait_dma2 semaphore(%arg4 : memref<!tpu.dma_semaphore, #tpu.memory_space<semaphore_mem>>) src(%dma_wait3A_3500 : memref<1x64xf32, #tpu.memory_space<hbm>>) dst(%dma_wait3A_3498 : memref<1x64xf32, #tpu.memory_space<vmem>>)
    %dma_wait3A_3501 = arith.constant 138 : i32
    %dma_wait3A_3502 = arith.constant 0 : i32
    %dma_wait3A_3503 = tpu.memref_slice %arg3[%dma_wait3A_3501, %dma_wait3A_3502] : memref<256x64xf32, #tpu.memory_space<vmem>> -> memref<1x64xf32, #tpu.memory_space<vmem>>
    %dma_wait3A_3504 = arith.constant 0 : i32
    %dma_wait3A_3505 = tpu.memref_slice %arg2[%get3A_1519, %dma_wait3A_3504] : memref<1000000x64xf32, #tpu.memory_space<hbm>> -> memref<1x64xf32, #tpu.memory_space<hbm>>
    tpu.wait_dma2 semaphore(%arg4 : memref<!tpu.dma_semaphore, #tpu.memory_space<semaphore_mem>>) src(%dma_wait3A_3505 : memref<1x64xf32, #tpu.memory_space<hbm>>) dst(%dma_wait3A_3503 : memref<1x64xf32, #tpu.memory_space<vmem>>)
    %dma_wait3A_3506 = arith.constant 139 : i32
    %dma_wait3A_3507 = arith.constant 0 : i32
    %dma_wait3A_3508 = tpu.memref_slice %arg3[%dma_wait3A_3506, %dma_wait3A_3507] : memref<256x64xf32, #tpu.memory_space<vmem>> -> memref<1x64xf32, #tpu.memory_space<vmem>>
    %dma_wait3A_3509 = arith.constant 0 : i32
    %dma_wait3A_3510 = tpu.memref_slice %arg2[%get3A_1530, %dma_wait3A_3509] : memref<1000000x64xf32, #tpu.memory_space<hbm>> -> memref<1x64xf32, #tpu.memory_space<hbm>>
    tpu.wait_dma2 semaphore(%arg4 : memref<!tpu.dma_semaphore, #tpu.memory_space<semaphore_mem>>) src(%dma_wait3A_3510 : memref<1x64xf32, #tpu.memory_space<hbm>>) dst(%dma_wait3A_3508 : memref<1x64xf32, #tpu.memory_space<vmem>>)
    %dma_wait3A_3511 = arith.constant 140 : i32
    %dma_wait3A_3512 = arith.constant 0 : i32
    %dma_wait3A_3513 = tpu.memref_slice %arg3[%dma_wait3A_3511, %dma_wait3A_3512] : memref<256x64xf32, #tpu.memory_space<vmem>> -> memref<1x64xf32, #tpu.memory_space<vmem>>
    %dma_wait3A_3514 = arith.constant 0 : i32
    %dma_wait3A_3515 = tpu.memref_slice %arg2[%get3A_1541, %dma_wait3A_3514] : memref<1000000x64xf32, #tpu.memory_space<hbm>> -> memref<1x64xf32, #tpu.memory_space<hbm>>
    tpu.wait_dma2 semaphore(%arg4 : memref<!tpu.dma_semaphore, #tpu.memory_space<semaphore_mem>>) src(%dma_wait3A_3515 : memref<1x64xf32, #tpu.memory_space<hbm>>) dst(%dma_wait3A_3513 : memref<1x64xf32, #tpu.memory_space<vmem>>)
    %dma_wait3A_3516 = arith.constant 141 : i32
    %dma_wait3A_3517 = arith.constant 0 : i32
    %dma_wait3A_3518 = tpu.memref_slice %arg3[%dma_wait3A_3516, %dma_wait3A_3517] : memref<256x64xf32, #tpu.memory_space<vmem>> -> memref<1x64xf32, #tpu.memory_space<vmem>>
    %dma_wait3A_3519 = arith.constant 0 : i32
    %dma_wait3A_3520 = tpu.memref_slice %arg2[%get3A_1552, %dma_wait3A_3519] : memref<1000000x64xf32, #tpu.memory_space<hbm>> -> memref<1x64xf32, #tpu.memory_space<hbm>>
    tpu.wait_dma2 semaphore(%arg4 : memref<!tpu.dma_semaphore, #tpu.memory_space<semaphore_mem>>) src(%dma_wait3A_3520 : memref<1x64xf32, #tpu.memory_space<hbm>>) dst(%dma_wait3A_3518 : memref<1x64xf32, #tpu.memory_space<vmem>>)
    %dma_wait3A_3521 = arith.constant 142 : i32
    %dma_wait3A_3522 = arith.constant 0 : i32
    %dma_wait3A_3523 = tpu.memref_slice %arg3[%dma_wait3A_3521, %dma_wait3A_3522] : memref<256x64xf32, #tpu.memory_space<vmem>> -> memref<1x64xf32, #tpu.memory_space<vmem>>
    %dma_wait3A_3524 = arith.constant 0 : i32
    %dma_wait3A_3525 = tpu.memref_slice %arg2[%get3A_1563, %dma_wait3A_3524] : memref<1000000x64xf32, #tpu.memory_space<hbm>> -> memref<1x64xf32, #tpu.memory_space<hbm>>
    tpu.wait_dma2 semaphore(%arg4 : memref<!tpu.dma_semaphore, #tpu.memory_space<semaphore_mem>>) src(%dma_wait3A_3525 : memref<1x64xf32, #tpu.memory_space<hbm>>) dst(%dma_wait3A_3523 : memref<1x64xf32, #tpu.memory_space<vmem>>)
    %dma_wait3A_3526 = arith.constant 143 : i32
    %dma_wait3A_3527 = arith.constant 0 : i32
    %dma_wait3A_3528 = tpu.memref_slice %arg3[%dma_wait3A_3526, %dma_wait3A_3527] : memref<256x64xf32, #tpu.memory_space<vmem>> -> memref<1x64xf32, #tpu.memory_space<vmem>>
    %dma_wait3A_3529 = arith.constant 0 : i32
    %dma_wait3A_3530 = tpu.memref_slice %arg2[%get3A_1574, %dma_wait3A_3529] : memref<1000000x64xf32, #tpu.memory_space<hbm>> -> memref<1x64xf32, #tpu.memory_space<hbm>>
    tpu.wait_dma2 semaphore(%arg4 : memref<!tpu.dma_semaphore, #tpu.memory_space<semaphore_mem>>) src(%dma_wait3A_3530 : memref<1x64xf32, #tpu.memory_space<hbm>>) dst(%dma_wait3A_3528 : memref<1x64xf32, #tpu.memory_space<vmem>>)
    %dma_wait3A_3531 = arith.constant 144 : i32
    %dma_wait3A_3532 = arith.constant 0 : i32
    %dma_wait3A_3533 = tpu.memref_slice %arg3[%dma_wait3A_3531, %dma_wait3A_3532] : memref<256x64xf32, #tpu.memory_space<vmem>> -> memref<1x64xf32, #tpu.memory_space<vmem>>
    %dma_wait3A_3534 = arith.constant 0 : i32
    %dma_wait3A_3535 = tpu.memref_slice %arg2[%get3A_1585, %dma_wait3A_3534] : memref<1000000x64xf32, #tpu.memory_space<hbm>> -> memref<1x64xf32, #tpu.memory_space<hbm>>
    tpu.wait_dma2 semaphore(%arg4 : memref<!tpu.dma_semaphore, #tpu.memory_space<semaphore_mem>>) src(%dma_wait3A_3535 : memref<1x64xf32, #tpu.memory_space<hbm>>) dst(%dma_wait3A_3533 : memref<1x64xf32, #tpu.memory_space<vmem>>)
    %dma_wait3A_3536 = arith.constant 145 : i32
    %dma_wait3A_3537 = arith.constant 0 : i32
    %dma_wait3A_3538 = tpu.memref_slice %arg3[%dma_wait3A_3536, %dma_wait3A_3537] : memref<256x64xf32, #tpu.memory_space<vmem>> -> memref<1x64xf32, #tpu.memory_space<vmem>>
    %dma_wait3A_3539 = arith.constant 0 : i32
    %dma_wait3A_3540 = tpu.memref_slice %arg2[%get3A_1596, %dma_wait3A_3539] : memref<1000000x64xf32, #tpu.memory_space<hbm>> -> memref<1x64xf32, #tpu.memory_space<hbm>>
    tpu.wait_dma2 semaphore(%arg4 : memref<!tpu.dma_semaphore, #tpu.memory_space<semaphore_mem>>) src(%dma_wait3A_3540 : memref<1x64xf32, #tpu.memory_space<hbm>>) dst(%dma_wait3A_3538 : memref<1x64xf32, #tpu.memory_space<vmem>>)
    %dma_wait3A_3541 = arith.constant 146 : i32
    %dma_wait3A_3542 = arith.constant 0 : i32
    %dma_wait3A_3543 = tpu.memref_slice %arg3[%dma_wait3A_3541, %dma_wait3A_3542] : memref<256x64xf32, #tpu.memory_space<vmem>> -> memref<1x64xf32, #tpu.memory_space<vmem>>
    %dma_wait3A_3544 = arith.constant 0 : i32
    %dma_wait3A_3545 = tpu.memref_slice %arg2[%get3A_1607, %dma_wait3A_3544] : memref<1000000x64xf32, #tpu.memory_space<hbm>> -> memref<1x64xf32, #tpu.memory_space<hbm>>
    tpu.wait_dma2 semaphore(%arg4 : memref<!tpu.dma_semaphore, #tpu.memory_space<semaphore_mem>>) src(%dma_wait3A_3545 : memref<1x64xf32, #tpu.memory_space<hbm>>) dst(%dma_wait3A_3543 : memref<1x64xf32, #tpu.memory_space<vmem>>)
    %dma_wait3A_3546 = arith.constant 147 : i32
    %dma_wait3A_3547 = arith.constant 0 : i32
    %dma_wait3A_3548 = tpu.memref_slice %arg3[%dma_wait3A_3546, %dma_wait3A_3547] : memref<256x64xf32, #tpu.memory_space<vmem>> -> memref<1x64xf32, #tpu.memory_space<vmem>>
    %dma_wait3A_3549 = arith.constant 0 : i32
    %dma_wait3A_3550 = tpu.memref_slice %arg2[%get3A_1618, %dma_wait3A_3549] : memref<1000000x64xf32, #tpu.memory_space<hbm>> -> memref<1x64xf32, #tpu.memory_space<hbm>>
    tpu.wait_dma2 semaphore(%arg4 : memref<!tpu.dma_semaphore, #tpu.memory_space<semaphore_mem>>) src(%dma_wait3A_3550 : memref<1x64xf32, #tpu.memory_space<hbm>>) dst(%dma_wait3A_3548 : memref<1x64xf32, #tpu.memory_space<vmem>>)
    %dma_wait3A_3551 = arith.constant 148 : i32
    %dma_wait3A_3552 = arith.constant 0 : i32
    %dma_wait3A_3553 = tpu.memref_slice %arg3[%dma_wait3A_3551, %dma_wait3A_3552] : memref<256x64xf32, #tpu.memory_space<vmem>> -> memref<1x64xf32, #tpu.memory_space<vmem>>
    %dma_wait3A_3554 = arith.constant 0 : i32
    %dma_wait3A_3555 = tpu.memref_slice %arg2[%get3A_1629, %dma_wait3A_3554] : memref<1000000x64xf32, #tpu.memory_space<hbm>> -> memref<1x64xf32, #tpu.memory_space<hbm>>
    tpu.wait_dma2 semaphore(%arg4 : memref<!tpu.dma_semaphore, #tpu.memory_space<semaphore_mem>>) src(%dma_wait3A_3555 : memref<1x64xf32, #tpu.memory_space<hbm>>) dst(%dma_wait3A_3553 : memref<1x64xf32, #tpu.memory_space<vmem>>)
    %dma_wait3A_3556 = arith.constant 149 : i32
    %dma_wait3A_3557 = arith.constant 0 : i32
    %dma_wait3A_3558 = tpu.memref_slice %arg3[%dma_wait3A_3556, %dma_wait3A_3557] : memref<256x64xf32, #tpu.memory_space<vmem>> -> memref<1x64xf32, #tpu.memory_space<vmem>>
    %dma_wait3A_3559 = arith.constant 0 : i32
    %dma_wait3A_3560 = tpu.memref_slice %arg2[%get3A_1640, %dma_wait3A_3559] : memref<1000000x64xf32, #tpu.memory_space<hbm>> -> memref<1x64xf32, #tpu.memory_space<hbm>>
    tpu.wait_dma2 semaphore(%arg4 : memref<!tpu.dma_semaphore, #tpu.memory_space<semaphore_mem>>) src(%dma_wait3A_3560 : memref<1x64xf32, #tpu.memory_space<hbm>>) dst(%dma_wait3A_3558 : memref<1x64xf32, #tpu.memory_space<vmem>>)
    %dma_wait3A_3561 = arith.constant 150 : i32
    %dma_wait3A_3562 = arith.constant 0 : i32
    %dma_wait3A_3563 = tpu.memref_slice %arg3[%dma_wait3A_3561, %dma_wait3A_3562] : memref<256x64xf32, #tpu.memory_space<vmem>> -> memref<1x64xf32, #tpu.memory_space<vmem>>
    %dma_wait3A_3564 = arith.constant 0 : i32
    %dma_wait3A_3565 = tpu.memref_slice %arg2[%get3A_1651, %dma_wait3A_3564] : memref<1000000x64xf32, #tpu.memory_space<hbm>> -> memref<1x64xf32, #tpu.memory_space<hbm>>
    tpu.wait_dma2 semaphore(%arg4 : memref<!tpu.dma_semaphore, #tpu.memory_space<semaphore_mem>>) src(%dma_wait3A_3565 : memref<1x64xf32, #tpu.memory_space<hbm>>) dst(%dma_wait3A_3563 : memref<1x64xf32, #tpu.memory_space<vmem>>)
    %dma_wait3A_3566 = arith.constant 151 : i32
    %dma_wait3A_3567 = arith.constant 0 : i32
    %dma_wait3A_3568 = tpu.memref_slice %arg3[%dma_wait3A_3566, %dma_wait3A_3567] : memref<256x64xf32, #tpu.memory_space<vmem>> -> memref<1x64xf32, #tpu.memory_space<vmem>>
    %dma_wait3A_3569 = arith.constant 0 : i32
    %dma_wait3A_3570 = tpu.memref_slice %arg2[%get3A_1662, %dma_wait3A_3569] : memref<1000000x64xf32, #tpu.memory_space<hbm>> -> memref<1x64xf32, #tpu.memory_space<hbm>>
    tpu.wait_dma2 semaphore(%arg4 : memref<!tpu.dma_semaphore, #tpu.memory_space<semaphore_mem>>) src(%dma_wait3A_3570 : memref<1x64xf32, #tpu.memory_space<hbm>>) dst(%dma_wait3A_3568 : memref<1x64xf32, #tpu.memory_space<vmem>>)
    %dma_wait3A_3571 = arith.constant 152 : i32
    %dma_wait3A_3572 = arith.constant 0 : i32
    %dma_wait3A_3573 = tpu.memref_slice %arg3[%dma_wait3A_3571, %dma_wait3A_3572] : memref<256x64xf32, #tpu.memory_space<vmem>> -> memref<1x64xf32, #tpu.memory_space<vmem>>
    %dma_wait3A_3574 = arith.constant 0 : i32
    %dma_wait3A_3575 = tpu.memref_slice %arg2[%get3A_1673, %dma_wait3A_3574] : memref<1000000x64xf32, #tpu.memory_space<hbm>> -> memref<1x64xf32, #tpu.memory_space<hbm>>
    tpu.wait_dma2 semaphore(%arg4 : memref<!tpu.dma_semaphore, #tpu.memory_space<semaphore_mem>>) src(%dma_wait3A_3575 : memref<1x64xf32, #tpu.memory_space<hbm>>) dst(%dma_wait3A_3573 : memref<1x64xf32, #tpu.memory_space<vmem>>)
    %dma_wait3A_3576 = arith.constant 153 : i32
    %dma_wait3A_3577 = arith.constant 0 : i32
    %dma_wait3A_3578 = tpu.memref_slice %arg3[%dma_wait3A_3576, %dma_wait3A_3577] : memref<256x64xf32, #tpu.memory_space<vmem>> -> memref<1x64xf32, #tpu.memory_space<vmem>>
    %dma_wait3A_3579 = arith.constant 0 : i32
    %dma_wait3A_3580 = tpu.memref_slice %arg2[%get3A_1684, %dma_wait3A_3579] : memref<1000000x64xf32, #tpu.memory_space<hbm>> -> memref<1x64xf32, #tpu.memory_space<hbm>>
    tpu.wait_dma2 semaphore(%arg4 : memref<!tpu.dma_semaphore, #tpu.memory_space<semaphore_mem>>) src(%dma_wait3A_3580 : memref<1x64xf32, #tpu.memory_space<hbm>>) dst(%dma_wait3A_3578 : memref<1x64xf32, #tpu.memory_space<vmem>>)
    %dma_wait3A_3581 = arith.constant 154 : i32
    %dma_wait3A_3582 = arith.constant 0 : i32
    %dma_wait3A_3583 = tpu.memref_slice %arg3[%dma_wait3A_3581, %dma_wait3A_3582] : memref<256x64xf32, #tpu.memory_space<vmem>> -> memref<1x64xf32, #tpu.memory_space<vmem>>
    %dma_wait3A_3584 = arith.constant 0 : i32
    %dma_wait3A_3585 = tpu.memref_slice %arg2[%get3A_1695, %dma_wait3A_3584] : memref<1000000x64xf32, #tpu.memory_space<hbm>> -> memref<1x64xf32, #tpu.memory_space<hbm>>
    tpu.wait_dma2 semaphore(%arg4 : memref<!tpu.dma_semaphore, #tpu.memory_space<semaphore_mem>>) src(%dma_wait3A_3585 : memref<1x64xf32, #tpu.memory_space<hbm>>) dst(%dma_wait3A_3583 : memref<1x64xf32, #tpu.memory_space<vmem>>)
    %dma_wait3A_3586 = arith.constant 155 : i32
    %dma_wait3A_3587 = arith.constant 0 : i32
    %dma_wait3A_3588 = tpu.memref_slice %arg3[%dma_wait3A_3586, %dma_wait3A_3587] : memref<256x64xf32, #tpu.memory_space<vmem>> -> memref<1x64xf32, #tpu.memory_space<vmem>>
    %dma_wait3A_3589 = arith.constant 0 : i32
    %dma_wait3A_3590 = tpu.memref_slice %arg2[%get3A_1706, %dma_wait3A_3589] : memref<1000000x64xf32, #tpu.memory_space<hbm>> -> memref<1x64xf32, #tpu.memory_space<hbm>>
    tpu.wait_dma2 semaphore(%arg4 : memref<!tpu.dma_semaphore, #tpu.memory_space<semaphore_mem>>) src(%dma_wait3A_3590 : memref<1x64xf32, #tpu.memory_space<hbm>>) dst(%dma_wait3A_3588 : memref<1x64xf32, #tpu.memory_space<vmem>>)
    %dma_wait3A_3591 = arith.constant 156 : i32
    %dma_wait3A_3592 = arith.constant 0 : i32
    %dma_wait3A_3593 = tpu.memref_slice %arg3[%dma_wait3A_3591, %dma_wait3A_3592] : memref<256x64xf32, #tpu.memory_space<vmem>> -> memref<1x64xf32, #tpu.memory_space<vmem>>
    %dma_wait3A_3594 = arith.constant 0 : i32
    %dma_wait3A_3595 = tpu.memref_slice %arg2[%get3A_1717, %dma_wait3A_3594] : memref<1000000x64xf32, #tpu.memory_space<hbm>> -> memref<1x64xf32, #tpu.memory_space<hbm>>
    tpu.wait_dma2 semaphore(%arg4 : memref<!tpu.dma_semaphore, #tpu.memory_space<semaphore_mem>>) src(%dma_wait3A_3595 : memref<1x64xf32, #tpu.memory_space<hbm>>) dst(%dma_wait3A_3593 : memref<1x64xf32, #tpu.memory_space<vmem>>)
    %dma_wait3A_3596 = arith.constant 157 : i32
    %dma_wait3A_3597 = arith.constant 0 : i32
    %dma_wait3A_3598 = tpu.memref_slice %arg3[%dma_wait3A_3596, %dma_wait3A_3597] : memref<256x64xf32, #tpu.memory_space<vmem>> -> memref<1x64xf32, #tpu.memory_space<vmem>>
    %dma_wait3A_3599 = arith.constant 0 : i32
    %dma_wait3A_3600 = tpu.memref_slice %arg2[%get3A_1728, %dma_wait3A_3599] : memref<1000000x64xf32, #tpu.memory_space<hbm>> -> memref<1x64xf32, #tpu.memory_space<hbm>>
    tpu.wait_dma2 semaphore(%arg4 : memref<!tpu.dma_semaphore, #tpu.memory_space<semaphore_mem>>) src(%dma_wait3A_3600 : memref<1x64xf32, #tpu.memory_space<hbm>>) dst(%dma_wait3A_3598 : memref<1x64xf32, #tpu.memory_space<vmem>>)
    %dma_wait3A_3601 = arith.constant 158 : i32
    %dma_wait3A_3602 = arith.constant 0 : i32
    %dma_wait3A_3603 = tpu.memref_slice %arg3[%dma_wait3A_3601, %dma_wait3A_3602] : memref<256x64xf32, #tpu.memory_space<vmem>> -> memref<1x64xf32, #tpu.memory_space<vmem>>
    %dma_wait3A_3604 = arith.constant 0 : i32
    %dma_wait3A_3605 = tpu.memref_slice %arg2[%get3A_1739, %dma_wait3A_3604] : memref<1000000x64xf32, #tpu.memory_space<hbm>> -> memref<1x64xf32, #tpu.memory_space<hbm>>
    tpu.wait_dma2 semaphore(%arg4 : memref<!tpu.dma_semaphore, #tpu.memory_space<semaphore_mem>>) src(%dma_wait3A_3605 : memref<1x64xf32, #tpu.memory_space<hbm>>) dst(%dma_wait3A_3603 : memref<1x64xf32, #tpu.memory_space<vmem>>)
    %dma_wait3A_3606 = arith.constant 159 : i32
    %dma_wait3A_3607 = arith.constant 0 : i32
    %dma_wait3A_3608 = tpu.memref_slice %arg3[%dma_wait3A_3606, %dma_wait3A_3607] : memref<256x64xf32, #tpu.memory_space<vmem>> -> memref<1x64xf32, #tpu.memory_space<vmem>>
    %dma_wait3A_3609 = arith.constant 0 : i32
    %dma_wait3A_3610 = tpu.memref_slice %arg2[%get3A_1750, %dma_wait3A_3609] : memref<1000000x64xf32, #tpu.memory_space<hbm>> -> memref<1x64xf32, #tpu.memory_space<hbm>>
    tpu.wait_dma2 semaphore(%arg4 : memref<!tpu.dma_semaphore, #tpu.memory_space<semaphore_mem>>) src(%dma_wait3A_3610 : memref<1x64xf32, #tpu.memory_space<hbm>>) dst(%dma_wait3A_3608 : memref<1x64xf32, #tpu.memory_space<vmem>>)
    %dma_wait3A_3611 = arith.constant 160 : i32
    %dma_wait3A_3612 = arith.constant 0 : i32
    %dma_wait3A_3613 = tpu.memref_slice %arg3[%dma_wait3A_3611, %dma_wait3A_3612] : memref<256x64xf32, #tpu.memory_space<vmem>> -> memref<1x64xf32, #tpu.memory_space<vmem>>
    %dma_wait3A_3614 = arith.constant 0 : i32
    %dma_wait3A_3615 = tpu.memref_slice %arg2[%get3A_1761, %dma_wait3A_3614] : memref<1000000x64xf32, #tpu.memory_space<hbm>> -> memref<1x64xf32, #tpu.memory_space<hbm>>
    tpu.wait_dma2 semaphore(%arg4 : memref<!tpu.dma_semaphore, #tpu.memory_space<semaphore_mem>>) src(%dma_wait3A_3615 : memref<1x64xf32, #tpu.memory_space<hbm>>) dst(%dma_wait3A_3613 : memref<1x64xf32, #tpu.memory_space<vmem>>)
    %dma_wait3A_3616 = arith.constant 161 : i32
    %dma_wait3A_3617 = arith.constant 0 : i32
    %dma_wait3A_3618 = tpu.memref_slice %arg3[%dma_wait3A_3616, %dma_wait3A_3617] : memref<256x64xf32, #tpu.memory_space<vmem>> -> memref<1x64xf32, #tpu.memory_space<vmem>>
    %dma_wait3A_3619 = arith.constant 0 : i32
    %dma_wait3A_3620 = tpu.memref_slice %arg2[%get3A_1772, %dma_wait3A_3619] : memref<1000000x64xf32, #tpu.memory_space<hbm>> -> memref<1x64xf32, #tpu.memory_space<hbm>>
    tpu.wait_dma2 semaphore(%arg4 : memref<!tpu.dma_semaphore, #tpu.memory_space<semaphore_mem>>) src(%dma_wait3A_3620 : memref<1x64xf32, #tpu.memory_space<hbm>>) dst(%dma_wait3A_3618 : memref<1x64xf32, #tpu.memory_space<vmem>>)
    %dma_wait3A_3621 = arith.constant 162 : i32
    %dma_wait3A_3622 = arith.constant 0 : i32
    %dma_wait3A_3623 = tpu.memref_slice %arg3[%dma_wait3A_3621, %dma_wait3A_3622] : memref<256x64xf32, #tpu.memory_space<vmem>> -> memref<1x64xf32, #tpu.memory_space<vmem>>
    %dma_wait3A_3624 = arith.constant 0 : i32
    %dma_wait3A_3625 = tpu.memref_slice %arg2[%get3A_1783, %dma_wait3A_3624] : memref<1000000x64xf32, #tpu.memory_space<hbm>> -> memref<1x64xf32, #tpu.memory_space<hbm>>
    tpu.wait_dma2 semaphore(%arg4 : memref<!tpu.dma_semaphore, #tpu.memory_space<semaphore_mem>>) src(%dma_wait3A_3625 : memref<1x64xf32, #tpu.memory_space<hbm>>) dst(%dma_wait3A_3623 : memref<1x64xf32, #tpu.memory_space<vmem>>)
    %dma_wait3A_3626 = arith.constant 163 : i32
    %dma_wait3A_3627 = arith.constant 0 : i32
    %dma_wait3A_3628 = tpu.memref_slice %arg3[%dma_wait3A_3626, %dma_wait3A_3627] : memref<256x64xf32, #tpu.memory_space<vmem>> -> memref<1x64xf32, #tpu.memory_space<vmem>>
    %dma_wait3A_3629 = arith.constant 0 : i32
    %dma_wait3A_3630 = tpu.memref_slice %arg2[%get3A_1794, %dma_wait3A_3629] : memref<1000000x64xf32, #tpu.memory_space<hbm>> -> memref<1x64xf32, #tpu.memory_space<hbm>>
    tpu.wait_dma2 semaphore(%arg4 : memref<!tpu.dma_semaphore, #tpu.memory_space<semaphore_mem>>) src(%dma_wait3A_3630 : memref<1x64xf32, #tpu.memory_space<hbm>>) dst(%dma_wait3A_3628 : memref<1x64xf32, #tpu.memory_space<vmem>>)
    %dma_wait3A_3631 = arith.constant 164 : i32
    %dma_wait3A_3632 = arith.constant 0 : i32
    %dma_wait3A_3633 = tpu.memref_slice %arg3[%dma_wait3A_3631, %dma_wait3A_3632] : memref<256x64xf32, #tpu.memory_space<vmem>> -> memref<1x64xf32, #tpu.memory_space<vmem>>
    %dma_wait3A_3634 = arith.constant 0 : i32
    %dma_wait3A_3635 = tpu.memref_slice %arg2[%get3A_1805, %dma_wait3A_3634] : memref<1000000x64xf32, #tpu.memory_space<hbm>> -> memref<1x64xf32, #tpu.memory_space<hbm>>
    tpu.wait_dma2 semaphore(%arg4 : memref<!tpu.dma_semaphore, #tpu.memory_space<semaphore_mem>>) src(%dma_wait3A_3635 : memref<1x64xf32, #tpu.memory_space<hbm>>) dst(%dma_wait3A_3633 : memref<1x64xf32, #tpu.memory_space<vmem>>)
    %dma_wait3A_3636 = arith.constant 165 : i32
    %dma_wait3A_3637 = arith.constant 0 : i32
    %dma_wait3A_3638 = tpu.memref_slice %arg3[%dma_wait3A_3636, %dma_wait3A_3637] : memref<256x64xf32, #tpu.memory_space<vmem>> -> memref<1x64xf32, #tpu.memory_space<vmem>>
    %dma_wait3A_3639 = arith.constant 0 : i32
    %dma_wait3A_3640 = tpu.memref_slice %arg2[%get3A_1816, %dma_wait3A_3639] : memref<1000000x64xf32, #tpu.memory_space<hbm>> -> memref<1x64xf32, #tpu.memory_space<hbm>>
    tpu.wait_dma2 semaphore(%arg4 : memref<!tpu.dma_semaphore, #tpu.memory_space<semaphore_mem>>) src(%dma_wait3A_3640 : memref<1x64xf32, #tpu.memory_space<hbm>>) dst(%dma_wait3A_3638 : memref<1x64xf32, #tpu.memory_space<vmem>>)
    %dma_wait3A_3641 = arith.constant 166 : i32
    %dma_wait3A_3642 = arith.constant 0 : i32
    %dma_wait3A_3643 = tpu.memref_slice %arg3[%dma_wait3A_3641, %dma_wait3A_3642] : memref<256x64xf32, #tpu.memory_space<vmem>> -> memref<1x64xf32, #tpu.memory_space<vmem>>
    %dma_wait3A_3644 = arith.constant 0 : i32
    %dma_wait3A_3645 = tpu.memref_slice %arg2[%get3A_1827, %dma_wait3A_3644] : memref<1000000x64xf32, #tpu.memory_space<hbm>> -> memref<1x64xf32, #tpu.memory_space<hbm>>
    tpu.wait_dma2 semaphore(%arg4 : memref<!tpu.dma_semaphore, #tpu.memory_space<semaphore_mem>>) src(%dma_wait3A_3645 : memref<1x64xf32, #tpu.memory_space<hbm>>) dst(%dma_wait3A_3643 : memref<1x64xf32, #tpu.memory_space<vmem>>)
    %dma_wait3A_3646 = arith.constant 167 : i32
    %dma_wait3A_3647 = arith.constant 0 : i32
    %dma_wait3A_3648 = tpu.memref_slice %arg3[%dma_wait3A_3646, %dma_wait3A_3647] : memref<256x64xf32, #tpu.memory_space<vmem>> -> memref<1x64xf32, #tpu.memory_space<vmem>>
    %dma_wait3A_3649 = arith.constant 0 : i32
    %dma_wait3A_3650 = tpu.memref_slice %arg2[%get3A_1838, %dma_wait3A_3649] : memref<1000000x64xf32, #tpu.memory_space<hbm>> -> memref<1x64xf32, #tpu.memory_space<hbm>>
    tpu.wait_dma2 semaphore(%arg4 : memref<!tpu.dma_semaphore, #tpu.memory_space<semaphore_mem>>) src(%dma_wait3A_3650 : memref<1x64xf32, #tpu.memory_space<hbm>>) dst(%dma_wait3A_3648 : memref<1x64xf32, #tpu.memory_space<vmem>>)
    %dma_wait3A_3651 = arith.constant 168 : i32
    %dma_wait3A_3652 = arith.constant 0 : i32
    %dma_wait3A_3653 = tpu.memref_slice %arg3[%dma_wait3A_3651, %dma_wait3A_3652] : memref<256x64xf32, #tpu.memory_space<vmem>> -> memref<1x64xf32, #tpu.memory_space<vmem>>
    %dma_wait3A_3654 = arith.constant 0 : i32
    %dma_wait3A_3655 = tpu.memref_slice %arg2[%get3A_1849, %dma_wait3A_3654] : memref<1000000x64xf32, #tpu.memory_space<hbm>> -> memref<1x64xf32, #tpu.memory_space<hbm>>
    tpu.wait_dma2 semaphore(%arg4 : memref<!tpu.dma_semaphore, #tpu.memory_space<semaphore_mem>>) src(%dma_wait3A_3655 : memref<1x64xf32, #tpu.memory_space<hbm>>) dst(%dma_wait3A_3653 : memref<1x64xf32, #tpu.memory_space<vmem>>)
    %dma_wait3A_3656 = arith.constant 169 : i32
    %dma_wait3A_3657 = arith.constant 0 : i32
    %dma_wait3A_3658 = tpu.memref_slice %arg3[%dma_wait3A_3656, %dma_wait3A_3657] : memref<256x64xf32, #tpu.memory_space<vmem>> -> memref<1x64xf32, #tpu.memory_space<vmem>>
    %dma_wait3A_3659 = arith.constant 0 : i32
    %dma_wait3A_3660 = tpu.memref_slice %arg2[%get3A_1860, %dma_wait3A_3659] : memref<1000000x64xf32, #tpu.memory_space<hbm>> -> memref<1x64xf32, #tpu.memory_space<hbm>>
    tpu.wait_dma2 semaphore(%arg4 : memref<!tpu.dma_semaphore, #tpu.memory_space<semaphore_mem>>) src(%dma_wait3A_3660 : memref<1x64xf32, #tpu.memory_space<hbm>>) dst(%dma_wait3A_3658 : memref<1x64xf32, #tpu.memory_space<vmem>>)
    %dma_wait3A_3661 = arith.constant 170 : i32
    %dma_wait3A_3662 = arith.constant 0 : i32
    %dma_wait3A_3663 = tpu.memref_slice %arg3[%dma_wait3A_3661, %dma_wait3A_3662] : memref<256x64xf32, #tpu.memory_space<vmem>> -> memref<1x64xf32, #tpu.memory_space<vmem>>
    %dma_wait3A_3664 = arith.constant 0 : i32
    %dma_wait3A_3665 = tpu.memref_slice %arg2[%get3A_1871, %dma_wait3A_3664] : memref<1000000x64xf32, #tpu.memory_space<hbm>> -> memref<1x64xf32, #tpu.memory_space<hbm>>
    tpu.wait_dma2 semaphore(%arg4 : memref<!tpu.dma_semaphore, #tpu.memory_space<semaphore_mem>>) src(%dma_wait3A_3665 : memref<1x64xf32, #tpu.memory_space<hbm>>) dst(%dma_wait3A_3663 : memref<1x64xf32, #tpu.memory_space<vmem>>)
    %dma_wait3A_3666 = arith.constant 171 : i32
    %dma_wait3A_3667 = arith.constant 0 : i32
    %dma_wait3A_3668 = tpu.memref_slice %arg3[%dma_wait3A_3666, %dma_wait3A_3667] : memref<256x64xf32, #tpu.memory_space<vmem>> -> memref<1x64xf32, #tpu.memory_space<vmem>>
    %dma_wait3A_3669 = arith.constant 0 : i32
    %dma_wait3A_3670 = tpu.memref_slice %arg2[%get3A_1882, %dma_wait3A_3669] : memref<1000000x64xf32, #tpu.memory_space<hbm>> -> memref<1x64xf32, #tpu.memory_space<hbm>>
    tpu.wait_dma2 semaphore(%arg4 : memref<!tpu.dma_semaphore, #tpu.memory_space<semaphore_mem>>) src(%dma_wait3A_3670 : memref<1x64xf32, #tpu.memory_space<hbm>>) dst(%dma_wait3A_3668 : memref<1x64xf32, #tpu.memory_space<vmem>>)
    %dma_wait3A_3671 = arith.constant 172 : i32
    %dma_wait3A_3672 = arith.constant 0 : i32
    %dma_wait3A_3673 = tpu.memref_slice %arg3[%dma_wait3A_3671, %dma_wait3A_3672] : memref<256x64xf32, #tpu.memory_space<vmem>> -> memref<1x64xf32, #tpu.memory_space<vmem>>
    %dma_wait3A_3674 = arith.constant 0 : i32
    %dma_wait3A_3675 = tpu.memref_slice %arg2[%get3A_1893, %dma_wait3A_3674] : memref<1000000x64xf32, #tpu.memory_space<hbm>> -> memref<1x64xf32, #tpu.memory_space<hbm>>
    tpu.wait_dma2 semaphore(%arg4 : memref<!tpu.dma_semaphore, #tpu.memory_space<semaphore_mem>>) src(%dma_wait3A_3675 : memref<1x64xf32, #tpu.memory_space<hbm>>) dst(%dma_wait3A_3673 : memref<1x64xf32, #tpu.memory_space<vmem>>)
    %dma_wait3A_3676 = arith.constant 173 : i32
    %dma_wait3A_3677 = arith.constant 0 : i32
    %dma_wait3A_3678 = tpu.memref_slice %arg3[%dma_wait3A_3676, %dma_wait3A_3677] : memref<256x64xf32, #tpu.memory_space<vmem>> -> memref<1x64xf32, #tpu.memory_space<vmem>>
    %dma_wait3A_3679 = arith.constant 0 : i32
    %dma_wait3A_3680 = tpu.memref_slice %arg2[%get3A_1904, %dma_wait3A_3679] : memref<1000000x64xf32, #tpu.memory_space<hbm>> -> memref<1x64xf32, #tpu.memory_space<hbm>>
    tpu.wait_dma2 semaphore(%arg4 : memref<!tpu.dma_semaphore, #tpu.memory_space<semaphore_mem>>) src(%dma_wait3A_3680 : memref<1x64xf32, #tpu.memory_space<hbm>>) dst(%dma_wait3A_3678 : memref<1x64xf32, #tpu.memory_space<vmem>>)
    %dma_wait3A_3681 = arith.constant 174 : i32
    %dma_wait3A_3682 = arith.constant 0 : i32
    %dma_wait3A_3683 = tpu.memref_slice %arg3[%dma_wait3A_3681, %dma_wait3A_3682] : memref<256x64xf32, #tpu.memory_space<vmem>> -> memref<1x64xf32, #tpu.memory_space<vmem>>
    %dma_wait3A_3684 = arith.constant 0 : i32
    %dma_wait3A_3685 = tpu.memref_slice %arg2[%get3A_1915, %dma_wait3A_3684] : memref<1000000x64xf32, #tpu.memory_space<hbm>> -> memref<1x64xf32, #tpu.memory_space<hbm>>
    tpu.wait_dma2 semaphore(%arg4 : memref<!tpu.dma_semaphore, #tpu.memory_space<semaphore_mem>>) src(%dma_wait3A_3685 : memref<1x64xf32, #tpu.memory_space<hbm>>) dst(%dma_wait3A_3683 : memref<1x64xf32, #tpu.memory_space<vmem>>)
    %dma_wait3A_3686 = arith.constant 175 : i32
    %dma_wait3A_3687 = arith.constant 0 : i32
    %dma_wait3A_3688 = tpu.memref_slice %arg3[%dma_wait3A_3686, %dma_wait3A_3687] : memref<256x64xf32, #tpu.memory_space<vmem>> -> memref<1x64xf32, #tpu.memory_space<vmem>>
    %dma_wait3A_3689 = arith.constant 0 : i32
    %dma_wait3A_3690 = tpu.memref_slice %arg2[%get3A_1926, %dma_wait3A_3689] : memref<1000000x64xf32, #tpu.memory_space<hbm>> -> memref<1x64xf32, #tpu.memory_space<hbm>>
    tpu.wait_dma2 semaphore(%arg4 : memref<!tpu.dma_semaphore, #tpu.memory_space<semaphore_mem>>) src(%dma_wait3A_3690 : memref<1x64xf32, #tpu.memory_space<hbm>>) dst(%dma_wait3A_3688 : memref<1x64xf32, #tpu.memory_space<vmem>>)
    %dma_wait3A_3691 = arith.constant 176 : i32
    %dma_wait3A_3692 = arith.constant 0 : i32
    %dma_wait3A_3693 = tpu.memref_slice %arg3[%dma_wait3A_3691, %dma_wait3A_3692] : memref<256x64xf32, #tpu.memory_space<vmem>> -> memref<1x64xf32, #tpu.memory_space<vmem>>
    %dma_wait3A_3694 = arith.constant 0 : i32
    %dma_wait3A_3695 = tpu.memref_slice %arg2[%get3A_1937, %dma_wait3A_3694] : memref<1000000x64xf32, #tpu.memory_space<hbm>> -> memref<1x64xf32, #tpu.memory_space<hbm>>
    tpu.wait_dma2 semaphore(%arg4 : memref<!tpu.dma_semaphore, #tpu.memory_space<semaphore_mem>>) src(%dma_wait3A_3695 : memref<1x64xf32, #tpu.memory_space<hbm>>) dst(%dma_wait3A_3693 : memref<1x64xf32, #tpu.memory_space<vmem>>)
    %dma_wait3A_3696 = arith.constant 177 : i32
    %dma_wait3A_3697 = arith.constant 0 : i32
    %dma_wait3A_3698 = tpu.memref_slice %arg3[%dma_wait3A_3696, %dma_wait3A_3697] : memref<256x64xf32, #tpu.memory_space<vmem>> -> memref<1x64xf32, #tpu.memory_space<vmem>>
    %dma_wait3A_3699 = arith.constant 0 : i32
    %dma_wait3A_3700 = tpu.memref_slice %arg2[%get3A_1948, %dma_wait3A_3699] : memref<1000000x64xf32, #tpu.memory_space<hbm>> -> memref<1x64xf32, #tpu.memory_space<hbm>>
    tpu.wait_dma2 semaphore(%arg4 : memref<!tpu.dma_semaphore, #tpu.memory_space<semaphore_mem>>) src(%dma_wait3A_3700 : memref<1x64xf32, #tpu.memory_space<hbm>>) dst(%dma_wait3A_3698 : memref<1x64xf32, #tpu.memory_space<vmem>>)
    %dma_wait3A_3701 = arith.constant 178 : i32
    %dma_wait3A_3702 = arith.constant 0 : i32
    %dma_wait3A_3703 = tpu.memref_slice %arg3[%dma_wait3A_3701, %dma_wait3A_3702] : memref<256x64xf32, #tpu.memory_space<vmem>> -> memref<1x64xf32, #tpu.memory_space<vmem>>
    %dma_wait3A_3704 = arith.constant 0 : i32
    %dma_wait3A_3705 = tpu.memref_slice %arg2[%get3A_1959, %dma_wait3A_3704] : memref<1000000x64xf32, #tpu.memory_space<hbm>> -> memref<1x64xf32, #tpu.memory_space<hbm>>
    tpu.wait_dma2 semaphore(%arg4 : memref<!tpu.dma_semaphore, #tpu.memory_space<semaphore_mem>>) src(%dma_wait3A_3705 : memref<1x64xf32, #tpu.memory_space<hbm>>) dst(%dma_wait3A_3703 : memref<1x64xf32, #tpu.memory_space<vmem>>)
    %dma_wait3A_3706 = arith.constant 179 : i32
    %dma_wait3A_3707 = arith.constant 0 : i32
    %dma_wait3A_3708 = tpu.memref_slice %arg3[%dma_wait3A_3706, %dma_wait3A_3707] : memref<256x64xf32, #tpu.memory_space<vmem>> -> memref<1x64xf32, #tpu.memory_space<vmem>>
    %dma_wait3A_3709 = arith.constant 0 : i32
    %dma_wait3A_3710 = tpu.memref_slice %arg2[%get3A_1970, %dma_wait3A_3709] : memref<1000000x64xf32, #tpu.memory_space<hbm>> -> memref<1x64xf32, #tpu.memory_space<hbm>>
    tpu.wait_dma2 semaphore(%arg4 : memref<!tpu.dma_semaphore, #tpu.memory_space<semaphore_mem>>) src(%dma_wait3A_3710 : memref<1x64xf32, #tpu.memory_space<hbm>>) dst(%dma_wait3A_3708 : memref<1x64xf32, #tpu.memory_space<vmem>>)
    %dma_wait3A_3711 = arith.constant 180 : i32
    %dma_wait3A_3712 = arith.constant 0 : i32
    %dma_wait3A_3713 = tpu.memref_slice %arg3[%dma_wait3A_3711, %dma_wait3A_3712] : memref<256x64xf32, #tpu.memory_space<vmem>> -> memref<1x64xf32, #tpu.memory_space<vmem>>
    %dma_wait3A_3714 = arith.constant 0 : i32
    %dma_wait3A_3715 = tpu.memref_slice %arg2[%get3A_1981, %dma_wait3A_3714] : memref<1000000x64xf32, #tpu.memory_space<hbm>> -> memref<1x64xf32, #tpu.memory_space<hbm>>
    tpu.wait_dma2 semaphore(%arg4 : memref<!tpu.dma_semaphore, #tpu.memory_space<semaphore_mem>>) src(%dma_wait3A_3715 : memref<1x64xf32, #tpu.memory_space<hbm>>) dst(%dma_wait3A_3713 : memref<1x64xf32, #tpu.memory_space<vmem>>)
    %dma_wait3A_3716 = arith.constant 181 : i32
    %dma_wait3A_3717 = arith.constant 0 : i32
    %dma_wait3A_3718 = tpu.memref_slice %arg3[%dma_wait3A_3716, %dma_wait3A_3717] : memref<256x64xf32, #tpu.memory_space<vmem>> -> memref<1x64xf32, #tpu.memory_space<vmem>>
    %dma_wait3A_3719 = arith.constant 0 : i32
    %dma_wait3A_3720 = tpu.memref_slice %arg2[%get3A_1992, %dma_wait3A_3719] : memref<1000000x64xf32, #tpu.memory_space<hbm>> -> memref<1x64xf32, #tpu.memory_space<hbm>>
    tpu.wait_dma2 semaphore(%arg4 : memref<!tpu.dma_semaphore, #tpu.memory_space<semaphore_mem>>) src(%dma_wait3A_3720 : memref<1x64xf32, #tpu.memory_space<hbm>>) dst(%dma_wait3A_3718 : memref<1x64xf32, #tpu.memory_space<vmem>>)
    %dma_wait3A_3721 = arith.constant 182 : i32
    %dma_wait3A_3722 = arith.constant 0 : i32
    %dma_wait3A_3723 = tpu.memref_slice %arg3[%dma_wait3A_3721, %dma_wait3A_3722] : memref<256x64xf32, #tpu.memory_space<vmem>> -> memref<1x64xf32, #tpu.memory_space<vmem>>
    %dma_wait3A_3724 = arith.constant 0 : i32
    %dma_wait3A_3725 = tpu.memref_slice %arg2[%get3A_2003, %dma_wait3A_3724] : memref<1000000x64xf32, #tpu.memory_space<hbm>> -> memref<1x64xf32, #tpu.memory_space<hbm>>
    tpu.wait_dma2 semaphore(%arg4 : memref<!tpu.dma_semaphore, #tpu.memory_space<semaphore_mem>>) src(%dma_wait3A_3725 : memref<1x64xf32, #tpu.memory_space<hbm>>) dst(%dma_wait3A_3723 : memref<1x64xf32, #tpu.memory_space<vmem>>)
    %dma_wait3A_3726 = arith.constant 183 : i32
    %dma_wait3A_3727 = arith.constant 0 : i32
    %dma_wait3A_3728 = tpu.memref_slice %arg3[%dma_wait3A_3726, %dma_wait3A_3727] : memref<256x64xf32, #tpu.memory_space<vmem>> -> memref<1x64xf32, #tpu.memory_space<vmem>>
    %dma_wait3A_3729 = arith.constant 0 : i32
    %dma_wait3A_3730 = tpu.memref_slice %arg2[%get3A_2014, %dma_wait3A_3729] : memref<1000000x64xf32, #tpu.memory_space<hbm>> -> memref<1x64xf32, #tpu.memory_space<hbm>>
    tpu.wait_dma2 semaphore(%arg4 : memref<!tpu.dma_semaphore, #tpu.memory_space<semaphore_mem>>) src(%dma_wait3A_3730 : memref<1x64xf32, #tpu.memory_space<hbm>>) dst(%dma_wait3A_3728 : memref<1x64xf32, #tpu.memory_space<vmem>>)
    %dma_wait3A_3731 = arith.constant 184 : i32
    %dma_wait3A_3732 = arith.constant 0 : i32
    %dma_wait3A_3733 = tpu.memref_slice %arg3[%dma_wait3A_3731, %dma_wait3A_3732] : memref<256x64xf32, #tpu.memory_space<vmem>> -> memref<1x64xf32, #tpu.memory_space<vmem>>
    %dma_wait3A_3734 = arith.constant 0 : i32
    %dma_wait3A_3735 = tpu.memref_slice %arg2[%get3A_2025, %dma_wait3A_3734] : memref<1000000x64xf32, #tpu.memory_space<hbm>> -> memref<1x64xf32, #tpu.memory_space<hbm>>
    tpu.wait_dma2 semaphore(%arg4 : memref<!tpu.dma_semaphore, #tpu.memory_space<semaphore_mem>>) src(%dma_wait3A_3735 : memref<1x64xf32, #tpu.memory_space<hbm>>) dst(%dma_wait3A_3733 : memref<1x64xf32, #tpu.memory_space<vmem>>)
    %dma_wait3A_3736 = arith.constant 185 : i32
    %dma_wait3A_3737 = arith.constant 0 : i32
    %dma_wait3A_3738 = tpu.memref_slice %arg3[%dma_wait3A_3736, %dma_wait3A_3737] : memref<256x64xf32, #tpu.memory_space<vmem>> -> memref<1x64xf32, #tpu.memory_space<vmem>>
    %dma_wait3A_3739 = arith.constant 0 : i32
    %dma_wait3A_3740 = tpu.memref_slice %arg2[%get3A_2036, %dma_wait3A_3739] : memref<1000000x64xf32, #tpu.memory_space<hbm>> -> memref<1x64xf32, #tpu.memory_space<hbm>>
    tpu.wait_dma2 semaphore(%arg4 : memref<!tpu.dma_semaphore, #tpu.memory_space<semaphore_mem>>) src(%dma_wait3A_3740 : memref<1x64xf32, #tpu.memory_space<hbm>>) dst(%dma_wait3A_3738 : memref<1x64xf32, #tpu.memory_space<vmem>>)
    %dma_wait3A_3741 = arith.constant 186 : i32
    %dma_wait3A_3742 = arith.constant 0 : i32
    %dma_wait3A_3743 = tpu.memref_slice %arg3[%dma_wait3A_3741, %dma_wait3A_3742] : memref<256x64xf32, #tpu.memory_space<vmem>> -> memref<1x64xf32, #tpu.memory_space<vmem>>
    %dma_wait3A_3744 = arith.constant 0 : i32
    %dma_wait3A_3745 = tpu.memref_slice %arg2[%get3A_2047, %dma_wait3A_3744] : memref<1000000x64xf32, #tpu.memory_space<hbm>> -> memref<1x64xf32, #tpu.memory_space<hbm>>
    tpu.wait_dma2 semaphore(%arg4 : memref<!tpu.dma_semaphore, #tpu.memory_space<semaphore_mem>>) src(%dma_wait3A_3745 : memref<1x64xf32, #tpu.memory_space<hbm>>) dst(%dma_wait3A_3743 : memref<1x64xf32, #tpu.memory_space<vmem>>)
    %dma_wait3A_3746 = arith.constant 187 : i32
    %dma_wait3A_3747 = arith.constant 0 : i32
    %dma_wait3A_3748 = tpu.memref_slice %arg3[%dma_wait3A_3746, %dma_wait3A_3747] : memref<256x64xf32, #tpu.memory_space<vmem>> -> memref<1x64xf32, #tpu.memory_space<vmem>>
    %dma_wait3A_3749 = arith.constant 0 : i32
    %dma_wait3A_3750 = tpu.memref_slice %arg2[%get3A_2058, %dma_wait3A_3749] : memref<1000000x64xf32, #tpu.memory_space<hbm>> -> memref<1x64xf32, #tpu.memory_space<hbm>>
    tpu.wait_dma2 semaphore(%arg4 : memref<!tpu.dma_semaphore, #tpu.memory_space<semaphore_mem>>) src(%dma_wait3A_3750 : memref<1x64xf32, #tpu.memory_space<hbm>>) dst(%dma_wait3A_3748 : memref<1x64xf32, #tpu.memory_space<vmem>>)
    %dma_wait3A_3751 = arith.constant 188 : i32
    %dma_wait3A_3752 = arith.constant 0 : i32
    %dma_wait3A_3753 = tpu.memref_slice %arg3[%dma_wait3A_3751, %dma_wait3A_3752] : memref<256x64xf32, #tpu.memory_space<vmem>> -> memref<1x64xf32, #tpu.memory_space<vmem>>
    %dma_wait3A_3754 = arith.constant 0 : i32
    %dma_wait3A_3755 = tpu.memref_slice %arg2[%get3A_2069, %dma_wait3A_3754] : memref<1000000x64xf32, #tpu.memory_space<hbm>> -> memref<1x64xf32, #tpu.memory_space<hbm>>
    tpu.wait_dma2 semaphore(%arg4 : memref<!tpu.dma_semaphore, #tpu.memory_space<semaphore_mem>>) src(%dma_wait3A_3755 : memref<1x64xf32, #tpu.memory_space<hbm>>) dst(%dma_wait3A_3753 : memref<1x64xf32, #tpu.memory_space<vmem>>)
    %dma_wait3A_3756 = arith.constant 189 : i32
    %dma_wait3A_3757 = arith.constant 0 : i32
    %dma_wait3A_3758 = tpu.memref_slice %arg3[%dma_wait3A_3756, %dma_wait3A_3757] : memref<256x64xf32, #tpu.memory_space<vmem>> -> memref<1x64xf32, #tpu.memory_space<vmem>>
    %dma_wait3A_3759 = arith.constant 0 : i32
    %dma_wait3A_3760 = tpu.memref_slice %arg2[%get3A_2080, %dma_wait3A_3759] : memref<1000000x64xf32, #tpu.memory_space<hbm>> -> memref<1x64xf32, #tpu.memory_space<hbm>>
    tpu.wait_dma2 semaphore(%arg4 : memref<!tpu.dma_semaphore, #tpu.memory_space<semaphore_mem>>) src(%dma_wait3A_3760 : memref<1x64xf32, #tpu.memory_space<hbm>>) dst(%dma_wait3A_3758 : memref<1x64xf32, #tpu.memory_space<vmem>>)
    %dma_wait3A_3761 = arith.constant 190 : i32
    %dma_wait3A_3762 = arith.constant 0 : i32
    %dma_wait3A_3763 = tpu.memref_slice %arg3[%dma_wait3A_3761, %dma_wait3A_3762] : memref<256x64xf32, #tpu.memory_space<vmem>> -> memref<1x64xf32, #tpu.memory_space<vmem>>
    %dma_wait3A_3764 = arith.constant 0 : i32
    %dma_wait3A_3765 = tpu.memref_slice %arg2[%get3A_2091, %dma_wait3A_3764] : memref<1000000x64xf32, #tpu.memory_space<hbm>> -> memref<1x64xf32, #tpu.memory_space<hbm>>
    tpu.wait_dma2 semaphore(%arg4 : memref<!tpu.dma_semaphore, #tpu.memory_space<semaphore_mem>>) src(%dma_wait3A_3765 : memref<1x64xf32, #tpu.memory_space<hbm>>) dst(%dma_wait3A_3763 : memref<1x64xf32, #tpu.memory_space<vmem>>)
    %dma_wait3A_3766 = arith.constant 191 : i32
    %dma_wait3A_3767 = arith.constant 0 : i32
    %dma_wait3A_3768 = tpu.memref_slice %arg3[%dma_wait3A_3766, %dma_wait3A_3767] : memref<256x64xf32, #tpu.memory_space<vmem>> -> memref<1x64xf32, #tpu.memory_space<vmem>>
    %dma_wait3A_3769 = arith.constant 0 : i32
    %dma_wait3A_3770 = tpu.memref_slice %arg2[%get3A_2102, %dma_wait3A_3769] : memref<1000000x64xf32, #tpu.memory_space<hbm>> -> memref<1x64xf32, #tpu.memory_space<hbm>>
    tpu.wait_dma2 semaphore(%arg4 : memref<!tpu.dma_semaphore, #tpu.memory_space<semaphore_mem>>) src(%dma_wait3A_3770 : memref<1x64xf32, #tpu.memory_space<hbm>>) dst(%dma_wait3A_3768 : memref<1x64xf32, #tpu.memory_space<vmem>>)
    %dma_wait3A_3771 = arith.constant 192 : i32
    %dma_wait3A_3772 = arith.constant 0 : i32
    %dma_wait3A_3773 = tpu.memref_slice %arg3[%dma_wait3A_3771, %dma_wait3A_3772] : memref<256x64xf32, #tpu.memory_space<vmem>> -> memref<1x64xf32, #tpu.memory_space<vmem>>
    %dma_wait3A_3774 = arith.constant 0 : i32
    %dma_wait3A_3775 = tpu.memref_slice %arg2[%get3A_2113, %dma_wait3A_3774] : memref<1000000x64xf32, #tpu.memory_space<hbm>> -> memref<1x64xf32, #tpu.memory_space<hbm>>
    tpu.wait_dma2 semaphore(%arg4 : memref<!tpu.dma_semaphore, #tpu.memory_space<semaphore_mem>>) src(%dma_wait3A_3775 : memref<1x64xf32, #tpu.memory_space<hbm>>) dst(%dma_wait3A_3773 : memref<1x64xf32, #tpu.memory_space<vmem>>)
    %dma_wait3A_3776 = arith.constant 193 : i32
    %dma_wait3A_3777 = arith.constant 0 : i32
    %dma_wait3A_3778 = tpu.memref_slice %arg3[%dma_wait3A_3776, %dma_wait3A_3777] : memref<256x64xf32, #tpu.memory_space<vmem>> -> memref<1x64xf32, #tpu.memory_space<vmem>>
    %dma_wait3A_3779 = arith.constant 0 : i32
    %dma_wait3A_3780 = tpu.memref_slice %arg2[%get3A_2124, %dma_wait3A_3779] : memref<1000000x64xf32, #tpu.memory_space<hbm>> -> memref<1x64xf32, #tpu.memory_space<hbm>>
    tpu.wait_dma2 semaphore(%arg4 : memref<!tpu.dma_semaphore, #tpu.memory_space<semaphore_mem>>) src(%dma_wait3A_3780 : memref<1x64xf32, #tpu.memory_space<hbm>>) dst(%dma_wait3A_3778 : memref<1x64xf32, #tpu.memory_space<vmem>>)
    %dma_wait3A_3781 = arith.constant 194 : i32
    %dma_wait3A_3782 = arith.constant 0 : i32
    %dma_wait3A_3783 = tpu.memref_slice %arg3[%dma_wait3A_3781, %dma_wait3A_3782] : memref<256x64xf32, #tpu.memory_space<vmem>> -> memref<1x64xf32, #tpu.memory_space<vmem>>
    %dma_wait3A_3784 = arith.constant 0 : i32
    %dma_wait3A_3785 = tpu.memref_slice %arg2[%get3A_2135, %dma_wait3A_3784] : memref<1000000x64xf32, #tpu.memory_space<hbm>> -> memref<1x64xf32, #tpu.memory_space<hbm>>
    tpu.wait_dma2 semaphore(%arg4 : memref<!tpu.dma_semaphore, #tpu.memory_space<semaphore_mem>>) src(%dma_wait3A_3785 : memref<1x64xf32, #tpu.memory_space<hbm>>) dst(%dma_wait3A_3783 : memref<1x64xf32, #tpu.memory_space<vmem>>)
    %dma_wait3A_3786 = arith.constant 195 : i32
    %dma_wait3A_3787 = arith.constant 0 : i32
    %dma_wait3A_3788 = tpu.memref_slice %arg3[%dma_wait3A_3786, %dma_wait3A_3787] : memref<256x64xf32, #tpu.memory_space<vmem>> -> memref<1x64xf32, #tpu.memory_space<vmem>>
    %dma_wait3A_3789 = arith.constant 0 : i32
    %dma_wait3A_3790 = tpu.memref_slice %arg2[%get3A_2146, %dma_wait3A_3789] : memref<1000000x64xf32, #tpu.memory_space<hbm>> -> memref<1x64xf32, #tpu.memory_space<hbm>>
    tpu.wait_dma2 semaphore(%arg4 : memref<!tpu.dma_semaphore, #tpu.memory_space<semaphore_mem>>) src(%dma_wait3A_3790 : memref<1x64xf32, #tpu.memory_space<hbm>>) dst(%dma_wait3A_3788 : memref<1x64xf32, #tpu.memory_space<vmem>>)
    %dma_wait3A_3791 = arith.constant 196 : i32
    %dma_wait3A_3792 = arith.constant 0 : i32
    %dma_wait3A_3793 = tpu.memref_slice %arg3[%dma_wait3A_3791, %dma_wait3A_3792] : memref<256x64xf32, #tpu.memory_space<vmem>> -> memref<1x64xf32, #tpu.memory_space<vmem>>
    %dma_wait3A_3794 = arith.constant 0 : i32
    %dma_wait3A_3795 = tpu.memref_slice %arg2[%get3A_2157, %dma_wait3A_3794] : memref<1000000x64xf32, #tpu.memory_space<hbm>> -> memref<1x64xf32, #tpu.memory_space<hbm>>
    tpu.wait_dma2 semaphore(%arg4 : memref<!tpu.dma_semaphore, #tpu.memory_space<semaphore_mem>>) src(%dma_wait3A_3795 : memref<1x64xf32, #tpu.memory_space<hbm>>) dst(%dma_wait3A_3793 : memref<1x64xf32, #tpu.memory_space<vmem>>)
    %dma_wait3A_3796 = arith.constant 197 : i32
    %dma_wait3A_3797 = arith.constant 0 : i32
    %dma_wait3A_3798 = tpu.memref_slice %arg3[%dma_wait3A_3796, %dma_wait3A_3797] : memref<256x64xf32, #tpu.memory_space<vmem>> -> memref<1x64xf32, #tpu.memory_space<vmem>>
    %dma_wait3A_3799 = arith.constant 0 : i32
    %dma_wait3A_3800 = tpu.memref_slice %arg2[%get3A_2168, %dma_wait3A_3799] : memref<1000000x64xf32, #tpu.memory_space<hbm>> -> memref<1x64xf32, #tpu.memory_space<hbm>>
    tpu.wait_dma2 semaphore(%arg4 : memref<!tpu.dma_semaphore, #tpu.memory_space<semaphore_mem>>) src(%dma_wait3A_3800 : memref<1x64xf32, #tpu.memory_space<hbm>>) dst(%dma_wait3A_3798 : memref<1x64xf32, #tpu.memory_space<vmem>>)
    %dma_wait3A_3801 = arith.constant 198 : i32
    %dma_wait3A_3802 = arith.constant 0 : i32
    %dma_wait3A_3803 = tpu.memref_slice %arg3[%dma_wait3A_3801, %dma_wait3A_3802] : memref<256x64xf32, #tpu.memory_space<vmem>> -> memref<1x64xf32, #tpu.memory_space<vmem>>
    %dma_wait3A_3804 = arith.constant 0 : i32
    %dma_wait3A_3805 = tpu.memref_slice %arg2[%get3A_2179, %dma_wait3A_3804] : memref<1000000x64xf32, #tpu.memory_space<hbm>> -> memref<1x64xf32, #tpu.memory_space<hbm>>
    tpu.wait_dma2 semaphore(%arg4 : memref<!tpu.dma_semaphore, #tpu.memory_space<semaphore_mem>>) src(%dma_wait3A_3805 : memref<1x64xf32, #tpu.memory_space<hbm>>) dst(%dma_wait3A_3803 : memref<1x64xf32, #tpu.memory_space<vmem>>)
    %dma_wait3A_3806 = arith.constant 199 : i32
    %dma_wait3A_3807 = arith.constant 0 : i32
    %dma_wait3A_3808 = tpu.memref_slice %arg3[%dma_wait3A_3806, %dma_wait3A_3807] : memref<256x64xf32, #tpu.memory_space<vmem>> -> memref<1x64xf32, #tpu.memory_space<vmem>>
    %dma_wait3A_3809 = arith.constant 0 : i32
    %dma_wait3A_3810 = tpu.memref_slice %arg2[%get3A_2190, %dma_wait3A_3809] : memref<1000000x64xf32, #tpu.memory_space<hbm>> -> memref<1x64xf32, #tpu.memory_space<hbm>>
    tpu.wait_dma2 semaphore(%arg4 : memref<!tpu.dma_semaphore, #tpu.memory_space<semaphore_mem>>) src(%dma_wait3A_3810 : memref<1x64xf32, #tpu.memory_space<hbm>>) dst(%dma_wait3A_3808 : memref<1x64xf32, #tpu.memory_space<vmem>>)
    %dma_wait3A_3811 = arith.constant 200 : i32
    %dma_wait3A_3812 = arith.constant 0 : i32
    %dma_wait3A_3813 = tpu.memref_slice %arg3[%dma_wait3A_3811, %dma_wait3A_3812] : memref<256x64xf32, #tpu.memory_space<vmem>> -> memref<1x64xf32, #tpu.memory_space<vmem>>
    %dma_wait3A_3814 = arith.constant 0 : i32
    %dma_wait3A_3815 = tpu.memref_slice %arg2[%get3A_2201, %dma_wait3A_3814] : memref<1000000x64xf32, #tpu.memory_space<hbm>> -> memref<1x64xf32, #tpu.memory_space<hbm>>
    tpu.wait_dma2 semaphore(%arg4 : memref<!tpu.dma_semaphore, #tpu.memory_space<semaphore_mem>>) src(%dma_wait3A_3815 : memref<1x64xf32, #tpu.memory_space<hbm>>) dst(%dma_wait3A_3813 : memref<1x64xf32, #tpu.memory_space<vmem>>)
    %dma_wait3A_3816 = arith.constant 201 : i32
    %dma_wait3A_3817 = arith.constant 0 : i32
    %dma_wait3A_3818 = tpu.memref_slice %arg3[%dma_wait3A_3816, %dma_wait3A_3817] : memref<256x64xf32, #tpu.memory_space<vmem>> -> memref<1x64xf32, #tpu.memory_space<vmem>>
    %dma_wait3A_3819 = arith.constant 0 : i32
    %dma_wait3A_3820 = tpu.memref_slice %arg2[%get3A_2212, %dma_wait3A_3819] : memref<1000000x64xf32, #tpu.memory_space<hbm>> -> memref<1x64xf32, #tpu.memory_space<hbm>>
    tpu.wait_dma2 semaphore(%arg4 : memref<!tpu.dma_semaphore, #tpu.memory_space<semaphore_mem>>) src(%dma_wait3A_3820 : memref<1x64xf32, #tpu.memory_space<hbm>>) dst(%dma_wait3A_3818 : memref<1x64xf32, #tpu.memory_space<vmem>>)
    %dma_wait3A_3821 = arith.constant 202 : i32
    %dma_wait3A_3822 = arith.constant 0 : i32
    %dma_wait3A_3823 = tpu.memref_slice %arg3[%dma_wait3A_3821, %dma_wait3A_3822] : memref<256x64xf32, #tpu.memory_space<vmem>> -> memref<1x64xf32, #tpu.memory_space<vmem>>
    %dma_wait3A_3824 = arith.constant 0 : i32
    %dma_wait3A_3825 = tpu.memref_slice %arg2[%get3A_2223, %dma_wait3A_3824] : memref<1000000x64xf32, #tpu.memory_space<hbm>> -> memref<1x64xf32, #tpu.memory_space<hbm>>
    tpu.wait_dma2 semaphore(%arg4 : memref<!tpu.dma_semaphore, #tpu.memory_space<semaphore_mem>>) src(%dma_wait3A_3825 : memref<1x64xf32, #tpu.memory_space<hbm>>) dst(%dma_wait3A_3823 : memref<1x64xf32, #tpu.memory_space<vmem>>)
    %dma_wait3A_3826 = arith.constant 203 : i32
    %dma_wait3A_3827 = arith.constant 0 : i32
    %dma_wait3A_3828 = tpu.memref_slice %arg3[%dma_wait3A_3826, %dma_wait3A_3827] : memref<256x64xf32, #tpu.memory_space<vmem>> -> memref<1x64xf32, #tpu.memory_space<vmem>>
    %dma_wait3A_3829 = arith.constant 0 : i32
    %dma_wait3A_3830 = tpu.memref_slice %arg2[%get3A_2234, %dma_wait3A_3829] : memref<1000000x64xf32, #tpu.memory_space<hbm>> -> memref<1x64xf32, #tpu.memory_space<hbm>>
    tpu.wait_dma2 semaphore(%arg4 : memref<!tpu.dma_semaphore, #tpu.memory_space<semaphore_mem>>) src(%dma_wait3A_3830 : memref<1x64xf32, #tpu.memory_space<hbm>>) dst(%dma_wait3A_3828 : memref<1x64xf32, #tpu.memory_space<vmem>>)
    %dma_wait3A_3831 = arith.constant 204 : i32
    %dma_wait3A_3832 = arith.constant 0 : i32
    %dma_wait3A_3833 = tpu.memref_slice %arg3[%dma_wait3A_3831, %dma_wait3A_3832] : memref<256x64xf32, #tpu.memory_space<vmem>> -> memref<1x64xf32, #tpu.memory_space<vmem>>
    %dma_wait3A_3834 = arith.constant 0 : i32
    %dma_wait3A_3835 = tpu.memref_slice %arg2[%get3A_2245, %dma_wait3A_3834] : memref<1000000x64xf32, #tpu.memory_space<hbm>> -> memref<1x64xf32, #tpu.memory_space<hbm>>
    tpu.wait_dma2 semaphore(%arg4 : memref<!tpu.dma_semaphore, #tpu.memory_space<semaphore_mem>>) src(%dma_wait3A_3835 : memref<1x64xf32, #tpu.memory_space<hbm>>) dst(%dma_wait3A_3833 : memref<1x64xf32, #tpu.memory_space<vmem>>)
    %dma_wait3A_3836 = arith.constant 205 : i32
    %dma_wait3A_3837 = arith.constant 0 : i32
    %dma_wait3A_3838 = tpu.memref_slice %arg3[%dma_wait3A_3836, %dma_wait3A_3837] : memref<256x64xf32, #tpu.memory_space<vmem>> -> memref<1x64xf32, #tpu.memory_space<vmem>>
    %dma_wait3A_3839 = arith.constant 0 : i32
    %dma_wait3A_3840 = tpu.memref_slice %arg2[%get3A_2256, %dma_wait3A_3839] : memref<1000000x64xf32, #tpu.memory_space<hbm>> -> memref<1x64xf32, #tpu.memory_space<hbm>>
    tpu.wait_dma2 semaphore(%arg4 : memref<!tpu.dma_semaphore, #tpu.memory_space<semaphore_mem>>) src(%dma_wait3A_3840 : memref<1x64xf32, #tpu.memory_space<hbm>>) dst(%dma_wait3A_3838 : memref<1x64xf32, #tpu.memory_space<vmem>>)
    %dma_wait3A_3841 = arith.constant 206 : i32
    %dma_wait3A_3842 = arith.constant 0 : i32
    %dma_wait3A_3843 = tpu.memref_slice %arg3[%dma_wait3A_3841, %dma_wait3A_3842] : memref<256x64xf32, #tpu.memory_space<vmem>> -> memref<1x64xf32, #tpu.memory_space<vmem>>
    %dma_wait3A_3844 = arith.constant 0 : i32
    %dma_wait3A_3845 = tpu.memref_slice %arg2[%get3A_2267, %dma_wait3A_3844] : memref<1000000x64xf32, #tpu.memory_space<hbm>> -> memref<1x64xf32, #tpu.memory_space<hbm>>
    tpu.wait_dma2 semaphore(%arg4 : memref<!tpu.dma_semaphore, #tpu.memory_space<semaphore_mem>>) src(%dma_wait3A_3845 : memref<1x64xf32, #tpu.memory_space<hbm>>) dst(%dma_wait3A_3843 : memref<1x64xf32, #tpu.memory_space<vmem>>)
    %dma_wait3A_3846 = arith.constant 207 : i32
    %dma_wait3A_3847 = arith.constant 0 : i32
    %dma_wait3A_3848 = tpu.memref_slice %arg3[%dma_wait3A_3846, %dma_wait3A_3847] : memref<256x64xf32, #tpu.memory_space<vmem>> -> memref<1x64xf32, #tpu.memory_space<vmem>>
    %dma_wait3A_3849 = arith.constant 0 : i32
    %dma_wait3A_3850 = tpu.memref_slice %arg2[%get3A_2278, %dma_wait3A_3849] : memref<1000000x64xf32, #tpu.memory_space<hbm>> -> memref<1x64xf32, #tpu.memory_space<hbm>>
    tpu.wait_dma2 semaphore(%arg4 : memref<!tpu.dma_semaphore, #tpu.memory_space<semaphore_mem>>) src(%dma_wait3A_3850 : memref<1x64xf32, #tpu.memory_space<hbm>>) dst(%dma_wait3A_3848 : memref<1x64xf32, #tpu.memory_space<vmem>>)
    %dma_wait3A_3851 = arith.constant 208 : i32
    %dma_wait3A_3852 = arith.constant 0 : i32
    %dma_wait3A_3853 = tpu.memref_slice %arg3[%dma_wait3A_3851, %dma_wait3A_3852] : memref<256x64xf32, #tpu.memory_space<vmem>> -> memref<1x64xf32, #tpu.memory_space<vmem>>
    %dma_wait3A_3854 = arith.constant 0 : i32
    %dma_wait3A_3855 = tpu.memref_slice %arg2[%get3A_2289, %dma_wait3A_3854] : memref<1000000x64xf32, #tpu.memory_space<hbm>> -> memref<1x64xf32, #tpu.memory_space<hbm>>
    tpu.wait_dma2 semaphore(%arg4 : memref<!tpu.dma_semaphore, #tpu.memory_space<semaphore_mem>>) src(%dma_wait3A_3855 : memref<1x64xf32, #tpu.memory_space<hbm>>) dst(%dma_wait3A_3853 : memref<1x64xf32, #tpu.memory_space<vmem>>)
    %dma_wait3A_3856 = arith.constant 209 : i32
    %dma_wait3A_3857 = arith.constant 0 : i32
    %dma_wait3A_3858 = tpu.memref_slice %arg3[%dma_wait3A_3856, %dma_wait3A_3857] : memref<256x64xf32, #tpu.memory_space<vmem>> -> memref<1x64xf32, #tpu.memory_space<vmem>>
    %dma_wait3A_3859 = arith.constant 0 : i32
    %dma_wait3A_3860 = tpu.memref_slice %arg2[%get3A_2300, %dma_wait3A_3859] : memref<1000000x64xf32, #tpu.memory_space<hbm>> -> memref<1x64xf32, #tpu.memory_space<hbm>>
    tpu.wait_dma2 semaphore(%arg4 : memref<!tpu.dma_semaphore, #tpu.memory_space<semaphore_mem>>) src(%dma_wait3A_3860 : memref<1x64xf32, #tpu.memory_space<hbm>>) dst(%dma_wait3A_3858 : memref<1x64xf32, #tpu.memory_space<vmem>>)
    %dma_wait3A_3861 = arith.constant 210 : i32
    %dma_wait3A_3862 = arith.constant 0 : i32
    %dma_wait3A_3863 = tpu.memref_slice %arg3[%dma_wait3A_3861, %dma_wait3A_3862] : memref<256x64xf32, #tpu.memory_space<vmem>> -> memref<1x64xf32, #tpu.memory_space<vmem>>
    %dma_wait3A_3864 = arith.constant 0 : i32
    %dma_wait3A_3865 = tpu.memref_slice %arg2[%get3A_2311, %dma_wait3A_3864] : memref<1000000x64xf32, #tpu.memory_space<hbm>> -> memref<1x64xf32, #tpu.memory_space<hbm>>
    tpu.wait_dma2 semaphore(%arg4 : memref<!tpu.dma_semaphore, #tpu.memory_space<semaphore_mem>>) src(%dma_wait3A_3865 : memref<1x64xf32, #tpu.memory_space<hbm>>) dst(%dma_wait3A_3863 : memref<1x64xf32, #tpu.memory_space<vmem>>)
    %dma_wait3A_3866 = arith.constant 211 : i32
    %dma_wait3A_3867 = arith.constant 0 : i32
    %dma_wait3A_3868 = tpu.memref_slice %arg3[%dma_wait3A_3866, %dma_wait3A_3867] : memref<256x64xf32, #tpu.memory_space<vmem>> -> memref<1x64xf32, #tpu.memory_space<vmem>>
    %dma_wait3A_3869 = arith.constant 0 : i32
    %dma_wait3A_3870 = tpu.memref_slice %arg2[%get3A_2322, %dma_wait3A_3869] : memref<1000000x64xf32, #tpu.memory_space<hbm>> -> memref<1x64xf32, #tpu.memory_space<hbm>>
    tpu.wait_dma2 semaphore(%arg4 : memref<!tpu.dma_semaphore, #tpu.memory_space<semaphore_mem>>) src(%dma_wait3A_3870 : memref<1x64xf32, #tpu.memory_space<hbm>>) dst(%dma_wait3A_3868 : memref<1x64xf32, #tpu.memory_space<vmem>>)
    %dma_wait3A_3871 = arith.constant 212 : i32
    %dma_wait3A_3872 = arith.constant 0 : i32
    %dma_wait3A_3873 = tpu.memref_slice %arg3[%dma_wait3A_3871, %dma_wait3A_3872] : memref<256x64xf32, #tpu.memory_space<vmem>> -> memref<1x64xf32, #tpu.memory_space<vmem>>
    %dma_wait3A_3874 = arith.constant 0 : i32
    %dma_wait3A_3875 = tpu.memref_slice %arg2[%get3A_2333, %dma_wait3A_3874] : memref<1000000x64xf32, #tpu.memory_space<hbm>> -> memref<1x64xf32, #tpu.memory_space<hbm>>
    tpu.wait_dma2 semaphore(%arg4 : memref<!tpu.dma_semaphore, #tpu.memory_space<semaphore_mem>>) src(%dma_wait3A_3875 : memref<1x64xf32, #tpu.memory_space<hbm>>) dst(%dma_wait3A_3873 : memref<1x64xf32, #tpu.memory_space<vmem>>)
    %dma_wait3A_3876 = arith.constant 213 : i32
    %dma_wait3A_3877 = arith.constant 0 : i32
    %dma_wait3A_3878 = tpu.memref_slice %arg3[%dma_wait3A_3876, %dma_wait3A_3877] : memref<256x64xf32, #tpu.memory_space<vmem>> -> memref<1x64xf32, #tpu.memory_space<vmem>>
    %dma_wait3A_3879 = arith.constant 0 : i32
    %dma_wait3A_3880 = tpu.memref_slice %arg2[%get3A_2344, %dma_wait3A_3879] : memref<1000000x64xf32, #tpu.memory_space<hbm>> -> memref<1x64xf32, #tpu.memory_space<hbm>>
    tpu.wait_dma2 semaphore(%arg4 : memref<!tpu.dma_semaphore, #tpu.memory_space<semaphore_mem>>) src(%dma_wait3A_3880 : memref<1x64xf32, #tpu.memory_space<hbm>>) dst(%dma_wait3A_3878 : memref<1x64xf32, #tpu.memory_space<vmem>>)
    %dma_wait3A_3881 = arith.constant 214 : i32
    %dma_wait3A_3882 = arith.constant 0 : i32
    %dma_wait3A_3883 = tpu.memref_slice %arg3[%dma_wait3A_3881, %dma_wait3A_3882] : memref<256x64xf32, #tpu.memory_space<vmem>> -> memref<1x64xf32, #tpu.memory_space<vmem>>
    %dma_wait3A_3884 = arith.constant 0 : i32
    %dma_wait3A_3885 = tpu.memref_slice %arg2[%get3A_2355, %dma_wait3A_3884] : memref<1000000x64xf32, #tpu.memory_space<hbm>> -> memref<1x64xf32, #tpu.memory_space<hbm>>
    tpu.wait_dma2 semaphore(%arg4 : memref<!tpu.dma_semaphore, #tpu.memory_space<semaphore_mem>>) src(%dma_wait3A_3885 : memref<1x64xf32, #tpu.memory_space<hbm>>) dst(%dma_wait3A_3883 : memref<1x64xf32, #tpu.memory_space<vmem>>)
    %dma_wait3A_3886 = arith.constant 215 : i32
    %dma_wait3A_3887 = arith.constant 0 : i32
    %dma_wait3A_3888 = tpu.memref_slice %arg3[%dma_wait3A_3886, %dma_wait3A_3887] : memref<256x64xf32, #tpu.memory_space<vmem>> -> memref<1x64xf32, #tpu.memory_space<vmem>>
    %dma_wait3A_3889 = arith.constant 0 : i32
    %dma_wait3A_3890 = tpu.memref_slice %arg2[%get3A_2366, %dma_wait3A_3889] : memref<1000000x64xf32, #tpu.memory_space<hbm>> -> memref<1x64xf32, #tpu.memory_space<hbm>>
    tpu.wait_dma2 semaphore(%arg4 : memref<!tpu.dma_semaphore, #tpu.memory_space<semaphore_mem>>) src(%dma_wait3A_3890 : memref<1x64xf32, #tpu.memory_space<hbm>>) dst(%dma_wait3A_3888 : memref<1x64xf32, #tpu.memory_space<vmem>>)
    %dma_wait3A_3891 = arith.constant 216 : i32
    %dma_wait3A_3892 = arith.constant 0 : i32
    %dma_wait3A_3893 = tpu.memref_slice %arg3[%dma_wait3A_3891, %dma_wait3A_3892] : memref<256x64xf32, #tpu.memory_space<vmem>> -> memref<1x64xf32, #tpu.memory_space<vmem>>
    %dma_wait3A_3894 = arith.constant 0 : i32
    %dma_wait3A_3895 = tpu.memref_slice %arg2[%get3A_2377, %dma_wait3A_3894] : memref<1000000x64xf32, #tpu.memory_space<hbm>> -> memref<1x64xf32, #tpu.memory_space<hbm>>
    tpu.wait_dma2 semaphore(%arg4 : memref<!tpu.dma_semaphore, #tpu.memory_space<semaphore_mem>>) src(%dma_wait3A_3895 : memref<1x64xf32, #tpu.memory_space<hbm>>) dst(%dma_wait3A_3893 : memref<1x64xf32, #tpu.memory_space<vmem>>)
    %dma_wait3A_3896 = arith.constant 217 : i32
    %dma_wait3A_3897 = arith.constant 0 : i32
    %dma_wait3A_3898 = tpu.memref_slice %arg3[%dma_wait3A_3896, %dma_wait3A_3897] : memref<256x64xf32, #tpu.memory_space<vmem>> -> memref<1x64xf32, #tpu.memory_space<vmem>>
    %dma_wait3A_3899 = arith.constant 0 : i32
    %dma_wait3A_3900 = tpu.memref_slice %arg2[%get3A_2388, %dma_wait3A_3899] : memref<1000000x64xf32, #tpu.memory_space<hbm>> -> memref<1x64xf32, #tpu.memory_space<hbm>>
    tpu.wait_dma2 semaphore(%arg4 : memref<!tpu.dma_semaphore, #tpu.memory_space<semaphore_mem>>) src(%dma_wait3A_3900 : memref<1x64xf32, #tpu.memory_space<hbm>>) dst(%dma_wait3A_3898 : memref<1x64xf32, #tpu.memory_space<vmem>>)
    %dma_wait3A_3901 = arith.constant 218 : i32
    %dma_wait3A_3902 = arith.constant 0 : i32
    %dma_wait3A_3903 = tpu.memref_slice %arg3[%dma_wait3A_3901, %dma_wait3A_3902] : memref<256x64xf32, #tpu.memory_space<vmem>> -> memref<1x64xf32, #tpu.memory_space<vmem>>
    %dma_wait3A_3904 = arith.constant 0 : i32
    %dma_wait3A_3905 = tpu.memref_slice %arg2[%get3A_2399, %dma_wait3A_3904] : memref<1000000x64xf32, #tpu.memory_space<hbm>> -> memref<1x64xf32, #tpu.memory_space<hbm>>
    tpu.wait_dma2 semaphore(%arg4 : memref<!tpu.dma_semaphore, #tpu.memory_space<semaphore_mem>>) src(%dma_wait3A_3905 : memref<1x64xf32, #tpu.memory_space<hbm>>) dst(%dma_wait3A_3903 : memref<1x64xf32, #tpu.memory_space<vmem>>)
    %dma_wait3A_3906 = arith.constant 219 : i32
    %dma_wait3A_3907 = arith.constant 0 : i32
    %dma_wait3A_3908 = tpu.memref_slice %arg3[%dma_wait3A_3906, %dma_wait3A_3907] : memref<256x64xf32, #tpu.memory_space<vmem>> -> memref<1x64xf32, #tpu.memory_space<vmem>>
    %dma_wait3A_3909 = arith.constant 0 : i32
    %dma_wait3A_3910 = tpu.memref_slice %arg2[%get3A_2410, %dma_wait3A_3909] : memref<1000000x64xf32, #tpu.memory_space<hbm>> -> memref<1x64xf32, #tpu.memory_space<hbm>>
    tpu.wait_dma2 semaphore(%arg4 : memref<!tpu.dma_semaphore, #tpu.memory_space<semaphore_mem>>) src(%dma_wait3A_3910 : memref<1x64xf32, #tpu.memory_space<hbm>>) dst(%dma_wait3A_3908 : memref<1x64xf32, #tpu.memory_space<vmem>>)
    %dma_wait3A_3911 = arith.constant 220 : i32
    %dma_wait3A_3912 = arith.constant 0 : i32
    %dma_wait3A_3913 = tpu.memref_slice %arg3[%dma_wait3A_3911, %dma_wait3A_3912] : memref<256x64xf32, #tpu.memory_space<vmem>> -> memref<1x64xf32, #tpu.memory_space<vmem>>
    %dma_wait3A_3914 = arith.constant 0 : i32
    %dma_wait3A_3915 = tpu.memref_slice %arg2[%get3A_2421, %dma_wait3A_3914] : memref<1000000x64xf32, #tpu.memory_space<hbm>> -> memref<1x64xf32, #tpu.memory_space<hbm>>
    tpu.wait_dma2 semaphore(%arg4 : memref<!tpu.dma_semaphore, #tpu.memory_space<semaphore_mem>>) src(%dma_wait3A_3915 : memref<1x64xf32, #tpu.memory_space<hbm>>) dst(%dma_wait3A_3913 : memref<1x64xf32, #tpu.memory_space<vmem>>)
    %dma_wait3A_3916 = arith.constant 221 : i32
    %dma_wait3A_3917 = arith.constant 0 : i32
    %dma_wait3A_3918 = tpu.memref_slice %arg3[%dma_wait3A_3916, %dma_wait3A_3917] : memref<256x64xf32, #tpu.memory_space<vmem>> -> memref<1x64xf32, #tpu.memory_space<vmem>>
    %dma_wait3A_3919 = arith.constant 0 : i32
    %dma_wait3A_3920 = tpu.memref_slice %arg2[%get3A_2432, %dma_wait3A_3919] : memref<1000000x64xf32, #tpu.memory_space<hbm>> -> memref<1x64xf32, #tpu.memory_space<hbm>>
    tpu.wait_dma2 semaphore(%arg4 : memref<!tpu.dma_semaphore, #tpu.memory_space<semaphore_mem>>) src(%dma_wait3A_3920 : memref<1x64xf32, #tpu.memory_space<hbm>>) dst(%dma_wait3A_3918 : memref<1x64xf32, #tpu.memory_space<vmem>>)
    %dma_wait3A_3921 = arith.constant 222 : i32
    %dma_wait3A_3922 = arith.constant 0 : i32
    %dma_wait3A_3923 = tpu.memref_slice %arg3[%dma_wait3A_3921, %dma_wait3A_3922] : memref<256x64xf32, #tpu.memory_space<vmem>> -> memref<1x64xf32, #tpu.memory_space<vmem>>
    %dma_wait3A_3924 = arith.constant 0 : i32
    %dma_wait3A_3925 = tpu.memref_slice %arg2[%get3A_2443, %dma_wait3A_3924] : memref<1000000x64xf32, #tpu.memory_space<hbm>> -> memref<1x64xf32, #tpu.memory_space<hbm>>
    tpu.wait_dma2 semaphore(%arg4 : memref<!tpu.dma_semaphore, #tpu.memory_space<semaphore_mem>>) src(%dma_wait3A_3925 : memref<1x64xf32, #tpu.memory_space<hbm>>) dst(%dma_wait3A_3923 : memref<1x64xf32, #tpu.memory_space<vmem>>)
    %dma_wait3A_3926 = arith.constant 223 : i32
    %dma_wait3A_3927 = arith.constant 0 : i32
    %dma_wait3A_3928 = tpu.memref_slice %arg3[%dma_wait3A_3926, %dma_wait3A_3927] : memref<256x64xf32, #tpu.memory_space<vmem>> -> memref<1x64xf32, #tpu.memory_space<vmem>>
    %dma_wait3A_3929 = arith.constant 0 : i32
    %dma_wait3A_3930 = tpu.memref_slice %arg2[%get3A_2454, %dma_wait3A_3929] : memref<1000000x64xf32, #tpu.memory_space<hbm>> -> memref<1x64xf32, #tpu.memory_space<hbm>>
    tpu.wait_dma2 semaphore(%arg4 : memref<!tpu.dma_semaphore, #tpu.memory_space<semaphore_mem>>) src(%dma_wait3A_3930 : memref<1x64xf32, #tpu.memory_space<hbm>>) dst(%dma_wait3A_3928 : memref<1x64xf32, #tpu.memory_space<vmem>>)
    %dma_wait3A_3931 = arith.constant 224 : i32
    %dma_wait3A_3932 = arith.constant 0 : i32
    %dma_wait3A_3933 = tpu.memref_slice %arg3[%dma_wait3A_3931, %dma_wait3A_3932] : memref<256x64xf32, #tpu.memory_space<vmem>> -> memref<1x64xf32, #tpu.memory_space<vmem>>
    %dma_wait3A_3934 = arith.constant 0 : i32
    %dma_wait3A_3935 = tpu.memref_slice %arg2[%get3A_2465, %dma_wait3A_3934] : memref<1000000x64xf32, #tpu.memory_space<hbm>> -> memref<1x64xf32, #tpu.memory_space<hbm>>
    tpu.wait_dma2 semaphore(%arg4 : memref<!tpu.dma_semaphore, #tpu.memory_space<semaphore_mem>>) src(%dma_wait3A_3935 : memref<1x64xf32, #tpu.memory_space<hbm>>) dst(%dma_wait3A_3933 : memref<1x64xf32, #tpu.memory_space<vmem>>)
    %dma_wait3A_3936 = arith.constant 225 : i32
    %dma_wait3A_3937 = arith.constant 0 : i32
    %dma_wait3A_3938 = tpu.memref_slice %arg3[%dma_wait3A_3936, %dma_wait3A_3937] : memref<256x64xf32, #tpu.memory_space<vmem>> -> memref<1x64xf32, #tpu.memory_space<vmem>>
    %dma_wait3A_3939 = arith.constant 0 : i32
    %dma_wait3A_3940 = tpu.memref_slice %arg2[%get3A_2476, %dma_wait3A_3939] : memref<1000000x64xf32, #tpu.memory_space<hbm>> -> memref<1x64xf32, #tpu.memory_space<hbm>>
    tpu.wait_dma2 semaphore(%arg4 : memref<!tpu.dma_semaphore, #tpu.memory_space<semaphore_mem>>) src(%dma_wait3A_3940 : memref<1x64xf32, #tpu.memory_space<hbm>>) dst(%dma_wait3A_3938 : memref<1x64xf32, #tpu.memory_space<vmem>>)
    %dma_wait3A_3941 = arith.constant 226 : i32
    %dma_wait3A_3942 = arith.constant 0 : i32
    %dma_wait3A_3943 = tpu.memref_slice %arg3[%dma_wait3A_3941, %dma_wait3A_3942] : memref<256x64xf32, #tpu.memory_space<vmem>> -> memref<1x64xf32, #tpu.memory_space<vmem>>
    %dma_wait3A_3944 = arith.constant 0 : i32
    %dma_wait3A_3945 = tpu.memref_slice %arg2[%get3A_2487, %dma_wait3A_3944] : memref<1000000x64xf32, #tpu.memory_space<hbm>> -> memref<1x64xf32, #tpu.memory_space<hbm>>
    tpu.wait_dma2 semaphore(%arg4 : memref<!tpu.dma_semaphore, #tpu.memory_space<semaphore_mem>>) src(%dma_wait3A_3945 : memref<1x64xf32, #tpu.memory_space<hbm>>) dst(%dma_wait3A_3943 : memref<1x64xf32, #tpu.memory_space<vmem>>)
    %dma_wait3A_3946 = arith.constant 227 : i32
    %dma_wait3A_3947 = arith.constant 0 : i32
    %dma_wait3A_3948 = tpu.memref_slice %arg3[%dma_wait3A_3946, %dma_wait3A_3947] : memref<256x64xf32, #tpu.memory_space<vmem>> -> memref<1x64xf32, #tpu.memory_space<vmem>>
    %dma_wait3A_3949 = arith.constant 0 : i32
    %dma_wait3A_3950 = tpu.memref_slice %arg2[%get3A_2498, %dma_wait3A_3949] : memref<1000000x64xf32, #tpu.memory_space<hbm>> -> memref<1x64xf32, #tpu.memory_space<hbm>>
    tpu.wait_dma2 semaphore(%arg4 : memref<!tpu.dma_semaphore, #tpu.memory_space<semaphore_mem>>) src(%dma_wait3A_3950 : memref<1x64xf32, #tpu.memory_space<hbm>>) dst(%dma_wait3A_3948 : memref<1x64xf32, #tpu.memory_space<vmem>>)
    %dma_wait3A_3951 = arith.constant 228 : i32
    %dma_wait3A_3952 = arith.constant 0 : i32
    %dma_wait3A_3953 = tpu.memref_slice %arg3[%dma_wait3A_3951, %dma_wait3A_3952] : memref<256x64xf32, #tpu.memory_space<vmem>> -> memref<1x64xf32, #tpu.memory_space<vmem>>
    %dma_wait3A_3954 = arith.constant 0 : i32
    %dma_wait3A_3955 = tpu.memref_slice %arg2[%get3A_2509, %dma_wait3A_3954] : memref<1000000x64xf32, #tpu.memory_space<hbm>> -> memref<1x64xf32, #tpu.memory_space<hbm>>
    tpu.wait_dma2 semaphore(%arg4 : memref<!tpu.dma_semaphore, #tpu.memory_space<semaphore_mem>>) src(%dma_wait3A_3955 : memref<1x64xf32, #tpu.memory_space<hbm>>) dst(%dma_wait3A_3953 : memref<1x64xf32, #tpu.memory_space<vmem>>)
    %dma_wait3A_3956 = arith.constant 229 : i32
    %dma_wait3A_3957 = arith.constant 0 : i32
    %dma_wait3A_3958 = tpu.memref_slice %arg3[%dma_wait3A_3956, %dma_wait3A_3957] : memref<256x64xf32, #tpu.memory_space<vmem>> -> memref<1x64xf32, #tpu.memory_space<vmem>>
    %dma_wait3A_3959 = arith.constant 0 : i32
    %dma_wait3A_3960 = tpu.memref_slice %arg2[%get3A_2520, %dma_wait3A_3959] : memref<1000000x64xf32, #tpu.memory_space<hbm>> -> memref<1x64xf32, #tpu.memory_space<hbm>>
    tpu.wait_dma2 semaphore(%arg4 : memref<!tpu.dma_semaphore, #tpu.memory_space<semaphore_mem>>) src(%dma_wait3A_3960 : memref<1x64xf32, #tpu.memory_space<hbm>>) dst(%dma_wait3A_3958 : memref<1x64xf32, #tpu.memory_space<vmem>>)
    %dma_wait3A_3961 = arith.constant 230 : i32
    %dma_wait3A_3962 = arith.constant 0 : i32
    %dma_wait3A_3963 = tpu.memref_slice %arg3[%dma_wait3A_3961, %dma_wait3A_3962] : memref<256x64xf32, #tpu.memory_space<vmem>> -> memref<1x64xf32, #tpu.memory_space<vmem>>
    %dma_wait3A_3964 = arith.constant 0 : i32
    %dma_wait3A_3965 = tpu.memref_slice %arg2[%get3A_2531, %dma_wait3A_3964] : memref<1000000x64xf32, #tpu.memory_space<hbm>> -> memref<1x64xf32, #tpu.memory_space<hbm>>
    tpu.wait_dma2 semaphore(%arg4 : memref<!tpu.dma_semaphore, #tpu.memory_space<semaphore_mem>>) src(%dma_wait3A_3965 : memref<1x64xf32, #tpu.memory_space<hbm>>) dst(%dma_wait3A_3963 : memref<1x64xf32, #tpu.memory_space<vmem>>)
    %dma_wait3A_3966 = arith.constant 231 : i32
    %dma_wait3A_3967 = arith.constant 0 : i32
    %dma_wait3A_3968 = tpu.memref_slice %arg3[%dma_wait3A_3966, %dma_wait3A_3967] : memref<256x64xf32, #tpu.memory_space<vmem>> -> memref<1x64xf32, #tpu.memory_space<vmem>>
    %dma_wait3A_3969 = arith.constant 0 : i32
    %dma_wait3A_3970 = tpu.memref_slice %arg2[%get3A_2542, %dma_wait3A_3969] : memref<1000000x64xf32, #tpu.memory_space<hbm>> -> memref<1x64xf32, #tpu.memory_space<hbm>>
    tpu.wait_dma2 semaphore(%arg4 : memref<!tpu.dma_semaphore, #tpu.memory_space<semaphore_mem>>) src(%dma_wait3A_3970 : memref<1x64xf32, #tpu.memory_space<hbm>>) dst(%dma_wait3A_3968 : memref<1x64xf32, #tpu.memory_space<vmem>>)
    %dma_wait3A_3971 = arith.constant 232 : i32
    %dma_wait3A_3972 = arith.constant 0 : i32
    %dma_wait3A_3973 = tpu.memref_slice %arg3[%dma_wait3A_3971, %dma_wait3A_3972] : memref<256x64xf32, #tpu.memory_space<vmem>> -> memref<1x64xf32, #tpu.memory_space<vmem>>
    %dma_wait3A_3974 = arith.constant 0 : i32
    %dma_wait3A_3975 = tpu.memref_slice %arg2[%get3A_2553, %dma_wait3A_3974] : memref<1000000x64xf32, #tpu.memory_space<hbm>> -> memref<1x64xf32, #tpu.memory_space<hbm>>
    tpu.wait_dma2 semaphore(%arg4 : memref<!tpu.dma_semaphore, #tpu.memory_space<semaphore_mem>>) src(%dma_wait3A_3975 : memref<1x64xf32, #tpu.memory_space<hbm>>) dst(%dma_wait3A_3973 : memref<1x64xf32, #tpu.memory_space<vmem>>)
    %dma_wait3A_3976 = arith.constant 233 : i32
    %dma_wait3A_3977 = arith.constant 0 : i32
    %dma_wait3A_3978 = tpu.memref_slice %arg3[%dma_wait3A_3976, %dma_wait3A_3977] : memref<256x64xf32, #tpu.memory_space<vmem>> -> memref<1x64xf32, #tpu.memory_space<vmem>>
    %dma_wait3A_3979 = arith.constant 0 : i32
    %dma_wait3A_3980 = tpu.memref_slice %arg2[%get3A_2564, %dma_wait3A_3979] : memref<1000000x64xf32, #tpu.memory_space<hbm>> -> memref<1x64xf32, #tpu.memory_space<hbm>>
    tpu.wait_dma2 semaphore(%arg4 : memref<!tpu.dma_semaphore, #tpu.memory_space<semaphore_mem>>) src(%dma_wait3A_3980 : memref<1x64xf32, #tpu.memory_space<hbm>>) dst(%dma_wait3A_3978 : memref<1x64xf32, #tpu.memory_space<vmem>>)
    %dma_wait3A_3981 = arith.constant 234 : i32
    %dma_wait3A_3982 = arith.constant 0 : i32
    %dma_wait3A_3983 = tpu.memref_slice %arg3[%dma_wait3A_3981, %dma_wait3A_3982] : memref<256x64xf32, #tpu.memory_space<vmem>> -> memref<1x64xf32, #tpu.memory_space<vmem>>
    %dma_wait3A_3984 = arith.constant 0 : i32
    %dma_wait3A_3985 = tpu.memref_slice %arg2[%get3A_2575, %dma_wait3A_3984] : memref<1000000x64xf32, #tpu.memory_space<hbm>> -> memref<1x64xf32, #tpu.memory_space<hbm>>
    tpu.wait_dma2 semaphore(%arg4 : memref<!tpu.dma_semaphore, #tpu.memory_space<semaphore_mem>>) src(%dma_wait3A_3985 : memref<1x64xf32, #tpu.memory_space<hbm>>) dst(%dma_wait3A_3983 : memref<1x64xf32, #tpu.memory_space<vmem>>)
    %dma_wait3A_3986 = arith.constant 235 : i32
    %dma_wait3A_3987 = arith.constant 0 : i32
    %dma_wait3A_3988 = tpu.memref_slice %arg3[%dma_wait3A_3986, %dma_wait3A_3987] : memref<256x64xf32, #tpu.memory_space<vmem>> -> memref<1x64xf32, #tpu.memory_space<vmem>>
    %dma_wait3A_3989 = arith.constant 0 : i32
    %dma_wait3A_3990 = tpu.memref_slice %arg2[%get3A_2586, %dma_wait3A_3989] : memref<1000000x64xf32, #tpu.memory_space<hbm>> -> memref<1x64xf32, #tpu.memory_space<hbm>>
    tpu.wait_dma2 semaphore(%arg4 : memref<!tpu.dma_semaphore, #tpu.memory_space<semaphore_mem>>) src(%dma_wait3A_3990 : memref<1x64xf32, #tpu.memory_space<hbm>>) dst(%dma_wait3A_3988 : memref<1x64xf32, #tpu.memory_space<vmem>>)
    %dma_wait3A_3991 = arith.constant 236 : i32
    %dma_wait3A_3992 = arith.constant 0 : i32
    %dma_wait3A_3993 = tpu.memref_slice %arg3[%dma_wait3A_3991, %dma_wait3A_3992] : memref<256x64xf32, #tpu.memory_space<vmem>> -> memref<1x64xf32, #tpu.memory_space<vmem>>
    %dma_wait3A_3994 = arith.constant 0 : i32
    %dma_wait3A_3995 = tpu.memref_slice %arg2[%get3A_2597, %dma_wait3A_3994] : memref<1000000x64xf32, #tpu.memory_space<hbm>> -> memref<1x64xf32, #tpu.memory_space<hbm>>
    tpu.wait_dma2 semaphore(%arg4 : memref<!tpu.dma_semaphore, #tpu.memory_space<semaphore_mem>>) src(%dma_wait3A_3995 : memref<1x64xf32, #tpu.memory_space<hbm>>) dst(%dma_wait3A_3993 : memref<1x64xf32, #tpu.memory_space<vmem>>)
    %dma_wait3A_3996 = arith.constant 237 : i32
    %dma_wait3A_3997 = arith.constant 0 : i32
    %dma_wait3A_3998 = tpu.memref_slice %arg3[%dma_wait3A_3996, %dma_wait3A_3997] : memref<256x64xf32, #tpu.memory_space<vmem>> -> memref<1x64xf32, #tpu.memory_space<vmem>>
    %dma_wait3A_3999 = arith.constant 0 : i32
    %dma_wait3A_4000 = tpu.memref_slice %arg2[%get3A_2608, %dma_wait3A_3999] : memref<1000000x64xf32, #tpu.memory_space<hbm>> -> memref<1x64xf32, #tpu.memory_space<hbm>>
    tpu.wait_dma2 semaphore(%arg4 : memref<!tpu.dma_semaphore, #tpu.memory_space<semaphore_mem>>) src(%dma_wait3A_4000 : memref<1x64xf32, #tpu.memory_space<hbm>>) dst(%dma_wait3A_3998 : memref<1x64xf32, #tpu.memory_space<vmem>>)
    %dma_wait3A_4001 = arith.constant 238 : i32
    %dma_wait3A_4002 = arith.constant 0 : i32
    %dma_wait3A_4003 = tpu.memref_slice %arg3[%dma_wait3A_4001, %dma_wait3A_4002] : memref<256x64xf32, #tpu.memory_space<vmem>> -> memref<1x64xf32, #tpu.memory_space<vmem>>
    %dma_wait3A_4004 = arith.constant 0 : i32
    %dma_wait3A_4005 = tpu.memref_slice %arg2[%get3A_2619, %dma_wait3A_4004] : memref<1000000x64xf32, #tpu.memory_space<hbm>> -> memref<1x64xf32, #tpu.memory_space<hbm>>
    tpu.wait_dma2 semaphore(%arg4 : memref<!tpu.dma_semaphore, #tpu.memory_space<semaphore_mem>>) src(%dma_wait3A_4005 : memref<1x64xf32, #tpu.memory_space<hbm>>) dst(%dma_wait3A_4003 : memref<1x64xf32, #tpu.memory_space<vmem>>)
    %dma_wait3A_4006 = arith.constant 239 : i32
    %dma_wait3A_4007 = arith.constant 0 : i32
    %dma_wait3A_4008 = tpu.memref_slice %arg3[%dma_wait3A_4006, %dma_wait3A_4007] : memref<256x64xf32, #tpu.memory_space<vmem>> -> memref<1x64xf32, #tpu.memory_space<vmem>>
    %dma_wait3A_4009 = arith.constant 0 : i32
    %dma_wait3A_4010 = tpu.memref_slice %arg2[%get3A_2630, %dma_wait3A_4009] : memref<1000000x64xf32, #tpu.memory_space<hbm>> -> memref<1x64xf32, #tpu.memory_space<hbm>>
    tpu.wait_dma2 semaphore(%arg4 : memref<!tpu.dma_semaphore, #tpu.memory_space<semaphore_mem>>) src(%dma_wait3A_4010 : memref<1x64xf32, #tpu.memory_space<hbm>>) dst(%dma_wait3A_4008 : memref<1x64xf32, #tpu.memory_space<vmem>>)
    %dma_wait3A_4011 = arith.constant 240 : i32
    %dma_wait3A_4012 = arith.constant 0 : i32
    %dma_wait3A_4013 = tpu.memref_slice %arg3[%dma_wait3A_4011, %dma_wait3A_4012] : memref<256x64xf32, #tpu.memory_space<vmem>> -> memref<1x64xf32, #tpu.memory_space<vmem>>
    %dma_wait3A_4014 = arith.constant 0 : i32
    %dma_wait3A_4015 = tpu.memref_slice %arg2[%get3A_2641, %dma_wait3A_4014] : memref<1000000x64xf32, #tpu.memory_space<hbm>> -> memref<1x64xf32, #tpu.memory_space<hbm>>
    tpu.wait_dma2 semaphore(%arg4 : memref<!tpu.dma_semaphore, #tpu.memory_space<semaphore_mem>>) src(%dma_wait3A_4015 : memref<1x64xf32, #tpu.memory_space<hbm>>) dst(%dma_wait3A_4013 : memref<1x64xf32, #tpu.memory_space<vmem>>)
    %dma_wait3A_4016 = arith.constant 241 : i32
    %dma_wait3A_4017 = arith.constant 0 : i32
    %dma_wait3A_4018 = tpu.memref_slice %arg3[%dma_wait3A_4016, %dma_wait3A_4017] : memref<256x64xf32, #tpu.memory_space<vmem>> -> memref<1x64xf32, #tpu.memory_space<vmem>>
    %dma_wait3A_4019 = arith.constant 0 : i32
    %dma_wait3A_4020 = tpu.memref_slice %arg2[%get3A_2652, %dma_wait3A_4019] : memref<1000000x64xf32, #tpu.memory_space<hbm>> -> memref<1x64xf32, #tpu.memory_space<hbm>>
    tpu.wait_dma2 semaphore(%arg4 : memref<!tpu.dma_semaphore, #tpu.memory_space<semaphore_mem>>) src(%dma_wait3A_4020 : memref<1x64xf32, #tpu.memory_space<hbm>>) dst(%dma_wait3A_4018 : memref<1x64xf32, #tpu.memory_space<vmem>>)
    %dma_wait3A_4021 = arith.constant 242 : i32
    %dma_wait3A_4022 = arith.constant 0 : i32
    %dma_wait3A_4023 = tpu.memref_slice %arg3[%dma_wait3A_4021, %dma_wait3A_4022] : memref<256x64xf32, #tpu.memory_space<vmem>> -> memref<1x64xf32, #tpu.memory_space<vmem>>
    %dma_wait3A_4024 = arith.constant 0 : i32
    %dma_wait3A_4025 = tpu.memref_slice %arg2[%get3A_2663, %dma_wait3A_4024] : memref<1000000x64xf32, #tpu.memory_space<hbm>> -> memref<1x64xf32, #tpu.memory_space<hbm>>
    tpu.wait_dma2 semaphore(%arg4 : memref<!tpu.dma_semaphore, #tpu.memory_space<semaphore_mem>>) src(%dma_wait3A_4025 : memref<1x64xf32, #tpu.memory_space<hbm>>) dst(%dma_wait3A_4023 : memref<1x64xf32, #tpu.memory_space<vmem>>)
    %dma_wait3A_4026 = arith.constant 243 : i32
    %dma_wait3A_4027 = arith.constant 0 : i32
    %dma_wait3A_4028 = tpu.memref_slice %arg3[%dma_wait3A_4026, %dma_wait3A_4027] : memref<256x64xf32, #tpu.memory_space<vmem>> -> memref<1x64xf32, #tpu.memory_space<vmem>>
    %dma_wait3A_4029 = arith.constant 0 : i32
    %dma_wait3A_4030 = tpu.memref_slice %arg2[%get3A_2674, %dma_wait3A_4029] : memref<1000000x64xf32, #tpu.memory_space<hbm>> -> memref<1x64xf32, #tpu.memory_space<hbm>>
    tpu.wait_dma2 semaphore(%arg4 : memref<!tpu.dma_semaphore, #tpu.memory_space<semaphore_mem>>) src(%dma_wait3A_4030 : memref<1x64xf32, #tpu.memory_space<hbm>>) dst(%dma_wait3A_4028 : memref<1x64xf32, #tpu.memory_space<vmem>>)
    %dma_wait3A_4031 = arith.constant 244 : i32
    %dma_wait3A_4032 = arith.constant 0 : i32
    %dma_wait3A_4033 = tpu.memref_slice %arg3[%dma_wait3A_4031, %dma_wait3A_4032] : memref<256x64xf32, #tpu.memory_space<vmem>> -> memref<1x64xf32, #tpu.memory_space<vmem>>
    %dma_wait3A_4034 = arith.constant 0 : i32
    %dma_wait3A_4035 = tpu.memref_slice %arg2[%get3A_2685, %dma_wait3A_4034] : memref<1000000x64xf32, #tpu.memory_space<hbm>> -> memref<1x64xf32, #tpu.memory_space<hbm>>
    tpu.wait_dma2 semaphore(%arg4 : memref<!tpu.dma_semaphore, #tpu.memory_space<semaphore_mem>>) src(%dma_wait3A_4035 : memref<1x64xf32, #tpu.memory_space<hbm>>) dst(%dma_wait3A_4033 : memref<1x64xf32, #tpu.memory_space<vmem>>)
    %dma_wait3A_4036 = arith.constant 245 : i32
    %dma_wait3A_4037 = arith.constant 0 : i32
    %dma_wait3A_4038 = tpu.memref_slice %arg3[%dma_wait3A_4036, %dma_wait3A_4037] : memref<256x64xf32, #tpu.memory_space<vmem>> -> memref<1x64xf32, #tpu.memory_space<vmem>>
    %dma_wait3A_4039 = arith.constant 0 : i32
    %dma_wait3A_4040 = tpu.memref_slice %arg2[%get3A_2696, %dma_wait3A_4039] : memref<1000000x64xf32, #tpu.memory_space<hbm>> -> memref<1x64xf32, #tpu.memory_space<hbm>>
    tpu.wait_dma2 semaphore(%arg4 : memref<!tpu.dma_semaphore, #tpu.memory_space<semaphore_mem>>) src(%dma_wait3A_4040 : memref<1x64xf32, #tpu.memory_space<hbm>>) dst(%dma_wait3A_4038 : memref<1x64xf32, #tpu.memory_space<vmem>>)
    %dma_wait3A_4041 = arith.constant 246 : i32
    %dma_wait3A_4042 = arith.constant 0 : i32
    %dma_wait3A_4043 = tpu.memref_slice %arg3[%dma_wait3A_4041, %dma_wait3A_4042] : memref<256x64xf32, #tpu.memory_space<vmem>> -> memref<1x64xf32, #tpu.memory_space<vmem>>
    %dma_wait3A_4044 = arith.constant 0 : i32
    %dma_wait3A_4045 = tpu.memref_slice %arg2[%get3A_2707, %dma_wait3A_4044] : memref<1000000x64xf32, #tpu.memory_space<hbm>> -> memref<1x64xf32, #tpu.memory_space<hbm>>
    tpu.wait_dma2 semaphore(%arg4 : memref<!tpu.dma_semaphore, #tpu.memory_space<semaphore_mem>>) src(%dma_wait3A_4045 : memref<1x64xf32, #tpu.memory_space<hbm>>) dst(%dma_wait3A_4043 : memref<1x64xf32, #tpu.memory_space<vmem>>)
    %dma_wait3A_4046 = arith.constant 247 : i32
    %dma_wait3A_4047 = arith.constant 0 : i32
    %dma_wait3A_4048 = tpu.memref_slice %arg3[%dma_wait3A_4046, %dma_wait3A_4047] : memref<256x64xf32, #tpu.memory_space<vmem>> -> memref<1x64xf32, #tpu.memory_space<vmem>>
    %dma_wait3A_4049 = arith.constant 0 : i32
    %dma_wait3A_4050 = tpu.memref_slice %arg2[%get3A_2718, %dma_wait3A_4049] : memref<1000000x64xf32, #tpu.memory_space<hbm>> -> memref<1x64xf32, #tpu.memory_space<hbm>>
    tpu.wait_dma2 semaphore(%arg4 : memref<!tpu.dma_semaphore, #tpu.memory_space<semaphore_mem>>) src(%dma_wait3A_4050 : memref<1x64xf32, #tpu.memory_space<hbm>>) dst(%dma_wait3A_4048 : memref<1x64xf32, #tpu.memory_space<vmem>>)
    %dma_wait3A_4051 = arith.constant 248 : i32
    %dma_wait3A_4052 = arith.constant 0 : i32
    %dma_wait3A_4053 = tpu.memref_slice %arg3[%dma_wait3A_4051, %dma_wait3A_4052] : memref<256x64xf32, #tpu.memory_space<vmem>> -> memref<1x64xf32, #tpu.memory_space<vmem>>
    %dma_wait3A_4054 = arith.constant 0 : i32
    %dma_wait3A_4055 = tpu.memref_slice %arg2[%get3A_2729, %dma_wait3A_4054] : memref<1000000x64xf32, #tpu.memory_space<hbm>> -> memref<1x64xf32, #tpu.memory_space<hbm>>
    tpu.wait_dma2 semaphore(%arg4 : memref<!tpu.dma_semaphore, #tpu.memory_space<semaphore_mem>>) src(%dma_wait3A_4055 : memref<1x64xf32, #tpu.memory_space<hbm>>) dst(%dma_wait3A_4053 : memref<1x64xf32, #tpu.memory_space<vmem>>)
    %dma_wait3A_4056 = arith.constant 249 : i32
    %dma_wait3A_4057 = arith.constant 0 : i32
    %dma_wait3A_4058 = tpu.memref_slice %arg3[%dma_wait3A_4056, %dma_wait3A_4057] : memref<256x64xf32, #tpu.memory_space<vmem>> -> memref<1x64xf32, #tpu.memory_space<vmem>>
    %dma_wait3A_4059 = arith.constant 0 : i32
    %dma_wait3A_4060 = tpu.memref_slice %arg2[%get3A_2740, %dma_wait3A_4059] : memref<1000000x64xf32, #tpu.memory_space<hbm>> -> memref<1x64xf32, #tpu.memory_space<hbm>>
    tpu.wait_dma2 semaphore(%arg4 : memref<!tpu.dma_semaphore, #tpu.memory_space<semaphore_mem>>) src(%dma_wait3A_4060 : memref<1x64xf32, #tpu.memory_space<hbm>>) dst(%dma_wait3A_4058 : memref<1x64xf32, #tpu.memory_space<vmem>>)
    %dma_wait3A_4061 = arith.constant 250 : i32
    %dma_wait3A_4062 = arith.constant 0 : i32
    %dma_wait3A_4063 = tpu.memref_slice %arg3[%dma_wait3A_4061, %dma_wait3A_4062] : memref<256x64xf32, #tpu.memory_space<vmem>> -> memref<1x64xf32, #tpu.memory_space<vmem>>
    %dma_wait3A_4064 = arith.constant 0 : i32
    %dma_wait3A_4065 = tpu.memref_slice %arg2[%get3A_2751, %dma_wait3A_4064] : memref<1000000x64xf32, #tpu.memory_space<hbm>> -> memref<1x64xf32, #tpu.memory_space<hbm>>
    tpu.wait_dma2 semaphore(%arg4 : memref<!tpu.dma_semaphore, #tpu.memory_space<semaphore_mem>>) src(%dma_wait3A_4065 : memref<1x64xf32, #tpu.memory_space<hbm>>) dst(%dma_wait3A_4063 : memref<1x64xf32, #tpu.memory_space<vmem>>)
    %dma_wait3A_4066 = arith.constant 251 : i32
    %dma_wait3A_4067 = arith.constant 0 : i32
    %dma_wait3A_4068 = tpu.memref_slice %arg3[%dma_wait3A_4066, %dma_wait3A_4067] : memref<256x64xf32, #tpu.memory_space<vmem>> -> memref<1x64xf32, #tpu.memory_space<vmem>>
    %dma_wait3A_4069 = arith.constant 0 : i32
    %dma_wait3A_4070 = tpu.memref_slice %arg2[%get3A_2762, %dma_wait3A_4069] : memref<1000000x64xf32, #tpu.memory_space<hbm>> -> memref<1x64xf32, #tpu.memory_space<hbm>>
    tpu.wait_dma2 semaphore(%arg4 : memref<!tpu.dma_semaphore, #tpu.memory_space<semaphore_mem>>) src(%dma_wait3A_4070 : memref<1x64xf32, #tpu.memory_space<hbm>>) dst(%dma_wait3A_4068 : memref<1x64xf32, #tpu.memory_space<vmem>>)
    %dma_wait3A_4071 = arith.constant 252 : i32
    %dma_wait3A_4072 = arith.constant 0 : i32
    %dma_wait3A_4073 = tpu.memref_slice %arg3[%dma_wait3A_4071, %dma_wait3A_4072] : memref<256x64xf32, #tpu.memory_space<vmem>> -> memref<1x64xf32, #tpu.memory_space<vmem>>
    %dma_wait3A_4074 = arith.constant 0 : i32
    %dma_wait3A_4075 = tpu.memref_slice %arg2[%get3A_2773, %dma_wait3A_4074] : memref<1000000x64xf32, #tpu.memory_space<hbm>> -> memref<1x64xf32, #tpu.memory_space<hbm>>
    tpu.wait_dma2 semaphore(%arg4 : memref<!tpu.dma_semaphore, #tpu.memory_space<semaphore_mem>>) src(%dma_wait3A_4075 : memref<1x64xf32, #tpu.memory_space<hbm>>) dst(%dma_wait3A_4073 : memref<1x64xf32, #tpu.memory_space<vmem>>)
    %dma_wait3A_4076 = arith.constant 253 : i32
    %dma_wait3A_4077 = arith.constant 0 : i32
    %dma_wait3A_4078 = tpu.memref_slice %arg3[%dma_wait3A_4076, %dma_wait3A_4077] : memref<256x64xf32, #tpu.memory_space<vmem>> -> memref<1x64xf32, #tpu.memory_space<vmem>>
    %dma_wait3A_4079 = arith.constant 0 : i32
    %dma_wait3A_4080 = tpu.memref_slice %arg2[%get3A_2784, %dma_wait3A_4079] : memref<1000000x64xf32, #tpu.memory_space<hbm>> -> memref<1x64xf32, #tpu.memory_space<hbm>>
    tpu.wait_dma2 semaphore(%arg4 : memref<!tpu.dma_semaphore, #tpu.memory_space<semaphore_mem>>) src(%dma_wait3A_4080 : memref<1x64xf32, #tpu.memory_space<hbm>>) dst(%dma_wait3A_4078 : memref<1x64xf32, #tpu.memory_space<vmem>>)
    %dma_wait3A_4081 = arith.constant 254 : i32
    %dma_wait3A_4082 = arith.constant 0 : i32
    %dma_wait3A_4083 = tpu.memref_slice %arg3[%dma_wait3A_4081, %dma_wait3A_4082] : memref<256x64xf32, #tpu.memory_space<vmem>> -> memref<1x64xf32, #tpu.memory_space<vmem>>
    %dma_wait3A_4084 = arith.constant 0 : i32
    %dma_wait3A_4085 = tpu.memref_slice %arg2[%get3A_2795, %dma_wait3A_4084] : memref<1000000x64xf32, #tpu.memory_space<hbm>> -> memref<1x64xf32, #tpu.memory_space<hbm>>
    tpu.wait_dma2 semaphore(%arg4 : memref<!tpu.dma_semaphore, #tpu.memory_space<semaphore_mem>>) src(%dma_wait3A_4085 : memref<1x64xf32, #tpu.memory_space<hbm>>) dst(%dma_wait3A_4083 : memref<1x64xf32, #tpu.memory_space<vmem>>)
    %dma_wait3A_4086 = arith.constant 255 : i32
    %dma_wait3A_4087 = arith.constant 0 : i32
    %dma_wait3A_4088 = tpu.memref_slice %arg3[%dma_wait3A_4086, %dma_wait3A_4087] : memref<256x64xf32, #tpu.memory_space<vmem>> -> memref<1x64xf32, #tpu.memory_space<vmem>>
    %dma_wait3A_4089 = arith.constant 0 : i32
    %dma_wait3A_4090 = tpu.memref_slice %arg2[%get3A_2806, %dma_wait3A_4089] : memref<1000000x64xf32, #tpu.memory_space<hbm>> -> memref<1x64xf32, #tpu.memory_space<hbm>>
    tpu.wait_dma2 semaphore(%arg4 : memref<!tpu.dma_semaphore, #tpu.memory_space<semaphore_mem>>) src(%dma_wait3A_4090 : memref<1x64xf32, #tpu.memory_space<hbm>>) dst(%dma_wait3A_4088 : memref<1x64xf32, #tpu.memory_space<vmem>>)
    return
  }
  func.func @transform_1(%arg0: i32, %arg1: memref<8192xi32, #tpu.memory_space<smem>>) -> (i32, i32) {
    %c0_i32 = arith.constant 0 : i32
    %c0_i32_0 = arith.constant 0 : i32
    return %arg0, %c0_i32 : i32, i32
  }
}

module attributes {stable_mosaic.version = 14 : i64} {
  func.func @_mlp_body(%arg0: i32, %arg1: memref<2048x64xf32, #tpu.memory_space<vmem>>, %arg2: memref<2048x128xf32, #tpu.memory_space<vmem>>, %arg3: memref<2048x1xi32, #tpu.memory_space<vmem>>, %arg4: memref<64x256xf32, #tpu.memory_space<vmem>>, %arg5: memref<64x256xf32, #tpu.memory_space<vmem>>, %arg6: memref<1x256xf32, #tpu.memory_space<vmem>>, %arg7: memref<1x256xf32, #tpu.memory_space<vmem>>, %arg8: memref<1x1xf32, #tpu.memory_space<vmem>>, %arg9: memref<2048x1xf32, #tpu.memory_space<vmem>>) attributes {dimension_semantics = [#tpu.dimension_semantics<parallel>], iteration_bounds = array<i64: 8>, scalar_prefetch = 0 : i64, scratch_operands = 0 : i64, tpu.core_type = #tpu.core_type<tc>, window_params = [{transform_indices = @transform_0, window_bounds = array<i64: 2048, 64>}, {transform_indices = @transform_1, window_bounds = array<i64: 2048, 128>}, {transform_indices = @transform_2, window_bounds = array<i64: 2048, 1>}, {pipeline_mode = #tpu.pipeline_mode<synchronous>, transform_indices = @transform_3, window_bounds = array<i64: 64, 256>}, {pipeline_mode = #tpu.pipeline_mode<synchronous>, transform_indices = @transform_4, window_bounds = array<i64: 64, 256>}, {pipeline_mode = #tpu.pipeline_mode<synchronous>, transform_indices = @transform_5, window_bounds = array<i64: 1, 256>}, {pipeline_mode = #tpu.pipeline_mode<synchronous>, transform_indices = @transform_6, window_bounds = array<i64: 1, 256>}, {pipeline_mode = #tpu.pipeline_mode<synchronous>, transform_indices = @transform_7, window_bounds = array<i64: 1, 1>}, {transform_indices = @transform_8, window_bounds = array<i64: 2048, 1>}]} {
    %get3A = arith.constant 0 : index
    %get3A_0 = arith.constant 0 : index
    %get3A_1 = vector.load %arg3[%get3A, %get3A_0] : memref<2048x1xi32, #tpu.memory_space<vmem>>, vector<2048x1xi32>
    %gt3A = arith.constant 0 : i32
    %gt3A_2 = vector.broadcast %gt3A : i32 to vector<2048x1xi32>
    %gt3A_3 = arith.cmpi sgt, %get3A_1, %gt3A_2 : vector<2048x1xi32>
    %get3A_4 = arith.constant 0 : index
    %get3A_5 = arith.constant 64 : index
    %get3A_6 = vector.load %arg2[%get3A_4, %get3A_5] : memref<2048x128xf32, #tpu.memory_space<vmem>>, vector<2048x64xf32>
    %get3A_7 = arith.constant 0 : index
    %get3A_8 = arith.constant 0 : index
    %get3A_9 = vector.load %arg2[%get3A_7, %get3A_8] : memref<2048x128xf32, #tpu.memory_space<vmem>>, vector<2048x64xf32>
    %broadcast_in_dim3A = vector.shape_cast %gt3A_3 : vector<2048x1xi1> to vector<2048x1xi1>
    %broadcast_in_dim3A_10 = vector.broadcast %broadcast_in_dim3A : vector<2048x1xi1> to vector<2048x64xi1>
    %select_n3A = arith.select %broadcast_in_dim3A_10, %get3A_6, %get3A_9 : vector<2048x64xi1>, vector<2048x64xf32>
    %get3A_11 = arith.constant 0 : index
    %get3A_12 = arith.constant 0 : index
    %get3A_13 = vector.load %arg1[%get3A_11, %get3A_12] : memref<2048x64xf32, #tpu.memory_space<vmem>>, vector<2048x64xf32>
    %get3A_14 = arith.constant 0 : index
    %get3A_15 = arith.constant 0 : index
    %get3A_16 = vector.load %arg4[%get3A_14, %get3A_15] : memref<64x256xf32, #tpu.memory_space<vmem>>, vector<64x256xf32>
    %dot_general3A = arith.constant dense<0.000000e+00> : vector<2048x256xf32>
    %dot_general3A_17 = tpu.matmul %get3A_13, %get3A_16, %dot_general3A {dimension_numbers = #tpu.dot_dimension_numbers<[1], [0], [0], [1], [0, 0, 1, 1], [], []>, transpose_lhs_hint = false} : vector<2048x64xf32>, vector<64x256xf32>, vector<2048x256xf32> -> vector<2048x256xf32>
    %get3A_18 = arith.constant 0 : index
    %get3A_19 = arith.constant 0 : index
    %get3A_20 = vector.load %arg5[%get3A_18, %get3A_19] : memref<64x256xf32, #tpu.memory_space<vmem>>, vector<64x256xf32>
    %dot_general3A_21 = arith.constant dense<0.000000e+00> : vector<2048x256xf32>
    %dot_general3A_22 = tpu.matmul %select_n3A, %get3A_20, %dot_general3A_21 {dimension_numbers = #tpu.dot_dimension_numbers<[1], [0], [0], [1], [0, 0, 1, 1], [], []>, transpose_lhs_hint = false} : vector<2048x64xf32>, vector<64x256xf32>, vector<2048x256xf32> -> vector<2048x256xf32>
    %add3A = arith.addf %dot_general3A_17, %dot_general3A_22 : vector<2048x256xf32>
    %get3A_23 = arith.constant 0 : index
    %get3A_24 = arith.constant 0 : index
    %get3A_25 = vector.load %arg6[%get3A_23, %get3A_24] : memref<1x256xf32, #tpu.memory_space<vmem>>, vector<1x256xf32>
    %add3A_26 = vector.broadcast %get3A_25 : vector<1x256xf32> to vector<2048x256xf32>
    %add3A_27 = arith.addf %add3A, %add3A_26 : vector<2048x256xf32>
    %max3A = arith.constant 0.000000e+00 : f32
    %max3A_28 = vector.broadcast %max3A : f32 to vector<2048x256xf32>
    %max3A_29 = arith.maximumf %add3A_27, %max3A_28 : vector<2048x256xf32>
    %get3A_30 = arith.constant 0 : index
    %get3A_31 = arith.constant 0 : index
    %get3A_32 = vector.load %arg7[%get3A_30, %get3A_31] : memref<1x256xf32, #tpu.memory_space<vmem>>, vector<1x256xf32>
    %mul3A = vector.broadcast %get3A_32 : vector<1x256xf32> to vector<2048x256xf32>
    %mul3A_33 = arith.mulf %max3A_29, %mul3A : vector<2048x256xf32>
    %reduce_sum3A = arith.constant dense<0.000000e+00> : vector<2048xf32>
    %reduce_sum3A_34 = vector.multi_reduction <add>, %mul3A_33, %reduce_sum3A [1] : vector<2048x256xf32> to vector<2048xf32>
    %broadcast_in_dim3A_35 = vector.shape_cast %reduce_sum3A_34 : vector<2048xf32> to vector<2048x1xf32>
    %get3A_36 = arith.constant 0 : index
    %get3A_37 = arith.constant 0 : index
    %get3A_38 = vector.load %arg8[%get3A_36, %get3A_37] : memref<1x1xf32, #tpu.memory_space<vmem>>, vector<1x1xf32>
    %add3A_39 = vector.broadcast %get3A_38 : vector<1x1xf32> to vector<2048x1xf32>
    %add3A_40 = arith.addf %broadcast_in_dim3A_35, %add3A_39 : vector<2048x1xf32>
    %swap3A = arith.constant 0 : index
    %swap3A_41 = arith.constant 0 : index
    %swap3A_42 = vector.load %arg9[%swap3A, %swap3A_41] : memref<2048x1xf32, #tpu.memory_space<vmem>>, vector<2048x1xf32>
    tpu.vector_store %arg9[%swap3A, %swap3A_41], %add3A_40 {strides = array<i32>} : memref<2048x1xf32, #tpu.memory_space<vmem>>, vector<2048x1xf32>,
    return
  }
  func.func @transform_0(%arg0: i32) -> (i32, i32) {
    %c0_i32 = arith.constant 0 : i32
    %c0_i32_0 = arith.constant 0 : i32
    return %arg0, %c0_i32 : i32, i32
  }
  func.func @transform_1(%arg0: i32) -> (i32, i32) {
    %c0_i32 = arith.constant 0 : i32
    %c0_i32_0 = arith.constant 0 : i32
    return %arg0, %c0_i32 : i32, i32
  }
  func.func @transform_2(%arg0: i32) -> (i32, i32) {
    %c0_i32 = arith.constant 0 : i32
    %c0_i32_0 = arith.constant 0 : i32
    return %arg0, %c0_i32 : i32, i32
  }
  func.func @transform_3(%arg0: i32) -> (i32, i32) {
    %c0_i32 = arith.constant 0 : i32
    %c0_i32_0 = arith.constant 0 : i32
    %c0_i32_1 = arith.constant 0 : i32
    return %c0_i32, %c0_i32_0 : i32, i32
  }
  func.func @transform_4(%arg0: i32) -> (i32, i32) {
    %c0_i32 = arith.constant 0 : i32
    %c0_i32_0 = arith.constant 0 : i32
    %c0_i32_1 = arith.constant 0 : i32
    return %c0_i32, %c0_i32_0 : i32, i32
  }
  func.func @transform_5(%arg0: i32) -> (i32, i32) {
    %c0_i32 = arith.constant 0 : i32
    %c0_i32_0 = arith.constant 0 : i32
    %c0_i32_1 = arith.constant 0 : i32
    return %c0_i32, %c0_i32_0 : i32, i32
  }
  func.func @transform_6(%arg0: i32) -> (i32, i32) {
    %c0_i32 = arith.constant 0 : i32
    %c0_i32_0 = arith.constant 0 : i32
    %c0_i32_1 = arith.constant 0 : i32
    return %c0_i32, %c0_i32_0 : i32, i32
  }
  func.func @transform_7(%arg0: i32) -> (i32, i32) {
    %c0_i32 = arith.constant 0 : i32
    %c0_i32_0 = arith.constant 0 : i32
    %c0_i32_1 = arith.constant 0 : i32
    return %c0_i32, %c0_i32_0 : i32, i32
  }
  func.func @transform_8(%arg0: i32) -> (i32, i32) {
    %c0_i32 = arith.constant 0 : i32
    %c0_i32_0 = arith.constant 0 : i32
    return %arg0, %c0_i32 : i32, i32
  }
}

</mosaic_0001>

<sc_bundles>
// kernel: kernel.6.cloned.1.call-start
scs
__scs_entry_jumppad:
0x0: {  	(pc) =	sbr.rel $0x88, $3  }
0x1: {  	(tag) =	ssettag $0x0;
	lr =	simm.s32 $0x1  }
0x2: {  	[smem:$0x3F99] =	sst lr;
	_ =	strace $0xD0000000  }
0x3: {  	_ = 	snop  }
0x4: {  	_ = 	snop  }
0x5: {  	_ = 	snop  }
0x6: {  	_ = 	snop  }
0x7: {  	_ = 	snop  }
__scs_overlays_trampoline_lowered:
0x8: {  	[smem:$0x3FA8] =	sst s0  }
0x9: {  	[smem:$0x3FA9] =	sst s1  }
0xa: {  	[smem:$0x3FAA] =	sst s2  }
0xb: {  	[smem:$0x3FAB] =	sst s3  }
0xc: {  	[smem:$0x3FAC] =	sst s4  }
0xd: {  	[smem:$0x3FAD] =	sst s5  }
0xe: {  	[smem:$0x3FAE] =	sst s6  }
0xf: {  	[smem:$0x3FAF] =	sst s7  }
0x10: {  	[smem:$0x3FB0] =	sst s8  }
0x11: {  	[smem:$0x3FB1] =	sst s9;
	s0 =	simm.s32 @!p0 $0x0  }
0x12: {  	s1 =	sld [smem:$0x3F97];
	s0 =	simm.s32 @p0 $0x1  }
0x13: {  	[smem:$0x3FB2] =	sst s0;
	s0 =	simm.s32 @!p1 $0x0  }
0x14: {  	s2 =	sld [smem:$0x3F96];
	s0 =	simm.s32 @p1 $0x1  }
0x15: {  	[smem:$0x3FB3] =	sst s0;
	s0 =	simm.s32 @!p2 $0x0  }
0x16: {  	s3 =	sld [smem:$0x3FDB];
	s0 =	simm.s32 @p2 $0x1  }
0x17: {  	s4 =	simm.s32 $0x1BF5;
	[smem:$0x3FB5] =	sst s0  }
0x18: {  	s0 =	sld [smem:$0x3F98];
	_ =	swait.ge [sflag:s4], $0x0  }
0x19: {  	s7 =	sld [smem:$0x3F99]  }
0x1a: {  	s8 =	sadd.s32 $0xFFFFE003, lr  }
0x1b: {  	s9 =	sadd.s32 $0xFFFFFEF7, lr;
	s5 =	simm.s32 $0xFFFFFFFF;
	p2 =	slt.u32 s8, $0xFFFFF086  }
0x1c: {  	p1 =	slt.u32 s9, $0xF7A;
	s5 =	simm.s32 @!p2 $0x0  }
0x1d: {  	s5 =	simm.s32 @p1 $0x1;
	p0 =	seq.s32 s7, s2  }
0x1e: {  	s7 =	smul.u32 @!p0 $0xF7A, s2;
	p2 =	seq.s32 @!p0 s5, $0x0  }
0x1f: {  	s9 =	smul.u32 $0xF7A, s1;
	s8 =	simm.s32 @!p0 $0x1BF5;
	p2 =	por !p2, p0  }
0x20: {  	[sflag:s8] =	ssyncset.s32 @!p0 $0xFFFFF086;
	s6 =	sadd.s32 @!p0 s3, s7;
	s7 =	simm.s32 @!p0 $0x108  }
0x21: {  	s3 =	sadd.s32 s3, s9;
	s6 =	sadd.s32 @!p0 $0x88, s6;
	s7 =	simm.s32 @p2 $0x1082  }
0x22: {  	[simem:s7], [sflag:s8] =	dma.local @!p0 [hbm:s6], $0xF7A  }
0x23: {  	s9 =	sor.u32 $0xD0000000, s2;
	s6 =	simm.s32 $0x108;
	_ =	swait.ge @!p0 [sflag:s8], $0x0  }
0x24: {  	s3 =	sadd.s32 $0x88, s3;
	s6 =	simm.s32 @!p1 $0x1082;
	[sflag:s4] =	ssyncset.s32 $0xFFFFF086  }
0x25: {  	[simem:s6], [sflag:s4] =	dma.local [hbm:s3], $0xF7A  }
0x26: {  	[smem:$0x3F99] =	sst s1;
	(tag) =	ssettag s2;
	_ =	strace s9  }
0x27: {  	s1 =	sld [smem:$0x3FA9]  }
0x28: {  	s2 =	sld [smem:$0x3FAA]  }
0x29: {  	s4 =	sld [smem:$0x3FAC]  }
0x2a: {  	p0 =	seq.s32 s5, $0x0;
	s5 =	sld [smem:$0x3FAD]  }
0x2b: {  	s6 =	sld [smem:$0x3FAE]  }
0x2c: {  	s7 =	sld [smem:$0x3FAF]  }
0x2d: {  	s3 =	simm.s32 $0x108;
	s8 =	sld [smem:$0x3FB0]  }
0x2e: {  	s3 =	simm.s32 @!p0 $0x1082;
	s9 =	sld [smem:$0x3FB1]  }
0x2f: {  	lr =	sadd.s32 s0, s3;
	s0 =	sld [smem:$0x3FA8]  }
0x30: {  	s3 =	sld [smem:$0x3FAB]  }
0x31: {  	[smem:$0x3FB4] =	sst s10  }
0x32: {  	s10 =	sld [smem:$0x3FB2];
	_ =	sdelay $0x3  }
0x33: {  	p0 =	seq.s32 s10, $0x1;
	s10 =	sld [smem:$0x3FB4];
	_ =	sdelay $0x3  }
0x34: {  	[smem:$0x3FB4] =	sst s10  }
0x35: {  	s10 =	sld [smem:$0x3FB3];
	_ =	sdelay $0x3  }
0x36: {  	p1 =	seq.s32 s10, $0x1;
	s10 =	sld [smem:$0x3FB4];
	_ =	sdelay $0x3  }
0x37: {  	[smem:$0x3FB4] =	sst s10  }
0x38: {  	s10 =	sld [smem:$0x3FB5]  }
0x39: {  	_ = 	snop;
	(pc) =	sbr.ind lr, $3  }
0x3a: {  	_ = 	snop  }
0x3b: {  	_ = 	snop  }
0x3c: {  	p2 =	seq.s32 s10, $0x1;
	s10 =	sld [smem:$0x3FB4]  }
0x3d: {  	_ =	shalt  }
0x3e: {  	_ =	shalt  }
0x3f: {  	_ =	shalt  }
0x40: {  	_ =	shalt  }
0x41: {  	_ =	shalt  }
0x42: {  	_ =	shalt  }
0x43: {  	_ =	shalt  }
0x44: {  	_ =	shalt  }
0x45: {  	_ =	shalt  }
0x46: {  	_ =	shalt  }
0x47: {  	_ =	shalt  }
0x48: {  	_ =	shalt  }
0x49: {  	_ =	shalt  }
0x4a: {  	_ =	shalt  }
0x4b: {  	_ =	shalt  }
0x4c: {  	_ =	shalt  }
0x4d: {  	_ =	shalt  }
0x4e: {  	_ =	shalt  }
0x4f: {  	_ =	shalt  }
0x50: {  	_ =	shalt  }
0x51: {  	_ =	shalt  }
0x52: {  	_ =	shalt  }
0x53: {  	_ =	shalt  }
0x54: {  	_ =	shalt  }
0x55: {  	_ =	shalt  }
0x56: {  	_ =	shalt  }
0x57: {  	_ =	shalt  }
0x58: {  	_ =	shalt  }
0x59: {  	_ =	shalt  }
0x5a: {  	_ =	shalt  }
0x5b: {  	_ =	shalt  }
0x5c: {  	_ =	shalt  }
0x5d: {  	_ =	shalt  }
0x5e: {  	_ =	shalt  }
0x5f: {  	_ =	shalt  }
0x60: {  	_ =	shalt  }
0x61: {  	_ =	shalt  }
0x62: {  	_ =	shalt  }
0x63: {  	_ =	shalt  }
0x64: {  	_ =	shalt  }
0x65: {  	_ =	shalt  }
0x66: {  	_ =	shalt  }
0x67: {  	_ =	shalt  }
0x68: {  	_ =	shalt  }
0x69: {  	_ =	shalt  }
0x6a: {  	_ =	shalt  }
0x6b: {  	_ =	shalt  }
0x6c: {  	_ =	shalt  }
0x6d: {  	_ =	shalt  }
0x6e: {  	_ =	shalt  }
0x6f: {  	_ =	shalt  }
0x70: {  	_ =	shalt  }
0x71: {  	_ =	shalt  }
0x72: {  	_ =	shalt  }
0x73: {  	_ =	shalt  }
0x74: {  	_ =	shalt  }
0x75: {  	_ =	shalt  }
0x76: {  	_ =	shalt  }
0x77: {  	_ =	shalt  }
0x78: {  	_ =	shalt  }
0x79: {  	_ =	shalt  }
0x7a: {  	_ =	shalt  }
0x7b: {  	_ =	shalt  }
0x7c: {  	_ =	shalt  }
0x7d: {  	_ =	shalt  }
0x7e: {  	_ =	shalt  }
0x7f: {  	_ =	shalt  }
0x80: {  	_ =	shalt  }
0x81: {  	_ =	shalt  }
0x82: {  	_ =	shalt  }
0x83: {  	_ =	shalt  }
0x84: {  	_ =	shalt  }
0x85: {  	_ =	shalt  }
0x86: {  	_ =	shalt  }
0x87: {  	_ =	shalt  }
.Lfunc_end0:
.L_simem_size_0:
called_computation_lowered:
.L_overlay_start_0:
0x88: {  	s2 =	sld [smem:$0x3FD9]  }
0x89: {  	s3 =	sld [smem:$0x3FFE];
	_ =	sdelay $0x1  }
0x8a: {  	s1 =	srdreg.scid  }
0x8b: {  	s0 =	sand.u32 $0x1, s1  }
0x8c: {  	s17 =	sshll.u32 s0, $0xA;
	s2 =	sadd.s32 s3, s2  }
0x8d: {  	s2 =	sadd.s32 s2, s17  }
0x8e: {  	[smem:$0x3FC0] =	sst s2  }
0x8f: {  	_ = 	snop  }
0x90: {  	s2 =	sld [smem:$0x3FC9]  }
0x91: {  	s18 =	sld [smem:$0x3FD0];
	(tm) =	ssettm $0x1  }
0x92: {  	s4 =	sld [smem:$0x3FFB];
	_ =	sdelay $0x3  }
0x93: {  	_ =	strace s4  }
0x94: {  	s4 =	sld [smem:$0x3FFC];
	_ =	sdelay $0x3  }
0x95: {  	_ =	strace s4  }
0x96: {  	s4 =	sld [smem:$0x3FFD];
	_ =	sdelay $0x3  }
0x97: {  	_ =	strace s4  }
0x98: {  	_ =	strace $0x8FFFFFFF  }
0x99: {  	s19 =	sld [smem:$0x3FDB];
	_ =	sdelay $0x1  }
0x9a: {  	s5 =	simm.s32 $_scs_section_size  }
0x9b: {  	s6 =	simm.s32 $_size__tile_overlayer_lowered;
	s7 =	simm.s32 $_tile_overlayer_lowered  }
0x9c: {  	s22 =	simm.s32 $0x1BFF;
	s21 =	sshll.u32 s7, $0x1;
	s4 =	sadd.s32 s5, s19  }
0x9d: {  	s8 =	simm.s32 $0x0;
	s20 =	sshll.u32 s6, $0x1;
	s6 =	sadd.s32 s21, s4  }
0x9e: {  	[timem:s8], [sflag:s22] =	dma.local [hbm:s6], s20  }
0x9f: {  	_ =	swait.ge [sflag:s22], s20  }
0xa0: {  	s5 =	ssub.s32 $0x0, s20;
	[sflag:s22] =	ssyncset.done $0x0  }
0xa1: {  	[sflag:s22] =	ssyncadd.s32 s5;
	_ =	sdelay $0x1  }
0xa2: {  	s23 =	simm.s32 $0x1B8B  }
0xa3: {  	_ =	swait.ge [sflag:s23], $0x1  }
0xa4: {  	[sflag:s23] =	ssyncset.done $0x0  }
0xa5: {  	s25 =	simm.s32 $0x1B8E;
	s24 =	sld [smem:$0x3FFE];
	[sflag:s23] =	ssyncadd.s32 $0xFFFFFFFF  }
0xa6: {  	s26 =	simm.s32 $execute0_lowered;
	[smem:$0x3FD2] =	sst s25  }
0xa7: {  	s6 =	sshll.u32 s26, $0x1;
	_ =	strace $0x80000046;
	[dreg:$0x1] =	wrdreg $0xFFFFFFFF  }
0xa8: {  	s28 =	simm.s32 $_size_execute0_lowered;
	s4 =	sadd.s32 s4, s6;
	[dreg:$0x0] =	wrdreg $0x0  }
0xa9: {  	s6 =	sshll.u32 s28, $0x1;
	[dreg:$0x2] =	wrdreg s4  }
0xaa: {  	[dreg:$0x3] =	wrdreg s6  }
0xab: {  	[dreg:$0x4] =	wrdreg $0xC0  }
0xac: {  	_ =	task [dreg:s8], $0x5FFFF  }
0xad: {  	[dreg:$0x1] =	wrdreg $0xFFFFFFFF  }
0xae: {  	[dreg:$0x0] =	wrdreg $0x60  }
0xaf: {  	[dreg:$0x2] =	wrdreg s24  }
0xb0: {  	[dreg:$0x3] =	wrdreg s18  }
0xb1: {  	[dreg:$0x4] =	wrdreg s2  }
0xb2: {  	[dreg:$0x5] =	wrdreg $0x9  }
0xb3: {  	_ =	task.clear_ibuf [dreg:s8], $0x6FFFF;
	_ =	strace $0x90000046  }
0xb4: {  	s29 =	simm.s32 $0x9;
	_ =	strace $0x80000048  }
0xb5: {  	_ =	swait.ge [sflag:s29], $0x1  }
0xb6: {  	[sflag:s29] =	ssyncadd.s32 $0xFFFFFFFF  }
0xb7: {  	_ =	strace $0x90000048  }
0xb8: {  	_ =	sfence  }
0xb9: {  	s30 =	sld [smem:$0x0];
	_ =	sdelay $0x2  }
0xba: {  	s31 =	sshll.u32 s1, $0xD;
	s1 =	sshrl.u32 s1, $0x2  }
0xbb: {  	s3 =	sand.u32 $0x4000, s31;
	s1 =	sadd.s32 s1, s30  }
0xbc: {  	s0 =	sor.u32 s3, s0;
	s1 =	sshll.u32 s1, $0x11  }
0xbd: {  	s0 =	sor.u32 s1, s0  }
0xbe: {  	s0 =	sadd.s32 $0x8F2B, s0  }
0xbf: {  	[sflag:s0] =	ssyncadd.remote.s32 $0x1  }
0xc0: {  	_ =	sfence.sel $0xFFFF  }
0xc1: {  	[dreg:$0x0] =	wrdreg $0xFFFFFFFF;
	(pc) =	sbr.abs _section_cstart, $3  }
0xc2: {  	[dreg:$0x1] =	wrdreg $0xFFFFFFFF  }
0xc3: {  	_ =	task.clear_ibuf [dreg:s8], $0x2FFFF;
	_ =	strace $0x9FFFFFFF  }
0xc4: {  	(tm) =	ssettm $0x7FFFFFFF  }
0xc5: {  	_ =	shalt  }
tec
execute0_lowered:
.L_overlay_start_1:
0x0: {  	(tag) =	ssettag $0x1  }
0x1: {  	s5 =	rddreg [dreg:$0x0]  }
0x2: {  	s9 =	rddreg [dreg:$0x1]  }
0x3: {  	s6 =	rddreg [dreg:$0x2]  }
0x4: {  	s0 =	rddreg [dreg:$0x3]  }
0x5: {  	s1 =	simm.s32 $0x0;
	s7 =	srdreg.scid;
	s2 =	stileid.u32  }
0x6: {  	s14 =	simm.s32 $0x100;
	s15 =	simm.s32 $0x200;
	s16 =	simm.s32 $0x1  }
0x7: {  	s17 =	simm.s32 $0x2;
	s18 =	simm.s32 $0x0;
	[smem:$0x7FF] =	sst s1  }
0x8: {  	s3 =	sadd.s32 $0x188000, s5;
	s4 =	sadd.s32 $0x24B600, s5;
	s7 =	sand.u32 $0x1, s7  }
0x9: {  	s8 =	sshll.u32 s2, $0x1;
	s10 =	sadd.s32 $0x21600, s5;
	s31 =	sshll.u32 s2, $0x6  }
0xa: {  	_ =	strace $0x80000047;
	s8 =	sor.u32 s7, s8;
	s7 =	ssub.s32 $0x2, s7  }
0xb: {  	s11 =	sshll.u32 s8, $0xC;
	s12 =	sshrl.u32 s7, $0x1;
	s13 =	sshll.u32 s8, $0x5  }
0xc: {  	s28 =	sshll.u32 s8, $0x9;
	s29 =	sshll.u32 s8, $0x6;
	s8 =	sshll.u32 s8, $0xD  }
0xd: {  	s11 =	sadd.s32 s11, s5;
	s12 =	ssub.s32 s7, s12;
	s26 =	sadd.s32 s13, s6  }
0xe: {  	s7 =	sadd.s32 s9, s29;
	s30 =	sor.u32 $0x100, s28;
	s8 =	sadd.s32 s10, s8  }
0xf: {  	s6 =	sadd.s32 $0x1600, s11;
	s13 =	sshrl.u32 s30, $0x3;
	s11 =	sshll.u32 s30, $0x4  }
0x10: {  	s5 =	sadd.s32 $0x400, s26;
	s9 =	sadd.s32 s9, s13;
	s10 =	sadd.s32 s10, s11  }
0x11: {  	s11 =	smax.u32 s12, $0x1;
	s12 =	simm.s32 $0x3;
	s13 =	sor.u32 $0x1C02, s31  }
.LBB2_1:
0x12: {  	[tilespmem:s14], [sflag:$0x3] =	stream.linear.gather [hbm4b:s5+s1], $0x100, $0x38;
	[tilespmem:$0x8200] =	vst v63  }
0x13: {  	_ =	swait.ge [sflag:s12], $0x100  }
0x14: {  	[sflag:s12] =	ssyncset.done $0x0  }
0x15: {  	[sflag:s12] =	ssyncadd.s32 $0xFFFFFF00  }
0x16: {  	s19 =	simm.s32 $0x10;
	s21 =	simm.s32 $0x0;
	s20 =	simm.s32 $0x100;
	v0 =	vld.msk [tilespmem:s14+$0x0], $0x1  }
.LBB2_2:
0x17: {  	p0 =	sne.s32 s19, $0xFF0;
	_ =	sdelay $0x3  }
0x18: {  	(v2sf) =	vpush v0, $0x0;
	_ =	sdelay $0xe  }
0x19: {  	s22 =	spop (v2sf)  }
.Ltmp0:
0x1a: {  	s23 =	sand.u32 $0xF80, s21;
	s22 =	sshll.u32 s22, $0x4;
	(pc) =	sbr.rel @p0 .LBB2_2-.Ltmp0, $4  }
0x1b: {  	s21 =	sand.u32 $0x70, s21;
	s23 =	sadd.s32 s23, s6;
	s22 =	sand.u32 $0x1FFFFFF0, s22  }
0x1c: {  	s20 =	sadd.s32 $0x1, s20;
	s21 =	sadd.s32 s21, s23;
	s22 =	sadd.s32 s4, s22  }
0x1d: {  	[hbm:s21], [sflag:s13] =	dma.local [hbm:s22], $0x10  }
0x1e: {  	s21 =	smov.u32 s19;
	s19 =	sadd.s32 $0x10, s19;
	v0 =	vld.msk [tilespmem:s20+$0x0], $0x1  }
0x1f: {  	_ =	sdelay $0x3  }
0x20: {  	(v2sf) =	vpush v0, $0x0;
	_ =	sdelay $0xe  }
0x21: {  	s19 =	spop (v2sf)  }
0x22: {  	s20 =	sand.u32 $0xF80, s21;
	s19 =	sshll.u32 s19, $0x4  }
0x23: {  	s31 =	sand.u32 $0x70, s21;
	s20 =	sadd.s32 s20, s6;
	s19 =	sand.u32 $0x1FFFFFF0, s19  }
0x24: {  	s20 =	sadd.s32 s31, s20;
	s19 =	sadd.s32 s4, s19  }
0x25: {  	[hbm:s20], [sflag:s13] =	dma.local [hbm:s19], $0x10  }
0x26: {  	[tilespmem:s1], [sflag:$0x3] =	stream.linear.gather [hbm4b:s7+s1], $0x100, $0x38;
	[tilespmem:$0x8200] =	vst v63  }
0x27: {  	_ =	swait.ge [sflag:s12], $0x100  }
0x28: {  	[sflag:s12] =	ssyncset.done $0x0  }
0x29: {  	[sflag:s12] =	ssyncadd.s32 $0xFFFFFF00  }
0x2a: {  	[tilespmem:s15], [sflag:$0x1] =	stream.indirect.gather [hbm4b:s3+s14], $0x80, s1, s14, $0xb8;
	[tilespmem:$0x8200] =	vst v63  }
0x2b: {  	_ =	swait.ge [sflag:s16], $0x8000  }
0x2c: {  	[sflag:s16] =	ssyncset.done $0x0  }
0x2d: {  	[sflag:s16] =	ssyncadd.s32 $0xFFFF8000  }
0x2e: {  	[hbm4b:s8+s1] =	stream.linear.scatter [tilespmem:s15], [sflag:$0x3], $0x8000, $0x38;
	[tilespmem:$0x8200] =	vst v63  }
0x2f: {  	_ =	swait.ge [sflag:s12], $0x8000  }
0x30: {  	[sflag:s12] =	ssyncset.done $0x0  }
0x31: {  	[sflag:s12] =	ssyncadd.s32 $0xFFFF8000  }
0x32: {  	[tilespmem:s1], [sflag:$0x3] =	stream.linear.gather [hbm4b:s9+s1], $0x100, $0x38;
	[tilespmem:$0x8200] =	vst v63  }
0x33: {  	_ =	swait.ge [sflag:s12], $0x100  }
0x34: {  	[sflag:s12] =	ssyncset.done $0x0  }
0x35: {  	[sflag:s12] =	ssyncadd.s32 $0xFFFFFF00  }
0x36: {  	[tilespmem:s15], [sflag:$0x1] =	stream.indirect.gather [hbm4b:s3+s14], $0x80, s1, s14, $0xb8;
	[tilespmem:$0x8200] =	vst v63  }
0x37: {  	_ =	swait.ge [sflag:s16], $0x8000  }
0x38: {  	[sflag:s16] =	ssyncset.done $0x0  }
0x39: {  	s18 =	sadd.s32 $0x1, s18;
	[sflag:s16] =	ssyncadd.s32 $0xFFFF8000  }
0x3a: {  	[hbm4b:s10+s1] =	stream.linear.scatter [tilespmem:s15], [sflag:$0x3], $0x8000, $0x38;
	[tilespmem:$0x8200] =	vst v63  }
0x3b: {  	p0 =	sne.s32 s18, s11;
	_ =	swait.ge [sflag:s12], $0x8000  }
.Ltmp1:
0x3c: {  	[sflag:s12] =	ssyncset.done $0x0;
	(pc) =	sbr.rel @p0 .LBB2_1-.Ltmp1, $4  }
0x3d: {  	[sflag:s12] =	ssyncadd.s32 $0xFFFF8000  }
0x3e: {  	_ =	swait.ge [sflag:s17], $0x1000  }
0x3f: {  	[sflag:s17] =	ssyncset.done $0x0  }
0x40: {  	[sflag:s17] =	ssyncadd.s32 $0xFFFFF000  }
0x41: {  	_ =	sfence.sel $0x180000  }
0x42: {  	[bflag:$0x0] =	sbarrier.arrive $0xFFFF  }
0x43: {  	p0 =	sne.s32 s2, $0x0;
	_ =	strace $0x90000047  }
0x44: {  	s0 =	sadd.s32 @!p0 $0x100000, s0;
	[bflag:$0x2] =	sbarrier.arrive $0xFFFF  }
0x45: {  	[sflag:s0] =	ssyncadd.tile.s32 @!p0 $0x1;
	_ =	shalt  }
.Lfunc_end2:
_tile_overlayer_lowered:
.L_overlay_start_2:
0x46: {  	(tag) =	ssettag $0x2  }
0x47: {  	s0 =	rddreg [dreg:$0x0];
	s2 =	stileid.u32  }
0x48: {  	s1 =	rddreg [dreg:$0x1];
	p0 =	sne.s32 s2, $0x0  }
0x49: {  	s3 =	rddreg [dreg:$0x2];
	[bflag:$0x3] =	sbarrier.arrive $0xFFFF;
	s2 =	simm.s32 @!p0 $0x1C03  }
0x4a: {  	[timem:s3], [sflag:s2] =	dma.local @!p0 [hbm:s0], s1  }
0x4b: {  	s0 =	simm.s32 @!p0 $0x3  }
0x4c: {  	_ =	swait.ge @!p0 [sflag:s0], s1  }
0x4d: {  	s1 =	ssub.s32 @!p0 $0x0, s1;
	[sflag:s0] =	ssyncset.done @!p0 $0x0  }
0x4e: {  	[sflag:s0] =	ssyncadd.s32 @!p0 s1  }
0x4f: {  	[bflag:$0x3] =	sbarrier.arrive $0xFFFF  }
0x50: {  	_ =	shalt  }

</sc_bundles>
